<compile_context>
chip_gen: v7x
topology: tpu7x:2x2x1
jax: 0.10.2.dev20260603
libtpu: 0.0.44.dev20260713+nightly
codegen_flags: <defaults>
</compile_context>

<pallas_src>
import functools

import jax
import jax.numpy as jnp
from jax import lax
from jax.experimental import pallas as pl
from jax.experimental.pallas import tpu as pltpu
from jax.experimental.pallas import tpu_sc as plsc

i32 = jnp.int32
f32 = jnp.float32

B = 64
NQ = 5000
NCLS = 80
N = NQ * NCLS
K = 300
KOUT = 320
CAP = 2048
CAP16 = CAP + 16
NBINS = 2048
CHUNK = 8000
NCHUNK = N // CHUNK

_mesh = plsc.VectorSubcoreMesh(core_axis_name="c", subcore_axis_name="s")


def _monokey(v):
    b = plsc.bitcast(v, i32)
    return b ^ ((b >> 31) & 0x7FFFFFFF)


@functools.partial(
    pl.kernel,
    mesh=_mesh,
    compiler_params=pltpu.CompilerParams(needs_layout_passes=False),
    out_type=(
        jax.ShapeDtypeStruct((B * KOUT,), i32),
        jax.ShapeDtypeStruct((B * 4 * KOUT,), f32),
        jax.ShapeDtypeStruct((B * KOUT,), f32),
    ),
    scratch_types=[
        pltpu.VMEM((CHUNK,), f32),
        pltpu.VMEM((CHUNK,), f32),
        pltpu.VMEM((16 * NBINS,), i32),
        pltpu.VMEM((CAP16,), f32),
        pltpu.VMEM((CAP16,), i32),
        pltpu.VMEM((CAP,), i32),
        pltpu.VMEM((CAP,), i32),
        pltpu.VMEM((CAP,), i32),
        pltpu.VMEM((CAP,), i32),
        pltpu.VMEM((32,), i32),
        pltpu.VMEM((32,), i32),
        pltpu.VMEM((4 * NQ,), f32),
        pltpu.VMEM((KOUT,), f32),
        pltpu.VMEM((KOUT,), i32),
        pltpu.VMEM((4 * KOUT,), f32),
        pltpu.VMEM((144,), f32),
        pltpu.SemaphoreType.DMA,
        pltpu.SemaphoreType.DMA,
        pltpu.SemaphoreType.DMA,
    ],
)
def _sc_topk(logits_hbm, boxes_hbm, sizes_hbm, labels_o, boxes_o, scores_o,
             ch0, ch1, hist, cval, cidx, skA, siA, skB, siB, rhist, roff,
             boxrow, sbuf, lbuf, obox, sizes_v, sem0, sem1, semb):
    wid = lax.axis_index("s") * 2 + lax.axis_index("c")
    iota = lax.iota(i32, 16)
    ones = jnp.ones((16,), i32)
    zeros16 = jnp.zeros((16,), i32)
    lane_base = iota * NBINS

    pltpu.sync_copy(sizes_hbm, sizes_v.at[pl.ds(0, 2 * B)])

    for r_i in range(2):
        r = wid * 2 + r_i

        @plsc.parallel_loop(0, NBINS, unroll=8)
        def zero_hist(t):
            hist[pl.ds(t * 16, 16)] = zeros16

        pltpu.async_copy(logits_hbm.at[pl.ds(r * N, CHUNK)], ch0, sem0)
        pltpu.async_copy(logits_hbm.at[pl.ds(r * N + CHUNK, CHUNK)], ch1, sem1)

        def hist_vreg(buf):
            @plsc.parallel_loop(0, CHUNK // 16, unroll=8)
            def body(j):
                v = buf[pl.ds(j * 16, 16)]
                key = _monokey(v)
                bins = (key >> 21) + 1024
                plsc.addupdate_scatter(hist, [lane_base + (bins ^ iota)], ones)

        def p1_pair(i, _):
            c0 = 2 * i
            pltpu.make_async_copy(
                logits_hbm.at[pl.ds(r * N, CHUNK)], ch0, sem0).wait()
            hist_vreg(ch0)

            @pl.when(c0 + 2 < NCHUNK)
            def _():
                pltpu.async_copy(
                    logits_hbm.at[pl.ds(r * N + (c0 + 2) * CHUNK, CHUNK)], ch0, sem0)

            pltpu.make_async_copy(
                logits_hbm.at[pl.ds(r * N, CHUNK)], ch1, sem1).wait()
            hist_vreg(ch1)

            @pl.when(c0 + 3 < NCHUNK)
            def _():
                pltpu.async_copy(
                    logits_hbm.at[pl.ds(r * N + (c0 + 3) * CHUNK, CHUNK)], ch1, sem1)

            return 0

        lax.fori_loop(0, NCHUNK // 2, p1_pair, 0)

        def scan_block(t, carry):
            total, bstar = carry
            blk = 127 - t

            comb = hist[pl.ds(blk * 16, 16)]
            for l in range(1, 16):
                comb = comb + jnp.take(hist[pl.ds(l * NBINS + blk * 16, 16)],
                                       iota ^ l)
            rc = plsc.cumsum(lax.rev(comb, (0,)))
            cum = rc + total
            bins_rev = blk * 16 + 15 - iota
            val = jnp.where(cum >= K + 1, bins_rev, -1)
            bstar = jnp.maximum(bstar, jnp.max(val))
            total = total + rc[15]
            return total, bstar

        _, bstar = lax.fori_loop(0, NBINS // 16, scan_block, (0, -1))
        thresh = (bstar - 1024) * 2097152

        @plsc.parallel_loop(0, CAP16 // 16, unroll=4)
        def init_cand(t):
            cval[pl.ds(t * 16, 16)] = jnp.full((16,), -1e30, f32)
            cidx[pl.ds(t * 16, 16)] = (t * 16 + iota) * 80

        pltpu.async_copy(logits_hbm.at[pl.ds(r * N, CHUNK)], ch0, sem0)
        pltpu.async_copy(logits_hbm.at[pl.ds(r * N + CHUNK, CHUNK)], ch1, sem1)
        pltpu.async_copy(boxes_hbm.at[pl.ds(r * 4 * NQ, 4 * NQ)], boxrow, semb)

        def collect_vreg(buf, cbase, offv):
            @plsc.parallel_loop(0, CHUNK // 16, unroll=4, carry=offv)
            def body(j, offv):
                v = buf[pl.ds(j * 16, 16)]
                key = _monokey(v)
                m = key >= thresh
                cs = plsc.cumsum(m.astype(i32))
                pc = plsc.all_reduce_population_count(m)
                slots = offv + cs - 1
                m2 = m & (slots < CAP)
                plsc.store_scatter(cval, [slots], v, mask=m2)
                plsc.store_scatter(cidx, [slots], cbase + j * 16 + iota, mask=m2)
                return offv + pc

            return body

        def p2_pair(i, offv):
            c0 = 2 * i
            pltpu.make_async_copy(
                logits_hbm.at[pl.ds(r * N, CHUNK)], ch0, sem0).wait()
            offv = collect_vreg(ch0, c0 * CHUNK, offv)

            @pl.when(c0 + 2 < NCHUNK)
            def _():
                pltpu.async_copy(
                    logits_hbm.at[pl.ds(r * N + (c0 + 2) * CHUNK, CHUNK)], ch0, sem0)

            pltpu.make_async_copy(
                logits_hbm.at[pl.ds(r * N, CHUNK)], ch1, sem1).wait()
            offv = collect_vreg(ch1, (c0 + 1) * CHUNK, offv)

            @pl.when(c0 + 3 < NCHUNK)
            def _():
                pltpu.async_copy(
                    logits_hbm.at[pl.ds(r * N + (c0 + 3) * CHUNK, CHUNK)], ch1, sem1)

            return offv

        lax.fori_loop(0, NCHUNK // 2, p2_pair, zeros16)

        @plsc.parallel_loop(0, CAP // 16, unroll=4)
        def score_vreg(t):
            v = cval[pl.ds(t * 16, 16)]
            s = 1.0 / (1.0 + jnp.exp(-v))
            skA[pl.ds(t * 16, 16)] = ~plsc.bitcast(s, i32)
            siA[pl.ds(t * 16, 16)] = cidx[pl.ds(t * 16, 16)]

        bufs = [(skA, siA), (skB, siB)]
        for p in range(7):
            src_k, src_i = bufs[p % 2]
            dst_k, dst_i = bufs[(p + 1) % 2]
            shift = 5 * p

            rhist[pl.ds(0, 16)] = zeros16
            rhist[pl.ds(16, 16)] = zeros16

            def rhist_body(t, _, src_k=src_k, shift=shift):
                d = (src_k[pl.ds(t * 16, 16)] >> shift) & 31
                occ, last = plsc.scan_count(d)
                plsc.addupdate_scatter(rhist, [d], occ, mask=last)
                return 0

            lax.fori_loop(0, CAP // 16, rhist_body, 0)

            h0 = rhist[pl.ds(0, 16)]
            h1 = rhist[pl.ds(16, 16)]
            c0 = plsc.cumsum(h0)
            c1 = plsc.cumsum(h1)
            roff[pl.ds(0, 16)] = c0 - h0
            roff[pl.ds(16, 16)] = c1 - h1 + c0[15]

            def perm_body(t, _, src_k=src_k, src_i=src_i,
                          dst_k=dst_k, dst_i=dst_i, shift=shift):
                k = src_k[pl.ds(t * 16, 16)]
                ii = src_i[pl.ds(t * 16, 16)]
                d = (k >> shift) & 31
                occ, last = plsc.scan_count(d)
                basev = plsc.load_gather(roff, [d])
                slot = basev + occ - 1
                plsc.store_scatter(dst_k, [slot], k)
                plsc.store_scatter(dst_i, [slot], ii)
                plsc.addupdate_scatter(roff, [d], occ, mask=last)
                return 0

            lax.fori_loop(0, CAP // 16, perm_body, 0)

        res_k, res_i = bufs[7 % 2]

        pltpu.make_async_copy(boxes_hbm.at[pl.ds(r * 4 * NQ, 4 * NQ)], boxrow, semb).wait()
        sz = sizes_v[pl.ds(2 * r, 16)]
        sx = sz[0]
        sy = sz[1]

        def emit(t, _):
            kk = res_k[pl.ds(t * 16, 16)]
            ii = res_i[pl.ds(t * 16, 16)]
            sbuf[pl.ds(t * 16, 16)] = plsc.bitcast(~kk, f32)
            q = ((ii.astype(f32) + 0.5) * (1.0 / 80.0)).astype(i32)
            lbuf[pl.ds(t * 16, 16)] = ii - q * 80
            q4 = q * 4
            cx = plsc.load_gather(boxrow, [q4])
            cy = plsc.load_gather(boxrow, [q4 + 1])
            w = plsc.load_gather(boxrow, [q4 + 2])
            h = plsc.load_gather(boxrow, [q4 + 3])
            hw = 0.5 * w
            hh = 0.5 * h
            slot4 = (t * 16 + iota) * 4
            plsc.store_scatter(obox, [slot4], (cx - hw) * sx)
            plsc.store_scatter(obox, [slot4 + 1], (cy - hh) * sy)
            plsc.store_scatter(obox, [slot4 + 2], (cx + hw) * sx)
            plsc.store_scatter(obox, [slot4 + 3], (cy + hh) * sy)
            return 0

        lax.fori_loop(0, KOUT // 16, emit, 0)

        pltpu.sync_copy(sbuf, scores_o.at[pl.ds(r * KOUT, KOUT)])
        pltpu.sync_copy(lbuf, labels_o.at[pl.ds(r * KOUT, KOUT)])
        pltpu.sync_copy(obox, boxes_o.at[pl.ds(r * 4 * KOUT, 4 * KOUT)])


def kernel(pred_logits, pred_boxes, orig_target_sizes):
    logits = pred_logits.reshape(B * N)
    boxes = pred_boxes.reshape(B * 4 * NQ)
    sizes = orig_target_sizes.reshape(2 * B)
    labels, boxes_out, scores = _sc_topk(logits, boxes, sizes)
    return (
        labels.reshape(B, KOUT)[:, :K],
        boxes_out.reshape(B, KOUT, 4)[:, :K],
        scores.reshape(B, KOUT)[:, :K],
    )

# --- scband reference (transcript-rebuilt; emitter-appended) ---
"""Pipeline reference for scband-dfinepost-processor-50972671868963 (READ-ONLY COPY).

The authoritative reference and input builder live on the scoring server;
editing this copy changes nothing except your own understanding.
"""

import jax, jax.numpy as jnp
import numpy as np

NUM_CLASSES = 80
NUM_TOP_QUERIES = 300


def setup_inputs(seed: int = 0) -> dict:
    key = jax.random.key(seed)
    k1, k2, k3 = jax.random.split(key, 3)
    pred_logits = jax.random.normal(k1, (64, 5000, 80), dtype=jnp.float32)
    pred_boxes = jax.random.uniform(k2, (64, 5000, 4), dtype=jnp.float32)
    orig_target_sizes = jax.random.uniform(k3, (64, 2), dtype=jnp.float32)
    return {
        "pred_logits": pred_logits,
        "pred_boxes": pred_boxes,
        "orig_target_sizes": orig_target_sizes,
    }


def _box_cxcywh_to_xyxy(boxes):
    cx, cy, w, h = jnp.split(boxes, 4, axis=-1)
    return jnp.concatenate(
        [cx - 0.5 * w, cy - 0.5 * h, cx + 0.5 * w, cy + 0.5 * h], axis=-1
    )


def reference(pred_logits, pred_boxes, orig_target_sizes):
    # scale_tensor = orig_target_sizes.repeat(1, 2).unsqueeze(1) -> [B, 1, 4]
    scale_tensor = jnp.tile(orig_target_sizes, (1, 2))[:, None, :]
    bbox_pred = _box_cxcywh_to_xyxy(pred_boxes)
    bbox_pred = bbox_pred * scale_tensor

    # use_focal_loss=True path
    scores = jax.nn.sigmoid(pred_logits)  # [B, Q, C]
    B = scores.shape[0]
    flat = scores.reshape(B, -1)  # [B, Q*C]
    topk_scores, index = jax.lax.top_k(flat, NUM_TOP_QUERIES)  # [B, K]
    labels = index % NUM_CLASSES
    query_index = index // NUM_CLASSES
    final_boxes = jnp.take_along_axis(
        bbox_pred, query_index[..., None], axis=1
    )  # [B, K, 4]
    return labels, final_boxes, topk_scores

if __name__ == "__main__":
    import jax
    _d = setup_inputs()
    print(jax.jit(kernel)(*tuple(_d.values())))

</pallas_src>

<mosaic_0001>
#map = affine_map<(d0, d1) -> (0)>
module attributes {stable_mosaic.version = 14 : i64} {
  func.func @_sc_topk(%arg0: i32, %arg1: i32, %arg2: memref<25600000xf32, #tpu.memory_space<hbm>>, %arg3: memref<1280000xf32, #tpu.memory_space<hbm>>, %arg4: memref<128xf32, #tpu.memory_space<hbm>>, %arg5: memref<20480xi32, #tpu.memory_space<hbm>>, %arg6: memref<81920xf32, #tpu.memory_space<hbm>>, %arg7: memref<20480xf32, #tpu.memory_space<hbm>>, %arg8: memref<8000xf32, #tpu.memory_space<vmem>>, %arg9: memref<8000xf32, #tpu.memory_space<vmem>>, %arg10: memref<32768xi32, #tpu.memory_space<vmem>>, %arg11: memref<2064xf32, #tpu.memory_space<vmem>>, %arg12: memref<2064xi32, #tpu.memory_space<vmem>>, %arg13: memref<2048xi32, #tpu.memory_space<vmem>>, %arg14: memref<2048xi32, #tpu.memory_space<vmem>>, %arg15: memref<2048xi32, #tpu.memory_space<vmem>>, %arg16: memref<2048xi32, #tpu.memory_space<vmem>>, %arg17: memref<32xi32, #tpu.memory_space<vmem>>, %arg18: memref<32xi32, #tpu.memory_space<vmem>>, %arg19: memref<20000xf32, #tpu.memory_space<vmem>>, %arg20: memref<320xf32, #tpu.memory_space<vmem>>, %arg21: memref<320xi32, #tpu.memory_space<vmem>>, %arg22: memref<1280xf32, #tpu.memory_space<vmem>>, %arg23: memref<144xf32, #tpu.memory_space<vmem>>, %arg24: memref<!tpu.dma_semaphore, #tpu.memory_space<semaphore_mem>>, %arg25: memref<!tpu.dma_semaphore, #tpu.memory_space<semaphore_mem>>, %arg26: memref<!tpu.dma_semaphore, #tpu.memory_space<semaphore_mem>>) attributes {dimension_semantics = [#tpu.dimension_semantics<core_parallel>, #tpu.dimension_semantics<subcore_parallel>], iteration_bounds = array<i64: 2, 16>, scalar_prefetch = 0 : i64, scratch_operands = 19 : i64, tpu.core_type = #tpu.core_type<sc_vector_subcore>, window_params = [{transform_indices = #map}, {transform_indices = #map}, {transform_indices = #map}, {transform_indices = #map}, {transform_indices = #map}, {transform_indices = #map}]} {
    %mul3A = arith.constant 2 : i32
    %mul3A_0 = arith.muli %arg1, %mul3A : i32
    %add3A = arith.addi %mul3A_0, %arg0 : i32
    %iota3A = tpu.iota {dimensions = array<i32: 0>} : vector<16xi32>
    %broadcast_in_dim3A = arith.constant 1 : i32
    %broadcast_in_dim3A_1 = vector.broadcast %broadcast_in_dim3A : i32 to vector<16xi32>
    %broadcast_in_dim3A_2 = arith.constant 0 : i32
    %broadcast_in_dim3A_3 = vector.broadcast %broadcast_in_dim3A_2 : i32 to vector<16xi32>
    %mul3A_4 = arith.constant 2048 : i32
    %mul3A_5 = vector.broadcast %mul3A_4 : i32 to vector<16xi32>
    %mul3A_6 = arith.muli %iota3A, %mul3A_5 : vector<16xi32>
    "tpu.region"() ({
      %run_scoped3A = tpu.sem_alloc : memref<!tpu.dma_semaphore, #tpu.memory_space<semaphore_mem>>
      %dma_start3A_715 = arith.constant 0 : i32
      %dma_start3A_716 = tpu.memref_slice %arg23[%dma_start3A_715] : memref<144xf32, #tpu.memory_space<vmem>> -> memref<128xf32, #tpu.memory_space<vmem>>
      %dma_start3A_717 = arith.constant 0 : i32
      %dma_start3A_718 = tpu.memref_slice %arg23[%dma_start3A_717] : memref<144xf32, #tpu.memory_space<vmem>> -> memref<128xf32, #tpu.memory_space<vmem>>
      tpu.enqueue_dma source(%arg4 : memref<128xf32, #tpu.memory_space<hbm>>) target(%dma_start3A_718 : memref<128xf32, #tpu.memory_space<vmem>>) target_semaphore(%run_scoped3A : memref<!tpu.dma_semaphore, #tpu.memory_space<semaphore_mem>>)
      %dma_wait3A_719 = arith.constant 0 : i32
      %dma_wait3A_720 = tpu.memref_slice %arg23[%dma_wait3A_719] : memref<144xf32, #tpu.memory_space<vmem>> -> memref<128xf32, #tpu.memory_space<vmem>>
      %dma_wait3A_721 = arith.constant 0 : i32
      %dma_wait3A_722 = tpu.memref_slice %arg23[%dma_wait3A_721] : memref<144xf32, #tpu.memory_space<vmem>> -> memref<128xf32, #tpu.memory_space<vmem>>
      tpu.wait_dma2 semaphore(%run_scoped3A : memref<!tpu.dma_semaphore, #tpu.memory_space<semaphore_mem>>) src(%arg4 : memref<128xf32, #tpu.memory_space<hbm>>) dst(%dma_wait3A_722 : memref<128xf32, #tpu.memory_space<vmem>>)
      tpu.yield
    }) : () -> ()
    %mul3A_7 = arith.constant 2 : i32
    %mul3A_8 = arith.muli %add3A, %mul3A_7 : i32
    %add3A_9 = arith.constant 0 : i32
    %add3A_10 = arith.addi %mul3A_8, %add3A_9 : i32
    %parallel_loop3A = arith.constant 0 : i32
    %parallel_loop3A_11 = arith.constant 2048 : i32
    %parallel_loop3A_12 = arith.constant 1 : i32
    scf.for %parallel_loop3A_715 = %parallel_loop3A to %parallel_loop3A_11 step %parallel_loop3A_12  : i32 {
      %parallel_loop3A_716 = arith.constant 16 : i32
      %parallel_loop3A_717 = arith.muli %parallel_loop3A_715, %parallel_loop3A_716 : i32
      %parallel_loop3A_718 = arith.index_cast %parallel_loop3A_717 : i32 to index
      %parallel_loop3A_719 = tpu.vector_load %arg10[%parallel_loop3A_718] {strides = array<i32>} : memref<32768xi32, #tpu.memory_space<vmem>>, vector<16xi32>,
      tpu.vector_store %arg10[%parallel_loop3A_718], %broadcast_in_dim3A_3 {strides = array<i32>} : memref<32768xi32, #tpu.memory_space<vmem>>, vector<16xi32>,
    } {sc.loop_unroll_factor = 8 : i64, sc.parallel_access}
    %mul3A_13 = arith.constant 400000 : i32
    %mul3A_14 = arith.muli %add3A_10, %mul3A_13 : i32
    %dma_start3A = tpu.memref_slice %arg2[%mul3A_14] : memref<25600000xf32, #tpu.memory_space<hbm>> -> memref<8000xf32, #tpu.memory_space<hbm>>
    %dma_start3A_15 = tpu.memref_slice %arg2[%mul3A_14] : memref<25600000xf32, #tpu.memory_space<hbm>> -> memref<8000xf32, #tpu.memory_space<hbm>>
    tpu.enqueue_dma source(%dma_start3A_15 : memref<8000xf32, #tpu.memory_space<hbm>>) target(%arg8 : memref<8000xf32, #tpu.memory_space<vmem>>) target_semaphore(%arg24 : memref<!tpu.dma_semaphore, #tpu.memory_space<semaphore_mem>>)
    %mul3A_16 = arith.constant 400000 : i32
    %mul3A_17 = arith.muli %add3A_10, %mul3A_16 : i32
    %add3A_18 = arith.constant 8000 : i32
    %add3A_19 = arith.addi %mul3A_17, %add3A_18 : i32
    %dma_start3A_20 = tpu.memref_slice %arg2[%add3A_19] : memref<25600000xf32, #tpu.memory_space<hbm>> -> memref<8000xf32, #tpu.memory_space<hbm>>
    %dma_start3A_21 = tpu.memref_slice %arg2[%add3A_19] : memref<25600000xf32, #tpu.memory_space<hbm>> -> memref<8000xf32, #tpu.memory_space<hbm>>
    tpu.enqueue_dma source(%dma_start3A_21 : memref<8000xf32, #tpu.memory_space<hbm>>) target(%arg9 : memref<8000xf32, #tpu.memory_space<vmem>>) target_semaphore(%arg25 : memref<!tpu.dma_semaphore, #tpu.memory_space<semaphore_mem>>)
    %scan3A = arith.constant 0 : i32
    %scan3A_22 = arith.constant 0 : i32
    %scan3A_23 = arith.constant 25 : i32
    %scan3A_24 = arith.addi %scan3A_22, %scan3A_23 : i32
    %scan3A_25 = arith.constant 1 : i32
    %scan3A_26 = scf.for %scan3A_715 = %scan3A_22 to %scan3A_24 step %scan3A_25 iter_args(%scan3A_716 = %scan3A) -> (i32)  : i32 {
      %mul3A_717 = arith.constant 2 : i32
      %mul3A_718 = arith.muli %mul3A_717, %scan3A_715 : i32
      %mul3A_719 = arith.constant 400000 : i32
      %mul3A_720 = arith.muli %add3A_10, %mul3A_719 : i32
      %dma_wait3A_721 = tpu.memref_slice %arg2[%mul3A_720] : memref<25600000xf32, #tpu.memory_space<hbm>> -> memref<8000xf32, #tpu.memory_space<hbm>>
      %dma_wait3A_722 = tpu.memref_slice %arg2[%mul3A_720] : memref<25600000xf32, #tpu.memory_space<hbm>> -> memref<8000xf32, #tpu.memory_space<hbm>>
      tpu.wait_dma2 semaphore(%arg24 : memref<!tpu.dma_semaphore, #tpu.memory_space<semaphore_mem>>) src(%dma_wait3A_722 : memref<8000xf32, #tpu.memory_space<hbm>>) dst(%arg8 : memref<8000xf32, #tpu.memory_space<vmem>>)
      %parallel_loop3A_723 = arith.constant 0 : i32
      %parallel_loop3A_724 = arith.constant 500 : i32
      %parallel_loop3A_725 = arith.constant 1 : i32
      scf.for %parallel_loop3A_745 = %parallel_loop3A_723 to %parallel_loop3A_724 step %parallel_loop3A_725  : i32 {
        %parallel_loop3A_746 = arith.constant 16 : i32
        %parallel_loop3A_747 = arith.muli %parallel_loop3A_745, %parallel_loop3A_746 : i32
        %parallel_loop3A_748 = arith.index_cast %parallel_loop3A_747 : i32 to index
        %parallel_loop3A_749 = tpu.vector_load %arg8[%parallel_loop3A_748] {strides = array<i32>} : memref<8000xf32, #tpu.memory_space<vmem>>, vector<16xf32>,
        %parallel_loop3A_750 = vector.bitcast %parallel_loop3A_749 : vector<16xf32> to vector<16xi32>
        %parallel_loop3A_751 = arith.constant 31 : i32
        %parallel_loop3A_752 = vector.broadcast %parallel_loop3A_751 : i32 to vector<16xi32>
        %parallel_loop3A_753 = arith.shrsi %parallel_loop3A_750, %parallel_loop3A_752 : vector<16xi32>
        %parallel_loop3A_754 = arith.constant 2147483647 : i32
        %parallel_loop3A_755 = vector.broadcast %parallel_loop3A_754 : i32 to vector<16xi32>
        %parallel_loop3A_756 = arith.andi %parallel_loop3A_753, %parallel_loop3A_755 : vector<16xi32>
        %parallel_loop3A_757 = arith.xori %parallel_loop3A_750, %parallel_loop3A_756 : vector<16xi32>
        %parallel_loop3A_758 = arith.constant 21 : i32
        %parallel_loop3A_759 = vector.broadcast %parallel_loop3A_758 : i32 to vector<16xi32>
        %parallel_loop3A_760 = arith.shrsi %parallel_loop3A_757, %parallel_loop3A_759 : vector<16xi32>
        %parallel_loop3A_761 = arith.constant 1024 : i32
        %parallel_loop3A_762 = vector.broadcast %parallel_loop3A_761 : i32 to vector<16xi32>
        %parallel_loop3A_763 = arith.addi %parallel_loop3A_760, %parallel_loop3A_762 : vector<16xi32>
        %parallel_loop3A_764 = arith.xori %parallel_loop3A_763, %iota3A : vector<16xi32>
        %parallel_loop3A_765 = arith.addi %mul3A_6, %parallel_loop3A_764 : vector<16xi32>
        tpu.vector_store_idx %arg10[%parallel_loop3A_765], %broadcast_in_dim3A_1 {add = true} : memref<32768xi32, #tpu.memory_space<vmem>>[vector<16xi32>], vector<16xi32>,
      } {sc.loop_unroll_factor = 8 : i64, sc.parallel_access}
      %add3A_726 = arith.constant 2 : i32
      %add3A_727 = arith.addi %mul3A_718, %add3A_726 : i32
      %lt3A = arith.constant 50 : i32
      %lt3A_728 = arith.cmpi slt, %add3A_727, %lt3A : i32
      %convert_element_type3A = arith.extui %lt3A_728 : i1 to i32
      %cond3A = arith.constant 0 : i32
      %cond3A_729 = arith.cmpi ne, %convert_element_type3A, %cond3A : i32
      scf.if %cond3A_729 {
        %mul3A_745 = arith.constant 400000 : i32
        %mul3A_746 = arith.muli %add3A_10, %mul3A_745 : i32
        %add3A_747 = arith.constant 2 : i32
        %add3A_748 = arith.addi %mul3A_718, %add3A_747 : i32
        %mul3A_749 = arith.constant 8000 : i32
        %mul3A_750 = arith.muli %add3A_748, %mul3A_749 : i32
        %add3A_751 = arith.addi %mul3A_746, %mul3A_750 : i32
        %dma_start3A_752 = tpu.memref_slice %arg2[%add3A_751] : memref<25600000xf32, #tpu.memory_space<hbm>> -> memref<8000xf32, #tpu.memory_space<hbm>>
        %dma_start3A_753 = tpu.memref_slice %arg2[%add3A_751] : memref<25600000xf32, #tpu.memory_space<hbm>> -> memref<8000xf32, #tpu.memory_space<hbm>>
        tpu.enqueue_dma source(%dma_start3A_753 : memref<8000xf32, #tpu.memory_space<hbm>>) target(%arg8 : memref<8000xf32, #tpu.memory_space<vmem>>) target_semaphore(%arg24 : memref<!tpu.dma_semaphore, #tpu.memory_space<semaphore_mem>>)
      } else {
      }
      %mul3A_730 = arith.constant 400000 : i32
      %mul3A_731 = arith.muli %add3A_10, %mul3A_730 : i32
      %dma_wait3A_732 = tpu.memref_slice %arg2[%mul3A_731] : memref<25600000xf32, #tpu.memory_space<hbm>> -> memref<8000xf32, #tpu.memory_space<hbm>>
      %dma_wait3A_733 = tpu.memref_slice %arg2[%mul3A_731] : memref<25600000xf32, #tpu.memory_space<hbm>> -> memref<8000xf32, #tpu.memory_space<hbm>>
      tpu.wait_dma2 semaphore(%arg25 : memref<!tpu.dma_semaphore, #tpu.memory_space<semaphore_mem>>) src(%dma_wait3A_733 : memref<8000xf32, #tpu.memory_space<hbm>>) dst(%arg9 : memref<8000xf32, #tpu.memory_space<vmem>>)
      %parallel_loop3A_734 = arith.constant 0 : i32
      %parallel_loop3A_735 = arith.constant 500 : i32
      %parallel_loop3A_736 = arith.constant 1 : i32
      scf.for %parallel_loop3A_745 = %parallel_loop3A_734 to %parallel_loop3A_735 step %parallel_loop3A_736  : i32 {
        %parallel_loop3A_746 = arith.constant 16 : i32
        %parallel_loop3A_747 = arith.muli %parallel_loop3A_745, %parallel_loop3A_746 : i32
        %parallel_loop3A_748 = arith.index_cast %parallel_loop3A_747 : i32 to index
        %parallel_loop3A_749 = tpu.vector_load %arg9[%parallel_loop3A_748] {strides = array<i32>} : memref<8000xf32, #tpu.memory_space<vmem>>, vector<16xf32>,
        %parallel_loop3A_750 = vector.bitcast %parallel_loop3A_749 : vector<16xf32> to vector<16xi32>
        %parallel_loop3A_751 = arith.constant 31 : i32
        %parallel_loop3A_752 = vector.broadcast %parallel_loop3A_751 : i32 to vector<16xi32>
        %parallel_loop3A_753 = arith.shrsi %parallel_loop3A_750, %parallel_loop3A_752 : vector<16xi32>
        %parallel_loop3A_754 = arith.constant 2147483647 : i32
        %parallel_loop3A_755 = vector.broadcast %parallel_loop3A_754 : i32 to vector<16xi32>
        %parallel_loop3A_756 = arith.andi %parallel_loop3A_753, %parallel_loop3A_755 : vector<16xi32>
        %parallel_loop3A_757 = arith.xori %parallel_loop3A_750, %parallel_loop3A_756 : vector<16xi32>
        %parallel_loop3A_758 = arith.constant 21 : i32
        %parallel_loop3A_759 = vector.broadcast %parallel_loop3A_758 : i32 to vector<16xi32>
        %parallel_loop3A_760 = arith.shrsi %parallel_loop3A_757, %parallel_loop3A_759 : vector<16xi32>
        %parallel_loop3A_761 = arith.constant 1024 : i32
        %parallel_loop3A_762 = vector.broadcast %parallel_loop3A_761 : i32 to vector<16xi32>
        %parallel_loop3A_763 = arith.addi %parallel_loop3A_760, %parallel_loop3A_762 : vector<16xi32>
        %parallel_loop3A_764 = arith.xori %parallel_loop3A_763, %iota3A : vector<16xi32>
        %parallel_loop3A_765 = arith.addi %mul3A_6, %parallel_loop3A_764 : vector<16xi32>
        tpu.vector_store_idx %arg10[%parallel_loop3A_765], %broadcast_in_dim3A_1 {add = true} : memref<32768xi32, #tpu.memory_space<vmem>>[vector<16xi32>], vector<16xi32>,
      } {sc.loop_unroll_factor = 8 : i64, sc.parallel_access}
      %add3A_737 = arith.constant 3 : i32
      %add3A_738 = arith.addi %mul3A_718, %add3A_737 : i32
      %lt3A_739 = arith.constant 50 : i32
      %lt3A_740 = arith.cmpi slt, %add3A_738, %lt3A_739 : i32
      %convert_element_type3A_741 = arith.extui %lt3A_740 : i1 to i32
      %cond3A_742 = arith.constant 0 : i32
      %cond3A_743 = arith.cmpi ne, %convert_element_type3A_741, %cond3A_742 : i32
      scf.if %cond3A_743 {
        %mul3A_745 = arith.constant 400000 : i32
        %mul3A_746 = arith.muli %add3A_10, %mul3A_745 : i32
        %add3A_747 = arith.constant 3 : i32
        %add3A_748 = arith.addi %mul3A_718, %add3A_747 : i32
        %mul3A_749 = arith.constant 8000 : i32
        %mul3A_750 = arith.muli %add3A_748, %mul3A_749 : i32
        %add3A_751 = arith.addi %mul3A_746, %mul3A_750 : i32
        %dma_start3A_752 = tpu.memref_slice %arg2[%add3A_751] : memref<25600000xf32, #tpu.memory_space<hbm>> -> memref<8000xf32, #tpu.memory_space<hbm>>
        %dma_start3A_753 = tpu.memref_slice %arg2[%add3A_751] : memref<25600000xf32, #tpu.memory_space<hbm>> -> memref<8000xf32, #tpu.memory_space<hbm>>
        tpu.enqueue_dma source(%dma_start3A_753 : memref<8000xf32, #tpu.memory_space<hbm>>) target(%arg9 : memref<8000xf32, #tpu.memory_space<vmem>>) target_semaphore(%arg25 : memref<!tpu.dma_semaphore, #tpu.memory_space<semaphore_mem>>)
      } else {
      }
      %scan3A_744 = arith.constant 0 : i32
      scf.yield %scan3A_744 : i32
    }
    %scan3A_27 = arith.constant 25 : i32
    %scan3A_28 = arith.constant 0 : i32
    %scan3A_29 = arith.constant -1 : i32
    %scan3A_30 = arith.constant 0 : i32
    %scan3A_31 = arith.constant 128 : i32
    %scan3A_32 = arith.addi %scan3A_30, %scan3A_31 : i32
    %scan3A_33 = arith.constant 1 : i32
    %scan3A_34:2 = scf.for %scan3A_715 = %scan3A_30 to %scan3A_32 step %scan3A_33 iter_args(%scan3A_716 = %scan3A_28, %scan3A_717 = %scan3A_29) -> (i32, i32)  : i32 {
      %sub3A_718 = arith.constant 127 : i32
      %sub3A_719 = arith.subi %sub3A_718, %scan3A_715 : i32
      %mul3A_720 = arith.constant 16 : i32
      %mul3A_721 = arith.muli %sub3A_719, %mul3A_720 : i32
      %get3A_722 = arith.index_cast %mul3A_721 : i32 to index
      %get3A_723 = tpu.vector_load %arg10[%get3A_722] {strides = array<i32>} : memref<32768xi32, #tpu.memory_space<vmem>>, vector<16xi32>,
      %mul3A_724 = arith.constant 16 : i32
      %mul3A_725 = arith.muli %sub3A_719, %mul3A_724 : i32
      %add3A_726 = arith.constant 2048 : i32
      %add3A_727 = arith.addi %add3A_726, %mul3A_725 : i32
      %get3A_728 = arith.index_cast %add3A_727 : i32 to index
      %get3A_729 = tpu.vector_load %arg10[%get3A_728] {strides = array<i32>} : memref<32768xi32, #tpu.memory_space<vmem>>, vector<16xi32>,
      %xor3A = arith.constant 1 : i32
      %xor3A_730 = vector.broadcast %xor3A : i32 to vector<16xi32>
      %xor3A_731 = arith.xori %iota3A, %xor3A_730 : vector<16xi32>
      %lt3A = arith.constant 0 : i32
      %lt3A_732 = vector.broadcast %lt3A : i32 to vector<16xi32>
      %lt3A_733 = arith.cmpi slt, %xor3A_731, %lt3A_732 : vector<16xi32>
      %add3A_734 = arith.constant 16 : i32
      %add3A_735 = vector.broadcast %add3A_734 : i32 to vector<16xi32>
      %add3A_736 = arith.addi %xor3A_731, %add3A_735 : vector<16xi32>
      %select_n3A = arith.select %lt3A_733, %add3A_736, %xor3A_731 : vector<16xi1>, vector<16xi32>
      %broadcast_in_dim3A_737 = vector.shape_cast %select_n3A : vector<16xi32> to vector<16x1xi32>
      %gather3A = vector.shape_cast %broadcast_in_dim3A_737 : vector<16x1xi32> to vector<16xi32>
      %gather3A_738 = tpu.dynamic_gather %get3A_729[%gather3A] in [0] : vector<16xi32>, vector<16xi32> -> vector<16xi32>
      %add3A_739 = arith.addi %get3A_723, %gather3A_738 : vector<16xi32>
      %mul3A_740 = arith.constant 16 : i32
      %mul3A_741 = arith.muli %sub3A_719, %mul3A_740 : i32
      %add3A_742 = arith.constant 4096 : i32
      %add3A_743 = arith.addi %add3A_742, %mul3A_741 : i32
      %get3A_744 = arith.index_cast %add3A_743 : i32 to index
      %get3A_745 = tpu.vector_load %arg10[%get3A_744] {strides = array<i32>} : memref<32768xi32, #tpu.memory_space<vmem>>, vector<16xi32>,
      %xor3A_746 = arith.constant 2 : i32
      %xor3A_747 = vector.broadcast %xor3A_746 : i32 to vector<16xi32>
      %xor3A_748 = arith.xori %iota3A, %xor3A_747 : vector<16xi32>
      %lt3A_749 = arith.constant 0 : i32
      %lt3A_750 = vector.broadcast %lt3A_749 : i32 to vector<16xi32>
      %lt3A_751 = arith.cmpi slt, %xor3A_748, %lt3A_750 : vector<16xi32>
      %add3A_752 = arith.constant 16 : i32
      %add3A_753 = vector.broadcast %add3A_752 : i32 to vector<16xi32>
      %add3A_754 = arith.addi %xor3A_748, %add3A_753 : vector<16xi32>
      %select_n3A_755 = arith.select %lt3A_751, %add3A_754, %xor3A_748 : vector<16xi1>, vector<16xi32>
      %broadcast_in_dim3A_756 = vector.shape_cast %select_n3A_755 : vector<16xi32> to vector<16x1xi32>
      %gather3A_757 = vector.shape_cast %broadcast_in_dim3A_756 : vector<16x1xi32> to vector<16xi32>
      %gather3A_758 = tpu.dynamic_gather %get3A_745[%gather3A_757] in [0] : vector<16xi32>, vector<16xi32> -> vector<16xi32>
      %add3A_759 = arith.addi %add3A_739, %gather3A_758 : vector<16xi32>
      %mul3A_760 = arith.constant 16 : i32
      %mul3A_761 = arith.muli %sub3A_719, %mul3A_760 : i32
      %add3A_762 = arith.constant 6144 : i32
      %add3A_763 = arith.addi %add3A_762, %mul3A_761 : i32
      %get3A_764 = arith.index_cast %add3A_763 : i32 to index
      %get3A_765 = tpu.vector_load %arg10[%get3A_764] {strides = array<i32>} : memref<32768xi32, #tpu.memory_space<vmem>>, vector<16xi32>,
      %xor3A_766 = arith.constant 3 : i32
      %xor3A_767 = vector.broadcast %xor3A_766 : i32 to vector<16xi32>
      %xor3A_768 = arith.xori %iota3A, %xor3A_767 : vector<16xi32>
      %lt3A_769 = arith.constant 0 : i32
      %lt3A_770 = vector.broadcast %lt3A_769 : i32 to vector<16xi32>
      %lt3A_771 = arith.cmpi slt, %xor3A_768, %lt3A_770 : vector<16xi32>
      %add3A_772 = arith.constant 16 : i32
      %add3A_773 = vector.broadcast %add3A_772 : i32 to vector<16xi32>
      %add3A_774 = arith.addi %xor3A_768, %add3A_773 : vector<16xi32>
      %select_n3A_775 = arith.select %lt3A_771, %add3A_774, %xor3A_768 : vector<16xi1>, vector<16xi32>
      %broadcast_in_dim3A_776 = vector.shape_cast %select_n3A_775 : vector<16xi32> to vector<16x1xi32>
      %gather3A_777 = vector.shape_cast %broadcast_in_dim3A_776 : vector<16x1xi32> to vector<16xi32>
      %gather3A_778 = tpu.dynamic_gather %get3A_765[%gather3A_777] in [0] : vector<16xi32>, vector<16xi32> -> vector<16xi32>
      %add3A_779 = arith.addi %add3A_759, %gather3A_778 : vector<16xi32>
      %mul3A_780 = arith.constant 16 : i32
      %mul3A_781 = arith.muli %sub3A_719, %mul3A_780 : i32
      %add3A_782 = arith.constant 8192 : i32
      %add3A_783 = arith.addi %add3A_782, %mul3A_781 : i32
      %get3A_784 = arith.index_cast %add3A_783 : i32 to index
      %get3A_785 = tpu.vector_load %arg10[%get3A_784] {strides = array<i32>} : memref<32768xi32, #tpu.memory_space<vmem>>, vector<16xi32>,
      %xor3A_786 = arith.constant 4 : i32
      %xor3A_787 = vector.broadcast %xor3A_786 : i32 to vector<16xi32>
      %xor3A_788 = arith.xori %iota3A, %xor3A_787 : vector<16xi32>
      %lt3A_789 = arith.constant 0 : i32
      %lt3A_790 = vector.broadcast %lt3A_789 : i32 to vector<16xi32>
      %lt3A_791 = arith.cmpi slt, %xor3A_788, %lt3A_790 : vector<16xi32>
      %add3A_792 = arith.constant 16 : i32
      %add3A_793 = vector.broadcast %add3A_792 : i32 to vector<16xi32>
      %add3A_794 = arith.addi %xor3A_788, %add3A_793 : vector<16xi32>
      %select_n3A_795 = arith.select %lt3A_791, %add3A_794, %xor3A_788 : vector<16xi1>, vector<16xi32>
      %broadcast_in_dim3A_796 = vector.shape_cast %select_n3A_795 : vector<16xi32> to vector<16x1xi32>
      %gather3A_797 = vector.shape_cast %broadcast_in_dim3A_796 : vector<16x1xi32> to vector<16xi32>
      %gather3A_798 = tpu.dynamic_gather %get3A_785[%gather3A_797] in [0] : vector<16xi32>, vector<16xi32> -> vector<16xi32>
      %add3A_799 = arith.addi %add3A_779, %gather3A_798 : vector<16xi32>
      %mul3A_800 = arith.constant 16 : i32
      %mul3A_801 = arith.muli %sub3A_719, %mul3A_800 : i32
      %add3A_802 = arith.constant 10240 : i32
      %add3A_803 = arith.addi %add3A_802, %mul3A_801 : i32
      %get3A_804 = arith.index_cast %add3A_803 : i32 to index
      %get3A_805 = tpu.vector_load %arg10[%get3A_804] {strides = array<i32>} : memref<32768xi32, #tpu.memory_space<vmem>>, vector<16xi32>,
      %xor3A_806 = arith.constant 5 : i32
      %xor3A_807 = vector.broadcast %xor3A_806 : i32 to vector<16xi32>
      %xor3A_808 = arith.xori %iota3A, %xor3A_807 : vector<16xi32>
      %lt3A_809 = arith.constant 0 : i32
      %lt3A_810 = vector.broadcast %lt3A_809 : i32 to vector<16xi32>
      %lt3A_811 = arith.cmpi slt, %xor3A_808, %lt3A_810 : vector<16xi32>
      %add3A_812 = arith.constant 16 : i32
      %add3A_813 = vector.broadcast %add3A_812 : i32 to vector<16xi32>
      %add3A_814 = arith.addi %xor3A_808, %add3A_813 : vector<16xi32>
      %select_n3A_815 = arith.select %lt3A_811, %add3A_814, %xor3A_808 : vector<16xi1>, vector<16xi32>
      %broadcast_in_dim3A_816 = vector.shape_cast %select_n3A_815 : vector<16xi32> to vector<16x1xi32>
      %gather3A_817 = vector.shape_cast %broadcast_in_dim3A_816 : vector<16x1xi32> to vector<16xi32>
      %gather3A_818 = tpu.dynamic_gather %get3A_805[%gather3A_817] in [0] : vector<16xi32>, vector<16xi32> -> vector<16xi32>
      %add3A_819 = arith.addi %add3A_799, %gather3A_818 : vector<16xi32>
      %mul3A_820 = arith.constant 16 : i32
      %mul3A_821 = arith.muli %sub3A_719, %mul3A_820 : i32
      %add3A_822 = arith.constant 12288 : i32
      %add3A_823 = arith.addi %add3A_822, %mul3A_821 : i32
      %get3A_824 = arith.index_cast %add3A_823 : i32 to index
      %get3A_825 = tpu.vector_load %arg10[%get3A_824] {strides = array<i32>} : memref<32768xi32, #tpu.memory_space<vmem>>, vector<16xi32>,
      %xor3A_826 = arith.constant 6 : i32
      %xor3A_827 = vector.broadcast %xor3A_826 : i32 to vector<16xi32>
      %xor3A_828 = arith.xori %iota3A, %xor3A_827 : vector<16xi32>
      %lt3A_829 = arith.constant 0 : i32
      %lt3A_830 = vector.broadcast %lt3A_829 : i32 to vector<16xi32>
      %lt3A_831 = arith.cmpi slt, %xor3A_828, %lt3A_830 : vector<16xi32>
      %add3A_832 = arith.constant 16 : i32
      %add3A_833 = vector.broadcast %add3A_832 : i32 to vector<16xi32>
      %add3A_834 = arith.addi %xor3A_828, %add3A_833 : vector<16xi32>
      %select_n3A_835 = arith.select %lt3A_831, %add3A_834, %xor3A_828 : vector<16xi1>, vector<16xi32>
      %broadcast_in_dim3A_836 = vector.shape_cast %select_n3A_835 : vector<16xi32> to vector<16x1xi32>
      %gather3A_837 = vector.shape_cast %broadcast_in_dim3A_836 : vector<16x1xi32> to vector<16xi32>
      %gather3A_838 = tpu.dynamic_gather %get3A_825[%gather3A_837] in [0] : vector<16xi32>, vector<16xi32> -> vector<16xi32>
      %add3A_839 = arith.addi %add3A_819, %gather3A_838 : vector<16xi32>
      %mul3A_840 = arith.constant 16 : i32
      %mul3A_841 = arith.muli %sub3A_719, %mul3A_840 : i32
      %add3A_842 = arith.constant 14336 : i32
      %add3A_843 = arith.addi %add3A_842, %mul3A_841 : i32
      %get3A_844 = arith.index_cast %add3A_843 : i32 to index
      %get3A_845 = tpu.vector_load %arg10[%get3A_844] {strides = array<i32>} : memref<32768xi32, #tpu.memory_space<vmem>>, vector<16xi32>,
      %xor3A_846 = arith.constant 7 : i32
      %xor3A_847 = vector.broadcast %xor3A_846 : i32 to vector<16xi32>
      %xor3A_848 = arith.xori %iota3A, %xor3A_847 : vector<16xi32>
      %lt3A_849 = arith.constant 0 : i32
      %lt3A_850 = vector.broadcast %lt3A_849 : i32 to vector<16xi32>
      %lt3A_851 = arith.cmpi slt, %xor3A_848, %lt3A_850 : vector<16xi32>
      %add3A_852 = arith.constant 16 : i32
      %add3A_853 = vector.broadcast %add3A_852 : i32 to vector<16xi32>
      %add3A_854 = arith.addi %xor3A_848, %add3A_853 : vector<16xi32>
      %select_n3A_855 = arith.select %lt3A_851, %add3A_854, %xor3A_848 : vector<16xi1>, vector<16xi32>
      %broadcast_in_dim3A_856 = vector.shape_cast %select_n3A_855 : vector<16xi32> to vector<16x1xi32>
      %gather3A_857 = vector.shape_cast %broadcast_in_dim3A_856 : vector<16x1xi32> to vector<16xi32>
      %gather3A_858 = tpu.dynamic_gather %get3A_845[%gather3A_857] in [0] : vector<16xi32>, vector<16xi32> -> vector<16xi32>
      %add3A_859 = arith.addi %add3A_839, %gather3A_858 : vector<16xi32>
      %mul3A_860 = arith.constant 16 : i32
      %mul3A_861 = arith.muli %sub3A_719, %mul3A_860 : i32
      %add3A_862 = arith.constant 16384 : i32
      %add3A_863 = arith.addi %add3A_862, %mul3A_861 : i32
      %get3A_864 = arith.index_cast %add3A_863 : i32 to index
      %get3A_865 = tpu.vector_load %arg10[%get3A_864] {strides = array<i32>} : memref<32768xi32, #tpu.memory_space<vmem>>, vector<16xi32>,
      %xor3A_866 = arith.constant 8 : i32
      %xor3A_867 = vector.broadcast %xor3A_866 : i32 to vector<16xi32>
      %xor3A_868 = arith.xori %iota3A, %xor3A_867 : vector<16xi32>
      %lt3A_869 = arith.constant 0 : i32
      %lt3A_870 = vector.broadcast %lt3A_869 : i32 to vector<16xi32>
      %lt3A_871 = arith.cmpi slt, %xor3A_868, %lt3A_870 : vector<16xi32>
      %add3A_872 = arith.constant 16 : i32
      %add3A_873 = vector.broadcast %add3A_872 : i32 to vector<16xi32>
      %add3A_874 = arith.addi %xor3A_868, %add3A_873 : vector<16xi32>
      %select_n3A_875 = arith.select %lt3A_871, %add3A_874, %xor3A_868 : vector<16xi1>, vector<16xi32>
      %broadcast_in_dim3A_876 = vector.shape_cast %select_n3A_875 : vector<16xi32> to vector<16x1xi32>
      %gather3A_877 = vector.shape_cast %broadcast_in_dim3A_876 : vector<16x1xi32> to vector<16xi32>
      %gather3A_878 = tpu.dynamic_gather %get3A_865[%gather3A_877] in [0] : vector<16xi32>, vector<16xi32> -> vector<16xi32>
      %add3A_879 = arith.addi %add3A_859, %gather3A_878 : vector<16xi32>
      %mul3A_880 = arith.constant 16 : i32
      %mul3A_881 = arith.muli %sub3A_719, %mul3A_880 : i32
      %add3A_882 = arith.constant 18432 : i32
      %add3A_883 = arith.addi %add3A_882, %mul3A_881 : i32
      %get3A_884 = arith.index_cast %add3A_883 : i32 to index
      %get3A_885 = tpu.vector_load %arg10[%get3A_884] {strides = array<i32>} : memref<32768xi32, #tpu.memory_space<vmem>>, vector<16xi32>,
      %xor3A_886 = arith.constant 9 : i32
      %xor3A_887 = vector.broadcast %xor3A_886 : i32 to vector<16xi32>
      %xor3A_888 = arith.xori %iota3A, %xor3A_887 : vector<16xi32>
      %lt3A_889 = arith.constant 0 : i32
      %lt3A_890 = vector.broadcast %lt3A_889 : i32 to vector<16xi32>
      %lt3A_891 = arith.cmpi slt, %xor3A_888, %lt3A_890 : vector<16xi32>
      %add3A_892 = arith.constant 16 : i32
      %add3A_893 = vector.broadcast %add3A_892 : i32 to vector<16xi32>
      %add3A_894 = arith.addi %xor3A_888, %add3A_893 : vector<16xi32>
      %select_n3A_895 = arith.select %lt3A_891, %add3A_894, %xor3A_888 : vector<16xi1>, vector<16xi32>
      %broadcast_in_dim3A_896 = vector.shape_cast %select_n3A_895 : vector<16xi32> to vector<16x1xi32>
      %gather3A_897 = vector.shape_cast %broadcast_in_dim3A_896 : vector<16x1xi32> to vector<16xi32>
      %gather3A_898 = tpu.dynamic_gather %get3A_885[%gather3A_897] in [0] : vector<16xi32>, vector<16xi32> -> vector<16xi32>
      %add3A_899 = arith.addi %add3A_879, %gather3A_898 : vector<16xi32>
      %mul3A_900 = arith.constant 16 : i32
      %mul3A_901 = arith.muli %sub3A_719, %mul3A_900 : i32
      %add3A_902 = arith.constant 20480 : i32
      %add3A_903 = arith.addi %add3A_902, %mul3A_901 : i32
      %get3A_904 = arith.index_cast %add3A_903 : i32 to index
      %get3A_905 = tpu.vector_load %arg10[%get3A_904] {strides = array<i32>} : memref<32768xi32, #tpu.memory_space<vmem>>, vector<16xi32>,
      %xor3A_906 = arith.constant 10 : i32
      %xor3A_907 = vector.broadcast %xor3A_906 : i32 to vector<16xi32>
      %xor3A_908 = arith.xori %iota3A, %xor3A_907 : vector<16xi32>
      %lt3A_909 = arith.constant 0 : i32
      %lt3A_910 = vector.broadcast %lt3A_909 : i32 to vector<16xi32>
      %lt3A_911 = arith.cmpi slt, %xor3A_908, %lt3A_910 : vector<16xi32>
      %add3A_912 = arith.constant 16 : i32
      %add3A_913 = vector.broadcast %add3A_912 : i32 to vector<16xi32>
      %add3A_914 = arith.addi %xor3A_908, %add3A_913 : vector<16xi32>
      %select_n3A_915 = arith.select %lt3A_911, %add3A_914, %xor3A_908 : vector<16xi1>, vector<16xi32>
      %broadcast_in_dim3A_916 = vector.shape_cast %select_n3A_915 : vector<16xi32> to vector<16x1xi32>
      %gather3A_917 = vector.shape_cast %broadcast_in_dim3A_916 : vector<16x1xi32> to vector<16xi32>
      %gather3A_918 = tpu.dynamic_gather %get3A_905[%gather3A_917] in [0] : vector<16xi32>, vector<16xi32> -> vector<16xi32>
      %add3A_919 = arith.addi %add3A_899, %gather3A_918 : vector<16xi32>
      %mul3A_920 = arith.constant 16 : i32
      %mul3A_921 = arith.muli %sub3A_719, %mul3A_920 : i32
      %add3A_922 = arith.constant 22528 : i32
      %add3A_923 = arith.addi %add3A_922, %mul3A_921 : i32
      %get3A_924 = arith.index_cast %add3A_923 : i32 to index
      %get3A_925 = tpu.vector_load %arg10[%get3A_924] {strides = array<i32>} : memref<32768xi32, #tpu.memory_space<vmem>>, vector<16xi32>,
      %xor3A_926 = arith.constant 11 : i32
      %xor3A_927 = vector.broadcast %xor3A_926 : i32 to vector<16xi32>
      %xor3A_928 = arith.xori %iota3A, %xor3A_927 : vector<16xi32>
      %lt3A_929 = arith.constant 0 : i32
      %lt3A_930 = vector.broadcast %lt3A_929 : i32 to vector<16xi32>
      %lt3A_931 = arith.cmpi slt, %xor3A_928, %lt3A_930 : vector<16xi32>
      %add3A_932 = arith.constant 16 : i32
      %add3A_933 = vector.broadcast %add3A_932 : i32 to vector<16xi32>
      %add3A_934 = arith.addi %xor3A_928, %add3A_933 : vector<16xi32>
      %select_n3A_935 = arith.select %lt3A_931, %add3A_934, %xor3A_928 : vector<16xi1>, vector<16xi32>
      %broadcast_in_dim3A_936 = vector.shape_cast %select_n3A_935 : vector<16xi32> to vector<16x1xi32>
      %gather3A_937 = vector.shape_cast %broadcast_in_dim3A_936 : vector<16x1xi32> to vector<16xi32>
      %gather3A_938 = tpu.dynamic_gather %get3A_925[%gather3A_937] in [0] : vector<16xi32>, vector<16xi32> -> vector<16xi32>
      %add3A_939 = arith.addi %add3A_919, %gather3A_938 : vector<16xi32>
      %mul3A_940 = arith.constant 16 : i32
      %mul3A_941 = arith.muli %sub3A_719, %mul3A_940 : i32
      %add3A_942 = arith.constant 24576 : i32
      %add3A_943 = arith.addi %add3A_942, %mul3A_941 : i32
      %get3A_944 = arith.index_cast %add3A_943 : i32 to index
      %get3A_945 = tpu.vector_load %arg10[%get3A_944] {strides = array<i32>} : memref<32768xi32, #tpu.memory_space<vmem>>, vector<16xi32>,
      %xor3A_946 = arith.constant 12 : i32
      %xor3A_947 = vector.broadcast %xor3A_946 : i32 to vector<16xi32>
      %xor3A_948 = arith.xori %iota3A, %xor3A_947 : vector<16xi32>
      %lt3A_949 = arith.constant 0 : i32
      %lt3A_950 = vector.broadcast %lt3A_949 : i32 to vector<16xi32>
      %lt3A_951 = arith.cmpi slt, %xor3A_948, %lt3A_950 : vector<16xi32>
      %add3A_952 = arith.constant 16 : i32
      %add3A_953 = vector.broadcast %add3A_952 : i32 to vector<16xi32>
      %add3A_954 = arith.addi %xor3A_948, %add3A_953 : vector<16xi32>
      %select_n3A_955 = arith.select %lt3A_951, %add3A_954, %xor3A_948 : vector<16xi1>, vector<16xi32>
      %broadcast_in_dim3A_956 = vector.shape_cast %select_n3A_955 : vector<16xi32> to vector<16x1xi32>
      %gather3A_957 = vector.shape_cast %broadcast_in_dim3A_956 : vector<16x1xi32> to vector<16xi32>
      %gather3A_958 = tpu.dynamic_gather %get3A_945[%gather3A_957] in [0] : vector<16xi32>, vector<16xi32> -> vector<16xi32>
      %add3A_959 = arith.addi %add3A_939, %gather3A_958 : vector<16xi32>
      %mul3A_960 = arith.constant 16 : i32
      %mul3A_961 = arith.muli %sub3A_719, %mul3A_960 : i32
      %add3A_962 = arith.constant 26624 : i32
      %add3A_963 = arith.addi %add3A_962, %mul3A_961 : i32
      %get3A_964 = arith.index_cast %add3A_963 : i32 to index
      %get3A_965 = tpu.vector_load %arg10[%get3A_964] {strides = array<i32>} : memref<32768xi32, #tpu.memory_space<vmem>>, vector<16xi32>,
      %xor3A_966 = arith.constant 13 : i32
      %xor3A_967 = vector.broadcast %xor3A_966 : i32 to vector<16xi32>
      %xor3A_968 = arith.xori %iota3A, %xor3A_967 : vector<16xi32>
      %lt3A_969 = arith.constant 0 : i32
      %lt3A_970 = vector.broadcast %lt3A_969 : i32 to vector<16xi32>
      %lt3A_971 = arith.cmpi slt, %xor3A_968, %lt3A_970 : vector<16xi32>
      %add3A_972 = arith.constant 16 : i32
      %add3A_973 = vector.broadcast %add3A_972 : i32 to vector<16xi32>
      %add3A_974 = arith.addi %xor3A_968, %add3A_973 : vector<16xi32>
      %select_n3A_975 = arith.select %lt3A_971, %add3A_974, %xor3A_968 : vector<16xi1>, vector<16xi32>
      %broadcast_in_dim3A_976 = vector.shape_cast %select_n3A_975 : vector<16xi32> to vector<16x1xi32>
      %gather3A_977 = vector.shape_cast %broadcast_in_dim3A_976 : vector<16x1xi32> to vector<16xi32>
      %gather3A_978 = tpu.dynamic_gather %get3A_965[%gather3A_977] in [0] : vector<16xi32>, vector<16xi32> -> vector<16xi32>
      %add3A_979 = arith.addi %add3A_959, %gather3A_978 : vector<16xi32>
      %mul3A_980 = arith.constant 16 : i32
      %mul3A_981 = arith.muli %sub3A_719, %mul3A_980 : i32
      %add3A_982 = arith.constant 28672 : i32
      %add3A_983 = arith.addi %add3A_982, %mul3A_981 : i32
      %get3A_984 = arith.index_cast %add3A_983 : i32 to index
      %get3A_985 = tpu.vector_load %arg10[%get3A_984] {strides = array<i32>} : memref<32768xi32, #tpu.memory_space<vmem>>, vector<16xi32>,
      %xor3A_986 = arith.constant 14 : i32
      %xor3A_987 = vector.broadcast %xor3A_986 : i32 to vector<16xi32>
      %xor3A_988 = arith.xori %iota3A, %xor3A_987 : vector<16xi32>
      %lt3A_989 = arith.constant 0 : i32
      %lt3A_990 = vector.broadcast %lt3A_989 : i32 to vector<16xi32>
      %lt3A_991 = arith.cmpi slt, %xor3A_988, %lt3A_990 : vector<16xi32>
      %add3A_992 = arith.constant 16 : i32
      %add3A_993 = vector.broadcast %add3A_992 : i32 to vector<16xi32>
      %add3A_994 = arith.addi %xor3A_988, %add3A_993 : vector<16xi32>
      %select_n3A_995 = arith.select %lt3A_991, %add3A_994, %xor3A_988 : vector<16xi1>, vector<16xi32>
      %broadcast_in_dim3A_996 = vector.shape_cast %select_n3A_995 : vector<16xi32> to vector<16x1xi32>
      %gather3A_997 = vector.shape_cast %broadcast_in_dim3A_996 : vector<16x1xi32> to vector<16xi32>
      %gather3A_998 = tpu.dynamic_gather %get3A_985[%gather3A_997] in [0] : vector<16xi32>, vector<16xi32> -> vector<16xi32>
      %add3A_999 = arith.addi %add3A_979, %gather3A_998 : vector<16xi32>
      %mul3A_1000 = arith.constant 16 : i32
      %mul3A_1001 = arith.muli %sub3A_719, %mul3A_1000 : i32
      %add3A_1002 = arith.constant 30720 : i32
      %add3A_1003 = arith.addi %add3A_1002, %mul3A_1001 : i32
      %get3A_1004 = arith.index_cast %add3A_1003 : i32 to index
      %get3A_1005 = tpu.vector_load %arg10[%get3A_1004] {strides = array<i32>} : memref<32768xi32, #tpu.memory_space<vmem>>, vector<16xi32>,
      %xor3A_1006 = arith.constant 15 : i32
      %xor3A_1007 = vector.broadcast %xor3A_1006 : i32 to vector<16xi32>
      %xor3A_1008 = arith.xori %iota3A, %xor3A_1007 : vector<16xi32>
      %lt3A_1009 = arith.constant 0 : i32
      %lt3A_1010 = vector.broadcast %lt3A_1009 : i32 to vector<16xi32>
      %lt3A_1011 = arith.cmpi slt, %xor3A_1008, %lt3A_1010 : vector<16xi32>
      %add3A_1012 = arith.constant 16 : i32
      %add3A_1013 = vector.broadcast %add3A_1012 : i32 to vector<16xi32>
      %add3A_1014 = arith.addi %xor3A_1008, %add3A_1013 : vector<16xi32>
      %select_n3A_1015 = arith.select %lt3A_1011, %add3A_1014, %xor3A_1008 : vector<16xi1>, vector<16xi32>
      %broadcast_in_dim3A_1016 = vector.shape_cast %select_n3A_1015 : vector<16xi32> to vector<16x1xi32>
      %gather3A_1017 = vector.shape_cast %broadcast_in_dim3A_1016 : vector<16x1xi32> to vector<16xi32>
      %gather3A_1018 = tpu.dynamic_gather %get3A_1005[%gather3A_1017] in [0] : vector<16xi32>, vector<16xi32> -> vector<16xi32>
      %add3A_1019 = arith.addi %add3A_999, %gather3A_1018 : vector<16xi32>
      %rev3A = arith.constant 15 : i32
      %rev3A_1020 = vector.broadcast %rev3A : i32 to vector<16xi32>
      %rev3A_1021 = tpu.iota {dimensions = array<i32: 0>} : vector<16xi32>
      %rev3A_1022 = arith.subi %rev3A_1020, %rev3A_1021 : vector<16xi32>
      %rev3A_1023 = tpu.dynamic_gather %add3A_1019[%rev3A_1022] in [0] : vector<16xi32>, vector<16xi32> -> vector<16xi32>
      %broadcast_in_dim3A_1024 = arith.constant true
      %broadcast_in_dim3A_1025 = vector.broadcast %broadcast_in_dim3A_1024 : i1 to vector<16xi1>
      %masked_cumsum3A_1026 = tpu.scan <sum>, %rev3A_1023 masked %broadcast_in_dim3A_1025 : vector<16xi32>, vector<16xi1> -> vector<16xi32>
      %add3A_1027 = vector.broadcast %scan3A_716 : i32 to vector<16xi32>
      %add3A_1028 = arith.addi %masked_cumsum3A_1026, %add3A_1027 : vector<16xi32>
      %mul3A_1029 = arith.constant 16 : i32
      %mul3A_1030 = arith.muli %sub3A_719, %mul3A_1029 : i32
      %add3A_1031 = arith.constant 15 : i32
      %add3A_1032 = arith.addi %mul3A_1030, %add3A_1031 : i32
      %sub3A_1033 = vector.broadcast %add3A_1032 : i32 to vector<16xi32>
      %sub3A_1034 = arith.subi %sub3A_1033, %iota3A : vector<16xi32>
      %ge3A = arith.constant 301 : i32
      %ge3A_1035 = vector.broadcast %ge3A : i32 to vector<16xi32>
      %ge3A_1036 = arith.cmpi sge, %add3A_1028, %ge3A_1035 : vector<16xi32>
      %jit3A = arith.constant -1 : i32
      %broadcast_in_dim3A_1037 = vector.broadcast %jit3A : i32 to vector<16xi32>
      %select_n3A_1038 = arith.select %ge3A_1036, %sub3A_1034, %broadcast_in_dim3A_1037 : vector<16xi1>, vector<16xi32>
      %reduce_max3A = arith.constant true
      %reduce_max3A_1039 = vector.broadcast %reduce_max3A : i1 to vector<16xi1>
      %reduce_max3A_1040 = arith.constant -2147483648 : i32
      %reduce_max3A_1041 = vector.broadcast %reduce_max3A_1040 : i32 to vector<16xi32>
      %reduce_max3A_1042 = arith.xori %select_n3A_1038, %reduce_max3A_1041 : vector<16xi32>
      %reduce_max3A_1043 = tpu.scan <max>, %reduce_max3A_1042 masked %reduce_max3A_1039 : vector<16xi32>, vector<16xi1> -> vector<16xi32>
      %reduce_max3A_1044 = arith.xori %reduce_max3A_1043, %reduce_max3A_1041 : vector<16xi32>
      %reduce_max3A_1045 = vector.extract %reduce_max3A_1044[15] : i32 from vector<16xi32>
      %max3A = arith.maxsi %scan3A_717, %reduce_max3A_1045 : i32
      %slice3A_1046 = vector.extract_strided_slice %masked_cumsum3A_1026 {offsets = [15], sizes = [1], strides = [1]} : vector<16xi32> to vector<1xi32>
      %squeeze3A_1047 = vector.extract %slice3A_1046[0] : i32 from vector<1xi32>
      %add3A_1048 = arith.addi %scan3A_716, %squeeze3A_1047 : i32
      scf.yield %add3A_1048, %max3A : i32, i32
    }
    %scan3A_35 = arith.constant 128 : i32
    %sub3A = arith.constant 1024 : i32
    %sub3A_36 = arith.subi %scan3A_34#1, %sub3A : i32
    %mul3A_37 = arith.constant 2097152 : i32
    %mul3A_38 = arith.muli %sub3A_36, %mul3A_37 : i32
    %parallel_loop3A_39 = arith.constant 0 : i32
    %parallel_loop3A_40 = arith.constant 129 : i32
    %parallel_loop3A_41 = arith.constant 1 : i32
    scf.for %parallel_loop3A_715 = %parallel_loop3A_39 to %parallel_loop3A_40 step %parallel_loop3A_41  : i32 {
      %parallel_loop3A_716 = arith.constant -1.000000e+30 : f32
      %parallel_loop3A_717 = vector.broadcast %parallel_loop3A_716 : f32 to vector<16xf32>
      %parallel_loop3A_718 = arith.constant 16 : i32
      %parallel_loop3A_719 = arith.muli %parallel_loop3A_715, %parallel_loop3A_718 : i32
      %parallel_loop3A_720 = arith.index_cast %parallel_loop3A_719 : i32 to index
      %parallel_loop3A_721 = tpu.vector_load %arg11[%parallel_loop3A_720] {strides = array<i32>} : memref<2064xf32, #tpu.memory_space<vmem>>, vector<16xf32>,
      tpu.vector_store %arg11[%parallel_loop3A_720], %parallel_loop3A_717 {strides = array<i32>} : memref<2064xf32, #tpu.memory_space<vmem>>, vector<16xf32>,
      %parallel_loop3A_722 = arith.constant 16 : i32
      %parallel_loop3A_723 = arith.muli %parallel_loop3A_715, %parallel_loop3A_722 : i32
      %parallel_loop3A_724 = vector.broadcast %parallel_loop3A_723 : i32 to vector<16xi32>
      %parallel_loop3A_725 = arith.addi %parallel_loop3A_724, %iota3A : vector<16xi32>
      %parallel_loop3A_726 = arith.constant 80 : i32
      %parallel_loop3A_727 = vector.broadcast %parallel_loop3A_726 : i32 to vector<16xi32>
      %parallel_loop3A_728 = arith.muli %parallel_loop3A_725, %parallel_loop3A_727 : vector<16xi32>
      %parallel_loop3A_729 = arith.constant 16 : i32
      %parallel_loop3A_730 = arith.muli %parallel_loop3A_715, %parallel_loop3A_729 : i32
      %parallel_loop3A_731 = arith.index_cast %parallel_loop3A_730 : i32 to index
      %parallel_loop3A_732 = tpu.vector_load %arg12[%parallel_loop3A_731] {strides = array<i32>} : memref<2064xi32, #tpu.memory_space<vmem>>, vector<16xi32>,
      tpu.vector_store %arg12[%parallel_loop3A_731], %parallel_loop3A_728 {strides = array<i32>} : memref<2064xi32, #tpu.memory_space<vmem>>, vector<16xi32>,
    } {sc.loop_unroll_factor = 4 : i64, sc.parallel_access}
    %mul3A_42 = arith.constant 400000 : i32
    %mul3A_43 = arith.muli %add3A_10, %mul3A_42 : i32
    %dma_start3A_44 = tpu.memref_slice %arg2[%mul3A_43] : memref<25600000xf32, #tpu.memory_space<hbm>> -> memref<8000xf32, #tpu.memory_space<hbm>>
    %dma_start3A_45 = tpu.memref_slice %arg2[%mul3A_43] : memref<25600000xf32, #tpu.memory_space<hbm>> -> memref<8000xf32, #tpu.memory_space<hbm>>
    tpu.enqueue_dma source(%dma_start3A_45 : memref<8000xf32, #tpu.memory_space<hbm>>) target(%arg8 : memref<8000xf32, #tpu.memory_space<vmem>>) target_semaphore(%arg24 : memref<!tpu.dma_semaphore, #tpu.memory_space<semaphore_mem>>)
    %mul3A_46 = arith.constant 400000 : i32
    %mul3A_47 = arith.muli %add3A_10, %mul3A_46 : i32
    %add3A_48 = arith.constant 8000 : i32
    %add3A_49 = arith.addi %mul3A_47, %add3A_48 : i32
    %dma_start3A_50 = tpu.memref_slice %arg2[%add3A_49] : memref<25600000xf32, #tpu.memory_space<hbm>> -> memref<8000xf32, #tpu.memory_space<hbm>>
    %dma_start3A_51 = tpu.memref_slice %arg2[%add3A_49] : memref<25600000xf32, #tpu.memory_space<hbm>> -> memref<8000xf32, #tpu.memory_space<hbm>>
    tpu.enqueue_dma source(%dma_start3A_51 : memref<8000xf32, #tpu.memory_space<hbm>>) target(%arg9 : memref<8000xf32, #tpu.memory_space<vmem>>) target_semaphore(%arg25 : memref<!tpu.dma_semaphore, #tpu.memory_space<semaphore_mem>>)
    %mul3A_52 = arith.constant 4 : i32
    %mul3A_53 = arith.muli %add3A_10, %mul3A_52 : i32
    %mul3A_54 = arith.constant 5000 : i32
    %mul3A_55 = arith.muli %mul3A_53, %mul3A_54 : i32
    %dma_start3A_56 = tpu.memref_slice %arg3[%mul3A_55] : memref<1280000xf32, #tpu.memory_space<hbm>> -> memref<20000xf32, #tpu.memory_space<hbm>>
    %dma_start3A_57 = tpu.memref_slice %arg3[%mul3A_55] : memref<1280000xf32, #tpu.memory_space<hbm>> -> memref<20000xf32, #tpu.memory_space<hbm>>
    tpu.enqueue_dma source(%dma_start3A_57 : memref<20000xf32, #tpu.memory_space<hbm>>) target(%arg19 : memref<20000xf32, #tpu.memory_space<vmem>>) target_semaphore(%arg26 : memref<!tpu.dma_semaphore, #tpu.memory_space<semaphore_mem>>)
    %scan3A_58 = arith.constant 0 : i32
    %scan3A_59 = arith.constant 25 : i32
    %scan3A_60 = arith.addi %scan3A_58, %scan3A_59 : i32
    %scan3A_61 = arith.constant 1 : i32
    %scan3A_62 = scf.for %scan3A_715 = %scan3A_58 to %scan3A_60 step %scan3A_61 iter_args(%scan3A_716 = %broadcast_in_dim3A_3) -> (vector<16xi32>)  : i32 {
      %mul3A_717 = arith.constant 2 : i32
      %mul3A_718 = arith.muli %mul3A_717, %scan3A_715 : i32
      %mul3A_719 = arith.constant 400000 : i32
      %mul3A_720 = arith.muli %add3A_10, %mul3A_719 : i32
      %dma_wait3A_721 = tpu.memref_slice %arg2[%mul3A_720] : memref<25600000xf32, #tpu.memory_space<hbm>> -> memref<8000xf32, #tpu.memory_space<hbm>>
      %dma_wait3A_722 = tpu.memref_slice %arg2[%mul3A_720] : memref<25600000xf32, #tpu.memory_space<hbm>> -> memref<8000xf32, #tpu.memory_space<hbm>>
      tpu.wait_dma2 semaphore(%arg24 : memref<!tpu.dma_semaphore, #tpu.memory_space<semaphore_mem>>) src(%dma_wait3A_722 : memref<8000xf32, #tpu.memory_space<hbm>>) dst(%arg8 : memref<8000xf32, #tpu.memory_space<vmem>>)
      %mul3A_723 = arith.constant 8000 : i32
      %mul3A_724 = arith.muli %mul3A_718, %mul3A_723 : i32
      %parallel_loop3A_725 = arith.constant 0 : i32
      %parallel_loop3A_726 = arith.constant 500 : i32
      %parallel_loop3A_727 = arith.constant 1 : i32
      %parallel_loop3A_728 = scf.for %parallel_loop3A_752 = %parallel_loop3A_725 to %parallel_loop3A_726 step %parallel_loop3A_727 iter_args(%parallel_loop3A_753 = %scan3A_716) -> (vector<16xi32>)  : i32 {
        %parallel_loop3A_754 = arith.constant 16 : i32
        %parallel_loop3A_755 = arith.muli %parallel_loop3A_752, %parallel_loop3A_754 : i32
        %parallel_loop3A_756 = arith.index_cast %parallel_loop3A_755 : i32 to index
        %parallel_loop3A_757 = tpu.vector_load %arg8[%parallel_loop3A_756] {strides = array<i32>} : memref<8000xf32, #tpu.memory_space<vmem>>, vector<16xf32>,
        %parallel_loop3A_758 = vector.bitcast %parallel_loop3A_757 : vector<16xf32> to vector<16xi32>
        %parallel_loop3A_759 = arith.constant 31 : i32
        %parallel_loop3A_760 = vector.broadcast %parallel_loop3A_759 : i32 to vector<16xi32>
        %parallel_loop3A_761 = arith.shrsi %parallel_loop3A_758, %parallel_loop3A_760 : vector<16xi32>
        %parallel_loop3A_762 = arith.constant 2147483647 : i32
        %parallel_loop3A_763 = vector.broadcast %parallel_loop3A_762 : i32 to vector<16xi32>
        %parallel_loop3A_764 = arith.andi %parallel_loop3A_761, %parallel_loop3A_763 : vector<16xi32>
        %parallel_loop3A_765 = arith.xori %parallel_loop3A_758, %parallel_loop3A_764 : vector<16xi32>
        %parallel_loop3A_766 = vector.broadcast %mul3A_38 : i32 to vector<16xi32>
        %parallel_loop3A_767 = arith.cmpi sge, %parallel_loop3A_765, %parallel_loop3A_766 : vector<16xi32>
        %parallel_loop3A_768 = arith.extui %parallel_loop3A_767 : vector<16xi1> to vector<16xi32>
        %parallel_loop3A_769 = arith.constant true
        %parallel_loop3A_770 = vector.broadcast %parallel_loop3A_769 : i1 to vector<16xi1>
        %parallel_loop3A_771 = tpu.scan <sum>, %parallel_loop3A_768 masked %parallel_loop3A_770 : vector<16xi32>, vector<16xi1> -> vector<16xi32>
        %parallel_loop3A_772 = tpu.all_reduce %parallel_loop3A_767 {dim = 0 : i64, kind = #tpu.reduction_kind<sum>} : vector<16xi1> -> vector<16xi32>
        %parallel_loop3A_773 = arith.addi %parallel_loop3A_753, %parallel_loop3A_771 : vector<16xi32>
        %parallel_loop3A_774 = arith.constant 1 : i32
        %parallel_loop3A_775 = vector.broadcast %parallel_loop3A_774 : i32 to vector<16xi32>
        %parallel_loop3A_776 = arith.subi %parallel_loop3A_773, %parallel_loop3A_775 : vector<16xi32>
        %parallel_loop3A_777 = arith.constant 2048 : i32
        %parallel_loop3A_778 = vector.broadcast %parallel_loop3A_777 : i32 to vector<16xi32>
        %parallel_loop3A_779 = arith.cmpi slt, %parallel_loop3A_776, %parallel_loop3A_778 : vector<16xi32>
        %parallel_loop3A_780 = arith.andi %parallel_loop3A_767, %parallel_loop3A_779 : vector<16xi1>
        tpu.vector_store_idx %arg11[%parallel_loop3A_776], %parallel_loop3A_757 masked %parallel_loop3A_780 : memref<2064xf32, #tpu.memory_space<vmem>>[vector<16xi32>], vector<16xf32>, vector<16xi1>
        %parallel_loop3A_781 = arith.constant 16 : i32
        %parallel_loop3A_782 = arith.muli %parallel_loop3A_752, %parallel_loop3A_781 : i32
        %parallel_loop3A_783 = arith.addi %mul3A_724, %parallel_loop3A_782 : i32
        %parallel_loop3A_784 = vector.broadcast %parallel_loop3A_783 : i32 to vector<16xi32>
        %parallel_loop3A_785 = arith.addi %parallel_loop3A_784, %iota3A : vector<16xi32>
        tpu.vector_store_idx %arg12[%parallel_loop3A_776], %parallel_loop3A_785 masked %parallel_loop3A_780 : memref<2064xi32, #tpu.memory_space<vmem>>[vector<16xi32>], vector<16xi32>, vector<16xi1>
        %parallel_loop3A_786 = arith.addi %parallel_loop3A_753, %parallel_loop3A_772 : vector<16xi32>
        scf.yield %parallel_loop3A_786 : vector<16xi32>
      } {sc.loop_unroll_factor = 4 : i64, sc.parallel_access}
      %add3A_729 = arith.constant 2 : i32
      %add3A_730 = arith.addi %mul3A_718, %add3A_729 : i32
      %lt3A = arith.constant 50 : i32
      %lt3A_731 = arith.cmpi slt, %add3A_730, %lt3A : i32
      %convert_element_type3A = arith.extui %lt3A_731 : i1 to i32
      %cond3A = arith.constant 0 : i32
      %cond3A_732 = arith.cmpi ne, %convert_element_type3A, %cond3A : i32
      scf.if %cond3A_732 {
        %mul3A_752 = arith.constant 400000 : i32
        %mul3A_753 = arith.muli %add3A_10, %mul3A_752 : i32
        %add3A_754 = arith.constant 2 : i32
        %add3A_755 = arith.addi %mul3A_718, %add3A_754 : i32
        %mul3A_756 = arith.constant 8000 : i32
        %mul3A_757 = arith.muli %add3A_755, %mul3A_756 : i32
        %add3A_758 = arith.addi %mul3A_753, %mul3A_757 : i32
        %dma_start3A_759 = tpu.memref_slice %arg2[%add3A_758] : memref<25600000xf32, #tpu.memory_space<hbm>> -> memref<8000xf32, #tpu.memory_space<hbm>>
        %dma_start3A_760 = tpu.memref_slice %arg2[%add3A_758] : memref<25600000xf32, #tpu.memory_space<hbm>> -> memref<8000xf32, #tpu.memory_space<hbm>>
        tpu.enqueue_dma source(%dma_start3A_760 : memref<8000xf32, #tpu.memory_space<hbm>>) target(%arg8 : memref<8000xf32, #tpu.memory_space<vmem>>) target_semaphore(%arg24 : memref<!tpu.dma_semaphore, #tpu.memory_space<semaphore_mem>>)
      } else {
      }
      %mul3A_733 = arith.constant 400000 : i32
      %mul3A_734 = arith.muli %add3A_10, %mul3A_733 : i32
      %dma_wait3A_735 = tpu.memref_slice %arg2[%mul3A_734] : memref<25600000xf32, #tpu.memory_space<hbm>> -> memref<8000xf32, #tpu.memory_space<hbm>>
      %dma_wait3A_736 = tpu.memref_slice %arg2[%mul3A_734] : memref<25600000xf32, #tpu.memory_space<hbm>> -> memref<8000xf32, #tpu.memory_space<hbm>>
      tpu.wait_dma2 semaphore(%arg25 : memref<!tpu.dma_semaphore, #tpu.memory_space<semaphore_mem>>) src(%dma_wait3A_736 : memref<8000xf32, #tpu.memory_space<hbm>>) dst(%arg9 : memref<8000xf32, #tpu.memory_space<vmem>>)
      %add3A_737 = arith.constant 1 : i32
      %add3A_738 = arith.addi %mul3A_718, %add3A_737 : i32
      %mul3A_739 = arith.constant 8000 : i32
      %mul3A_740 = arith.muli %add3A_738, %mul3A_739 : i32
      %parallel_loop3A_741 = arith.constant 0 : i32
      %parallel_loop3A_742 = arith.constant 500 : i32
      %parallel_loop3A_743 = arith.constant 1 : i32
      %parallel_loop3A_744 = scf.for %parallel_loop3A_752 = %parallel_loop3A_741 to %parallel_loop3A_742 step %parallel_loop3A_743 iter_args(%parallel_loop3A_753 = %parallel_loop3A_728) -> (vector<16xi32>)  : i32 {
        %parallel_loop3A_754 = arith.constant 16 : i32
        %parallel_loop3A_755 = arith.muli %parallel_loop3A_752, %parallel_loop3A_754 : i32
        %parallel_loop3A_756 = arith.index_cast %parallel_loop3A_755 : i32 to index
        %parallel_loop3A_757 = tpu.vector_load %arg9[%parallel_loop3A_756] {strides = array<i32>} : memref<8000xf32, #tpu.memory_space<vmem>>, vector<16xf32>,
        %parallel_loop3A_758 = vector.bitcast %parallel_loop3A_757 : vector<16xf32> to vector<16xi32>
        %parallel_loop3A_759 = arith.constant 31 : i32
        %parallel_loop3A_760 = vector.broadcast %parallel_loop3A_759 : i32 to vector<16xi32>
        %parallel_loop3A_761 = arith.shrsi %parallel_loop3A_758, %parallel_loop3A_760 : vector<16xi32>
        %parallel_loop3A_762 = arith.constant 2147483647 : i32
        %parallel_loop3A_763 = vector.broadcast %parallel_loop3A_762 : i32 to vector<16xi32>
        %parallel_loop3A_764 = arith.andi %parallel_loop3A_761, %parallel_loop3A_763 : vector<16xi32>
        %parallel_loop3A_765 = arith.xori %parallel_loop3A_758, %parallel_loop3A_764 : vector<16xi32>
        %parallel_loop3A_766 = vector.broadcast %mul3A_38 : i32 to vector<16xi32>
        %parallel_loop3A_767 = arith.cmpi sge, %parallel_loop3A_765, %parallel_loop3A_766 : vector<16xi32>
        %parallel_loop3A_768 = arith.extui %parallel_loop3A_767 : vector<16xi1> to vector<16xi32>
        %parallel_loop3A_769 = arith.constant true
        %parallel_loop3A_770 = vector.broadcast %parallel_loop3A_769 : i1 to vector<16xi1>
        %parallel_loop3A_771 = tpu.scan <sum>, %parallel_loop3A_768 masked %parallel_loop3A_770 : vector<16xi32>, vector<16xi1> -> vector<16xi32>
        %parallel_loop3A_772 = tpu.all_reduce %parallel_loop3A_767 {dim = 0 : i64, kind = #tpu.reduction_kind<sum>} : vector<16xi1> -> vector<16xi32>
        %parallel_loop3A_773 = arith.addi %parallel_loop3A_753, %parallel_loop3A_771 : vector<16xi32>
        %parallel_loop3A_774 = arith.constant 1 : i32
        %parallel_loop3A_775 = vector.broadcast %parallel_loop3A_774 : i32 to vector<16xi32>
        %parallel_loop3A_776 = arith.subi %parallel_loop3A_773, %parallel_loop3A_775 : vector<16xi32>
        %parallel_loop3A_777 = arith.constant 2048 : i32
        %parallel_loop3A_778 = vector.broadcast %parallel_loop3A_777 : i32 to vector<16xi32>
        %parallel_loop3A_779 = arith.cmpi slt, %parallel_loop3A_776, %parallel_loop3A_778 : vector<16xi32>
        %parallel_loop3A_780 = arith.andi %parallel_loop3A_767, %parallel_loop3A_779 : vector<16xi1>
        tpu.vector_store_idx %arg11[%parallel_loop3A_776], %parallel_loop3A_757 masked %parallel_loop3A_780 : memref<2064xf32, #tpu.memory_space<vmem>>[vector<16xi32>], vector<16xf32>, vector<16xi1>
        %parallel_loop3A_781 = arith.constant 16 : i32
        %parallel_loop3A_782 = arith.muli %parallel_loop3A_752, %parallel_loop3A_781 : i32
        %parallel_loop3A_783 = arith.addi %mul3A_740, %parallel_loop3A_782 : i32
        %parallel_loop3A_784 = vector.broadcast %parallel_loop3A_783 : i32 to vector<16xi32>
        %parallel_loop3A_785 = arith.addi %parallel_loop3A_784, %iota3A : vector<16xi32>
        tpu.vector_store_idx %arg12[%parallel_loop3A_776], %parallel_loop3A_785 masked %parallel_loop3A_780 : memref<2064xi32, #tpu.memory_space<vmem>>[vector<16xi32>], vector<16xi32>, vector<16xi1>
        %parallel_loop3A_786 = arith.addi %parallel_loop3A_753, %parallel_loop3A_772 : vector<16xi32>
        scf.yield %parallel_loop3A_786 : vector<16xi32>
      } {sc.loop_unroll_factor = 4 : i64, sc.parallel_access}
      %add3A_745 = arith.constant 3 : i32
      %add3A_746 = arith.addi %mul3A_718, %add3A_745 : i32
      %lt3A_747 = arith.constant 50 : i32
      %lt3A_748 = arith.cmpi slt, %add3A_746, %lt3A_747 : i32
      %convert_element_type3A_749 = arith.extui %lt3A_748 : i1 to i32
      %cond3A_750 = arith.constant 0 : i32
      %cond3A_751 = arith.cmpi ne, %convert_element_type3A_749, %cond3A_750 : i32
      scf.if %cond3A_751 {
        %mul3A_752 = arith.constant 400000 : i32
        %mul3A_753 = arith.muli %add3A_10, %mul3A_752 : i32
        %add3A_754 = arith.constant 3 : i32
        %add3A_755 = arith.addi %mul3A_718, %add3A_754 : i32
        %mul3A_756 = arith.constant 8000 : i32
        %mul3A_757 = arith.muli %add3A_755, %mul3A_756 : i32
        %add3A_758 = arith.addi %mul3A_753, %mul3A_757 : i32
        %dma_start3A_759 = tpu.memref_slice %arg2[%add3A_758] : memref<25600000xf32, #tpu.memory_space<hbm>> -> memref<8000xf32, #tpu.memory_space<hbm>>
        %dma_start3A_760 = tpu.memref_slice %arg2[%add3A_758] : memref<25600000xf32, #tpu.memory_space<hbm>> -> memref<8000xf32, #tpu.memory_space<hbm>>
        tpu.enqueue_dma source(%dma_start3A_760 : memref<8000xf32, #tpu.memory_space<hbm>>) target(%arg9 : memref<8000xf32, #tpu.memory_space<vmem>>) target_semaphore(%arg25 : memref<!tpu.dma_semaphore, #tpu.memory_space<semaphore_mem>>)
      } else {
      }
      scf.yield %parallel_loop3A_744 : vector<16xi32>
    }
    %scan3A_63 = arith.constant 25 : i32
    %parallel_loop3A_64 = arith.constant 0 : i32
    %parallel_loop3A_65 = arith.constant 128 : i32
    %parallel_loop3A_66 = arith.constant 1 : i32
    scf.for %parallel_loop3A_715 = %parallel_loop3A_64 to %parallel_loop3A_65 step %parallel_loop3A_66  : i32 {
      %parallel_loop3A_716 = arith.constant 16 : i32
      %parallel_loop3A_717 = arith.muli %parallel_loop3A_715, %parallel_loop3A_716 : i32
      %parallel_loop3A_718 = arith.index_cast %parallel_loop3A_717 : i32 to index
      %parallel_loop3A_719 = tpu.vector_load %arg11[%parallel_loop3A_718] {strides = array<i32>} : memref<2064xf32, #tpu.memory_space<vmem>>, vector<16xf32>,
      %parallel_loop3A_720 = arith.constant 0.000000e+00 : f32
      %parallel_loop3A_721 = vector.broadcast %parallel_loop3A_720 : f32 to vector<16xf32>
      %parallel_loop3A_722 = arith.subf %parallel_loop3A_721, %parallel_loop3A_719 : vector<16xf32>
      %parallel_loop3A_723 = math.exp %parallel_loop3A_722 : vector<16xf32>
      %parallel_loop3A_724 = arith.constant 1.000000e+00 : f32
      %parallel_loop3A_725 = vector.broadcast %parallel_loop3A_724 : f32 to vector<16xf32>
      %parallel_loop3A_726 = arith.addf %parallel_loop3A_725, %parallel_loop3A_723 : vector<16xf32>
      %parallel_loop3A_727 = arith.constant 1.000000e+00 : f32
      %parallel_loop3A_728 = vector.broadcast %parallel_loop3A_727 : f32 to vector<16xf32>
      %parallel_loop3A_729 = arith.divf %parallel_loop3A_728, %parallel_loop3A_726 : vector<16xf32>
      %parallel_loop3A_730 = vector.bitcast %parallel_loop3A_729 : vector<16xf32> to vector<16xi32>
      %parallel_loop3A_731 = arith.constant dense<-1> : vector<16xi32>
      %parallel_loop3A_732 = arith.xori %parallel_loop3A_730, %parallel_loop3A_731 : vector<16xi32>
      %parallel_loop3A_733 = arith.constant 16 : i32
      %parallel_loop3A_734 = arith.muli %parallel_loop3A_715, %parallel_loop3A_733 : i32
      %parallel_loop3A_735 = arith.index_cast %parallel_loop3A_734 : i32 to index
      %parallel_loop3A_736 = tpu.vector_load %arg13[%parallel_loop3A_735] {strides = array<i32>} : memref<2048xi32, #tpu.memory_space<vmem>>, vector<16xi32>,
      tpu.vector_store %arg13[%parallel_loop3A_735], %parallel_loop3A_732 {strides = array<i32>} : memref<2048xi32, #tpu.memory_space<vmem>>, vector<16xi32>,
      %parallel_loop3A_737 = arith.constant 16 : i32
      %parallel_loop3A_738 = arith.muli %parallel_loop3A_715, %parallel_loop3A_737 : i32
      %parallel_loop3A_739 = arith.index_cast %parallel_loop3A_738 : i32 to index
      %parallel_loop3A_740 = tpu.vector_load %arg12[%parallel_loop3A_739] {strides = array<i32>} : memref<2064xi32, #tpu.memory_space<vmem>>, vector<16xi32>,
      %parallel_loop3A_741 = arith.constant 16 : i32
      %parallel_loop3A_742 = arith.muli %parallel_loop3A_715, %parallel_loop3A_741 : i32
      %parallel_loop3A_743 = arith.index_cast %parallel_loop3A_742 : i32 to index
      %parallel_loop3A_744 = tpu.vector_load %arg14[%parallel_loop3A_743] {strides = array<i32>} : memref<2048xi32, #tpu.memory_space<vmem>>, vector<16xi32>,
      tpu.vector_store %arg14[%parallel_loop3A_743], %parallel_loop3A_740 {strides = array<i32>} : memref<2048xi32, #tpu.memory_space<vmem>>, vector<16xi32>,
    } {sc.loop_unroll_factor = 4 : i64, sc.parallel_access}
    %swap3A = arith.constant 0 : index
    %swap3A_67 = tpu.vector_load %arg17[%swap3A] {strides = array<i32>} : memref<32xi32, #tpu.memory_space<vmem>>, vector<16xi32>,
    tpu.vector_store %arg17[%swap3A], %broadcast_in_dim3A_3 {strides = array<i32>} : memref<32xi32, #tpu.memory_space<vmem>>, vector<16xi32>,
    %swap3A_68 = arith.constant 16 : index
    %swap3A_69 = tpu.vector_load %arg17[%swap3A_68] {strides = array<i32>} : memref<32xi32, #tpu.memory_space<vmem>>, vector<16xi32>,
    tpu.vector_store %arg17[%swap3A_68], %broadcast_in_dim3A_3 {strides = array<i32>} : memref<32xi32, #tpu.memory_space<vmem>>, vector<16xi32>,
    %scan3A_70 = arith.constant 0 : i32
    %scan3A_71 = arith.constant 0 : i32
    %scan3A_72 = arith.constant 128 : i32
    %scan3A_73 = arith.addi %scan3A_71, %scan3A_72 : i32
    %scan3A_74 = arith.constant 1 : i32
    %scan3A_75 = scf.for %scan3A_715 = %scan3A_71 to %scan3A_73 step %scan3A_74 iter_args(%scan3A_716 = %scan3A_70) -> (i32)  : i32 {
      %mul3A_717 = arith.constant 16 : i32
      %mul3A_718 = arith.muli %scan3A_715, %mul3A_717 : i32
      %get3A_719 = arith.index_cast %mul3A_718 : i32 to index
      %get3A_720 = tpu.vector_load %arg13[%get3A_719] {strides = array<i32>} : memref<2048xi32, #tpu.memory_space<vmem>>, vector<16xi32>,
      %shift_right_arithmetic3A = arith.constant 0 : i32
      %shift_right_arithmetic3A_721 = vector.broadcast %shift_right_arithmetic3A : i32 to vector<16xi32>
      %shift_right_arithmetic3A_722 = arith.shrsi %get3A_720, %shift_right_arithmetic3A_721 : vector<16xi32>
      %and3A = arith.constant 31 : i32
      %and3A_723 = vector.broadcast %and3A : i32 to vector<16xi32>
      %and3A_724 = arith.andi %shift_right_arithmetic3A_722, %and3A_723 : vector<16xi32>
      %broadcast_in_dim3A_725 = arith.constant true
      %broadcast_in_dim3A_726 = vector.broadcast %broadcast_in_dim3A_725 : i1 to vector<16xi1>
      %unique3A, %unique3A_727 = tpu.scan_count mask(%broadcast_in_dim3A_726 : vector<16xi1>) value(%and3A_724 : vector<16xi32>) : vector<16xi1>, vector<16xi32>
      tpu.vector_store_idx %arg17[%and3A_724], %unique3A_727 masked %unique3A {add = true} : memref<32xi32, #tpu.memory_space<vmem>>[vector<16xi32>], vector<16xi32>, vector<16xi1>
      %scan3A_728 = arith.constant 0 : i32
      scf.yield %scan3A_728 : i32
    }
    %scan3A_76 = arith.constant 128 : i32
    %get3A = arith.constant 0 : index
    %get3A_77 = tpu.vector_load %arg17[%get3A] {strides = array<i32>} : memref<32xi32, #tpu.memory_space<vmem>>, vector<16xi32>,
    %get3A_78 = arith.constant 16 : index
    %get3A_79 = tpu.vector_load %arg17[%get3A_78] {strides = array<i32>} : memref<32xi32, #tpu.memory_space<vmem>>, vector<16xi32>,
    %broadcast_in_dim3A_80 = arith.constant true
    %broadcast_in_dim3A_81 = vector.broadcast %broadcast_in_dim3A_80 : i1 to vector<16xi1>
    %masked_cumsum3A = tpu.scan <sum>, %get3A_77 masked %broadcast_in_dim3A_81 : vector<16xi32>, vector<16xi1> -> vector<16xi32>
    %broadcast_in_dim3A_82 = arith.constant true
    %broadcast_in_dim3A_83 = vector.broadcast %broadcast_in_dim3A_82 : i1 to vector<16xi1>
    %masked_cumsum3A_84 = tpu.scan <sum>, %get3A_79 masked %broadcast_in_dim3A_83 : vector<16xi32>, vector<16xi1> -> vector<16xi32>
    %sub3A_85 = arith.subi %masked_cumsum3A, %get3A_77 : vector<16xi32>
    %swap3A_86 = arith.constant 0 : index
    %swap3A_87 = tpu.vector_load %arg18[%swap3A_86] {strides = array<i32>} : memref<32xi32, #tpu.memory_space<vmem>>, vector<16xi32>,
    tpu.vector_store %arg18[%swap3A_86], %sub3A_85 {strides = array<i32>} : memref<32xi32, #tpu.memory_space<vmem>>, vector<16xi32>,
    %sub3A_88 = arith.subi %masked_cumsum3A_84, %get3A_79 : vector<16xi32>
    %slice3A = vector.extract_strided_slice %masked_cumsum3A {offsets = [15], sizes = [1], strides = [1]} : vector<16xi32> to vector<1xi32>
    %squeeze3A = vector.extract %slice3A[0] : i32 from vector<1xi32>
    %add3A_89 = vector.broadcast %squeeze3A : i32 to vector<16xi32>
    %add3A_90 = arith.addi %sub3A_88, %add3A_89 : vector<16xi32>
    %swap3A_91 = arith.constant 16 : index
    %swap3A_92 = tpu.vector_load %arg18[%swap3A_91] {strides = array<i32>} : memref<32xi32, #tpu.memory_space<vmem>>, vector<16xi32>,
    tpu.vector_store %arg18[%swap3A_91], %add3A_90 {strides = array<i32>} : memref<32xi32, #tpu.memory_space<vmem>>, vector<16xi32>,
    %scan3A_93 = arith.constant 0 : i32
    %scan3A_94 = arith.constant 0 : i32
    %scan3A_95 = arith.constant 128 : i32
    %scan3A_96 = arith.addi %scan3A_94, %scan3A_95 : i32
    %scan3A_97 = arith.constant 1 : i32
    %scan3A_98 = scf.for %scan3A_715 = %scan3A_94 to %scan3A_96 step %scan3A_97 iter_args(%scan3A_716 = %scan3A_93) -> (i32)  : i32 {
      %mul3A_717 = arith.constant 16 : i32
      %mul3A_718 = arith.muli %scan3A_715, %mul3A_717 : i32
      %get3A_719 = arith.index_cast %mul3A_718 : i32 to index
      %get3A_720 = tpu.vector_load %arg13[%get3A_719] {strides = array<i32>} : memref<2048xi32, #tpu.memory_space<vmem>>, vector<16xi32>,
      %mul3A_721 = arith.constant 16 : i32
      %mul3A_722 = arith.muli %scan3A_715, %mul3A_721 : i32
      %get3A_723 = arith.index_cast %mul3A_722 : i32 to index
      %get3A_724 = tpu.vector_load %arg14[%get3A_723] {strides = array<i32>} : memref<2048xi32, #tpu.memory_space<vmem>>, vector<16xi32>,
      %shift_right_arithmetic3A = arith.constant 0 : i32
      %shift_right_arithmetic3A_725 = vector.broadcast %shift_right_arithmetic3A : i32 to vector<16xi32>
      %shift_right_arithmetic3A_726 = arith.shrsi %get3A_720, %shift_right_arithmetic3A_725 : vector<16xi32>
      %and3A = arith.constant 31 : i32
      %and3A_727 = vector.broadcast %and3A : i32 to vector<16xi32>
      %and3A_728 = arith.andi %shift_right_arithmetic3A_726, %and3A_727 : vector<16xi32>
      %broadcast_in_dim3A_729 = arith.constant true
      %broadcast_in_dim3A_730 = vector.broadcast %broadcast_in_dim3A_729 : i1 to vector<16xi1>
      %unique3A, %unique3A_731 = tpu.scan_count mask(%broadcast_in_dim3A_730 : vector<16xi1>) value(%and3A_728 : vector<16xi32>) : vector<16xi1>, vector<16xi32>
      %gather3A = tpu.vector_load_idx %arg18[%and3A_728] : memref<32xi32, #tpu.memory_space<vmem>>[vector<16xi32>], vector<16xi32>,
      %add3A_732 = arith.addi %gather3A, %unique3A_731 : vector<16xi32>
      %sub3A_733 = arith.constant 1 : i32
      %sub3A_734 = vector.broadcast %sub3A_733 : i32 to vector<16xi32>
      %sub3A_735 = arith.subi %add3A_732, %sub3A_734 : vector<16xi32>
      tpu.vector_store_idx %arg15[%sub3A_735], %get3A_720 : memref<2048xi32, #tpu.memory_space<vmem>>[vector<16xi32>], vector<16xi32>,
      tpu.vector_store_idx %arg16[%sub3A_735], %get3A_724 : memref<2048xi32, #tpu.memory_space<vmem>>[vector<16xi32>], vector<16xi32>,
      tpu.vector_store_idx %arg18[%and3A_728], %unique3A_731 masked %unique3A {add = true} : memref<32xi32, #tpu.memory_space<vmem>>[vector<16xi32>], vector<16xi32>, vector<16xi1>
      %scan3A_736 = arith.constant 0 : i32
      scf.yield %scan3A_736 : i32
    }
    %scan3A_99 = arith.constant 128 : i32
    %swap3A_100 = arith.constant 0 : index
    %swap3A_101 = tpu.vector_load %arg17[%swap3A_100] {strides = array<i32>} : memref<32xi32, #tpu.memory_space<vmem>>, vector<16xi32>,
    tpu.vector_store %arg17[%swap3A_100], %broadcast_in_dim3A_3 {strides = array<i32>} : memref<32xi32, #tpu.memory_space<vmem>>, vector<16xi32>,
    %swap3A_102 = arith.constant 16 : index
    %swap3A_103 = tpu.vector_load %arg17[%swap3A_102] {strides = array<i32>} : memref<32xi32, #tpu.memory_space<vmem>>, vector<16xi32>,
    tpu.vector_store %arg17[%swap3A_102], %broadcast_in_dim3A_3 {strides = array<i32>} : memref<32xi32, #tpu.memory_space<vmem>>, vector<16xi32>,
    %scan3A_104 = arith.constant 0 : i32
    %scan3A_105 = arith.constant 0 : i32
    %scan3A_106 = arith.constant 128 : i32
    %scan3A_107 = arith.addi %scan3A_105, %scan3A_106 : i32
    %scan3A_108 = arith.constant 1 : i32
    %scan3A_109 = scf.for %scan3A_715 = %scan3A_105 to %scan3A_107 step %scan3A_108 iter_args(%scan3A_716 = %scan3A_104) -> (i32)  : i32 {
      %mul3A_717 = arith.constant 16 : i32
      %mul3A_718 = arith.muli %scan3A_715, %mul3A_717 : i32
      %get3A_719 = arith.index_cast %mul3A_718 : i32 to index
      %get3A_720 = tpu.vector_load %arg15[%get3A_719] {strides = array<i32>} : memref<2048xi32, #tpu.memory_space<vmem>>, vector<16xi32>,
      %shift_right_arithmetic3A = arith.constant 5 : i32
      %shift_right_arithmetic3A_721 = vector.broadcast %shift_right_arithmetic3A : i32 to vector<16xi32>
      %shift_right_arithmetic3A_722 = arith.shrsi %get3A_720, %shift_right_arithmetic3A_721 : vector<16xi32>
      %and3A = arith.constant 31 : i32
      %and3A_723 = vector.broadcast %and3A : i32 to vector<16xi32>
      %and3A_724 = arith.andi %shift_right_arithmetic3A_722, %and3A_723 : vector<16xi32>
      %broadcast_in_dim3A_725 = arith.constant true
      %broadcast_in_dim3A_726 = vector.broadcast %broadcast_in_dim3A_725 : i1 to vector<16xi1>
      %unique3A, %unique3A_727 = tpu.scan_count mask(%broadcast_in_dim3A_726 : vector<16xi1>) value(%and3A_724 : vector<16xi32>) : vector<16xi1>, vector<16xi32>
      tpu.vector_store_idx %arg17[%and3A_724], %unique3A_727 masked %unique3A {add = true} : memref<32xi32, #tpu.memory_space<vmem>>[vector<16xi32>], vector<16xi32>, vector<16xi1>
      %scan3A_728 = arith.constant 0 : i32
      scf.yield %scan3A_728 : i32
    }
    %scan3A_110 = arith.constant 128 : i32
    %get3A_111 = arith.constant 0 : index
    %get3A_112 = tpu.vector_load %arg17[%get3A_111] {strides = array<i32>} : memref<32xi32, #tpu.memory_space<vmem>>, vector<16xi32>,
    %get3A_113 = arith.constant 16 : index
    %get3A_114 = tpu.vector_load %arg17[%get3A_113] {strides = array<i32>} : memref<32xi32, #tpu.memory_space<vmem>>, vector<16xi32>,
    %broadcast_in_dim3A_115 = arith.constant true
    %broadcast_in_dim3A_116 = vector.broadcast %broadcast_in_dim3A_115 : i1 to vector<16xi1>
    %masked_cumsum3A_117 = tpu.scan <sum>, %get3A_112 masked %broadcast_in_dim3A_116 : vector<16xi32>, vector<16xi1> -> vector<16xi32>
    %broadcast_in_dim3A_118 = arith.constant true
    %broadcast_in_dim3A_119 = vector.broadcast %broadcast_in_dim3A_118 : i1 to vector<16xi1>
    %masked_cumsum3A_120 = tpu.scan <sum>, %get3A_114 masked %broadcast_in_dim3A_119 : vector<16xi32>, vector<16xi1> -> vector<16xi32>
    %sub3A_121 = arith.subi %masked_cumsum3A_117, %get3A_112 : vector<16xi32>
    %swap3A_122 = arith.constant 0 : index
    %swap3A_123 = tpu.vector_load %arg18[%swap3A_122] {strides = array<i32>} : memref<32xi32, #tpu.memory_space<vmem>>, vector<16xi32>,
    tpu.vector_store %arg18[%swap3A_122], %sub3A_121 {strides = array<i32>} : memref<32xi32, #tpu.memory_space<vmem>>, vector<16xi32>,
    %sub3A_124 = arith.subi %masked_cumsum3A_120, %get3A_114 : vector<16xi32>
    %slice3A_125 = vector.extract_strided_slice %masked_cumsum3A_117 {offsets = [15], sizes = [1], strides = [1]} : vector<16xi32> to vector<1xi32>
    %squeeze3A_126 = vector.extract %slice3A_125[0] : i32 from vector<1xi32>
    %add3A_127 = vector.broadcast %squeeze3A_126 : i32 to vector<16xi32>
    %add3A_128 = arith.addi %sub3A_124, %add3A_127 : vector<16xi32>
    %swap3A_129 = arith.constant 16 : index
    %swap3A_130 = tpu.vector_load %arg18[%swap3A_129] {strides = array<i32>} : memref<32xi32, #tpu.memory_space<vmem>>, vector<16xi32>,
    tpu.vector_store %arg18[%swap3A_129], %add3A_128 {strides = array<i32>} : memref<32xi32, #tpu.memory_space<vmem>>, vector<16xi32>,
    %scan3A_131 = arith.constant 0 : i32
    %scan3A_132 = arith.constant 0 : i32
    %scan3A_133 = arith.constant 128 : i32
    %scan3A_134 = arith.addi %scan3A_132, %scan3A_133 : i32
    %scan3A_135 = arith.constant 1 : i32
    %scan3A_136 = scf.for %scan3A_715 = %scan3A_132 to %scan3A_134 step %scan3A_135 iter_args(%scan3A_716 = %scan3A_131) -> (i32)  : i32 {
      %mul3A_717 = arith.constant 16 : i32
      %mul3A_718 = arith.muli %scan3A_715, %mul3A_717 : i32
      %get3A_719 = arith.index_cast %mul3A_718 : i32 to index
      %get3A_720 = tpu.vector_load %arg15[%get3A_719] {strides = array<i32>} : memref<2048xi32, #tpu.memory_space<vmem>>, vector<16xi32>,
      %mul3A_721 = arith.constant 16 : i32
      %mul3A_722 = arith.muli %scan3A_715, %mul3A_721 : i32
      %get3A_723 = arith.index_cast %mul3A_722 : i32 to index
      %get3A_724 = tpu.vector_load %arg16[%get3A_723] {strides = array<i32>} : memref<2048xi32, #tpu.memory_space<vmem>>, vector<16xi32>,
      %shift_right_arithmetic3A = arith.constant 5 : i32
      %shift_right_arithmetic3A_725 = vector.broadcast %shift_right_arithmetic3A : i32 to vector<16xi32>
      %shift_right_arithmetic3A_726 = arith.shrsi %get3A_720, %shift_right_arithmetic3A_725 : vector<16xi32>
      %and3A = arith.constant 31 : i32
      %and3A_727 = vector.broadcast %and3A : i32 to vector<16xi32>
      %and3A_728 = arith.andi %shift_right_arithmetic3A_726, %and3A_727 : vector<16xi32>
      %broadcast_in_dim3A_729 = arith.constant true
      %broadcast_in_dim3A_730 = vector.broadcast %broadcast_in_dim3A_729 : i1 to vector<16xi1>
      %unique3A, %unique3A_731 = tpu.scan_count mask(%broadcast_in_dim3A_730 : vector<16xi1>) value(%and3A_728 : vector<16xi32>) : vector<16xi1>, vector<16xi32>
      %gather3A = tpu.vector_load_idx %arg18[%and3A_728] : memref<32xi32, #tpu.memory_space<vmem>>[vector<16xi32>], vector<16xi32>,
      %add3A_732 = arith.addi %gather3A, %unique3A_731 : vector<16xi32>
      %sub3A_733 = arith.constant 1 : i32
      %sub3A_734 = vector.broadcast %sub3A_733 : i32 to vector<16xi32>
      %sub3A_735 = arith.subi %add3A_732, %sub3A_734 : vector<16xi32>
      tpu.vector_store_idx %arg13[%sub3A_735], %get3A_720 : memref<2048xi32, #tpu.memory_space<vmem>>[vector<16xi32>], vector<16xi32>,
      tpu.vector_store_idx %arg14[%sub3A_735], %get3A_724 : memref<2048xi32, #tpu.memory_space<vmem>>[vector<16xi32>], vector<16xi32>,
      tpu.vector_store_idx %arg18[%and3A_728], %unique3A_731 masked %unique3A {add = true} : memref<32xi32, #tpu.memory_space<vmem>>[vector<16xi32>], vector<16xi32>, vector<16xi1>
      %scan3A_736 = arith.constant 0 : i32
      scf.yield %scan3A_736 : i32
    }
    %scan3A_137 = arith.constant 128 : i32
    %swap3A_138 = arith.constant 0 : index
    %swap3A_139 = tpu.vector_load %arg17[%swap3A_138] {strides = array<i32>} : memref<32xi32, #tpu.memory_space<vmem>>, vector<16xi32>,
    tpu.vector_store %arg17[%swap3A_138], %broadcast_in_dim3A_3 {strides = array<i32>} : memref<32xi32, #tpu.memory_space<vmem>>, vector<16xi32>,
    %swap3A_140 = arith.constant 16 : index
    %swap3A_141 = tpu.vector_load %arg17[%swap3A_140] {strides = array<i32>} : memref<32xi32, #tpu.memory_space<vmem>>, vector<16xi32>,
    tpu.vector_store %arg17[%swap3A_140], %broadcast_in_dim3A_3 {strides = array<i32>} : memref<32xi32, #tpu.memory_space<vmem>>, vector<16xi32>,
    %scan3A_142 = arith.constant 0 : i32
    %scan3A_143 = arith.constant 0 : i32
    %scan3A_144 = arith.constant 128 : i32
    %scan3A_145 = arith.addi %scan3A_143, %scan3A_144 : i32
    %scan3A_146 = arith.constant 1 : i32
    %scan3A_147 = scf.for %scan3A_715 = %scan3A_143 to %scan3A_145 step %scan3A_146 iter_args(%scan3A_716 = %scan3A_142) -> (i32)  : i32 {
      %mul3A_717 = arith.constant 16 : i32
      %mul3A_718 = arith.muli %scan3A_715, %mul3A_717 : i32
      %get3A_719 = arith.index_cast %mul3A_718 : i32 to index
      %get3A_720 = tpu.vector_load %arg13[%get3A_719] {strides = array<i32>} : memref<2048xi32, #tpu.memory_space<vmem>>, vector<16xi32>,
      %shift_right_arithmetic3A = arith.constant 10 : i32
      %shift_right_arithmetic3A_721 = vector.broadcast %shift_right_arithmetic3A : i32 to vector<16xi32>
      %shift_right_arithmetic3A_722 = arith.shrsi %get3A_720, %shift_right_arithmetic3A_721 : vector<16xi32>
      %and3A = arith.constant 31 : i32
      %and3A_723 = vector.broadcast %and3A : i32 to vector<16xi32>
      %and3A_724 = arith.andi %shift_right_arithmetic3A_722, %and3A_723 : vector<16xi32>
      %broadcast_in_dim3A_725 = arith.constant true
      %broadcast_in_dim3A_726 = vector.broadcast %broadcast_in_dim3A_725 : i1 to vector<16xi1>
      %unique3A, %unique3A_727 = tpu.scan_count mask(%broadcast_in_dim3A_726 : vector<16xi1>) value(%and3A_724 : vector<16xi32>) : vector<16xi1>, vector<16xi32>
      tpu.vector_store_idx %arg17[%and3A_724], %unique3A_727 masked %unique3A {add = true} : memref<32xi32, #tpu.memory_space<vmem>>[vector<16xi32>], vector<16xi32>, vector<16xi1>
      %scan3A_728 = arith.constant 0 : i32
      scf.yield %scan3A_728 : i32
    }
    %scan3A_148 = arith.constant 128 : i32
    %get3A_149 = arith.constant 0 : index
    %get3A_150 = tpu.vector_load %arg17[%get3A_149] {strides = array<i32>} : memref<32xi32, #tpu.memory_space<vmem>>, vector<16xi32>,
    %get3A_151 = arith.constant 16 : index
    %get3A_152 = tpu.vector_load %arg17[%get3A_151] {strides = array<i32>} : memref<32xi32, #tpu.memory_space<vmem>>, vector<16xi32>,
    %broadcast_in_dim3A_153 = arith.constant true
    %broadcast_in_dim3A_154 = vector.broadcast %broadcast_in_dim3A_153 : i1 to vector<16xi1>
    %masked_cumsum3A_155 = tpu.scan <sum>, %get3A_150 masked %broadcast_in_dim3A_154 : vector<16xi32>, vector<16xi1> -> vector<16xi32>
    %broadcast_in_dim3A_156 = arith.constant true
    %broadcast_in_dim3A_157 = vector.broadcast %broadcast_in_dim3A_156 : i1 to vector<16xi1>
    %masked_cumsum3A_158 = tpu.scan <sum>, %get3A_152 masked %broadcast_in_dim3A_157 : vector<16xi32>, vector<16xi1> -> vector<16xi32>
    %sub3A_159 = arith.subi %masked_cumsum3A_155, %get3A_150 : vector<16xi32>
    %swap3A_160 = arith.constant 0 : index
    %swap3A_161 = tpu.vector_load %arg18[%swap3A_160] {strides = array<i32>} : memref<32xi32, #tpu.memory_space<vmem>>, vector<16xi32>,
    tpu.vector_store %arg18[%swap3A_160], %sub3A_159 {strides = array<i32>} : memref<32xi32, #tpu.memory_space<vmem>>, vector<16xi32>,
    %sub3A_162 = arith.subi %masked_cumsum3A_158, %get3A_152 : vector<16xi32>
    %slice3A_163 = vector.extract_strided_slice %masked_cumsum3A_155 {offsets = [15], sizes = [1], strides = [1]} : vector<16xi32> to vector<1xi32>
    %squeeze3A_164 = vector.extract %slice3A_163[0] : i32 from vector<1xi32>
    %add3A_165 = vector.broadcast %squeeze3A_164 : i32 to vector<16xi32>
    %add3A_166 = arith.addi %sub3A_162, %add3A_165 : vector<16xi32>
    %swap3A_167 = arith.constant 16 : index
    %swap3A_168 = tpu.vector_load %arg18[%swap3A_167] {strides = array<i32>} : memref<32xi32, #tpu.memory_space<vmem>>, vector<16xi32>,
    tpu.vector_store %arg18[%swap3A_167], %add3A_166 {strides = array<i32>} : memref<32xi32, #tpu.memory_space<vmem>>, vector<16xi32>,
    %scan3A_169 = arith.constant 0 : i32
    %scan3A_170 = arith.constant 0 : i32
    %scan3A_171 = arith.constant 128 : i32
    %scan3A_172 = arith.addi %scan3A_170, %scan3A_171 : i32
    %scan3A_173 = arith.constant 1 : i32
    %scan3A_174 = scf.for %scan3A_715 = %scan3A_170 to %scan3A_172 step %scan3A_173 iter_args(%scan3A_716 = %scan3A_169) -> (i32)  : i32 {
      %mul3A_717 = arith.constant 16 : i32
      %mul3A_718 = arith.muli %scan3A_715, %mul3A_717 : i32
      %get3A_719 = arith.index_cast %mul3A_718 : i32 to index
      %get3A_720 = tpu.vector_load %arg13[%get3A_719] {strides = array<i32>} : memref<2048xi32, #tpu.memory_space<vmem>>, vector<16xi32>,
      %mul3A_721 = arith.constant 16 : i32
      %mul3A_722 = arith.muli %scan3A_715, %mul3A_721 : i32
      %get3A_723 = arith.index_cast %mul3A_722 : i32 to index
      %get3A_724 = tpu.vector_load %arg14[%get3A_723] {strides = array<i32>} : memref<2048xi32, #tpu.memory_space<vmem>>, vector<16xi32>,
      %shift_right_arithmetic3A = arith.constant 10 : i32
      %shift_right_arithmetic3A_725 = vector.broadcast %shift_right_arithmetic3A : i32 to vector<16xi32>
      %shift_right_arithmetic3A_726 = arith.shrsi %get3A_720, %shift_right_arithmetic3A_725 : vector<16xi32>
      %and3A = arith.constant 31 : i32
      %and3A_727 = vector.broadcast %and3A : i32 to vector<16xi32>
      %and3A_728 = arith.andi %shift_right_arithmetic3A_726, %and3A_727 : vector<16xi32>
      %broadcast_in_dim3A_729 = arith.constant true
      %broadcast_in_dim3A_730 = vector.broadcast %broadcast_in_dim3A_729 : i1 to vector<16xi1>
      %unique3A, %unique3A_731 = tpu.scan_count mask(%broadcast_in_dim3A_730 : vector<16xi1>) value(%and3A_728 : vector<16xi32>) : vector<16xi1>, vector<16xi32>
      %gather3A = tpu.vector_load_idx %arg18[%and3A_728] : memref<32xi32, #tpu.memory_space<vmem>>[vector<16xi32>], vector<16xi32>,
      %add3A_732 = arith.addi %gather3A, %unique3A_731 : vector<16xi32>
      %sub3A_733 = arith.constant 1 : i32
      %sub3A_734 = vector.broadcast %sub3A_733 : i32 to vector<16xi32>
      %sub3A_735 = arith.subi %add3A_732, %sub3A_734 : vector<16xi32>
      tpu.vector_store_idx %arg15[%sub3A_735], %get3A_720 : memref<2048xi32, #tpu.memory_space<vmem>>[vector<16xi32>], vector<16xi32>,
      tpu.vector_store_idx %arg16[%sub3A_735], %get3A_724 : memref<2048xi32, #tpu.memory_space<vmem>>[vector<16xi32>], vector<16xi32>,
      tpu.vector_store_idx %arg18[%and3A_728], %unique3A_731 masked %unique3A {add = true} : memref<32xi32, #tpu.memory_space<vmem>>[vector<16xi32>], vector<16xi32>, vector<16xi1>
      %scan3A_736 = arith.constant 0 : i32
      scf.yield %scan3A_736 : i32
    }
    %scan3A_175 = arith.constant 128 : i32
    %swap3A_176 = arith.constant 0 : index
    %swap3A_177 = tpu.vector_load %arg17[%swap3A_176] {strides = array<i32>} : memref<32xi32, #tpu.memory_space<vmem>>, vector<16xi32>,
    tpu.vector_store %arg17[%swap3A_176], %broadcast_in_dim3A_3 {strides = array<i32>} : memref<32xi32, #tpu.memory_space<vmem>>, vector<16xi32>,
    %swap3A_178 = arith.constant 16 : index
    %swap3A_179 = tpu.vector_load %arg17[%swap3A_178] {strides = array<i32>} : memref<32xi32, #tpu.memory_space<vmem>>, vector<16xi32>,
    tpu.vector_store %arg17[%swap3A_178], %broadcast_in_dim3A_3 {strides = array<i32>} : memref<32xi32, #tpu.memory_space<vmem>>, vector<16xi32>,
    %scan3A_180 = arith.constant 0 : i32
    %scan3A_181 = arith.constant 0 : i32
    %scan3A_182 = arith.constant 128 : i32
    %scan3A_183 = arith.addi %scan3A_181, %scan3A_182 : i32
    %scan3A_184 = arith.constant 1 : i32
    %scan3A_185 = scf.for %scan3A_715 = %scan3A_181 to %scan3A_183 step %scan3A_184 iter_args(%scan3A_716 = %scan3A_180) -> (i32)  : i32 {
      %mul3A_717 = arith.constant 16 : i32
      %mul3A_718 = arith.muli %scan3A_715, %mul3A_717 : i32
      %get3A_719 = arith.index_cast %mul3A_718 : i32 to index
      %get3A_720 = tpu.vector_load %arg15[%get3A_719] {strides = array<i32>} : memref<2048xi32, #tpu.memory_space<vmem>>, vector<16xi32>,
      %shift_right_arithmetic3A = arith.constant 15 : i32
      %shift_right_arithmetic3A_721 = vector.broadcast %shift_right_arithmetic3A : i32 to vector<16xi32>
      %shift_right_arithmetic3A_722 = arith.shrsi %get3A_720, %shift_right_arithmetic3A_721 : vector<16xi32>
      %and3A = arith.constant 31 : i32
      %and3A_723 = vector.broadcast %and3A : i32 to vector<16xi32>
      %and3A_724 = arith.andi %shift_right_arithmetic3A_722, %and3A_723 : vector<16xi32>
      %broadcast_in_dim3A_725 = arith.constant true
      %broadcast_in_dim3A_726 = vector.broadcast %broadcast_in_dim3A_725 : i1 to vector<16xi1>
      %unique3A, %unique3A_727 = tpu.scan_count mask(%broadcast_in_dim3A_726 : vector<16xi1>) value(%and3A_724 : vector<16xi32>) : vector<16xi1>, vector<16xi32>
      tpu.vector_store_idx %arg17[%and3A_724], %unique3A_727 masked %unique3A {add = true} : memref<32xi32, #tpu.memory_space<vmem>>[vector<16xi32>], vector<16xi32>, vector<16xi1>
      %scan3A_728 = arith.constant 0 : i32
      scf.yield %scan3A_728 : i32
    }
    %scan3A_186 = arith.constant 128 : i32
    %get3A_187 = arith.constant 0 : index
    %get3A_188 = tpu.vector_load %arg17[%get3A_187] {strides = array<i32>} : memref<32xi32, #tpu.memory_space<vmem>>, vector<16xi32>,
    %get3A_189 = arith.constant 16 : index
    %get3A_190 = tpu.vector_load %arg17[%get3A_189] {strides = array<i32>} : memref<32xi32, #tpu.memory_space<vmem>>, vector<16xi32>,
    %broadcast_in_dim3A_191 = arith.constant true
    %broadcast_in_dim3A_192 = vector.broadcast %broadcast_in_dim3A_191 : i1 to vector<16xi1>
    %masked_cumsum3A_193 = tpu.scan <sum>, %get3A_188 masked %broadcast_in_dim3A_192 : vector<16xi32>, vector<16xi1> -> vector<16xi32>
    %broadcast_in_dim3A_194 = arith.constant true
    %broadcast_in_dim3A_195 = vector.broadcast %broadcast_in_dim3A_194 : i1 to vector<16xi1>
    %masked_cumsum3A_196 = tpu.scan <sum>, %get3A_190 masked %broadcast_in_dim3A_195 : vector<16xi32>, vector<16xi1> -> vector<16xi32>
    %sub3A_197 = arith.subi %masked_cumsum3A_193, %get3A_188 : vector<16xi32>
    %swap3A_198 = arith.constant 0 : index
    %swap3A_199 = tpu.vector_load %arg18[%swap3A_198] {strides = array<i32>} : memref<32xi32, #tpu.memory_space<vmem>>, vector<16xi32>,
    tpu.vector_store %arg18[%swap3A_198], %sub3A_197 {strides = array<i32>} : memref<32xi32, #tpu.memory_space<vmem>>, vector<16xi32>,
    %sub3A_200 = arith.subi %masked_cumsum3A_196, %get3A_190 : vector<16xi32>
    %slice3A_201 = vector.extract_strided_slice %masked_cumsum3A_193 {offsets = [15], sizes = [1], strides = [1]} : vector<16xi32> to vector<1xi32>
    %squeeze3A_202 = vector.extract %slice3A_201[0] : i32 from vector<1xi32>
    %add3A_203 = vector.broadcast %squeeze3A_202 : i32 to vector<16xi32>
    %add3A_204 = arith.addi %sub3A_200, %add3A_203 : vector<16xi32>
    %swap3A_205 = arith.constant 16 : index
    %swap3A_206 = tpu.vector_load %arg18[%swap3A_205] {strides = array<i32>} : memref<32xi32, #tpu.memory_space<vmem>>, vector<16xi32>,
    tpu.vector_store %arg18[%swap3A_205], %add3A_204 {strides = array<i32>} : memref<32xi32, #tpu.memory_space<vmem>>, vector<16xi32>,
    %scan3A_207 = arith.constant 0 : i32
    %scan3A_208 = arith.constant 0 : i32
    %scan3A_209 = arith.constant 128 : i32
    %scan3A_210 = arith.addi %scan3A_208, %scan3A_209 : i32
    %scan3A_211 = arith.constant 1 : i32
    %scan3A_212 = scf.for %scan3A_715 = %scan3A_208 to %scan3A_210 step %scan3A_211 iter_args(%scan3A_716 = %scan3A_207) -> (i32)  : i32 {
      %mul3A_717 = arith.constant 16 : i32
      %mul3A_718 = arith.muli %scan3A_715, %mul3A_717 : i32
      %get3A_719 = arith.index_cast %mul3A_718 : i32 to index
      %get3A_720 = tpu.vector_load %arg15[%get3A_719] {strides = array<i32>} : memref<2048xi32, #tpu.memory_space<vmem>>, vector<16xi32>,
      %mul3A_721 = arith.constant 16 : i32
      %mul3A_722 = arith.muli %scan3A_715, %mul3A_721 : i32
      %get3A_723 = arith.index_cast %mul3A_722 : i32 to index
      %get3A_724 = tpu.vector_load %arg16[%get3A_723] {strides = array<i32>} : memref<2048xi32, #tpu.memory_space<vmem>>, vector<16xi32>,
      %shift_right_arithmetic3A = arith.constant 15 : i32
      %shift_right_arithmetic3A_725 = vector.broadcast %shift_right_arithmetic3A : i32 to vector<16xi32>
      %shift_right_arithmetic3A_726 = arith.shrsi %get3A_720, %shift_right_arithmetic3A_725 : vector<16xi32>
      %and3A = arith.constant 31 : i32
      %and3A_727 = vector.broadcast %and3A : i32 to vector<16xi32>
      %and3A_728 = arith.andi %shift_right_arithmetic3A_726, %and3A_727 : vector<16xi32>
      %broadcast_in_dim3A_729 = arith.constant true
      %broadcast_in_dim3A_730 = vector.broadcast %broadcast_in_dim3A_729 : i1 to vector<16xi1>
      %unique3A, %unique3A_731 = tpu.scan_count mask(%broadcast_in_dim3A_730 : vector<16xi1>) value(%and3A_728 : vector<16xi32>) : vector<16xi1>, vector<16xi32>
      %gather3A = tpu.vector_load_idx %arg18[%and3A_728] : memref<32xi32, #tpu.memory_space<vmem>>[vector<16xi32>], vector<16xi32>,
      %add3A_732 = arith.addi %gather3A, %unique3A_731 : vector<16xi32>
      %sub3A_733 = arith.constant 1 : i32
      %sub3A_734 = vector.broadcast %sub3A_733 : i32 to vector<16xi32>
      %sub3A_735 = arith.subi %add3A_732, %sub3A_734 : vector<16xi32>
      tpu.vector_store_idx %arg13[%sub3A_735], %get3A_720 : memref<2048xi32, #tpu.memory_space<vmem>>[vector<16xi32>], vector<16xi32>,
      tpu.vector_store_idx %arg14[%sub3A_735], %get3A_724 : memref<2048xi32, #tpu.memory_space<vmem>>[vector<16xi32>], vector<16xi32>,
      tpu.vector_store_idx %arg18[%and3A_728], %unique3A_731 masked %unique3A {add = true} : memref<32xi32, #tpu.memory_space<vmem>>[vector<16xi32>], vector<16xi32>, vector<16xi1>
      %scan3A_736 = arith.constant 0 : i32
      scf.yield %scan3A_736 : i32
    }
    %scan3A_213 = arith.constant 128 : i32
    %swap3A_214 = arith.constant 0 : index
    %swap3A_215 = tpu.vector_load %arg17[%swap3A_214] {strides = array<i32>} : memref<32xi32, #tpu.memory_space<vmem>>, vector<16xi32>,
    tpu.vector_store %arg17[%swap3A_214], %broadcast_in_dim3A_3 {strides = array<i32>} : memref<32xi32, #tpu.memory_space<vmem>>, vector<16xi32>,
    %swap3A_216 = arith.constant 16 : index
    %swap3A_217 = tpu.vector_load %arg17[%swap3A_216] {strides = array<i32>} : memref<32xi32, #tpu.memory_space<vmem>>, vector<16xi32>,
    tpu.vector_store %arg17[%swap3A_216], %broadcast_in_dim3A_3 {strides = array<i32>} : memref<32xi32, #tpu.memory_space<vmem>>, vector<16xi32>,
    %scan3A_218 = arith.constant 0 : i32
    %scan3A_219 = arith.constant 0 : i32
    %scan3A_220 = arith.constant 128 : i32
    %scan3A_221 = arith.addi %scan3A_219, %scan3A_220 : i32
    %scan3A_222 = arith.constant 1 : i32
    %scan3A_223 = scf.for %scan3A_715 = %scan3A_219 to %scan3A_221 step %scan3A_222 iter_args(%scan3A_716 = %scan3A_218) -> (i32)  : i32 {
      %mul3A_717 = arith.constant 16 : i32
      %mul3A_718 = arith.muli %scan3A_715, %mul3A_717 : i32
      %get3A_719 = arith.index_cast %mul3A_718 : i32 to index
      %get3A_720 = tpu.vector_load %arg13[%get3A_719] {strides = array<i32>} : memref<2048xi32, #tpu.memory_space<vmem>>, vector<16xi32>,
      %shift_right_arithmetic3A = arith.constant 20 : i32
      %shift_right_arithmetic3A_721 = vector.broadcast %shift_right_arithmetic3A : i32 to vector<16xi32>
      %shift_right_arithmetic3A_722 = arith.shrsi %get3A_720, %shift_right_arithmetic3A_721 : vector<16xi32>
      %and3A = arith.constant 31 : i32
      %and3A_723 = vector.broadcast %and3A : i32 to vector<16xi32>
      %and3A_724 = arith.andi %shift_right_arithmetic3A_722, %and3A_723 : vector<16xi32>
      %broadcast_in_dim3A_725 = arith.constant true
      %broadcast_in_dim3A_726 = vector.broadcast %broadcast_in_dim3A_725 : i1 to vector<16xi1>
      %unique3A, %unique3A_727 = tpu.scan_count mask(%broadcast_in_dim3A_726 : vector<16xi1>) value(%and3A_724 : vector<16xi32>) : vector<16xi1>, vector<16xi32>
      tpu.vector_store_idx %arg17[%and3A_724], %unique3A_727 masked %unique3A {add = true} : memref<32xi32, #tpu.memory_space<vmem>>[vector<16xi32>], vector<16xi32>, vector<16xi1>
      %scan3A_728 = arith.constant 0 : i32
      scf.yield %scan3A_728 : i32
    }
    %scan3A_224 = arith.constant 128 : i32
    %get3A_225 = arith.constant 0 : index
    %get3A_226 = tpu.vector_load %arg17[%get3A_225] {strides = array<i32>} : memref<32xi32, #tpu.memory_space<vmem>>, vector<16xi32>,
    %get3A_227 = arith.constant 16 : index
    %get3A_228 = tpu.vector_load %arg17[%get3A_227] {strides = array<i32>} : memref<32xi32, #tpu.memory_space<vmem>>, vector<16xi32>,
    %broadcast_in_dim3A_229 = arith.constant true
    %broadcast_in_dim3A_230 = vector.broadcast %broadcast_in_dim3A_229 : i1 to vector<16xi1>
    %masked_cumsum3A_231 = tpu.scan <sum>, %get3A_226 masked %broadcast_in_dim3A_230 : vector<16xi32>, vector<16xi1> -> vector<16xi32>
    %broadcast_in_dim3A_232 = arith.constant true
    %broadcast_in_dim3A_233 = vector.broadcast %broadcast_in_dim3A_232 : i1 to vector<16xi1>
    %masked_cumsum3A_234 = tpu.scan <sum>, %get3A_228 masked %broadcast_in_dim3A_233 : vector<16xi32>, vector<16xi1> -> vector<16xi32>
    %sub3A_235 = arith.subi %masked_cumsum3A_231, %get3A_226 : vector<16xi32>
    %swap3A_236 = arith.constant 0 : index
    %swap3A_237 = tpu.vector_load %arg18[%swap3A_236] {strides = array<i32>} : memref<32xi32, #tpu.memory_space<vmem>>, vector<16xi32>,
    tpu.vector_store %arg18[%swap3A_236], %sub3A_235 {strides = array<i32>} : memref<32xi32, #tpu.memory_space<vmem>>, vector<16xi32>,
    %sub3A_238 = arith.subi %masked_cumsum3A_234, %get3A_228 : vector<16xi32>
    %slice3A_239 = vector.extract_strided_slice %masked_cumsum3A_231 {offsets = [15], sizes = [1], strides = [1]} : vector<16xi32> to vector<1xi32>
    %squeeze3A_240 = vector.extract %slice3A_239[0] : i32 from vector<1xi32>
    %add3A_241 = vector.broadcast %squeeze3A_240 : i32 to vector<16xi32>
    %add3A_242 = arith.addi %sub3A_238, %add3A_241 : vector<16xi32>
    %swap3A_243 = arith.constant 16 : index
    %swap3A_244 = tpu.vector_load %arg18[%swap3A_243] {strides = array<i32>} : memref<32xi32, #tpu.memory_space<vmem>>, vector<16xi32>,
    tpu.vector_store %arg18[%swap3A_243], %add3A_242 {strides = array<i32>} : memref<32xi32, #tpu.memory_space<vmem>>, vector<16xi32>,
    %scan3A_245 = arith.constant 0 : i32
    %scan3A_246 = arith.constant 0 : i32
    %scan3A_247 = arith.constant 128 : i32
    %scan3A_248 = arith.addi %scan3A_246, %scan3A_247 : i32
    %scan3A_249 = arith.constant 1 : i32
    %scan3A_250 = scf.for %scan3A_715 = %scan3A_246 to %scan3A_248 step %scan3A_249 iter_args(%scan3A_716 = %scan3A_245) -> (i32)  : i32 {
      %mul3A_717 = arith.constant 16 : i32
      %mul3A_718 = arith.muli %scan3A_715, %mul3A_717 : i32
      %get3A_719 = arith.index_cast %mul3A_718 : i32 to index
      %get3A_720 = tpu.vector_load %arg13[%get3A_719] {strides = array<i32>} : memref<2048xi32, #tpu.memory_space<vmem>>, vector<16xi32>,
      %mul3A_721 = arith.constant 16 : i32
      %mul3A_722 = arith.muli %scan3A_715, %mul3A_721 : i32
      %get3A_723 = arith.index_cast %mul3A_722 : i32 to index
      %get3A_724 = tpu.vector_load %arg14[%get3A_723] {strides = array<i32>} : memref<2048xi32, #tpu.memory_space<vmem>>, vector<16xi32>,
      %shift_right_arithmetic3A = arith.constant 20 : i32
      %shift_right_arithmetic3A_725 = vector.broadcast %shift_right_arithmetic3A : i32 to vector<16xi32>
      %shift_right_arithmetic3A_726 = arith.shrsi %get3A_720, %shift_right_arithmetic3A_725 : vector<16xi32>
      %and3A = arith.constant 31 : i32
      %and3A_727 = vector.broadcast %and3A : i32 to vector<16xi32>
      %and3A_728 = arith.andi %shift_right_arithmetic3A_726, %and3A_727 : vector<16xi32>
      %broadcast_in_dim3A_729 = arith.constant true
      %broadcast_in_dim3A_730 = vector.broadcast %broadcast_in_dim3A_729 : i1 to vector<16xi1>
      %unique3A, %unique3A_731 = tpu.scan_count mask(%broadcast_in_dim3A_730 : vector<16xi1>) value(%and3A_728 : vector<16xi32>) : vector<16xi1>, vector<16xi32>
      %gather3A = tpu.vector_load_idx %arg18[%and3A_728] : memref<32xi32, #tpu.memory_space<vmem>>[vector<16xi32>], vector<16xi32>,
      %add3A_732 = arith.addi %gather3A, %unique3A_731 : vector<16xi32>
      %sub3A_733 = arith.constant 1 : i32
      %sub3A_734 = vector.broadcast %sub3A_733 : i32 to vector<16xi32>
      %sub3A_735 = arith.subi %add3A_732, %sub3A_734 : vector<16xi32>
      tpu.vector_store_idx %arg15[%sub3A_735], %get3A_720 : memref<2048xi32, #tpu.memory_space<vmem>>[vector<16xi32>], vector<16xi32>,
      tpu.vector_store_idx %arg16[%sub3A_735], %get3A_724 : memref<2048xi32, #tpu.memory_space<vmem>>[vector<16xi32>], vector<16xi32>,
      tpu.vector_store_idx %arg18[%and3A_728], %unique3A_731 masked %unique3A {add = true} : memref<32xi32, #tpu.memory_space<vmem>>[vector<16xi32>], vector<16xi32>, vector<16xi1>
      %scan3A_736 = arith.constant 0 : i32
      scf.yield %scan3A_736 : i32
    }
    %scan3A_251 = arith.constant 128 : i32
    %swap3A_252 = arith.constant 0 : index
    %swap3A_253 = tpu.vector_load %arg17[%swap3A_252] {strides = array<i32>} : memref<32xi32, #tpu.memory_space<vmem>>, vector<16xi32>,
    tpu.vector_store %arg17[%swap3A_252], %broadcast_in_dim3A_3 {strides = array<i32>} : memref<32xi32, #tpu.memory_space<vmem>>, vector<16xi32>,
    %swap3A_254 = arith.constant 16 : index
    %swap3A_255 = tpu.vector_load %arg17[%swap3A_254] {strides = array<i32>} : memref<32xi32, #tpu.memory_space<vmem>>, vector<16xi32>,
    tpu.vector_store %arg17[%swap3A_254], %broadcast_in_dim3A_3 {strides = array<i32>} : memref<32xi32, #tpu.memory_space<vmem>>, vector<16xi32>,
    %scan3A_256 = arith.constant 0 : i32
    %scan3A_257 = arith.constant 0 : i32
    %scan3A_258 = arith.constant 128 : i32
    %scan3A_259 = arith.addi %scan3A_257, %scan3A_258 : i32
    %scan3A_260 = arith.constant 1 : i32
    %scan3A_261 = scf.for %scan3A_715 = %scan3A_257 to %scan3A_259 step %scan3A_260 iter_args(%scan3A_716 = %scan3A_256) -> (i32)  : i32 {
      %mul3A_717 = arith.constant 16 : i32
      %mul3A_718 = arith.muli %scan3A_715, %mul3A_717 : i32
      %get3A_719 = arith.index_cast %mul3A_718 : i32 to index
      %get3A_720 = tpu.vector_load %arg15[%get3A_719] {strides = array<i32>} : memref<2048xi32, #tpu.memory_space<vmem>>, vector<16xi32>,
      %shift_right_arithmetic3A = arith.constant 25 : i32
      %shift_right_arithmetic3A_721 = vector.broadcast %shift_right_arithmetic3A : i32 to vector<16xi32>
      %shift_right_arithmetic3A_722 = arith.shrsi %get3A_720, %shift_right_arithmetic3A_721 : vector<16xi32>
      %and3A = arith.constant 31 : i32
      %and3A_723 = vector.broadcast %and3A : i32 to vector<16xi32>
      %and3A_724 = arith.andi %shift_right_arithmetic3A_722, %and3A_723 : vector<16xi32>
      %broadcast_in_dim3A_725 = arith.constant true
      %broadcast_in_dim3A_726 = vector.broadcast %broadcast_in_dim3A_725 : i1 to vector<16xi1>
      %unique3A, %unique3A_727 = tpu.scan_count mask(%broadcast_in_dim3A_726 : vector<16xi1>) value(%and3A_724 : vector<16xi32>) : vector<16xi1>, vector<16xi32>
      tpu.vector_store_idx %arg17[%and3A_724], %unique3A_727 masked %unique3A {add = true} : memref<32xi32, #tpu.memory_space<vmem>>[vector<16xi32>], vector<16xi32>, vector<16xi1>
      %scan3A_728 = arith.constant 0 : i32
      scf.yield %scan3A_728 : i32
    }
    %scan3A_262 = arith.constant 128 : i32
    %get3A_263 = arith.constant 0 : index
    %get3A_264 = tpu.vector_load %arg17[%get3A_263] {strides = array<i32>} : memref<32xi32, #tpu.memory_space<vmem>>, vector<16xi32>,
    %get3A_265 = arith.constant 16 : index
    %get3A_266 = tpu.vector_load %arg17[%get3A_265] {strides = array<i32>} : memref<32xi32, #tpu.memory_space<vmem>>, vector<16xi32>,
    %broadcast_in_dim3A_267 = arith.constant true
    %broadcast_in_dim3A_268 = vector.broadcast %broadcast_in_dim3A_267 : i1 to vector<16xi1>
    %masked_cumsum3A_269 = tpu.scan <sum>, %get3A_264 masked %broadcast_in_dim3A_268 : vector<16xi32>, vector<16xi1> -> vector<16xi32>
    %broadcast_in_dim3A_270 = arith.constant true
    %broadcast_in_dim3A_271 = vector.broadcast %broadcast_in_dim3A_270 : i1 to vector<16xi1>
    %masked_cumsum3A_272 = tpu.scan <sum>, %get3A_266 masked %broadcast_in_dim3A_271 : vector<16xi32>, vector<16xi1> -> vector<16xi32>
    %sub3A_273 = arith.subi %masked_cumsum3A_269, %get3A_264 : vector<16xi32>
    %swap3A_274 = arith.constant 0 : index
    %swap3A_275 = tpu.vector_load %arg18[%swap3A_274] {strides = array<i32>} : memref<32xi32, #tpu.memory_space<vmem>>, vector<16xi32>,
    tpu.vector_store %arg18[%swap3A_274], %sub3A_273 {strides = array<i32>} : memref<32xi32, #tpu.memory_space<vmem>>, vector<16xi32>,
    %sub3A_276 = arith.subi %masked_cumsum3A_272, %get3A_266 : vector<16xi32>
    %slice3A_277 = vector.extract_strided_slice %masked_cumsum3A_269 {offsets = [15], sizes = [1], strides = [1]} : vector<16xi32> to vector<1xi32>
    %squeeze3A_278 = vector.extract %slice3A_277[0] : i32 from vector<1xi32>
    %add3A_279 = vector.broadcast %squeeze3A_278 : i32 to vector<16xi32>
    %add3A_280 = arith.addi %sub3A_276, %add3A_279 : vector<16xi32>
    %swap3A_281 = arith.constant 16 : index
    %swap3A_282 = tpu.vector_load %arg18[%swap3A_281] {strides = array<i32>} : memref<32xi32, #tpu.memory_space<vmem>>, vector<16xi32>,
    tpu.vector_store %arg18[%swap3A_281], %add3A_280 {strides = array<i32>} : memref<32xi32, #tpu.memory_space<vmem>>, vector<16xi32>,
    %scan3A_283 = arith.constant 0 : i32
    %scan3A_284 = arith.constant 0 : i32
    %scan3A_285 = arith.constant 128 : i32
    %scan3A_286 = arith.addi %scan3A_284, %scan3A_285 : i32
    %scan3A_287 = arith.constant 1 : i32
    %scan3A_288 = scf.for %scan3A_715 = %scan3A_284 to %scan3A_286 step %scan3A_287 iter_args(%scan3A_716 = %scan3A_283) -> (i32)  : i32 {
      %mul3A_717 = arith.constant 16 : i32
      %mul3A_718 = arith.muli %scan3A_715, %mul3A_717 : i32
      %get3A_719 = arith.index_cast %mul3A_718 : i32 to index
      %get3A_720 = tpu.vector_load %arg15[%get3A_719] {strides = array<i32>} : memref<2048xi32, #tpu.memory_space<vmem>>, vector<16xi32>,
      %mul3A_721 = arith.constant 16 : i32
      %mul3A_722 = arith.muli %scan3A_715, %mul3A_721 : i32
      %get3A_723 = arith.index_cast %mul3A_722 : i32 to index
      %get3A_724 = tpu.vector_load %arg16[%get3A_723] {strides = array<i32>} : memref<2048xi32, #tpu.memory_space<vmem>>, vector<16xi32>,
      %shift_right_arithmetic3A = arith.constant 25 : i32
      %shift_right_arithmetic3A_725 = vector.broadcast %shift_right_arithmetic3A : i32 to vector<16xi32>
      %shift_right_arithmetic3A_726 = arith.shrsi %get3A_720, %shift_right_arithmetic3A_725 : vector<16xi32>
      %and3A = arith.constant 31 : i32
      %and3A_727 = vector.broadcast %and3A : i32 to vector<16xi32>
      %and3A_728 = arith.andi %shift_right_arithmetic3A_726, %and3A_727 : vector<16xi32>
      %broadcast_in_dim3A_729 = arith.constant true
      %broadcast_in_dim3A_730 = vector.broadcast %broadcast_in_dim3A_729 : i1 to vector<16xi1>
      %unique3A, %unique3A_731 = tpu.scan_count mask(%broadcast_in_dim3A_730 : vector<16xi1>) value(%and3A_728 : vector<16xi32>) : vector<16xi1>, vector<16xi32>
      %gather3A = tpu.vector_load_idx %arg18[%and3A_728] : memref<32xi32, #tpu.memory_space<vmem>>[vector<16xi32>], vector<16xi32>,
      %add3A_732 = arith.addi %gather3A, %unique3A_731 : vector<16xi32>
      %sub3A_733 = arith.constant 1 : i32
      %sub3A_734 = vector.broadcast %sub3A_733 : i32 to vector<16xi32>
      %sub3A_735 = arith.subi %add3A_732, %sub3A_734 : vector<16xi32>
      tpu.vector_store_idx %arg13[%sub3A_735], %get3A_720 : memref<2048xi32, #tpu.memory_space<vmem>>[vector<16xi32>], vector<16xi32>,
      tpu.vector_store_idx %arg14[%sub3A_735], %get3A_724 : memref<2048xi32, #tpu.memory_space<vmem>>[vector<16xi32>], vector<16xi32>,
      tpu.vector_store_idx %arg18[%and3A_728], %unique3A_731 masked %unique3A {add = true} : memref<32xi32, #tpu.memory_space<vmem>>[vector<16xi32>], vector<16xi32>, vector<16xi1>
      %scan3A_736 = arith.constant 0 : i32
      scf.yield %scan3A_736 : i32
    }
    %scan3A_289 = arith.constant 128 : i32
    %swap3A_290 = arith.constant 0 : index
    %swap3A_291 = tpu.vector_load %arg17[%swap3A_290] {strides = array<i32>} : memref<32xi32, #tpu.memory_space<vmem>>, vector<16xi32>,
    tpu.vector_store %arg17[%swap3A_290], %broadcast_in_dim3A_3 {strides = array<i32>} : memref<32xi32, #tpu.memory_space<vmem>>, vector<16xi32>,
    %swap3A_292 = arith.constant 16 : index
    %swap3A_293 = tpu.vector_load %arg17[%swap3A_292] {strides = array<i32>} : memref<32xi32, #tpu.memory_space<vmem>>, vector<16xi32>,
    tpu.vector_store %arg17[%swap3A_292], %broadcast_in_dim3A_3 {strides = array<i32>} : memref<32xi32, #tpu.memory_space<vmem>>, vector<16xi32>,
    %scan3A_294 = arith.constant 0 : i32
    %scan3A_295 = arith.constant 0 : i32
    %scan3A_296 = arith.constant 128 : i32
    %scan3A_297 = arith.addi %scan3A_295, %scan3A_296 : i32
    %scan3A_298 = arith.constant 1 : i32
    %scan3A_299 = scf.for %scan3A_715 = %scan3A_295 to %scan3A_297 step %scan3A_298 iter_args(%scan3A_716 = %scan3A_294) -> (i32)  : i32 {
      %mul3A_717 = arith.constant 16 : i32
      %mul3A_718 = arith.muli %scan3A_715, %mul3A_717 : i32
      %get3A_719 = arith.index_cast %mul3A_718 : i32 to index
      %get3A_720 = tpu.vector_load %arg13[%get3A_719] {strides = array<i32>} : memref<2048xi32, #tpu.memory_space<vmem>>, vector<16xi32>,
      %shift_right_arithmetic3A = arith.constant 30 : i32
      %shift_right_arithmetic3A_721 = vector.broadcast %shift_right_arithmetic3A : i32 to vector<16xi32>
      %shift_right_arithmetic3A_722 = arith.shrsi %get3A_720, %shift_right_arithmetic3A_721 : vector<16xi32>
      %and3A = arith.constant 31 : i32
      %and3A_723 = vector.broadcast %and3A : i32 to vector<16xi32>
      %and3A_724 = arith.andi %shift_right_arithmetic3A_722, %and3A_723 : vector<16xi32>
      %broadcast_in_dim3A_725 = arith.constant true
      %broadcast_in_dim3A_726 = vector.broadcast %broadcast_in_dim3A_725 : i1 to vector<16xi1>
      %unique3A, %unique3A_727 = tpu.scan_count mask(%broadcast_in_dim3A_726 : vector<16xi1>) value(%and3A_724 : vector<16xi32>) : vector<16xi1>, vector<16xi32>
      tpu.vector_store_idx %arg17[%and3A_724], %unique3A_727 masked %unique3A {add = true} : memref<32xi32, #tpu.memory_space<vmem>>[vector<16xi32>], vector<16xi32>, vector<16xi1>
      %scan3A_728 = arith.constant 0 : i32
      scf.yield %scan3A_728 : i32
    }
    %scan3A_300 = arith.constant 128 : i32
    %get3A_301 = arith.constant 0 : index
    %get3A_302 = tpu.vector_load %arg17[%get3A_301] {strides = array<i32>} : memref<32xi32, #tpu.memory_space<vmem>>, vector<16xi32>,
    %get3A_303 = arith.constant 16 : index
    %get3A_304 = tpu.vector_load %arg17[%get3A_303] {strides = array<i32>} : memref<32xi32, #tpu.memory_space<vmem>>, vector<16xi32>,
    %broadcast_in_dim3A_305 = arith.constant true
    %broadcast_in_dim3A_306 = vector.broadcast %broadcast_in_dim3A_305 : i1 to vector<16xi1>
    %masked_cumsum3A_307 = tpu.scan <sum>, %get3A_302 masked %broadcast_in_dim3A_306 : vector<16xi32>, vector<16xi1> -> vector<16xi32>
    %broadcast_in_dim3A_308 = arith.constant true
    %broadcast_in_dim3A_309 = vector.broadcast %broadcast_in_dim3A_308 : i1 to vector<16xi1>
    %masked_cumsum3A_310 = tpu.scan <sum>, %get3A_304 masked %broadcast_in_dim3A_309 : vector<16xi32>, vector<16xi1> -> vector<16xi32>
    %sub3A_311 = arith.subi %masked_cumsum3A_307, %get3A_302 : vector<16xi32>
    %swap3A_312 = arith.constant 0 : index
    %swap3A_313 = tpu.vector_load %arg18[%swap3A_312] {strides = array<i32>} : memref<32xi32, #tpu.memory_space<vmem>>, vector<16xi32>,
    tpu.vector_store %arg18[%swap3A_312], %sub3A_311 {strides = array<i32>} : memref<32xi32, #tpu.memory_space<vmem>>, vector<16xi32>,
    %sub3A_314 = arith.subi %masked_cumsum3A_310, %get3A_304 : vector<16xi32>
    %slice3A_315 = vector.extract_strided_slice %masked_cumsum3A_307 {offsets = [15], sizes = [1], strides = [1]} : vector<16xi32> to vector<1xi32>
    %squeeze3A_316 = vector.extract %slice3A_315[0] : i32 from vector<1xi32>
    %add3A_317 = vector.broadcast %squeeze3A_316 : i32 to vector<16xi32>
    %add3A_318 = arith.addi %sub3A_314, %add3A_317 : vector<16xi32>
    %swap3A_319 = arith.constant 16 : index
    %swap3A_320 = tpu.vector_load %arg18[%swap3A_319] {strides = array<i32>} : memref<32xi32, #tpu.memory_space<vmem>>, vector<16xi32>,
    tpu.vector_store %arg18[%swap3A_319], %add3A_318 {strides = array<i32>} : memref<32xi32, #tpu.memory_space<vmem>>, vector<16xi32>,
    %scan3A_321 = arith.constant 0 : i32
    %scan3A_322 = arith.constant 0 : i32
    %scan3A_323 = arith.constant 128 : i32
    %scan3A_324 = arith.addi %scan3A_322, %scan3A_323 : i32
    %scan3A_325 = arith.constant 1 : i32
    %scan3A_326 = scf.for %scan3A_715 = %scan3A_322 to %scan3A_324 step %scan3A_325 iter_args(%scan3A_716 = %scan3A_321) -> (i32)  : i32 {
      %mul3A_717 = arith.constant 16 : i32
      %mul3A_718 = arith.muli %scan3A_715, %mul3A_717 : i32
      %get3A_719 = arith.index_cast %mul3A_718 : i32 to index
      %get3A_720 = tpu.vector_load %arg13[%get3A_719] {strides = array<i32>} : memref<2048xi32, #tpu.memory_space<vmem>>, vector<16xi32>,
      %mul3A_721 = arith.constant 16 : i32
      %mul3A_722 = arith.muli %scan3A_715, %mul3A_721 : i32
      %get3A_723 = arith.index_cast %mul3A_722 : i32 to index
      %get3A_724 = tpu.vector_load %arg14[%get3A_723] {strides = array<i32>} : memref<2048xi32, #tpu.memory_space<vmem>>, vector<16xi32>,
      %shift_right_arithmetic3A = arith.constant 30 : i32
      %shift_right_arithmetic3A_725 = vector.broadcast %shift_right_arithmetic3A : i32 to vector<16xi32>
      %shift_right_arithmetic3A_726 = arith.shrsi %get3A_720, %shift_right_arithmetic3A_725 : vector<16xi32>
      %and3A = arith.constant 31 : i32
      %and3A_727 = vector.broadcast %and3A : i32 to vector<16xi32>
      %and3A_728 = arith.andi %shift_right_arithmetic3A_726, %and3A_727 : vector<16xi32>
      %broadcast_in_dim3A_729 = arith.constant true
      %broadcast_in_dim3A_730 = vector.broadcast %broadcast_in_dim3A_729 : i1 to vector<16xi1>
      %unique3A, %unique3A_731 = tpu.scan_count mask(%broadcast_in_dim3A_730 : vector<16xi1>) value(%and3A_728 : vector<16xi32>) : vector<16xi1>, vector<16xi32>
      %gather3A = tpu.vector_load_idx %arg18[%and3A_728] : memref<32xi32, #tpu.memory_space<vmem>>[vector<16xi32>], vector<16xi32>,
      %add3A_732 = arith.addi %gather3A, %unique3A_731 : vector<16xi32>
      %sub3A_733 = arith.constant 1 : i32
      %sub3A_734 = vector.broadcast %sub3A_733 : i32 to vector<16xi32>
      %sub3A_735 = arith.subi %add3A_732, %sub3A_734 : vector<16xi32>
      tpu.vector_store_idx %arg15[%sub3A_735], %get3A_720 : memref<2048xi32, #tpu.memory_space<vmem>>[vector<16xi32>], vector<16xi32>,
      tpu.vector_store_idx %arg16[%sub3A_735], %get3A_724 : memref<2048xi32, #tpu.memory_space<vmem>>[vector<16xi32>], vector<16xi32>,
      tpu.vector_store_idx %arg18[%and3A_728], %unique3A_731 masked %unique3A {add = true} : memref<32xi32, #tpu.memory_space<vmem>>[vector<16xi32>], vector<16xi32>, vector<16xi1>
      %scan3A_736 = arith.constant 0 : i32
      scf.yield %scan3A_736 : i32
    }
    %scan3A_327 = arith.constant 128 : i32
    %mul3A_328 = arith.constant 4 : i32
    %mul3A_329 = arith.muli %add3A_10, %mul3A_328 : i32
    %mul3A_330 = arith.constant 5000 : i32
    %mul3A_331 = arith.muli %mul3A_329, %mul3A_330 : i32
    %dma_wait3A = tpu.memref_slice %arg3[%mul3A_331] : memref<1280000xf32, #tpu.memory_space<hbm>> -> memref<20000xf32, #tpu.memory_space<hbm>>
    %dma_wait3A_332 = tpu.memref_slice %arg3[%mul3A_331] : memref<1280000xf32, #tpu.memory_space<hbm>> -> memref<20000xf32, #tpu.memory_space<hbm>>
    tpu.wait_dma2 semaphore(%arg26 : memref<!tpu.dma_semaphore, #tpu.memory_space<semaphore_mem>>) src(%dma_wait3A_332 : memref<20000xf32, #tpu.memory_space<hbm>>) dst(%arg19 : memref<20000xf32, #tpu.memory_space<vmem>>)
    %mul3A_333 = arith.constant 2 : i32
    %mul3A_334 = arith.muli %mul3A_333, %add3A_10 : i32
    %get3A_335 = arith.index_cast %mul3A_334 : i32 to index
    %get3A_336 = tpu.vector_load %arg23[%get3A_335] {strides = array<i32>} : memref<144xf32, #tpu.memory_space<vmem>>, vector<16xf32>,
    %slice3A_337 = vector.extract_strided_slice %get3A_336 {offsets = [0], sizes = [1], strides = [1]} : vector<16xf32> to vector<1xf32>
    %squeeze3A_338 = vector.extract %slice3A_337[0] : f32 from vector<1xf32>
    %slice3A_339 = vector.extract_strided_slice %get3A_336 {offsets = [1], sizes = [1], strides = [1]} : vector<16xf32> to vector<1xf32>
    %squeeze3A_340 = vector.extract %slice3A_339[0] : f32 from vector<1xf32>
    %scan3A_341 = arith.constant 0 : i32
    %scan3A_342 = arith.constant 0 : i32
    %scan3A_343 = arith.constant 20 : i32
    %scan3A_344 = arith.addi %scan3A_342, %scan3A_343 : i32
    %scan3A_345 = arith.constant 1 : i32
    %scan3A_346 = scf.for %scan3A_715 = %scan3A_342 to %scan3A_344 step %scan3A_345 iter_args(%scan3A_716 = %scan3A_341) -> (i32)  : i32 {
      %mul3A_717 = arith.constant 16 : i32
      %mul3A_718 = arith.muli %scan3A_715, %mul3A_717 : i32
      %get3A_719 = arith.index_cast %mul3A_718 : i32 to index
      %get3A_720 = tpu.vector_load %arg15[%get3A_719] {strides = array<i32>} : memref<2048xi32, #tpu.memory_space<vmem>>, vector<16xi32>,
      %mul3A_721 = arith.constant 16 : i32
      %mul3A_722 = arith.muli %scan3A_715, %mul3A_721 : i32
      %get3A_723 = arith.index_cast %mul3A_722 : i32 to index
      %get3A_724 = tpu.vector_load %arg16[%get3A_723] {strides = array<i32>} : memref<2048xi32, #tpu.memory_space<vmem>>, vector<16xi32>,
      %not3A = arith.constant dense<-1> : vector<16xi32>
      %not3A_725 = arith.xori %get3A_720, %not3A : vector<16xi32>
      %bitcast3A = vector.bitcast %not3A_725 : vector<16xi32> to vector<16xf32>
      %mul3A_726 = arith.constant 16 : i32
      %mul3A_727 = arith.muli %scan3A_715, %mul3A_726 : i32
      %swap3A_728 = arith.index_cast %mul3A_727 : i32 to index
      %swap3A_729 = tpu.vector_load %arg20[%swap3A_728] {strides = array<i32>} : memref<320xf32, #tpu.memory_space<vmem>>, vector<16xf32>,
      tpu.vector_store %arg20[%swap3A_728], %bitcast3A {strides = array<i32>} : memref<320xf32, #tpu.memory_space<vmem>>, vector<16xf32>,
      %convert_element_type3A = arith.sitofp %get3A_724 : vector<16xi32> to vector<16xf32>
      %add3A_730 = arith.constant 5.000000e-01 : f32
      %add3A_731 = vector.broadcast %add3A_730 : f32 to vector<16xf32>
      %add3A_732 = arith.addf %convert_element_type3A, %add3A_731 : vector<16xf32>
      %mul3A_733 = arith.constant 1.250000e-02 : f32
      %mul3A_734 = vector.broadcast %mul3A_733 : f32 to vector<16xf32>
      %mul3A_735 = arith.mulf %add3A_732, %mul3A_734 : vector<16xf32>
      %convert_element_type3A_736 = arith.fptosi %mul3A_735 : vector<16xf32> to vector<16xi32>
      %mul3A_737 = arith.constant 80 : i32
      %mul3A_738 = vector.broadcast %mul3A_737 : i32 to vector<16xi32>
      %mul3A_739 = arith.muli %convert_element_type3A_736, %mul3A_738 : vector<16xi32>
      %sub3A_740 = arith.subi %get3A_724, %mul3A_739 : vector<16xi32>
      %mul3A_741 = arith.constant 16 : i32
      %mul3A_742 = arith.muli %scan3A_715, %mul3A_741 : i32
      %swap3A_743 = arith.index_cast %mul3A_742 : i32 to index
      %swap3A_744 = tpu.vector_load %arg21[%swap3A_743] {strides = array<i32>} : memref<320xi32, #tpu.memory_space<vmem>>, vector<16xi32>,
      tpu.vector_store %arg21[%swap3A_743], %sub3A_740 {strides = array<i32>} : memref<320xi32, #tpu.memory_space<vmem>>, vector<16xi32>,
      %mul3A_745 = arith.constant 4 : i32
      %mul3A_746 = vector.broadcast %mul3A_745 : i32 to vector<16xi32>
      %mul3A_747 = arith.muli %convert_element_type3A_736, %mul3A_746 : vector<16xi32>
      %gather3A = tpu.vector_load_idx %arg19[%mul3A_747] : memref<20000xf32, #tpu.memory_space<vmem>>[vector<16xi32>], vector<16xf32>,
      %add3A_748 = arith.constant 1 : i32
      %add3A_749 = vector.broadcast %add3A_748 : i32 to vector<16xi32>
      %add3A_750 = arith.addi %mul3A_747, %add3A_749 : vector<16xi32>
      %gather3A_751 = tpu.vector_load_idx %arg19[%add3A_750] : memref<20000xf32, #tpu.memory_space<vmem>>[vector<16xi32>], vector<16xf32>,
      %add3A_752 = arith.constant 2 : i32
      %add3A_753 = vector.broadcast %add3A_752 : i32 to vector<16xi32>
      %add3A_754 = arith.addi %mul3A_747, %add3A_753 : vector<16xi32>
      %gather3A_755 = tpu.vector_load_idx %arg19[%add3A_754] : memref<20000xf32, #tpu.memory_space<vmem>>[vector<16xi32>], vector<16xf32>,
      %add3A_756 = arith.constant 3 : i32
      %add3A_757 = vector.broadcast %add3A_756 : i32 to vector<16xi32>
      %add3A_758 = arith.addi %mul3A_747, %add3A_757 : vector<16xi32>
      %gather3A_759 = tpu.vector_load_idx %arg19[%add3A_758] : memref<20000xf32, #tpu.memory_space<vmem>>[vector<16xi32>], vector<16xf32>,
      %mul3A_760 = arith.constant 5.000000e-01 : f32
      %mul3A_761 = vector.broadcast %mul3A_760 : f32 to vector<16xf32>
      %mul3A_762 = arith.mulf %mul3A_761, %gather3A_755 : vector<16xf32>
      %mul3A_763 = arith.constant 5.000000e-01 : f32
      %mul3A_764 = vector.broadcast %mul3A_763 : f32 to vector<16xf32>
      %mul3A_765 = arith.mulf %mul3A_764, %gather3A_759 : vector<16xf32>
      %mul3A_766 = arith.constant 16 : i32
      %mul3A_767 = arith.muli %scan3A_715, %mul3A_766 : i32
      %add3A_768 = vector.broadcast %mul3A_767 : i32 to vector<16xi32>
      %add3A_769 = arith.addi %add3A_768, %iota3A : vector<16xi32>
      %mul3A_770 = arith.constant 4 : i32
      %mul3A_771 = vector.broadcast %mul3A_770 : i32 to vector<16xi32>
      %mul3A_772 = arith.muli %add3A_769, %mul3A_771 : vector<16xi32>
      %sub3A_773 = arith.subf %gather3A, %mul3A_762 : vector<16xf32>
      %mul3A_774 = vector.broadcast %squeeze3A_338 : f32 to vector<16xf32>
      %mul3A_775 = arith.mulf %sub3A_773, %mul3A_774 : vector<16xf32>
      tpu.vector_store_idx %arg22[%mul3A_772], %mul3A_775 : memref<1280xf32, #tpu.memory_space<vmem>>[vector<16xi32>], vector<16xf32>,
      %add3A_776 = arith.constant 1 : i32
      %add3A_777 = vector.broadcast %add3A_776 : i32 to vector<16xi32>
      %add3A_778 = arith.addi %mul3A_772, %add3A_777 : vector<16xi32>
      %sub3A_779 = arith.subf %gather3A_751, %mul3A_765 : vector<16xf32>
      %mul3A_780 = vector.broadcast %squeeze3A_340 : f32 to vector<16xf32>
      %mul3A_781 = arith.mulf %sub3A_779, %mul3A_780 : vector<16xf32>
      tpu.vector_store_idx %arg22[%add3A_778], %mul3A_781 : memref<1280xf32, #tpu.memory_space<vmem>>[vector<16xi32>], vector<16xf32>,
      %add3A_782 = arith.constant 2 : i32
      %add3A_783 = vector.broadcast %add3A_782 : i32 to vector<16xi32>
      %add3A_784 = arith.addi %mul3A_772, %add3A_783 : vector<16xi32>
      %add3A_785 = arith.addf %gather3A, %mul3A_762 : vector<16xf32>
      %mul3A_786 = vector.broadcast %squeeze3A_338 : f32 to vector<16xf32>
      %mul3A_787 = arith.mulf %add3A_785, %mul3A_786 : vector<16xf32>
      tpu.vector_store_idx %arg22[%add3A_784], %mul3A_787 : memref<1280xf32, #tpu.memory_space<vmem>>[vector<16xi32>], vector<16xf32>,
      %add3A_788 = arith.constant 3 : i32
      %add3A_789 = vector.broadcast %add3A_788 : i32 to vector<16xi32>
      %add3A_790 = arith.addi %mul3A_772, %add3A_789 : vector<16xi32>
      %add3A_791 = arith.addf %gather3A_751, %mul3A_765 : vector<16xf32>
      %mul3A_792 = vector.broadcast %squeeze3A_340 : f32 to vector<16xf32>
      %mul3A_793 = arith.mulf %add3A_791, %mul3A_792 : vector<16xf32>
      tpu.vector_store_idx %arg22[%add3A_790], %mul3A_793 : memref<1280xf32, #tpu.memory_space<vmem>>[vector<16xi32>], vector<16xf32>,
      %scan3A_794 = arith.constant 0 : i32
      scf.yield %scan3A_794 : i32
    }
    %scan3A_347 = arith.constant 20 : i32
    %mul3A_348 = arith.constant 320 : i32
    %mul3A_349 = arith.muli %add3A_10, %mul3A_348 : i32
    "tpu.region"() ({
      %run_scoped3A = tpu.sem_alloc : memref<!tpu.dma_semaphore, #tpu.memory_space<semaphore_mem>>
      %dma_start3A_715 = tpu.memref_slice %arg7[%mul3A_349] : memref<20480xf32, #tpu.memory_space<hbm>> -> memref<320xf32, #tpu.memory_space<hbm>>
      %dma_start3A_716 = tpu.memref_slice %arg7[%mul3A_349] : memref<20480xf32, #tpu.memory_space<hbm>> -> memref<320xf32, #tpu.memory_space<hbm>>
      tpu.enqueue_dma source(%arg20 : memref<320xf32, #tpu.memory_space<vmem>>) target(%dma_start3A_716 : memref<320xf32, #tpu.memory_space<hbm>>) target_semaphore(%run_scoped3A : memref<!tpu.dma_semaphore, #tpu.memory_space<semaphore_mem>>)
      %dma_wait3A_717 = tpu.memref_slice %arg7[%mul3A_349] : memref<20480xf32, #tpu.memory_space<hbm>> -> memref<320xf32, #tpu.memory_space<hbm>>
      %dma_wait3A_718 = tpu.memref_slice %arg7[%mul3A_349] : memref<20480xf32, #tpu.memory_space<hbm>> -> memref<320xf32, #tpu.memory_space<hbm>>
      tpu.wait_dma2 semaphore(%run_scoped3A : memref<!tpu.dma_semaphore, #tpu.memory_space<semaphore_mem>>) src(%arg20 : memref<320xf32, #tpu.memory_space<vmem>>) dst(%dma_wait3A_718 : memref<320xf32, #tpu.memory_space<hbm>>)
      tpu.yield
    }) : () -> ()
    %mul3A_350 = arith.constant 320 : i32
    %mul3A_351 = arith.muli %add3A_10, %mul3A_350 : i32
    "tpu.region"() ({
      %run_scoped3A = tpu.sem_alloc : memref<!tpu.dma_semaphore, #tpu.memory_space<semaphore_mem>>
      %dma_start3A_715 = tpu.memref_slice %arg5[%mul3A_351] : memref<20480xi32, #tpu.memory_space<hbm>> -> memref<320xi32, #tpu.memory_space<hbm>>
      %dma_start3A_716 = tpu.memref_slice %arg5[%mul3A_351] : memref<20480xi32, #tpu.memory_space<hbm>> -> memref<320xi32, #tpu.memory_space<hbm>>
      tpu.enqueue_dma source(%arg21 : memref<320xi32, #tpu.memory_space<vmem>>) target(%dma_start3A_716 : memref<320xi32, #tpu.memory_space<hbm>>) target_semaphore(%run_scoped3A : memref<!tpu.dma_semaphore, #tpu.memory_space<semaphore_mem>>)
      %dma_wait3A_717 = tpu.memref_slice %arg5[%mul3A_351] : memref<20480xi32, #tpu.memory_space<hbm>> -> memref<320xi32, #tpu.memory_space<hbm>>
      %dma_wait3A_718 = tpu.memref_slice %arg5[%mul3A_351] : memref<20480xi32, #tpu.memory_space<hbm>> -> memref<320xi32, #tpu.memory_space<hbm>>
      tpu.wait_dma2 semaphore(%run_scoped3A : memref<!tpu.dma_semaphore, #tpu.memory_space<semaphore_mem>>) src(%arg21 : memref<320xi32, #tpu.memory_space<vmem>>) dst(%dma_wait3A_718 : memref<320xi32, #tpu.memory_space<hbm>>)
      tpu.yield
    }) : () -> ()
    %mul3A_352 = arith.constant 4 : i32
    %mul3A_353 = arith.muli %add3A_10, %mul3A_352 : i32
    %mul3A_354 = arith.constant 320 : i32
    %mul3A_355 = arith.muli %mul3A_353, %mul3A_354 : i32
    "tpu.region"() ({
      %run_scoped3A = tpu.sem_alloc : memref<!tpu.dma_semaphore, #tpu.memory_space<semaphore_mem>>
      %dma_start3A_715 = tpu.memref_slice %arg6[%mul3A_355] : memref<81920xf32, #tpu.memory_space<hbm>> -> memref<1280xf32, #tpu.memory_space<hbm>>
      %dma_start3A_716 = tpu.memref_slice %arg6[%mul3A_355] : memref<81920xf32, #tpu.memory_space<hbm>> -> memref<1280xf32, #tpu.memory_space<hbm>>
      tpu.enqueue_dma source(%arg22 : memref<1280xf32, #tpu.memory_space<vmem>>) target(%dma_start3A_716 : memref<1280xf32, #tpu.memory_space<hbm>>) target_semaphore(%run_scoped3A : memref<!tpu.dma_semaphore, #tpu.memory_space<semaphore_mem>>)
      %dma_wait3A_717 = tpu.memref_slice %arg6[%mul3A_355] : memref<81920xf32, #tpu.memory_space<hbm>> -> memref<1280xf32, #tpu.memory_space<hbm>>
      %dma_wait3A_718 = tpu.memref_slice %arg6[%mul3A_355] : memref<81920xf32, #tpu.memory_space<hbm>> -> memref<1280xf32, #tpu.memory_space<hbm>>
      tpu.wait_dma2 semaphore(%run_scoped3A : memref<!tpu.dma_semaphore, #tpu.memory_space<semaphore_mem>>) src(%arg22 : memref<1280xf32, #tpu.memory_space<vmem>>) dst(%dma_wait3A_718 : memref<1280xf32, #tpu.memory_space<hbm>>)
      tpu.yield
    }) : () -> ()
    %mul3A_356 = arith.constant 2 : i32
    %mul3A_357 = arith.muli %add3A, %mul3A_356 : i32
    %add3A_358 = arith.constant 1 : i32
    %add3A_359 = arith.addi %mul3A_357, %add3A_358 : i32
    %parallel_loop3A_360 = arith.constant 0 : i32
    %parallel_loop3A_361 = arith.constant 2048 : i32
    %parallel_loop3A_362 = arith.constant 1 : i32
    scf.for %parallel_loop3A_715 = %parallel_loop3A_360 to %parallel_loop3A_361 step %parallel_loop3A_362  : i32 {
      %parallel_loop3A_716 = arith.constant 16 : i32
      %parallel_loop3A_717 = arith.muli %parallel_loop3A_715, %parallel_loop3A_716 : i32
      %parallel_loop3A_718 = arith.index_cast %parallel_loop3A_717 : i32 to index
      %parallel_loop3A_719 = tpu.vector_load %arg10[%parallel_loop3A_718] {strides = array<i32>} : memref<32768xi32, #tpu.memory_space<vmem>>, vector<16xi32>,
      tpu.vector_store %arg10[%parallel_loop3A_718], %broadcast_in_dim3A_3 {strides = array<i32>} : memref<32768xi32, #tpu.memory_space<vmem>>, vector<16xi32>,
    } {sc.loop_unroll_factor = 8 : i64, sc.parallel_access}
    %mul3A_363 = arith.constant 400000 : i32
    %mul3A_364 = arith.muli %add3A_359, %mul3A_363 : i32
    %dma_start3A_365 = tpu.memref_slice %arg2[%mul3A_364] : memref<25600000xf32, #tpu.memory_space<hbm>> -> memref<8000xf32, #tpu.memory_space<hbm>>
    %dma_start3A_366 = tpu.memref_slice %arg2[%mul3A_364] : memref<25600000xf32, #tpu.memory_space<hbm>> -> memref<8000xf32, #tpu.memory_space<hbm>>
    tpu.enqueue_dma source(%dma_start3A_366 : memref<8000xf32, #tpu.memory_space<hbm>>) target(%arg8 : memref<8000xf32, #tpu.memory_space<vmem>>) target_semaphore(%arg24 : memref<!tpu.dma_semaphore, #tpu.memory_space<semaphore_mem>>)
    %mul3A_367 = arith.constant 400000 : i32
    %mul3A_368 = arith.muli %add3A_359, %mul3A_367 : i32
    %add3A_369 = arith.constant 8000 : i32
    %add3A_370 = arith.addi %mul3A_368, %add3A_369 : i32
    %dma_start3A_371 = tpu.memref_slice %arg2[%add3A_370] : memref<25600000xf32, #tpu.memory_space<hbm>> -> memref<8000xf32, #tpu.memory_space<hbm>>
    %dma_start3A_372 = tpu.memref_slice %arg2[%add3A_370] : memref<25600000xf32, #tpu.memory_space<hbm>> -> memref<8000xf32, #tpu.memory_space<hbm>>
    tpu.enqueue_dma source(%dma_start3A_372 : memref<8000xf32, #tpu.memory_space<hbm>>) target(%arg9 : memref<8000xf32, #tpu.memory_space<vmem>>) target_semaphore(%arg25 : memref<!tpu.dma_semaphore, #tpu.memory_space<semaphore_mem>>)
    %scan3A_373 = arith.constant 0 : i32
    %scan3A_374 = arith.constant 0 : i32
    %scan3A_375 = arith.constant 25 : i32
    %scan3A_376 = arith.addi %scan3A_374, %scan3A_375 : i32
    %scan3A_377 = arith.constant 1 : i32
    %scan3A_378 = scf.for %scan3A_715 = %scan3A_374 to %scan3A_376 step %scan3A_377 iter_args(%scan3A_716 = %scan3A_373) -> (i32)  : i32 {
      %mul3A_717 = arith.constant 2 : i32
      %mul3A_718 = arith.muli %mul3A_717, %scan3A_715 : i32
      %mul3A_719 = arith.constant 400000 : i32
      %mul3A_720 = arith.muli %add3A_359, %mul3A_719 : i32
      %dma_wait3A_721 = tpu.memref_slice %arg2[%mul3A_720] : memref<25600000xf32, #tpu.memory_space<hbm>> -> memref<8000xf32, #tpu.memory_space<hbm>>
      %dma_wait3A_722 = tpu.memref_slice %arg2[%mul3A_720] : memref<25600000xf32, #tpu.memory_space<hbm>> -> memref<8000xf32, #tpu.memory_space<hbm>>
      tpu.wait_dma2 semaphore(%arg24 : memref<!tpu.dma_semaphore, #tpu.memory_space<semaphore_mem>>) src(%dma_wait3A_722 : memref<8000xf32, #tpu.memory_space<hbm>>) dst(%arg8 : memref<8000xf32, #tpu.memory_space<vmem>>)
      %parallel_loop3A_723 = arith.constant 0 : i32
      %parallel_loop3A_724 = arith.constant 500 : i32
      %parallel_loop3A_725 = arith.constant 1 : i32
      scf.for %parallel_loop3A_745 = %parallel_loop3A_723 to %parallel_loop3A_724 step %parallel_loop3A_725  : i32 {
        %parallel_loop3A_746 = arith.constant 16 : i32
        %parallel_loop3A_747 = arith.muli %parallel_loop3A_745, %parallel_loop3A_746 : i32
        %parallel_loop3A_748 = arith.index_cast %parallel_loop3A_747 : i32 to index
        %parallel_loop3A_749 = tpu.vector_load %arg8[%parallel_loop3A_748] {strides = array<i32>} : memref<8000xf32, #tpu.memory_space<vmem>>, vector<16xf32>,
        %parallel_loop3A_750 = vector.bitcast %parallel_loop3A_749 : vector<16xf32> to vector<16xi32>
        %parallel_loop3A_751 = arith.constant 31 : i32
        %parallel_loop3A_752 = vector.broadcast %parallel_loop3A_751 : i32 to vector<16xi32>
        %parallel_loop3A_753 = arith.shrsi %parallel_loop3A_750, %parallel_loop3A_752 : vector<16xi32>
        %parallel_loop3A_754 = arith.constant 2147483647 : i32
        %parallel_loop3A_755 = vector.broadcast %parallel_loop3A_754 : i32 to vector<16xi32>
        %parallel_loop3A_756 = arith.andi %parallel_loop3A_753, %parallel_loop3A_755 : vector<16xi32>
        %parallel_loop3A_757 = arith.xori %parallel_loop3A_750, %parallel_loop3A_756 : vector<16xi32>
        %parallel_loop3A_758 = arith.constant 21 : i32
        %parallel_loop3A_759 = vector.broadcast %parallel_loop3A_758 : i32 to vector<16xi32>
        %parallel_loop3A_760 = arith.shrsi %parallel_loop3A_757, %parallel_loop3A_759 : vector<16xi32>
        %parallel_loop3A_761 = arith.constant 1024 : i32
        %parallel_loop3A_762 = vector.broadcast %parallel_loop3A_761 : i32 to vector<16xi32>
        %parallel_loop3A_763 = arith.addi %parallel_loop3A_760, %parallel_loop3A_762 : vector<16xi32>
        %parallel_loop3A_764 = arith.xori %parallel_loop3A_763, %iota3A : vector<16xi32>
        %parallel_loop3A_765 = arith.addi %mul3A_6, %parallel_loop3A_764 : vector<16xi32>
        tpu.vector_store_idx %arg10[%parallel_loop3A_765], %broadcast_in_dim3A_1 {add = true} : memref<32768xi32, #tpu.memory_space<vmem>>[vector<16xi32>], vector<16xi32>,
      } {sc.loop_unroll_factor = 8 : i64, sc.parallel_access}
      %add3A_726 = arith.constant 2 : i32
      %add3A_727 = arith.addi %mul3A_718, %add3A_726 : i32
      %lt3A = arith.constant 50 : i32
      %lt3A_728 = arith.cmpi slt, %add3A_727, %lt3A : i32
      %convert_element_type3A = arith.extui %lt3A_728 : i1 to i32
      %cond3A = arith.constant 0 : i32
      %cond3A_729 = arith.cmpi ne, %convert_element_type3A, %cond3A : i32
      scf.if %cond3A_729 {
        %mul3A_745 = arith.constant 400000 : i32
        %mul3A_746 = arith.muli %add3A_359, %mul3A_745 : i32
        %add3A_747 = arith.constant 2 : i32
        %add3A_748 = arith.addi %mul3A_718, %add3A_747 : i32
        %mul3A_749 = arith.constant 8000 : i32
        %mul3A_750 = arith.muli %add3A_748, %mul3A_749 : i32
        %add3A_751 = arith.addi %mul3A_746, %mul3A_750 : i32
        %dma_start3A_752 = tpu.memref_slice %arg2[%add3A_751] : memref<25600000xf32, #tpu.memory_space<hbm>> -> memref<8000xf32, #tpu.memory_space<hbm>>
        %dma_start3A_753 = tpu.memref_slice %arg2[%add3A_751] : memref<25600000xf32, #tpu.memory_space<hbm>> -> memref<8000xf32, #tpu.memory_space<hbm>>
        tpu.enqueue_dma source(%dma_start3A_753 : memref<8000xf32, #tpu.memory_space<hbm>>) target(%arg8 : memref<8000xf32, #tpu.memory_space<vmem>>) target_semaphore(%arg24 : memref<!tpu.dma_semaphore, #tpu.memory_space<semaphore_mem>>)
      } else {
      }
      %mul3A_730 = arith.constant 400000 : i32
      %mul3A_731 = arith.muli %add3A_359, %mul3A_730 : i32
      %dma_wait3A_732 = tpu.memref_slice %arg2[%mul3A_731] : memref<25600000xf32, #tpu.memory_space<hbm>> -> memref<8000xf32, #tpu.memory_space<hbm>>
      %dma_wait3A_733 = tpu.memref_slice %arg2[%mul3A_731] : memref<25600000xf32, #tpu.memory_space<hbm>> -> memref<8000xf32, #tpu.memory_space<hbm>>
      tpu.wait_dma2 semaphore(%arg25 : memref<!tpu.dma_semaphore, #tpu.memory_space<semaphore_mem>>) src(%dma_wait3A_733 : memref<8000xf32, #tpu.memory_space<hbm>>) dst(%arg9 : memref<8000xf32, #tpu.memory_space<vmem>>)
      %parallel_loop3A_734 = arith.constant 0 : i32
      %parallel_loop3A_735 = arith.constant 500 : i32
      %parallel_loop3A_736 = arith.constant 1 : i32
      scf.for %parallel_loop3A_745 = %parallel_loop3A_734 to %parallel_loop3A_735 step %parallel_loop3A_736  : i32 {
        %parallel_loop3A_746 = arith.constant 16 : i32
        %parallel_loop3A_747 = arith.muli %parallel_loop3A_745, %parallel_loop3A_746 : i32
        %parallel_loop3A_748 = arith.index_cast %parallel_loop3A_747 : i32 to index
        %parallel_loop3A_749 = tpu.vector_load %arg9[%parallel_loop3A_748] {strides = array<i32>} : memref<8000xf32, #tpu.memory_space<vmem>>, vector<16xf32>,
        %parallel_loop3A_750 = vector.bitcast %parallel_loop3A_749 : vector<16xf32> to vector<16xi32>
        %parallel_loop3A_751 = arith.constant 31 : i32
        %parallel_loop3A_752 = vector.broadcast %parallel_loop3A_751 : i32 to vector<16xi32>
        %parallel_loop3A_753 = arith.shrsi %parallel_loop3A_750, %parallel_loop3A_752 : vector<16xi32>
        %parallel_loop3A_754 = arith.constant 2147483647 : i32
        %parallel_loop3A_755 = vector.broadcast %parallel_loop3A_754 : i32 to vector<16xi32>
        %parallel_loop3A_756 = arith.andi %parallel_loop3A_753, %parallel_loop3A_755 : vector<16xi32>
        %parallel_loop3A_757 = arith.xori %parallel_loop3A_750, %parallel_loop3A_756 : vector<16xi32>
        %parallel_loop3A_758 = arith.constant 21 : i32
        %parallel_loop3A_759 = vector.broadcast %parallel_loop3A_758 : i32 to vector<16xi32>
        %parallel_loop3A_760 = arith.shrsi %parallel_loop3A_757, %parallel_loop3A_759 : vector<16xi32>
        %parallel_loop3A_761 = arith.constant 1024 : i32
        %parallel_loop3A_762 = vector.broadcast %parallel_loop3A_761 : i32 to vector<16xi32>
        %parallel_loop3A_763 = arith.addi %parallel_loop3A_760, %parallel_loop3A_762 : vector<16xi32>
        %parallel_loop3A_764 = arith.xori %parallel_loop3A_763, %iota3A : vector<16xi32>
        %parallel_loop3A_765 = arith.addi %mul3A_6, %parallel_loop3A_764 : vector<16xi32>
        tpu.vector_store_idx %arg10[%parallel_loop3A_765], %broadcast_in_dim3A_1 {add = true} : memref<32768xi32, #tpu.memory_space<vmem>>[vector<16xi32>], vector<16xi32>,
      } {sc.loop_unroll_factor = 8 : i64, sc.parallel_access}
      %add3A_737 = arith.constant 3 : i32
      %add3A_738 = arith.addi %mul3A_718, %add3A_737 : i32
      %lt3A_739 = arith.constant 50 : i32
      %lt3A_740 = arith.cmpi slt, %add3A_738, %lt3A_739 : i32
      %convert_element_type3A_741 = arith.extui %lt3A_740 : i1 to i32
      %cond3A_742 = arith.constant 0 : i32
      %cond3A_743 = arith.cmpi ne, %convert_element_type3A_741, %cond3A_742 : i32
      scf.if %cond3A_743 {
        %mul3A_745 = arith.constant 400000 : i32
        %mul3A_746 = arith.muli %add3A_359, %mul3A_745 : i32
        %add3A_747 = arith.constant 3 : i32
        %add3A_748 = arith.addi %mul3A_718, %add3A_747 : i32
        %mul3A_749 = arith.constant 8000 : i32
        %mul3A_750 = arith.muli %add3A_748, %mul3A_749 : i32
        %add3A_751 = arith.addi %mul3A_746, %mul3A_750 : i32
        %dma_start3A_752 = tpu.memref_slice %arg2[%add3A_751] : memref<25600000xf32, #tpu.memory_space<hbm>> -> memref<8000xf32, #tpu.memory_space<hbm>>
        %dma_start3A_753 = tpu.memref_slice %arg2[%add3A_751] : memref<25600000xf32, #tpu.memory_space<hbm>> -> memref<8000xf32, #tpu.memory_space<hbm>>
        tpu.enqueue_dma source(%dma_start3A_753 : memref<8000xf32, #tpu.memory_space<hbm>>) target(%arg9 : memref<8000xf32, #tpu.memory_space<vmem>>) target_semaphore(%arg25 : memref<!tpu.dma_semaphore, #tpu.memory_space<semaphore_mem>>)
      } else {
      }
      %scan3A_744 = arith.constant 0 : i32
      scf.yield %scan3A_744 : i32
    }
    %scan3A_379 = arith.constant 25 : i32
    %scan3A_380 = arith.constant 0 : i32
    %scan3A_381 = arith.constant -1 : i32
    %scan3A_382 = arith.constant 0 : i32
    %scan3A_383 = arith.constant 128 : i32
    %scan3A_384 = arith.addi %scan3A_382, %scan3A_383 : i32
    %scan3A_385 = arith.constant 1 : i32
    %scan3A_386:2 = scf.for %scan3A_715 = %scan3A_382 to %scan3A_384 step %scan3A_385 iter_args(%scan3A_716 = %scan3A_380, %scan3A_717 = %scan3A_381) -> (i32, i32)  : i32 {
      %sub3A_718 = arith.constant 127 : i32
      %sub3A_719 = arith.subi %sub3A_718, %scan3A_715 : i32
      %mul3A_720 = arith.constant 16 : i32
      %mul3A_721 = arith.muli %sub3A_719, %mul3A_720 : i32
      %get3A_722 = arith.index_cast %mul3A_721 : i32 to index
      %get3A_723 = tpu.vector_load %arg10[%get3A_722] {strides = array<i32>} : memref<32768xi32, #tpu.memory_space<vmem>>, vector<16xi32>,
      %mul3A_724 = arith.constant 16 : i32
      %mul3A_725 = arith.muli %sub3A_719, %mul3A_724 : i32
      %add3A_726 = arith.constant 2048 : i32
      %add3A_727 = arith.addi %add3A_726, %mul3A_725 : i32
      %get3A_728 = arith.index_cast %add3A_727 : i32 to index
      %get3A_729 = tpu.vector_load %arg10[%get3A_728] {strides = array<i32>} : memref<32768xi32, #tpu.memory_space<vmem>>, vector<16xi32>,
      %xor3A = arith.constant 1 : i32
      %xor3A_730 = vector.broadcast %xor3A : i32 to vector<16xi32>
      %xor3A_731 = arith.xori %iota3A, %xor3A_730 : vector<16xi32>
      %lt3A = arith.constant 0 : i32
      %lt3A_732 = vector.broadcast %lt3A : i32 to vector<16xi32>
      %lt3A_733 = arith.cmpi slt, %xor3A_731, %lt3A_732 : vector<16xi32>
      %add3A_734 = arith.constant 16 : i32
      %add3A_735 = vector.broadcast %add3A_734 : i32 to vector<16xi32>
      %add3A_736 = arith.addi %xor3A_731, %add3A_735 : vector<16xi32>
      %select_n3A = arith.select %lt3A_733, %add3A_736, %xor3A_731 : vector<16xi1>, vector<16xi32>
      %broadcast_in_dim3A_737 = vector.shape_cast %select_n3A : vector<16xi32> to vector<16x1xi32>
      %gather3A = vector.shape_cast %broadcast_in_dim3A_737 : vector<16x1xi32> to vector<16xi32>
      %gather3A_738 = tpu.dynamic_gather %get3A_729[%gather3A] in [0] : vector<16xi32>, vector<16xi32> -> vector<16xi32>
      %add3A_739 = arith.addi %get3A_723, %gather3A_738 : vector<16xi32>
      %mul3A_740 = arith.constant 16 : i32
      %mul3A_741 = arith.muli %sub3A_719, %mul3A_740 : i32
      %add3A_742 = arith.constant 4096 : i32
      %add3A_743 = arith.addi %add3A_742, %mul3A_741 : i32
      %get3A_744 = arith.index_cast %add3A_743 : i32 to index
      %get3A_745 = tpu.vector_load %arg10[%get3A_744] {strides = array<i32>} : memref<32768xi32, #tpu.memory_space<vmem>>, vector<16xi32>,
      %xor3A_746 = arith.constant 2 : i32
      %xor3A_747 = vector.broadcast %xor3A_746 : i32 to vector<16xi32>
      %xor3A_748 = arith.xori %iota3A, %xor3A_747 : vector<16xi32>
      %lt3A_749 = arith.constant 0 : i32
      %lt3A_750 = vector.broadcast %lt3A_749 : i32 to vector<16xi32>
      %lt3A_751 = arith.cmpi slt, %xor3A_748, %lt3A_750 : vector<16xi32>
      %add3A_752 = arith.constant 16 : i32
      %add3A_753 = vector.broadcast %add3A_752 : i32 to vector<16xi32>
      %add3A_754 = arith.addi %xor3A_748, %add3A_753 : vector<16xi32>
      %select_n3A_755 = arith.select %lt3A_751, %add3A_754, %xor3A_748 : vector<16xi1>, vector<16xi32>
      %broadcast_in_dim3A_756 = vector.shape_cast %select_n3A_755 : vector<16xi32> to vector<16x1xi32>
      %gather3A_757 = vector.shape_cast %broadcast_in_dim3A_756 : vector<16x1xi32> to vector<16xi32>
      %gather3A_758 = tpu.dynamic_gather %get3A_745[%gather3A_757] in [0] : vector<16xi32>, vector<16xi32> -> vector<16xi32>
      %add3A_759 = arith.addi %add3A_739, %gather3A_758 : vector<16xi32>
      %mul3A_760 = arith.constant 16 : i32
      %mul3A_761 = arith.muli %sub3A_719, %mul3A_760 : i32
      %add3A_762 = arith.constant 6144 : i32
      %add3A_763 = arith.addi %add3A_762, %mul3A_761 : i32
      %get3A_764 = arith.index_cast %add3A_763 : i32 to index
      %get3A_765 = tpu.vector_load %arg10[%get3A_764] {strides = array<i32>} : memref<32768xi32, #tpu.memory_space<vmem>>, vector<16xi32>,
      %xor3A_766 = arith.constant 3 : i32
      %xor3A_767 = vector.broadcast %xor3A_766 : i32 to vector<16xi32>
      %xor3A_768 = arith.xori %iota3A, %xor3A_767 : vector<16xi32>
      %lt3A_769 = arith.constant 0 : i32
      %lt3A_770 = vector.broadcast %lt3A_769 : i32 to vector<16xi32>
      %lt3A_771 = arith.cmpi slt, %xor3A_768, %lt3A_770 : vector<16xi32>
      %add3A_772 = arith.constant 16 : i32
      %add3A_773 = vector.broadcast %add3A_772 : i32 to vector<16xi32>
      %add3A_774 = arith.addi %xor3A_768, %add3A_773 : vector<16xi32>
      %select_n3A_775 = arith.select %lt3A_771, %add3A_774, %xor3A_768 : vector<16xi1>, vector<16xi32>
      %broadcast_in_dim3A_776 = vector.shape_cast %select_n3A_775 : vector<16xi32> to vector<16x1xi32>
      %gather3A_777 = vector.shape_cast %broadcast_in_dim3A_776 : vector<16x1xi32> to vector<16xi32>
      %gather3A_778 = tpu.dynamic_gather %get3A_765[%gather3A_777] in [0] : vector<16xi32>, vector<16xi32> -> vector<16xi32>
      %add3A_779 = arith.addi %add3A_759, %gather3A_778 : vector<16xi32>
      %mul3A_780 = arith.constant 16 : i32
      %mul3A_781 = arith.muli %sub3A_719, %mul3A_780 : i32
      %add3A_782 = arith.constant 8192 : i32
      %add3A_783 = arith.addi %add3A_782, %mul3A_781 : i32
      %get3A_784 = arith.index_cast %add3A_783 : i32 to index
      %get3A_785 = tpu.vector_load %arg10[%get3A_784] {strides = array<i32>} : memref<32768xi32, #tpu.memory_space<vmem>>, vector<16xi32>,
      %xor3A_786 = arith.constant 4 : i32
      %xor3A_787 = vector.broadcast %xor3A_786 : i32 to vector<16xi32>
      %xor3A_788 = arith.xori %iota3A, %xor3A_787 : vector<16xi32>
      %lt3A_789 = arith.constant 0 : i32
      %lt3A_790 = vector.broadcast %lt3A_789 : i32 to vector<16xi32>
      %lt3A_791 = arith.cmpi slt, %xor3A_788, %lt3A_790 : vector<16xi32>
      %add3A_792 = arith.constant 16 : i32
      %add3A_793 = vector.broadcast %add3A_792 : i32 to vector<16xi32>
      %add3A_794 = arith.addi %xor3A_788, %add3A_793 : vector<16xi32>
      %select_n3A_795 = arith.select %lt3A_791, %add3A_794, %xor3A_788 : vector<16xi1>, vector<16xi32>
      %broadcast_in_dim3A_796 = vector.shape_cast %select_n3A_795 : vector<16xi32> to vector<16x1xi32>
      %gather3A_797 = vector.shape_cast %broadcast_in_dim3A_796 : vector<16x1xi32> to vector<16xi32>
      %gather3A_798 = tpu.dynamic_gather %get3A_785[%gather3A_797] in [0] : vector<16xi32>, vector<16xi32> -> vector<16xi32>
      %add3A_799 = arith.addi %add3A_779, %gather3A_798 : vector<16xi32>
      %mul3A_800 = arith.constant 16 : i32
      %mul3A_801 = arith.muli %sub3A_719, %mul3A_800 : i32
      %add3A_802 = arith.constant 10240 : i32
      %add3A_803 = arith.addi %add3A_802, %mul3A_801 : i32
      %get3A_804 = arith.index_cast %add3A_803 : i32 to index
      %get3A_805 = tpu.vector_load %arg10[%get3A_804] {strides = array<i32>} : memref<32768xi32, #tpu.memory_space<vmem>>, vector<16xi32>,
      %xor3A_806 = arith.constant 5 : i32
      %xor3A_807 = vector.broadcast %xor3A_806 : i32 to vector<16xi32>
      %xor3A_808 = arith.xori %iota3A, %xor3A_807 : vector<16xi32>
      %lt3A_809 = arith.constant 0 : i32
      %lt3A_810 = vector.broadcast %lt3A_809 : i32 to vector<16xi32>
      %lt3A_811 = arith.cmpi slt, %xor3A_808, %lt3A_810 : vector<16xi32>
      %add3A_812 = arith.constant 16 : i32
      %add3A_813 = vector.broadcast %add3A_812 : i32 to vector<16xi32>
      %add3A_814 = arith.addi %xor3A_808, %add3A_813 : vector<16xi32>
      %select_n3A_815 = arith.select %lt3A_811, %add3A_814, %xor3A_808 : vector<16xi1>, vector<16xi32>
      %broadcast_in_dim3A_816 = vector.shape_cast %select_n3A_815 : vector<16xi32> to vector<16x1xi32>
      %gather3A_817 = vector.shape_cast %broadcast_in_dim3A_816 : vector<16x1xi32> to vector<16xi32>
      %gather3A_818 = tpu.dynamic_gather %get3A_805[%gather3A_817] in [0] : vector<16xi32>, vector<16xi32> -> vector<16xi32>
      %add3A_819 = arith.addi %add3A_799, %gather3A_818 : vector<16xi32>
      %mul3A_820 = arith.constant 16 : i32
      %mul3A_821 = arith.muli %sub3A_719, %mul3A_820 : i32
      %add3A_822 = arith.constant 12288 : i32
      %add3A_823 = arith.addi %add3A_822, %mul3A_821 : i32
      %get3A_824 = arith.index_cast %add3A_823 : i32 to index
      %get3A_825 = tpu.vector_load %arg10[%get3A_824] {strides = array<i32>} : memref<32768xi32, #tpu.memory_space<vmem>>, vector<16xi32>,
      %xor3A_826 = arith.constant 6 : i32
      %xor3A_827 = vector.broadcast %xor3A_826 : i32 to vector<16xi32>
      %xor3A_828 = arith.xori %iota3A, %xor3A_827 : vector<16xi32>
      %lt3A_829 = arith.constant 0 : i32
      %lt3A_830 = vector.broadcast %lt3A_829 : i32 to vector<16xi32>
      %lt3A_831 = arith.cmpi slt, %xor3A_828, %lt3A_830 : vector<16xi32>
      %add3A_832 = arith.constant 16 : i32
      %add3A_833 = vector.broadcast %add3A_832 : i32 to vector<16xi32>
      %add3A_834 = arith.addi %xor3A_828, %add3A_833 : vector<16xi32>
      %select_n3A_835 = arith.select %lt3A_831, %add3A_834, %xor3A_828 : vector<16xi1>, vector<16xi32>
      %broadcast_in_dim3A_836 = vector.shape_cast %select_n3A_835 : vector<16xi32> to vector<16x1xi32>
      %gather3A_837 = vector.shape_cast %broadcast_in_dim3A_836 : vector<16x1xi32> to vector<16xi32>
      %gather3A_838 = tpu.dynamic_gather %get3A_825[%gather3A_837] in [0] : vector<16xi32>, vector<16xi32> -> vector<16xi32>
      %add3A_839 = arith.addi %add3A_819, %gather3A_838 : vector<16xi32>
      %mul3A_840 = arith.constant 16 : i32
      %mul3A_841 = arith.muli %sub3A_719, %mul3A_840 : i32
      %add3A_842 = arith.constant 14336 : i32
      %add3A_843 = arith.addi %add3A_842, %mul3A_841 : i32
      %get3A_844 = arith.index_cast %add3A_843 : i32 to index
      %get3A_845 = tpu.vector_load %arg10[%get3A_844] {strides = array<i32>} : memref<32768xi32, #tpu.memory_space<vmem>>, vector<16xi32>,
      %xor3A_846 = arith.constant 7 : i32
      %xor3A_847 = vector.broadcast %xor3A_846 : i32 to vector<16xi32>
      %xor3A_848 = arith.xori %iota3A, %xor3A_847 : vector<16xi32>
      %lt3A_849 = arith.constant 0 : i32
      %lt3A_850 = vector.broadcast %lt3A_849 : i32 to vector<16xi32>
      %lt3A_851 = arith.cmpi slt, %xor3A_848, %lt3A_850 : vector<16xi32>
      %add3A_852 = arith.constant 16 : i32
      %add3A_853 = vector.broadcast %add3A_852 : i32 to vector<16xi32>
      %add3A_854 = arith.addi %xor3A_848, %add3A_853 : vector<16xi32>
      %select_n3A_855 = arith.select %lt3A_851, %add3A_854, %xor3A_848 : vector<16xi1>, vector<16xi32>
      %broadcast_in_dim3A_856 = vector.shape_cast %select_n3A_855 : vector<16xi32> to vector<16x1xi32>
      %gather3A_857 = vector.shape_cast %broadcast_in_dim3A_856 : vector<16x1xi32> to vector<16xi32>
      %gather3A_858 = tpu.dynamic_gather %get3A_845[%gather3A_857] in [0] : vector<16xi32>, vector<16xi32> -> vector<16xi32>
      %add3A_859 = arith.addi %add3A_839, %gather3A_858 : vector<16xi32>
      %mul3A_860 = arith.constant 16 : i32
      %mul3A_861 = arith.muli %sub3A_719, %mul3A_860 : i32
      %add3A_862 = arith.constant 16384 : i32
      %add3A_863 = arith.addi %add3A_862, %mul3A_861 : i32
      %get3A_864 = arith.index_cast %add3A_863 : i32 to index
      %get3A_865 = tpu.vector_load %arg10[%get3A_864] {strides = array<i32>} : memref<32768xi32, #tpu.memory_space<vmem>>, vector<16xi32>,
      %xor3A_866 = arith.constant 8 : i32
      %xor3A_867 = vector.broadcast %xor3A_866 : i32 to vector<16xi32>
      %xor3A_868 = arith.xori %iota3A, %xor3A_867 : vector<16xi32>
      %lt3A_869 = arith.constant 0 : i32
      %lt3A_870 = vector.broadcast %lt3A_869 : i32 to vector<16xi32>
      %lt3A_871 = arith.cmpi slt, %xor3A_868, %lt3A_870 : vector<16xi32>
      %add3A_872 = arith.constant 16 : i32
      %add3A_873 = vector.broadcast %add3A_872 : i32 to vector<16xi32>
      %add3A_874 = arith.addi %xor3A_868, %add3A_873 : vector<16xi32>
      %select_n3A_875 = arith.select %lt3A_871, %add3A_874, %xor3A_868 : vector<16xi1>, vector<16xi32>
      %broadcast_in_dim3A_876 = vector.shape_cast %select_n3A_875 : vector<16xi32> to vector<16x1xi32>
      %gather3A_877 = vector.shape_cast %broadcast_in_dim3A_876 : vector<16x1xi32> to vector<16xi32>
      %gather3A_878 = tpu.dynamic_gather %get3A_865[%gather3A_877] in [0] : vector<16xi32>, vector<16xi32> -> vector<16xi32>
      %add3A_879 = arith.addi %add3A_859, %gather3A_878 : vector<16xi32>
      %mul3A_880 = arith.constant 16 : i32
      %mul3A_881 = arith.muli %sub3A_719, %mul3A_880 : i32
      %add3A_882 = arith.constant 18432 : i32
      %add3A_883 = arith.addi %add3A_882, %mul3A_881 : i32
      %get3A_884 = arith.index_cast %add3A_883 : i32 to index
      %get3A_885 = tpu.vector_load %arg10[%get3A_884] {strides = array<i32>} : memref<32768xi32, #tpu.memory_space<vmem>>, vector<16xi32>,
      %xor3A_886 = arith.constant 9 : i32
      %xor3A_887 = vector.broadcast %xor3A_886 : i32 to vector<16xi32>
      %xor3A_888 = arith.xori %iota3A, %xor3A_887 : vector<16xi32>
      %lt3A_889 = arith.constant 0 : i32
      %lt3A_890 = vector.broadcast %lt3A_889 : i32 to vector<16xi32>
      %lt3A_891 = arith.cmpi slt, %xor3A_888, %lt3A_890 : vector<16xi32>
      %add3A_892 = arith.constant 16 : i32
      %add3A_893 = vector.broadcast %add3A_892 : i32 to vector<16xi32>
      %add3A_894 = arith.addi %xor3A_888, %add3A_893 : vector<16xi32>
      %select_n3A_895 = arith.select %lt3A_891, %add3A_894, %xor3A_888 : vector<16xi1>, vector<16xi32>
      %broadcast_in_dim3A_896 = vector.shape_cast %select_n3A_895 : vector<16xi32> to vector<16x1xi32>
      %gather3A_897 = vector.shape_cast %broadcast_in_dim3A_896 : vector<16x1xi32> to vector<16xi32>
      %gather3A_898 = tpu.dynamic_gather %get3A_885[%gather3A_897] in [0] : vector<16xi32>, vector<16xi32> -> vector<16xi32>
      %add3A_899 = arith.addi %add3A_879, %gather3A_898 : vector<16xi32>
      %mul3A_900 = arith.constant 16 : i32
      %mul3A_901 = arith.muli %sub3A_719, %mul3A_900 : i32
      %add3A_902 = arith.constant 20480 : i32
      %add3A_903 = arith.addi %add3A_902, %mul3A_901 : i32
      %get3A_904 = arith.index_cast %add3A_903 : i32 to index
      %get3A_905 = tpu.vector_load %arg10[%get3A_904] {strides = array<i32>} : memref<32768xi32, #tpu.memory_space<vmem>>, vector<16xi32>,
      %xor3A_906 = arith.constant 10 : i32
      %xor3A_907 = vector.broadcast %xor3A_906 : i32 to vector<16xi32>
      %xor3A_908 = arith.xori %iota3A, %xor3A_907 : vector<16xi32>
      %lt3A_909 = arith.constant 0 : i32
      %lt3A_910 = vector.broadcast %lt3A_909 : i32 to vector<16xi32>
      %lt3A_911 = arith.cmpi slt, %xor3A_908, %lt3A_910 : vector<16xi32>
      %add3A_912 = arith.constant 16 : i32
      %add3A_913 = vector.broadcast %add3A_912 : i32 to vector<16xi32>
      %add3A_914 = arith.addi %xor3A_908, %add3A_913 : vector<16xi32>
      %select_n3A_915 = arith.select %lt3A_911, %add3A_914, %xor3A_908 : vector<16xi1>, vector<16xi32>
      %broadcast_in_dim3A_916 = vector.shape_cast %select_n3A_915 : vector<16xi32> to vector<16x1xi32>
      %gather3A_917 = vector.shape_cast %broadcast_in_dim3A_916 : vector<16x1xi32> to vector<16xi32>
      %gather3A_918 = tpu.dynamic_gather %get3A_905[%gather3A_917] in [0] : vector<16xi32>, vector<16xi32> -> vector<16xi32>
      %add3A_919 = arith.addi %add3A_899, %gather3A_918 : vector<16xi32>
      %mul3A_920 = arith.constant 16 : i32
      %mul3A_921 = arith.muli %sub3A_719, %mul3A_920 : i32
      %add3A_922 = arith.constant 22528 : i32
      %add3A_923 = arith.addi %add3A_922, %mul3A_921 : i32
      %get3A_924 = arith.index_cast %add3A_923 : i32 to index
      %get3A_925 = tpu.vector_load %arg10[%get3A_924] {strides = array<i32>} : memref<32768xi32, #tpu.memory_space<vmem>>, vector<16xi32>,
      %xor3A_926 = arith.constant 11 : i32
      %xor3A_927 = vector.broadcast %xor3A_926 : i32 to vector<16xi32>
      %xor3A_928 = arith.xori %iota3A, %xor3A_927 : vector<16xi32>
      %lt3A_929 = arith.constant 0 : i32
      %lt3A_930 = vector.broadcast %lt3A_929 : i32 to vector<16xi32>
      %lt3A_931 = arith.cmpi slt, %xor3A_928, %lt3A_930 : vector<16xi32>
      %add3A_932 = arith.constant 16 : i32
      %add3A_933 = vector.broadcast %add3A_932 : i32 to vector<16xi32>
      %add3A_934 = arith.addi %xor3A_928, %add3A_933 : vector<16xi32>
      %select_n3A_935 = arith.select %lt3A_931, %add3A_934, %xor3A_928 : vector<16xi1>, vector<16xi32>
      %broadcast_in_dim3A_936 = vector.shape_cast %select_n3A_935 : vector<16xi32> to vector<16x1xi32>
      %gather3A_937 = vector.shape_cast %broadcast_in_dim3A_936 : vector<16x1xi32> to vector<16xi32>
      %gather3A_938 = tpu.dynamic_gather %get3A_925[%gather3A_937] in [0] : vector<16xi32>, vector<16xi32> -> vector<16xi32>
      %add3A_939 = arith.addi %add3A_919, %gather3A_938 : vector<16xi32>
      %mul3A_940 = arith.constant 16 : i32
      %mul3A_941 = arith.muli %sub3A_719, %mul3A_940 : i32
      %add3A_942 = arith.constant 24576 : i32
      %add3A_943 = arith.addi %add3A_942, %mul3A_941 : i32
      %get3A_944 = arith.index_cast %add3A_943 : i32 to index
      %get3A_945 = tpu.vector_load %arg10[%get3A_944] {strides = array<i32>} : memref<32768xi32, #tpu.memory_space<vmem>>, vector<16xi32>,
      %xor3A_946 = arith.constant 12 : i32
      %xor3A_947 = vector.broadcast %xor3A_946 : i32 to vector<16xi32>
      %xor3A_948 = arith.xori %iota3A, %xor3A_947 : vector<16xi32>
      %lt3A_949 = arith.constant 0 : i32
      %lt3A_950 = vector.broadcast %lt3A_949 : i32 to vector<16xi32>
      %lt3A_951 = arith.cmpi slt, %xor3A_948, %lt3A_950 : vector<16xi32>
      %add3A_952 = arith.constant 16 : i32
      %add3A_953 = vector.broadcast %add3A_952 : i32 to vector<16xi32>
      %add3A_954 = arith.addi %xor3A_948, %add3A_953 : vector<16xi32>
      %select_n3A_955 = arith.select %lt3A_951, %add3A_954, %xor3A_948 : vector<16xi1>, vector<16xi32>
      %broadcast_in_dim3A_956 = vector.shape_cast %select_n3A_955 : vector<16xi32> to vector<16x1xi32>
      %gather3A_957 = vector.shape_cast %broadcast_in_dim3A_956 : vector<16x1xi32> to vector<16xi32>
      %gather3A_958 = tpu.dynamic_gather %get3A_945[%gather3A_957] in [0] : vector<16xi32>, vector<16xi32> -> vector<16xi32>
      %add3A_959 = arith.addi %add3A_939, %gather3A_958 : vector<16xi32>
      %mul3A_960 = arith.constant 16 : i32
      %mul3A_961 = arith.muli %sub3A_719, %mul3A_960 : i32
      %add3A_962 = arith.constant 26624 : i32
      %add3A_963 = arith.addi %add3A_962, %mul3A_961 : i32
      %get3A_964 = arith.index_cast %add3A_963 : i32 to index
      %get3A_965 = tpu.vector_load %arg10[%get3A_964] {strides = array<i32>} : memref<32768xi32, #tpu.memory_space<vmem>>, vector<16xi32>,
      %xor3A_966 = arith.constant 13 : i32
      %xor3A_967 = vector.broadcast %xor3A_966 : i32 to vector<16xi32>
      %xor3A_968 = arith.xori %iota3A, %xor3A_967 : vector<16xi32>
      %lt3A_969 = arith.constant 0 : i32
      %lt3A_970 = vector.broadcast %lt3A_969 : i32 to vector<16xi32>
      %lt3A_971 = arith.cmpi slt, %xor3A_968, %lt3A_970 : vector<16xi32>
      %add3A_972 = arith.constant 16 : i32
      %add3A_973 = vector.broadcast %add3A_972 : i32 to vector<16xi32>
      %add3A_974 = arith.addi %xor3A_968, %add3A_973 : vector<16xi32>
      %select_n3A_975 = arith.select %lt3A_971, %add3A_974, %xor3A_968 : vector<16xi1>, vector<16xi32>
      %broadcast_in_dim3A_976 = vector.shape_cast %select_n3A_975 : vector<16xi32> to vector<16x1xi32>
      %gather3A_977 = vector.shape_cast %broadcast_in_dim3A_976 : vector<16x1xi32> to vector<16xi32>
      %gather3A_978 = tpu.dynamic_gather %get3A_965[%gather3A_977] in [0] : vector<16xi32>, vector<16xi32> -> vector<16xi32>
      %add3A_979 = arith.addi %add3A_959, %gather3A_978 : vector<16xi32>
      %mul3A_980 = arith.constant 16 : i32
      %mul3A_981 = arith.muli %sub3A_719, %mul3A_980 : i32
      %add3A_982 = arith.constant 28672 : i32
      %add3A_983 = arith.addi %add3A_982, %mul3A_981 : i32
      %get3A_984 = arith.index_cast %add3A_983 : i32 to index
      %get3A_985 = tpu.vector_load %arg10[%get3A_984] {strides = array<i32>} : memref<32768xi32, #tpu.memory_space<vmem>>, vector<16xi32>,
      %xor3A_986 = arith.constant 14 : i32
      %xor3A_987 = vector.broadcast %xor3A_986 : i32 to vector<16xi32>
      %xor3A_988 = arith.xori %iota3A, %xor3A_987 : vector<16xi32>
      %lt3A_989 = arith.constant 0 : i32
      %lt3A_990 = vector.broadcast %lt3A_989 : i32 to vector<16xi32>
      %lt3A_991 = arith.cmpi slt, %xor3A_988, %lt3A_990 : vector<16xi32>
      %add3A_992 = arith.constant 16 : i32
      %add3A_993 = vector.broadcast %add3A_992 : i32 to vector<16xi32>
      %add3A_994 = arith.addi %xor3A_988, %add3A_993 : vector<16xi32>
      %select_n3A_995 = arith.select %lt3A_991, %add3A_994, %xor3A_988 : vector<16xi1>, vector<16xi32>
      %broadcast_in_dim3A_996 = vector.shape_cast %select_n3A_995 : vector<16xi32> to vector<16x1xi32>
      %gather3A_997 = vector.shape_cast %broadcast_in_dim3A_996 : vector<16x1xi32> to vector<16xi32>
      %gather3A_998 = tpu.dynamic_gather %get3A_985[%gather3A_997] in [0] : vector<16xi32>, vector<16xi32> -> vector<16xi32>
      %add3A_999 = arith.addi %add3A_979, %gather3A_998 : vector<16xi32>
      %mul3A_1000 = arith.constant 16 : i32
      %mul3A_1001 = arith.muli %sub3A_719, %mul3A_1000 : i32
      %add3A_1002 = arith.constant 30720 : i32
      %add3A_1003 = arith.addi %add3A_1002, %mul3A_1001 : i32
      %get3A_1004 = arith.index_cast %add3A_1003 : i32 to index
      %get3A_1005 = tpu.vector_load %arg10[%get3A_1004] {strides = array<i32>} : memref<32768xi32, #tpu.memory_space<vmem>>, vector<16xi32>,
      %xor3A_1006 = arith.constant 15 : i32
      %xor3A_1007 = vector.broadcast %xor3A_1006 : i32 to vector<16xi32>
      %xor3A_1008 = arith.xori %iota3A, %xor3A_1007 : vector<16xi32>
      %lt3A_1009 = arith.constant 0 : i32
      %lt3A_1010 = vector.broadcast %lt3A_1009 : i32 to vector<16xi32>
      %lt3A_1011 = arith.cmpi slt, %xor3A_1008, %lt3A_1010 : vector<16xi32>
      %add3A_1012 = arith.constant 16 : i32
      %add3A_1013 = vector.broadcast %add3A_1012 : i32 to vector<16xi32>
      %add3A_1014 = arith.addi %xor3A_1008, %add3A_1013 : vector<16xi32>
      %select_n3A_1015 = arith.select %lt3A_1011, %add3A_1014, %xor3A_1008 : vector<16xi1>, vector<16xi32>
      %broadcast_in_dim3A_1016 = vector.shape_cast %select_n3A_1015 : vector<16xi32> to vector<16x1xi32>
      %gather3A_1017 = vector.shape_cast %broadcast_in_dim3A_1016 : vector<16x1xi32> to vector<16xi32>
      %gather3A_1018 = tpu.dynamic_gather %get3A_1005[%gather3A_1017] in [0] : vector<16xi32>, vector<16xi32> -> vector<16xi32>
      %add3A_1019 = arith.addi %add3A_999, %gather3A_1018 : vector<16xi32>
      %rev3A = arith.constant 15 : i32
      %rev3A_1020 = vector.broadcast %rev3A : i32 to vector<16xi32>
      %rev3A_1021 = tpu.iota {dimensions = array<i32: 0>} : vector<16xi32>
      %rev3A_1022 = arith.subi %rev3A_1020, %rev3A_1021 : vector<16xi32>
      %rev3A_1023 = tpu.dynamic_gather %add3A_1019[%rev3A_1022] in [0] : vector<16xi32>, vector<16xi32> -> vector<16xi32>
      %broadcast_in_dim3A_1024 = arith.constant true
      %broadcast_in_dim3A_1025 = vector.broadcast %broadcast_in_dim3A_1024 : i1 to vector<16xi1>
      %masked_cumsum3A_1026 = tpu.scan <sum>, %rev3A_1023 masked %broadcast_in_dim3A_1025 : vector<16xi32>, vector<16xi1> -> vector<16xi32>
      %add3A_1027 = vector.broadcast %scan3A_716 : i32 to vector<16xi32>
      %add3A_1028 = arith.addi %masked_cumsum3A_1026, %add3A_1027 : vector<16xi32>
      %mul3A_1029 = arith.constant 16 : i32
      %mul3A_1030 = arith.muli %sub3A_719, %mul3A_1029 : i32
      %add3A_1031 = arith.constant 15 : i32
      %add3A_1032 = arith.addi %mul3A_1030, %add3A_1031 : i32
      %sub3A_1033 = vector.broadcast %add3A_1032 : i32 to vector<16xi32>
      %sub3A_1034 = arith.subi %sub3A_1033, %iota3A : vector<16xi32>
      %ge3A = arith.constant 301 : i32
      %ge3A_1035 = vector.broadcast %ge3A : i32 to vector<16xi32>
      %ge3A_1036 = arith.cmpi sge, %add3A_1028, %ge3A_1035 : vector<16xi32>
      %jit3A = arith.constant -1 : i32
      %broadcast_in_dim3A_1037 = vector.broadcast %jit3A : i32 to vector<16xi32>
      %select_n3A_1038 = arith.select %ge3A_1036, %sub3A_1034, %broadcast_in_dim3A_1037 : vector<16xi1>, vector<16xi32>
      %reduce_max3A = arith.constant true
      %reduce_max3A_1039 = vector.broadcast %reduce_max3A : i1 to vector<16xi1>
      %reduce_max3A_1040 = arith.constant -2147483648 : i32
      %reduce_max3A_1041 = vector.broadcast %reduce_max3A_1040 : i32 to vector<16xi32>
      %reduce_max3A_1042 = arith.xori %select_n3A_1038, %reduce_max3A_1041 : vector<16xi32>
      %reduce_max3A_1043 = tpu.scan <max>, %reduce_max3A_1042 masked %reduce_max3A_1039 : vector<16xi32>, vector<16xi1> -> vector<16xi32>
      %reduce_max3A_1044 = arith.xori %reduce_max3A_1043, %reduce_max3A_1041 : vector<16xi32>
      %reduce_max3A_1045 = vector.extract %reduce_max3A_1044[15] : i32 from vector<16xi32>
      %max3A = arith.maxsi %scan3A_717, %reduce_max3A_1045 : i32
      %slice3A_1046 = vector.extract_strided_slice %masked_cumsum3A_1026 {offsets = [15], sizes = [1], strides = [1]} : vector<16xi32> to vector<1xi32>
      %squeeze3A_1047 = vector.extract %slice3A_1046[0] : i32 from vector<1xi32>
      %add3A_1048 = arith.addi %scan3A_716, %squeeze3A_1047 : i32
      scf.yield %add3A_1048, %max3A : i32, i32
    }
    %scan3A_387 = arith.constant 128 : i32
    %sub3A_388 = arith.constant 1024 : i32
    %sub3A_389 = arith.subi %scan3A_386#1, %sub3A_388 : i32
    %mul3A_390 = arith.constant 2097152 : i32
    %mul3A_391 = arith.muli %sub3A_389, %mul3A_390 : i32
    %parallel_loop3A_392 = arith.constant 0 : i32
    %parallel_loop3A_393 = arith.constant 129 : i32
    %parallel_loop3A_394 = arith.constant 1 : i32
    scf.for %parallel_loop3A_715 = %parallel_loop3A_392 to %parallel_loop3A_393 step %parallel_loop3A_394  : i32 {
      %parallel_loop3A_716 = arith.constant -1.000000e+30 : f32
      %parallel_loop3A_717 = vector.broadcast %parallel_loop3A_716 : f32 to vector<16xf32>
      %parallel_loop3A_718 = arith.constant 16 : i32
      %parallel_loop3A_719 = arith.muli %parallel_loop3A_715, %parallel_loop3A_718 : i32
      %parallel_loop3A_720 = arith.index_cast %parallel_loop3A_719 : i32 to index
      %parallel_loop3A_721 = tpu.vector_load %arg11[%parallel_loop3A_720] {strides = array<i32>} : memref<2064xf32, #tpu.memory_space<vmem>>, vector<16xf32>,
      tpu.vector_store %arg11[%parallel_loop3A_720], %parallel_loop3A_717 {strides = array<i32>} : memref<2064xf32, #tpu.memory_space<vmem>>, vector<16xf32>,
      %parallel_loop3A_722 = arith.constant 16 : i32
      %parallel_loop3A_723 = arith.muli %parallel_loop3A_715, %parallel_loop3A_722 : i32
      %parallel_loop3A_724 = vector.broadcast %parallel_loop3A_723 : i32 to vector<16xi32>
      %parallel_loop3A_725 = arith.addi %parallel_loop3A_724, %iota3A : vector<16xi32>
      %parallel_loop3A_726 = arith.constant 80 : i32
      %parallel_loop3A_727 = vector.broadcast %parallel_loop3A_726 : i32 to vector<16xi32>
      %parallel_loop3A_728 = arith.muli %parallel_loop3A_725, %parallel_loop3A_727 : vector<16xi32>
      %parallel_loop3A_729 = arith.constant 16 : i32
      %parallel_loop3A_730 = arith.muli %parallel_loop3A_715, %parallel_loop3A_729 : i32
      %parallel_loop3A_731 = arith.index_cast %parallel_loop3A_730 : i32 to index
      %parallel_loop3A_732 = tpu.vector_load %arg12[%parallel_loop3A_731] {strides = array<i32>} : memref<2064xi32, #tpu.memory_space<vmem>>, vector<16xi32>,
      tpu.vector_store %arg12[%parallel_loop3A_731], %parallel_loop3A_728 {strides = array<i32>} : memref<2064xi32, #tpu.memory_space<vmem>>, vector<16xi32>,
    } {sc.loop_unroll_factor = 4 : i64, sc.parallel_access}
    %mul3A_395 = arith.constant 400000 : i32
    %mul3A_396 = arith.muli %add3A_359, %mul3A_395 : i32
    %dma_start3A_397 = tpu.memref_slice %arg2[%mul3A_396] : memref<25600000xf32, #tpu.memory_space<hbm>> -> memref<8000xf32, #tpu.memory_space<hbm>>
    %dma_start3A_398 = tpu.memref_slice %arg2[%mul3A_396] : memref<25600000xf32, #tpu.memory_space<hbm>> -> memref<8000xf32, #tpu.memory_space<hbm>>
    tpu.enqueue_dma source(%dma_start3A_398 : memref<8000xf32, #tpu.memory_space<hbm>>) target(%arg8 : memref<8000xf32, #tpu.memory_space<vmem>>) target_semaphore(%arg24 : memref<!tpu.dma_semaphore, #tpu.memory_space<semaphore_mem>>)
    %mul3A_399 = arith.constant 400000 : i32
    %mul3A_400 = arith.muli %add3A_359, %mul3A_399 : i32
    %add3A_401 = arith.constant 8000 : i32
    %add3A_402 = arith.addi %mul3A_400, %add3A_401 : i32
    %dma_start3A_403 = tpu.memref_slice %arg2[%add3A_402] : memref<25600000xf32, #tpu.memory_space<hbm>> -> memref<8000xf32, #tpu.memory_space<hbm>>
    %dma_start3A_404 = tpu.memref_slice %arg2[%add3A_402] : memref<25600000xf32, #tpu.memory_space<hbm>> -> memref<8000xf32, #tpu.memory_space<hbm>>
    tpu.enqueue_dma source(%dma_start3A_404 : memref<8000xf32, #tpu.memory_space<hbm>>) target(%arg9 : memref<8000xf32, #tpu.memory_space<vmem>>) target_semaphore(%arg25 : memref<!tpu.dma_semaphore, #tpu.memory_space<semaphore_mem>>)
    %mul3A_405 = arith.constant 4 : i32
    %mul3A_406 = arith.muli %add3A_359, %mul3A_405 : i32
    %mul3A_407 = arith.constant 5000 : i32
    %mul3A_408 = arith.muli %mul3A_406, %mul3A_407 : i32
    %dma_start3A_409 = tpu.memref_slice %arg3[%mul3A_408] : memref<1280000xf32, #tpu.memory_space<hbm>> -> memref<20000xf32, #tpu.memory_space<hbm>>
    %dma_start3A_410 = tpu.memref_slice %arg3[%mul3A_408] : memref<1280000xf32, #tpu.memory_space<hbm>> -> memref<20000xf32, #tpu.memory_space<hbm>>
    tpu.enqueue_dma source(%dma_start3A_410 : memref<20000xf32, #tpu.memory_space<hbm>>) target(%arg19 : memref<20000xf32, #tpu.memory_space<vmem>>) target_semaphore(%arg26 : memref<!tpu.dma_semaphore, #tpu.memory_space<semaphore_mem>>)
    %scan3A_411 = arith.constant 0 : i32
    %scan3A_412 = arith.constant 25 : i32
    %scan3A_413 = arith.addi %scan3A_411, %scan3A_412 : i32
    %scan3A_414 = arith.constant 1 : i32
    %scan3A_415 = scf.for %scan3A_715 = %scan3A_411 to %scan3A_413 step %scan3A_414 iter_args(%scan3A_716 = %broadcast_in_dim3A_3) -> (vector<16xi32>)  : i32 {
      %mul3A_717 = arith.constant 2 : i32
      %mul3A_718 = arith.muli %mul3A_717, %scan3A_715 : i32
      %mul3A_719 = arith.constant 400000 : i32
      %mul3A_720 = arith.muli %add3A_359, %mul3A_719 : i32
      %dma_wait3A_721 = tpu.memref_slice %arg2[%mul3A_720] : memref<25600000xf32, #tpu.memory_space<hbm>> -> memref<8000xf32, #tpu.memory_space<hbm>>
      %dma_wait3A_722 = tpu.memref_slice %arg2[%mul3A_720] : memref<25600000xf32, #tpu.memory_space<hbm>> -> memref<8000xf32, #tpu.memory_space<hbm>>
      tpu.wait_dma2 semaphore(%arg24 : memref<!tpu.dma_semaphore, #tpu.memory_space<semaphore_mem>>) src(%dma_wait3A_722 : memref<8000xf32, #tpu.memory_space<hbm>>) dst(%arg8 : memref<8000xf32, #tpu.memory_space<vmem>>)
      %mul3A_723 = arith.constant 8000 : i32
      %mul3A_724 = arith.muli %mul3A_718, %mul3A_723 : i32
      %parallel_loop3A_725 = arith.constant 0 : i32
      %parallel_loop3A_726 = arith.constant 500 : i32
      %parallel_loop3A_727 = arith.constant 1 : i32
      %parallel_loop3A_728 = scf.for %parallel_loop3A_752 = %parallel_loop3A_725 to %parallel_loop3A_726 step %parallel_loop3A_727 iter_args(%parallel_loop3A_753 = %scan3A_716) -> (vector<16xi32>)  : i32 {
        %parallel_loop3A_754 = arith.constant 16 : i32
        %parallel_loop3A_755 = arith.muli %parallel_loop3A_752, %parallel_loop3A_754 : i32
        %parallel_loop3A_756 = arith.index_cast %parallel_loop3A_755 : i32 to index
        %parallel_loop3A_757 = tpu.vector_load %arg8[%parallel_loop3A_756] {strides = array<i32>} : memref<8000xf32, #tpu.memory_space<vmem>>, vector<16xf32>,
        %parallel_loop3A_758 = vector.bitcast %parallel_loop3A_757 : vector<16xf32> to vector<16xi32>
        %parallel_loop3A_759 = arith.constant 31 : i32
        %parallel_loop3A_760 = vector.broadcast %parallel_loop3A_759 : i32 to vector<16xi32>
        %parallel_loop3A_761 = arith.shrsi %parallel_loop3A_758, %parallel_loop3A_760 : vector<16xi32>
        %parallel_loop3A_762 = arith.constant 2147483647 : i32
        %parallel_loop3A_763 = vector.broadcast %parallel_loop3A_762 : i32 to vector<16xi32>
        %parallel_loop3A_764 = arith.andi %parallel_loop3A_761, %parallel_loop3A_763 : vector<16xi32>
        %parallel_loop3A_765 = arith.xori %parallel_loop3A_758, %parallel_loop3A_764 : vector<16xi32>
        %parallel_loop3A_766 = vector.broadcast %mul3A_391 : i32 to vector<16xi32>
        %parallel_loop3A_767 = arith.cmpi sge, %parallel_loop3A_765, %parallel_loop3A_766 : vector<16xi32>
        %parallel_loop3A_768 = arith.extui %parallel_loop3A_767 : vector<16xi1> to vector<16xi32>
        %parallel_loop3A_769 = arith.constant true
        %parallel_loop3A_770 = vector.broadcast %parallel_loop3A_769 : i1 to vector<16xi1>
        %parallel_loop3A_771 = tpu.scan <sum>, %parallel_loop3A_768 masked %parallel_loop3A_770 : vector<16xi32>, vector<16xi1> -> vector<16xi32>
        %parallel_loop3A_772 = tpu.all_reduce %parallel_loop3A_767 {dim = 0 : i64, kind = #tpu.reduction_kind<sum>} : vector<16xi1> -> vector<16xi32>
        %parallel_loop3A_773 = arith.addi %parallel_loop3A_753, %parallel_loop3A_771 : vector<16xi32>
        %parallel_loop3A_774 = arith.constant 1 : i32
        %parallel_loop3A_775 = vector.broadcast %parallel_loop3A_774 : i32 to vector<16xi32>
        %parallel_loop3A_776 = arith.subi %parallel_loop3A_773, %parallel_loop3A_775 : vector<16xi32>
        %parallel_loop3A_777 = arith.constant 2048 : i32
        %parallel_loop3A_778 = vector.broadcast %parallel_loop3A_777 : i32 to vector<16xi32>
        %parallel_loop3A_779 = arith.cmpi slt, %parallel_loop3A_776, %parallel_loop3A_778 : vector<16xi32>
        %parallel_loop3A_780 = arith.andi %parallel_loop3A_767, %parallel_loop3A_779 : vector<16xi1>
        tpu.vector_store_idx %arg11[%parallel_loop3A_776], %parallel_loop3A_757 masked %parallel_loop3A_780 : memref<2064xf32, #tpu.memory_space<vmem>>[vector<16xi32>], vector<16xf32>, vector<16xi1>
        %parallel_loop3A_781 = arith.constant 16 : i32
        %parallel_loop3A_782 = arith.muli %parallel_loop3A_752, %parallel_loop3A_781 : i32
        %parallel_loop3A_783 = arith.addi %mul3A_724, %parallel_loop3A_782 : i32
        %parallel_loop3A_784 = vector.broadcast %parallel_loop3A_783 : i32 to vector<16xi32>
        %parallel_loop3A_785 = arith.addi %parallel_loop3A_784, %iota3A : vector<16xi32>
        tpu.vector_store_idx %arg12[%parallel_loop3A_776], %parallel_loop3A_785 masked %parallel_loop3A_780 : memref<2064xi32, #tpu.memory_space<vmem>>[vector<16xi32>], vector<16xi32>, vector<16xi1>
        %parallel_loop3A_786 = arith.addi %parallel_loop3A_753, %parallel_loop3A_772 : vector<16xi32>
        scf.yield %parallel_loop3A_786 : vector<16xi32>
      } {sc.loop_unroll_factor = 4 : i64, sc.parallel_access}
      %add3A_729 = arith.constant 2 : i32
      %add3A_730 = arith.addi %mul3A_718, %add3A_729 : i32
      %lt3A = arith.constant 50 : i32
      %lt3A_731 = arith.cmpi slt, %add3A_730, %lt3A : i32
      %convert_element_type3A = arith.extui %lt3A_731 : i1 to i32
      %cond3A = arith.constant 0 : i32
      %cond3A_732 = arith.cmpi ne, %convert_element_type3A, %cond3A : i32
      scf.if %cond3A_732 {
        %mul3A_752 = arith.constant 400000 : i32
        %mul3A_753 = arith.muli %add3A_359, %mul3A_752 : i32
        %add3A_754 = arith.constant 2 : i32
        %add3A_755 = arith.addi %mul3A_718, %add3A_754 : i32
        %mul3A_756 = arith.constant 8000 : i32
        %mul3A_757 = arith.muli %add3A_755, %mul3A_756 : i32
        %add3A_758 = arith.addi %mul3A_753, %mul3A_757 : i32
        %dma_start3A_759 = tpu.memref_slice %arg2[%add3A_758] : memref<25600000xf32, #tpu.memory_space<hbm>> -> memref<8000xf32, #tpu.memory_space<hbm>>
        %dma_start3A_760 = tpu.memref_slice %arg2[%add3A_758] : memref<25600000xf32, #tpu.memory_space<hbm>> -> memref<8000xf32, #tpu.memory_space<hbm>>
        tpu.enqueue_dma source(%dma_start3A_760 : memref<8000xf32, #tpu.memory_space<hbm>>) target(%arg8 : memref<8000xf32, #tpu.memory_space<vmem>>) target_semaphore(%arg24 : memref<!tpu.dma_semaphore, #tpu.memory_space<semaphore_mem>>)
      } else {
      }
      %mul3A_733 = arith.constant 400000 : i32
      %mul3A_734 = arith.muli %add3A_359, %mul3A_733 : i32
      %dma_wait3A_735 = tpu.memref_slice %arg2[%mul3A_734] : memref<25600000xf32, #tpu.memory_space<hbm>> -> memref<8000xf32, #tpu.memory_space<hbm>>
      %dma_wait3A_736 = tpu.memref_slice %arg2[%mul3A_734] : memref<25600000xf32, #tpu.memory_space<hbm>> -> memref<8000xf32, #tpu.memory_space<hbm>>
      tpu.wait_dma2 semaphore(%arg25 : memref<!tpu.dma_semaphore, #tpu.memory_space<semaphore_mem>>) src(%dma_wait3A_736 : memref<8000xf32, #tpu.memory_space<hbm>>) dst(%arg9 : memref<8000xf32, #tpu.memory_space<vmem>>)
      %add3A_737 = arith.constant 1 : i32
      %add3A_738 = arith.addi %mul3A_718, %add3A_737 : i32
      %mul3A_739 = arith.constant 8000 : i32
      %mul3A_740 = arith.muli %add3A_738, %mul3A_739 : i32
      %parallel_loop3A_741 = arith.constant 0 : i32
      %parallel_loop3A_742 = arith.constant 500 : i32
      %parallel_loop3A_743 = arith.constant 1 : i32
      %parallel_loop3A_744 = scf.for %parallel_loop3A_752 = %parallel_loop3A_741 to %parallel_loop3A_742 step %parallel_loop3A_743 iter_args(%parallel_loop3A_753 = %parallel_loop3A_728) -> (vector<16xi32>)  : i32 {
        %parallel_loop3A_754 = arith.constant 16 : i32
        %parallel_loop3A_755 = arith.muli %parallel_loop3A_752, %parallel_loop3A_754 : i32
        %parallel_loop3A_756 = arith.index_cast %parallel_loop3A_755 : i32 to index
        %parallel_loop3A_757 = tpu.vector_load %arg9[%parallel_loop3A_756] {strides = array<i32>} : memref<8000xf32, #tpu.memory_space<vmem>>, vector<16xf32>,
        %parallel_loop3A_758 = vector.bitcast %parallel_loop3A_757 : vector<16xf32> to vector<16xi32>
        %parallel_loop3A_759 = arith.constant 31 : i32
        %parallel_loop3A_760 = vector.broadcast %parallel_loop3A_759 : i32 to vector<16xi32>
        %parallel_loop3A_761 = arith.shrsi %parallel_loop3A_758, %parallel_loop3A_760 : vector<16xi32>
        %parallel_loop3A_762 = arith.constant 2147483647 : i32
        %parallel_loop3A_763 = vector.broadcast %parallel_loop3A_762 : i32 to vector<16xi32>
        %parallel_loop3A_764 = arith.andi %parallel_loop3A_761, %parallel_loop3A_763 : vector<16xi32>
        %parallel_loop3A_765 = arith.xori %parallel_loop3A_758, %parallel_loop3A_764 : vector<16xi32>
        %parallel_loop3A_766 = vector.broadcast %mul3A_391 : i32 to vector<16xi32>
        %parallel_loop3A_767 = arith.cmpi sge, %parallel_loop3A_765, %parallel_loop3A_766 : vector<16xi32>
        %parallel_loop3A_768 = arith.extui %parallel_loop3A_767 : vector<16xi1> to vector<16xi32>
        %parallel_loop3A_769 = arith.constant true
        %parallel_loop3A_770 = vector.broadcast %parallel_loop3A_769 : i1 to vector<16xi1>
        %parallel_loop3A_771 = tpu.scan <sum>, %parallel_loop3A_768 masked %parallel_loop3A_770 : vector<16xi32>, vector<16xi1> -> vector<16xi32>
        %parallel_loop3A_772 = tpu.all_reduce %parallel_loop3A_767 {dim = 0 : i64, kind = #tpu.reduction_kind<sum>} : vector<16xi1> -> vector<16xi32>
        %parallel_loop3A_773 = arith.addi %parallel_loop3A_753, %parallel_loop3A_771 : vector<16xi32>
        %parallel_loop3A_774 = arith.constant 1 : i32
        %parallel_loop3A_775 = vector.broadcast %parallel_loop3A_774 : i32 to vector<16xi32>
        %parallel_loop3A_776 = arith.subi %parallel_loop3A_773, %parallel_loop3A_775 : vector<16xi32>
        %parallel_loop3A_777 = arith.constant 2048 : i32
        %parallel_loop3A_778 = vector.broadcast %parallel_loop3A_777 : i32 to vector<16xi32>
        %parallel_loop3A_779 = arith.cmpi slt, %parallel_loop3A_776, %parallel_loop3A_778 : vector<16xi32>
        %parallel_loop3A_780 = arith.andi %parallel_loop3A_767, %parallel_loop3A_779 : vector<16xi1>
        tpu.vector_store_idx %arg11[%parallel_loop3A_776], %parallel_loop3A_757 masked %parallel_loop3A_780 : memref<2064xf32, #tpu.memory_space<vmem>>[vector<16xi32>], vector<16xf32>, vector<16xi1>
        %parallel_loop3A_781 = arith.constant 16 : i32
        %parallel_loop3A_782 = arith.muli %parallel_loop3A_752, %parallel_loop3A_781 : i32
        %parallel_loop3A_783 = arith.addi %mul3A_740, %parallel_loop3A_782 : i32
        %parallel_loop3A_784 = vector.broadcast %parallel_loop3A_783 : i32 to vector<16xi32>
        %parallel_loop3A_785 = arith.addi %parallel_loop3A_784, %iota3A : vector<16xi32>
        tpu.vector_store_idx %arg12[%parallel_loop3A_776], %parallel_loop3A_785 masked %parallel_loop3A_780 : memref<2064xi32, #tpu.memory_space<vmem>>[vector<16xi32>], vector<16xi32>, vector<16xi1>
        %parallel_loop3A_786 = arith.addi %parallel_loop3A_753, %parallel_loop3A_772 : vector<16xi32>
        scf.yield %parallel_loop3A_786 : vector<16xi32>
      } {sc.loop_unroll_factor = 4 : i64, sc.parallel_access}
      %add3A_745 = arith.constant 3 : i32
      %add3A_746 = arith.addi %mul3A_718, %add3A_745 : i32
      %lt3A_747 = arith.constant 50 : i32
      %lt3A_748 = arith.cmpi slt, %add3A_746, %lt3A_747 : i32
      %convert_element_type3A_749 = arith.extui %lt3A_748 : i1 to i32
      %cond3A_750 = arith.constant 0 : i32
      %cond3A_751 = arith.cmpi ne, %convert_element_type3A_749, %cond3A_750 : i32
      scf.if %cond3A_751 {
        %mul3A_752 = arith.constant 400000 : i32
        %mul3A_753 = arith.muli %add3A_359, %mul3A_752 : i32
        %add3A_754 = arith.constant 3 : i32
        %add3A_755 = arith.addi %mul3A_718, %add3A_754 : i32
        %mul3A_756 = arith.constant 8000 : i32
        %mul3A_757 = arith.muli %add3A_755, %mul3A_756 : i32
        %add3A_758 = arith.addi %mul3A_753, %mul3A_757 : i32
        %dma_start3A_759 = tpu.memref_slice %arg2[%add3A_758] : memref<25600000xf32, #tpu.memory_space<hbm>> -> memref<8000xf32, #tpu.memory_space<hbm>>
        %dma_start3A_760 = tpu.memref_slice %arg2[%add3A_758] : memref<25600000xf32, #tpu.memory_space<hbm>> -> memref<8000xf32, #tpu.memory_space<hbm>>
        tpu.enqueue_dma source(%dma_start3A_760 : memref<8000xf32, #tpu.memory_space<hbm>>) target(%arg9 : memref<8000xf32, #tpu.memory_space<vmem>>) target_semaphore(%arg25 : memref<!tpu.dma_semaphore, #tpu.memory_space<semaphore_mem>>)
      } else {
      }
      scf.yield %parallel_loop3A_744 : vector<16xi32>
    }
    %scan3A_416 = arith.constant 25 : i32
    %parallel_loop3A_417 = arith.constant 0 : i32
    %parallel_loop3A_418 = arith.constant 128 : i32
    %parallel_loop3A_419 = arith.constant 1 : i32
    scf.for %parallel_loop3A_715 = %parallel_loop3A_417 to %parallel_loop3A_418 step %parallel_loop3A_419  : i32 {
      %parallel_loop3A_716 = arith.constant 16 : i32
      %parallel_loop3A_717 = arith.muli %parallel_loop3A_715, %parallel_loop3A_716 : i32
      %parallel_loop3A_718 = arith.index_cast %parallel_loop3A_717 : i32 to index
      %parallel_loop3A_719 = tpu.vector_load %arg11[%parallel_loop3A_718] {strides = array<i32>} : memref<2064xf32, #tpu.memory_space<vmem>>, vector<16xf32>,
      %parallel_loop3A_720 = arith.constant 0.000000e+00 : f32
      %parallel_loop3A_721 = vector.broadcast %parallel_loop3A_720 : f32 to vector<16xf32>
      %parallel_loop3A_722 = arith.subf %parallel_loop3A_721, %parallel_loop3A_719 : vector<16xf32>
      %parallel_loop3A_723 = math.exp %parallel_loop3A_722 : vector<16xf32>
      %parallel_loop3A_724 = arith.constant 1.000000e+00 : f32
      %parallel_loop3A_725 = vector.broadcast %parallel_loop3A_724 : f32 to vector<16xf32>
      %parallel_loop3A_726 = arith.addf %parallel_loop3A_725, %parallel_loop3A_723 : vector<16xf32>
      %parallel_loop3A_727 = arith.constant 1.000000e+00 : f32
      %parallel_loop3A_728 = vector.broadcast %parallel_loop3A_727 : f32 to vector<16xf32>
      %parallel_loop3A_729 = arith.divf %parallel_loop3A_728, %parallel_loop3A_726 : vector<16xf32>
      %parallel_loop3A_730 = vector.bitcast %parallel_loop3A_729 : vector<16xf32> to vector<16xi32>
      %parallel_loop3A_731 = arith.constant dense<-1> : vector<16xi32>
      %parallel_loop3A_732 = arith.xori %parallel_loop3A_730, %parallel_loop3A_731 : vector<16xi32>
      %parallel_loop3A_733 = arith.constant 16 : i32
      %parallel_loop3A_734 = arith.muli %parallel_loop3A_715, %parallel_loop3A_733 : i32
      %parallel_loop3A_735 = arith.index_cast %parallel_loop3A_734 : i32 to index
      %parallel_loop3A_736 = tpu.vector_load %arg13[%parallel_loop3A_735] {strides = array<i32>} : memref<2048xi32, #tpu.memory_space<vmem>>, vector<16xi32>,
      tpu.vector_store %arg13[%parallel_loop3A_735], %parallel_loop3A_732 {strides = array<i32>} : memref<2048xi32, #tpu.memory_space<vmem>>, vector<16xi32>,
      %parallel_loop3A_737 = arith.constant 16 : i32
      %parallel_loop3A_738 = arith.muli %parallel_loop3A_715, %parallel_loop3A_737 : i32
      %parallel_loop3A_739 = arith.index_cast %parallel_loop3A_738 : i32 to index
      %parallel_loop3A_740 = tpu.vector_load %arg12[%parallel_loop3A_739] {strides = array<i32>} : memref<2064xi32, #tpu.memory_space<vmem>>, vector<16xi32>,
      %parallel_loop3A_741 = arith.constant 16 : i32
      %parallel_loop3A_742 = arith.muli %parallel_loop3A_715, %parallel_loop3A_741 : i32
      %parallel_loop3A_743 = arith.index_cast %parallel_loop3A_742 : i32 to index
      %parallel_loop3A_744 = tpu.vector_load %arg14[%parallel_loop3A_743] {strides = array<i32>} : memref<2048xi32, #tpu.memory_space<vmem>>, vector<16xi32>,
      tpu.vector_store %arg14[%parallel_loop3A_743], %parallel_loop3A_740 {strides = array<i32>} : memref<2048xi32, #tpu.memory_space<vmem>>, vector<16xi32>,
    } {sc.loop_unroll_factor = 4 : i64, sc.parallel_access}
    %swap3A_420 = arith.constant 0 : index
    %swap3A_421 = tpu.vector_load %arg17[%swap3A_420] {strides = array<i32>} : memref<32xi32, #tpu.memory_space<vmem>>, vector<16xi32>,
    tpu.vector_store %arg17[%swap3A_420], %broadcast_in_dim3A_3 {strides = array<i32>} : memref<32xi32, #tpu.memory_space<vmem>>, vector<16xi32>,
    %swap3A_422 = arith.constant 16 : index
    %swap3A_423 = tpu.vector_load %arg17[%swap3A_422] {strides = array<i32>} : memref<32xi32, #tpu.memory_space<vmem>>, vector<16xi32>,
    tpu.vector_store %arg17[%swap3A_422], %broadcast_in_dim3A_3 {strides = array<i32>} : memref<32xi32, #tpu.memory_space<vmem>>, vector<16xi32>,
    %scan3A_424 = arith.constant 0 : i32
    %scan3A_425 = arith.constant 0 : i32
    %scan3A_426 = arith.constant 128 : i32
    %scan3A_427 = arith.addi %scan3A_425, %scan3A_426 : i32
    %scan3A_428 = arith.constant 1 : i32
    %scan3A_429 = scf.for %scan3A_715 = %scan3A_425 to %scan3A_427 step %scan3A_428 iter_args(%scan3A_716 = %scan3A_424) -> (i32)  : i32 {
      %mul3A_717 = arith.constant 16 : i32
      %mul3A_718 = arith.muli %scan3A_715, %mul3A_717 : i32
      %get3A_719 = arith.index_cast %mul3A_718 : i32 to index
      %get3A_720 = tpu.vector_load %arg13[%get3A_719] {strides = array<i32>} : memref<2048xi32, #tpu.memory_space<vmem>>, vector<16xi32>,
      %shift_right_arithmetic3A = arith.constant 0 : i32
      %shift_right_arithmetic3A_721 = vector.broadcast %shift_right_arithmetic3A : i32 to vector<16xi32>
      %shift_right_arithmetic3A_722 = arith.shrsi %get3A_720, %shift_right_arithmetic3A_721 : vector<16xi32>
      %and3A = arith.constant 31 : i32
      %and3A_723 = vector.broadcast %and3A : i32 to vector<16xi32>
      %and3A_724 = arith.andi %shift_right_arithmetic3A_722, %and3A_723 : vector<16xi32>
      %broadcast_in_dim3A_725 = arith.constant true
      %broadcast_in_dim3A_726 = vector.broadcast %broadcast_in_dim3A_725 : i1 to vector<16xi1>
      %unique3A, %unique3A_727 = tpu.scan_count mask(%broadcast_in_dim3A_726 : vector<16xi1>) value(%and3A_724 : vector<16xi32>) : vector<16xi1>, vector<16xi32>
      tpu.vector_store_idx %arg17[%and3A_724], %unique3A_727 masked %unique3A {add = true} : memref<32xi32, #tpu.memory_space<vmem>>[vector<16xi32>], vector<16xi32>, vector<16xi1>
      %scan3A_728 = arith.constant 0 : i32
      scf.yield %scan3A_728 : i32
    }
    %scan3A_430 = arith.constant 128 : i32
    %get3A_431 = arith.constant 0 : index
    %get3A_432 = tpu.vector_load %arg17[%get3A_431] {strides = array<i32>} : memref<32xi32, #tpu.memory_space<vmem>>, vector<16xi32>,
    %get3A_433 = arith.constant 16 : index
    %get3A_434 = tpu.vector_load %arg17[%get3A_433] {strides = array<i32>} : memref<32xi32, #tpu.memory_space<vmem>>, vector<16xi32>,
    %broadcast_in_dim3A_435 = arith.constant true
    %broadcast_in_dim3A_436 = vector.broadcast %broadcast_in_dim3A_435 : i1 to vector<16xi1>
    %masked_cumsum3A_437 = tpu.scan <sum>, %get3A_432 masked %broadcast_in_dim3A_436 : vector<16xi32>, vector<16xi1> -> vector<16xi32>
    %broadcast_in_dim3A_438 = arith.constant true
    %broadcast_in_dim3A_439 = vector.broadcast %broadcast_in_dim3A_438 : i1 to vector<16xi1>
    %masked_cumsum3A_440 = tpu.scan <sum>, %get3A_434 masked %broadcast_in_dim3A_439 : vector<16xi32>, vector<16xi1> -> vector<16xi32>
    %sub3A_441 = arith.subi %masked_cumsum3A_437, %get3A_432 : vector<16xi32>
    %swap3A_442 = arith.constant 0 : index
    %swap3A_443 = tpu.vector_load %arg18[%swap3A_442] {strides = array<i32>} : memref<32xi32, #tpu.memory_space<vmem>>, vector<16xi32>,
    tpu.vector_store %arg18[%swap3A_442], %sub3A_441 {strides = array<i32>} : memref<32xi32, #tpu.memory_space<vmem>>, vector<16xi32>,
    %sub3A_444 = arith.subi %masked_cumsum3A_440, %get3A_434 : vector<16xi32>
    %slice3A_445 = vector.extract_strided_slice %masked_cumsum3A_437 {offsets = [15], sizes = [1], strides = [1]} : vector<16xi32> to vector<1xi32>
    %squeeze3A_446 = vector.extract %slice3A_445[0] : i32 from vector<1xi32>
    %add3A_447 = vector.broadcast %squeeze3A_446 : i32 to vector<16xi32>
    %add3A_448 = arith.addi %sub3A_444, %add3A_447 : vector<16xi32>
    %swap3A_449 = arith.constant 16 : index
    %swap3A_450 = tpu.vector_load %arg18[%swap3A_449] {strides = array<i32>} : memref<32xi32, #tpu.memory_space<vmem>>, vector<16xi32>,
    tpu.vector_store %arg18[%swap3A_449], %add3A_448 {strides = array<i32>} : memref<32xi32, #tpu.memory_space<vmem>>, vector<16xi32>,
    %scan3A_451 = arith.constant 0 : i32
    %scan3A_452 = arith.constant 0 : i32
    %scan3A_453 = arith.constant 128 : i32
    %scan3A_454 = arith.addi %scan3A_452, %scan3A_453 : i32
    %scan3A_455 = arith.constant 1 : i32
    %scan3A_456 = scf.for %scan3A_715 = %scan3A_452 to %scan3A_454 step %scan3A_455 iter_args(%scan3A_716 = %scan3A_451) -> (i32)  : i32 {
      %mul3A_717 = arith.constant 16 : i32
      %mul3A_718 = arith.muli %scan3A_715, %mul3A_717 : i32
      %get3A_719 = arith.index_cast %mul3A_718 : i32 to index
      %get3A_720 = tpu.vector_load %arg13[%get3A_719] {strides = array<i32>} : memref<2048xi32, #tpu.memory_space<vmem>>, vector<16xi32>,
      %mul3A_721 = arith.constant 16 : i32
      %mul3A_722 = arith.muli %scan3A_715, %mul3A_721 : i32
      %get3A_723 = arith.index_cast %mul3A_722 : i32 to index
      %get3A_724 = tpu.vector_load %arg14[%get3A_723] {strides = array<i32>} : memref<2048xi32, #tpu.memory_space<vmem>>, vector<16xi32>,
      %shift_right_arithmetic3A = arith.constant 0 : i32
      %shift_right_arithmetic3A_725 = vector.broadcast %shift_right_arithmetic3A : i32 to vector<16xi32>
      %shift_right_arithmetic3A_726 = arith.shrsi %get3A_720, %shift_right_arithmetic3A_725 : vector<16xi32>
      %and3A = arith.constant 31 : i32
      %and3A_727 = vector.broadcast %and3A : i32 to vector<16xi32>
      %and3A_728 = arith.andi %shift_right_arithmetic3A_726, %and3A_727 : vector<16xi32>
      %broadcast_in_dim3A_729 = arith.constant true
      %broadcast_in_dim3A_730 = vector.broadcast %broadcast_in_dim3A_729 : i1 to vector<16xi1>
      %unique3A, %unique3A_731 = tpu.scan_count mask(%broadcast_in_dim3A_730 : vector<16xi1>) value(%and3A_728 : vector<16xi32>) : vector<16xi1>, vector<16xi32>
      %gather3A = tpu.vector_load_idx %arg18[%and3A_728] : memref<32xi32, #tpu.memory_space<vmem>>[vector<16xi32>], vector<16xi32>,
      %add3A_732 = arith.addi %gather3A, %unique3A_731 : vector<16xi32>
      %sub3A_733 = arith.constant 1 : i32
      %sub3A_734 = vector.broadcast %sub3A_733 : i32 to vector<16xi32>
      %sub3A_735 = arith.subi %add3A_732, %sub3A_734 : vector<16xi32>
      tpu.vector_store_idx %arg15[%sub3A_735], %get3A_720 : memref<2048xi32, #tpu.memory_space<vmem>>[vector<16xi32>], vector<16xi32>,
      tpu.vector_store_idx %arg16[%sub3A_735], %get3A_724 : memref<2048xi32, #tpu.memory_space<vmem>>[vector<16xi32>], vector<16xi32>,
      tpu.vector_store_idx %arg18[%and3A_728], %unique3A_731 masked %unique3A {add = true} : memref<32xi32, #tpu.memory_space<vmem>>[vector<16xi32>], vector<16xi32>, vector<16xi1>
      %scan3A_736 = arith.constant 0 : i32
      scf.yield %scan3A_736 : i32
    }
    %scan3A_457 = arith.constant 128 : i32
    %swap3A_458 = arith.constant 0 : index
    %swap3A_459 = tpu.vector_load %arg17[%swap3A_458] {strides = array<i32>} : memref<32xi32, #tpu.memory_space<vmem>>, vector<16xi32>,
    tpu.vector_store %arg17[%swap3A_458], %broadcast_in_dim3A_3 {strides = array<i32>} : memref<32xi32, #tpu.memory_space<vmem>>, vector<16xi32>,
    %swap3A_460 = arith.constant 16 : index
    %swap3A_461 = tpu.vector_load %arg17[%swap3A_460] {strides = array<i32>} : memref<32xi32, #tpu.memory_space<vmem>>, vector<16xi32>,
    tpu.vector_store %arg17[%swap3A_460], %broadcast_in_dim3A_3 {strides = array<i32>} : memref<32xi32, #tpu.memory_space<vmem>>, vector<16xi32>,
    %scan3A_462 = arith.constant 0 : i32
    %scan3A_463 = arith.constant 0 : i32
    %scan3A_464 = arith.constant 128 : i32
    %scan3A_465 = arith.addi %scan3A_463, %scan3A_464 : i32
    %scan3A_466 = arith.constant 1 : i32
    %scan3A_467 = scf.for %scan3A_715 = %scan3A_463 to %scan3A_465 step %scan3A_466 iter_args(%scan3A_716 = %scan3A_462) -> (i32)  : i32 {
      %mul3A_717 = arith.constant 16 : i32
      %mul3A_718 = arith.muli %scan3A_715, %mul3A_717 : i32
      %get3A_719 = arith.index_cast %mul3A_718 : i32 to index
      %get3A_720 = tpu.vector_load %arg15[%get3A_719] {strides = array<i32>} : memref<2048xi32, #tpu.memory_space<vmem>>, vector<16xi32>,
      %shift_right_arithmetic3A = arith.constant 5 : i32
      %shift_right_arithmetic3A_721 = vector.broadcast %shift_right_arithmetic3A : i32 to vector<16xi32>
      %shift_right_arithmetic3A_722 = arith.shrsi %get3A_720, %shift_right_arithmetic3A_721 : vector<16xi32>
      %and3A = arith.constant 31 : i32
      %and3A_723 = vector.broadcast %and3A : i32 to vector<16xi32>
      %and3A_724 = arith.andi %shift_right_arithmetic3A_722, %and3A_723 : vector<16xi32>
      %broadcast_in_dim3A_725 = arith.constant true
      %broadcast_in_dim3A_726 = vector.broadcast %broadcast_in_dim3A_725 : i1 to vector<16xi1>
      %unique3A, %unique3A_727 = tpu.scan_count mask(%broadcast_in_dim3A_726 : vector<16xi1>) value(%and3A_724 : vector<16xi32>) : vector<16xi1>, vector<16xi32>
      tpu.vector_store_idx %arg17[%and3A_724], %unique3A_727 masked %unique3A {add = true} : memref<32xi32, #tpu.memory_space<vmem>>[vector<16xi32>], vector<16xi32>, vector<16xi1>
      %scan3A_728 = arith.constant 0 : i32
      scf.yield %scan3A_728 : i32
    }
    %scan3A_468 = arith.constant 128 : i32
    %get3A_469 = arith.constant 0 : index
    %get3A_470 = tpu.vector_load %arg17[%get3A_469] {strides = array<i32>} : memref<32xi32, #tpu.memory_space<vmem>>, vector<16xi32>,
    %get3A_471 = arith.constant 16 : index
    %get3A_472 = tpu.vector_load %arg17[%get3A_471] {strides = array<i32>} : memref<32xi32, #tpu.memory_space<vmem>>, vector<16xi32>,
    %broadcast_in_dim3A_473 = arith.constant true
    %broadcast_in_dim3A_474 = vector.broadcast %broadcast_in_dim3A_473 : i1 to vector<16xi1>
    %masked_cumsum3A_475 = tpu.scan <sum>, %get3A_470 masked %broadcast_in_dim3A_474 : vector<16xi32>, vector<16xi1> -> vector<16xi32>
    %broadcast_in_dim3A_476 = arith.constant true
    %broadcast_in_dim3A_477 = vector.broadcast %broadcast_in_dim3A_476 : i1 to vector<16xi1>
    %masked_cumsum3A_478 = tpu.scan <sum>, %get3A_472 masked %broadcast_in_dim3A_477 : vector<16xi32>, vector<16xi1> -> vector<16xi32>
    %sub3A_479 = arith.subi %masked_cumsum3A_475, %get3A_470 : vector<16xi32>
    %swap3A_480 = arith.constant 0 : index
    %swap3A_481 = tpu.vector_load %arg18[%swap3A_480] {strides = array<i32>} : memref<32xi32, #tpu.memory_space<vmem>>, vector<16xi32>,
    tpu.vector_store %arg18[%swap3A_480], %sub3A_479 {strides = array<i32>} : memref<32xi32, #tpu.memory_space<vmem>>, vector<16xi32>,
    %sub3A_482 = arith.subi %masked_cumsum3A_478, %get3A_472 : vector<16xi32>
    %slice3A_483 = vector.extract_strided_slice %masked_cumsum3A_475 {offsets = [15], sizes = [1], strides = [1]} : vector<16xi32> to vector<1xi32>
    %squeeze3A_484 = vector.extract %slice3A_483[0] : i32 from vector<1xi32>
    %add3A_485 = vector.broadcast %squeeze3A_484 : i32 to vector<16xi32>
    %add3A_486 = arith.addi %sub3A_482, %add3A_485 : vector<16xi32>
    %swap3A_487 = arith.constant 16 : index
    %swap3A_488 = tpu.vector_load %arg18[%swap3A_487] {strides = array<i32>} : memref<32xi32, #tpu.memory_space<vmem>>, vector<16xi32>,
    tpu.vector_store %arg18[%swap3A_487], %add3A_486 {strides = array<i32>} : memref<32xi32, #tpu.memory_space<vmem>>, vector<16xi32>,
    %scan3A_489 = arith.constant 0 : i32
    %scan3A_490 = arith.constant 0 : i32
    %scan3A_491 = arith.constant 128 : i32
    %scan3A_492 = arith.addi %scan3A_490, %scan3A_491 : i32
    %scan3A_493 = arith.constant 1 : i32
    %scan3A_494 = scf.for %scan3A_715 = %scan3A_490 to %scan3A_492 step %scan3A_493 iter_args(%scan3A_716 = %scan3A_489) -> (i32)  : i32 {
      %mul3A_717 = arith.constant 16 : i32
      %mul3A_718 = arith.muli %scan3A_715, %mul3A_717 : i32
      %get3A_719 = arith.index_cast %mul3A_718 : i32 to index
      %get3A_720 = tpu.vector_load %arg15[%get3A_719] {strides = array<i32>} : memref<2048xi32, #tpu.memory_space<vmem>>, vector<16xi32>,
      %mul3A_721 = arith.constant 16 : i32
      %mul3A_722 = arith.muli %scan3A_715, %mul3A_721 : i32
      %get3A_723 = arith.index_cast %mul3A_722 : i32 to index
      %get3A_724 = tpu.vector_load %arg16[%get3A_723] {strides = array<i32>} : memref<2048xi32, #tpu.memory_space<vmem>>, vector<16xi32>,
      %shift_right_arithmetic3A = arith.constant 5 : i32
      %shift_right_arithmetic3A_725 = vector.broadcast %shift_right_arithmetic3A : i32 to vector<16xi32>
      %shift_right_arithmetic3A_726 = arith.shrsi %get3A_720, %shift_right_arithmetic3A_725 : vector<16xi32>
      %and3A = arith.constant 31 : i32
      %and3A_727 = vector.broadcast %and3A : i32 to vector<16xi32>
      %and3A_728 = arith.andi %shift_right_arithmetic3A_726, %and3A_727 : vector<16xi32>
      %broadcast_in_dim3A_729 = arith.constant true
      %broadcast_in_dim3A_730 = vector.broadcast %broadcast_in_dim3A_729 : i1 to vector<16xi1>
      %unique3A, %unique3A_731 = tpu.scan_count mask(%broadcast_in_dim3A_730 : vector<16xi1>) value(%and3A_728 : vector<16xi32>) : vector<16xi1>, vector<16xi32>
      %gather3A = tpu.vector_load_idx %arg18[%and3A_728] : memref<32xi32, #tpu.memory_space<vmem>>[vector<16xi32>], vector<16xi32>,
      %add3A_732 = arith.addi %gather3A, %unique3A_731 : vector<16xi32>
      %sub3A_733 = arith.constant 1 : i32
      %sub3A_734 = vector.broadcast %sub3A_733 : i32 to vector<16xi32>
      %sub3A_735 = arith.subi %add3A_732, %sub3A_734 : vector<16xi32>
      tpu.vector_store_idx %arg13[%sub3A_735], %get3A_720 : memref<2048xi32, #tpu.memory_space<vmem>>[vector<16xi32>], vector<16xi32>,
      tpu.vector_store_idx %arg14[%sub3A_735], %get3A_724 : memref<2048xi32, #tpu.memory_space<vmem>>[vector<16xi32>], vector<16xi32>,
      tpu.vector_store_idx %arg18[%and3A_728], %unique3A_731 masked %unique3A {add = true} : memref<32xi32, #tpu.memory_space<vmem>>[vector<16xi32>], vector<16xi32>, vector<16xi1>
      %scan3A_736 = arith.constant 0 : i32
      scf.yield %scan3A_736 : i32
    }
    %scan3A_495 = arith.constant 128 : i32
    %swap3A_496 = arith.constant 0 : index
    %swap3A_497 = tpu.vector_load %arg17[%swap3A_496] {strides = array<i32>} : memref<32xi32, #tpu.memory_space<vmem>>, vector<16xi32>,
    tpu.vector_store %arg17[%swap3A_496], %broadcast_in_dim3A_3 {strides = array<i32>} : memref<32xi32, #tpu.memory_space<vmem>>, vector<16xi32>,
    %swap3A_498 = arith.constant 16 : index
    %swap3A_499 = tpu.vector_load %arg17[%swap3A_498] {strides = array<i32>} : memref<32xi32, #tpu.memory_space<vmem>>, vector<16xi32>,
    tpu.vector_store %arg17[%swap3A_498], %broadcast_in_dim3A_3 {strides = array<i32>} : memref<32xi32, #tpu.memory_space<vmem>>, vector<16xi32>,
    %scan3A_500 = arith.constant 0 : i32
    %scan3A_501 = arith.constant 0 : i32
    %scan3A_502 = arith.constant 128 : i32
    %scan3A_503 = arith.addi %scan3A_501, %scan3A_502 : i32
    %scan3A_504 = arith.constant 1 : i32
    %scan3A_505 = scf.for %scan3A_715 = %scan3A_501 to %scan3A_503 step %scan3A_504 iter_args(%scan3A_716 = %scan3A_500) -> (i32)  : i32 {
      %mul3A_717 = arith.constant 16 : i32
      %mul3A_718 = arith.muli %scan3A_715, %mul3A_717 : i32
      %get3A_719 = arith.index_cast %mul3A_718 : i32 to index
      %get3A_720 = tpu.vector_load %arg13[%get3A_719] {strides = array<i32>} : memref<2048xi32, #tpu.memory_space<vmem>>, vector<16xi32>,
      %shift_right_arithmetic3A = arith.constant 10 : i32
      %shift_right_arithmetic3A_721 = vector.broadcast %shift_right_arithmetic3A : i32 to vector<16xi32>
      %shift_right_arithmetic3A_722 = arith.shrsi %get3A_720, %shift_right_arithmetic3A_721 : vector<16xi32>
      %and3A = arith.constant 31 : i32
      %and3A_723 = vector.broadcast %and3A : i32 to vector<16xi32>
      %and3A_724 = arith.andi %shift_right_arithmetic3A_722, %and3A_723 : vector<16xi32>
      %broadcast_in_dim3A_725 = arith.constant true
      %broadcast_in_dim3A_726 = vector.broadcast %broadcast_in_dim3A_725 : i1 to vector<16xi1>
      %unique3A, %unique3A_727 = tpu.scan_count mask(%broadcast_in_dim3A_726 : vector<16xi1>) value(%and3A_724 : vector<16xi32>) : vector<16xi1>, vector<16xi32>
      tpu.vector_store_idx %arg17[%and3A_724], %unique3A_727 masked %unique3A {add = true} : memref<32xi32, #tpu.memory_space<vmem>>[vector<16xi32>], vector<16xi32>, vector<16xi1>
      %scan3A_728 = arith.constant 0 : i32
      scf.yield %scan3A_728 : i32
    }
    %scan3A_506 = arith.constant 128 : i32
    %get3A_507 = arith.constant 0 : index
    %get3A_508 = tpu.vector_load %arg17[%get3A_507] {strides = array<i32>} : memref<32xi32, #tpu.memory_space<vmem>>, vector<16xi32>,
    %get3A_509 = arith.constant 16 : index
    %get3A_510 = tpu.vector_load %arg17[%get3A_509] {strides = array<i32>} : memref<32xi32, #tpu.memory_space<vmem>>, vector<16xi32>,
    %broadcast_in_dim3A_511 = arith.constant true
    %broadcast_in_dim3A_512 = vector.broadcast %broadcast_in_dim3A_511 : i1 to vector<16xi1>
    %masked_cumsum3A_513 = tpu.scan <sum>, %get3A_508 masked %broadcast_in_dim3A_512 : vector<16xi32>, vector<16xi1> -> vector<16xi32>
    %broadcast_in_dim3A_514 = arith.constant true
    %broadcast_in_dim3A_515 = vector.broadcast %broadcast_in_dim3A_514 : i1 to vector<16xi1>
    %masked_cumsum3A_516 = tpu.scan <sum>, %get3A_510 masked %broadcast_in_dim3A_515 : vector<16xi32>, vector<16xi1> -> vector<16xi32>
    %sub3A_517 = arith.subi %masked_cumsum3A_513, %get3A_508 : vector<16xi32>
    %swap3A_518 = arith.constant 0 : index
    %swap3A_519 = tpu.vector_load %arg18[%swap3A_518] {strides = array<i32>} : memref<32xi32, #tpu.memory_space<vmem>>, vector<16xi32>,
    tpu.vector_store %arg18[%swap3A_518], %sub3A_517 {strides = array<i32>} : memref<32xi32, #tpu.memory_space<vmem>>, vector<16xi32>,
    %sub3A_520 = arith.subi %masked_cumsum3A_516, %get3A_510 : vector<16xi32>
    %slice3A_521 = vector.extract_strided_slice %masked_cumsum3A_513 {offsets = [15], sizes = [1], strides = [1]} : vector<16xi32> to vector<1xi32>
    %squeeze3A_522 = vector.extract %slice3A_521[0] : i32 from vector<1xi32>
    %add3A_523 = vector.broadcast %squeeze3A_522 : i32 to vector<16xi32>
    %add3A_524 = arith.addi %sub3A_520, %add3A_523 : vector<16xi32>
    %swap3A_525 = arith.constant 16 : index
    %swap3A_526 = tpu.vector_load %arg18[%swap3A_525] {strides = array<i32>} : memref<32xi32, #tpu.memory_space<vmem>>, vector<16xi32>,
    tpu.vector_store %arg18[%swap3A_525], %add3A_524 {strides = array<i32>} : memref<32xi32, #tpu.memory_space<vmem>>, vector<16xi32>,
    %scan3A_527 = arith.constant 0 : i32
    %scan3A_528 = arith.constant 0 : i32
    %scan3A_529 = arith.constant 128 : i32
    %scan3A_530 = arith.addi %scan3A_528, %scan3A_529 : i32
    %scan3A_531 = arith.constant 1 : i32
    %scan3A_532 = scf.for %scan3A_715 = %scan3A_528 to %scan3A_530 step %scan3A_531 iter_args(%scan3A_716 = %scan3A_527) -> (i32)  : i32 {
      %mul3A_717 = arith.constant 16 : i32
      %mul3A_718 = arith.muli %scan3A_715, %mul3A_717 : i32
      %get3A_719 = arith.index_cast %mul3A_718 : i32 to index
      %get3A_720 = tpu.vector_load %arg13[%get3A_719] {strides = array<i32>} : memref<2048xi32, #tpu.memory_space<vmem>>, vector<16xi32>,
      %mul3A_721 = arith.constant 16 : i32
      %mul3A_722 = arith.muli %scan3A_715, %mul3A_721 : i32
      %get3A_723 = arith.index_cast %mul3A_722 : i32 to index
      %get3A_724 = tpu.vector_load %arg14[%get3A_723] {strides = array<i32>} : memref<2048xi32, #tpu.memory_space<vmem>>, vector<16xi32>,
      %shift_right_arithmetic3A = arith.constant 10 : i32
      %shift_right_arithmetic3A_725 = vector.broadcast %shift_right_arithmetic3A : i32 to vector<16xi32>
      %shift_right_arithmetic3A_726 = arith.shrsi %get3A_720, %shift_right_arithmetic3A_725 : vector<16xi32>
      %and3A = arith.constant 31 : i32
      %and3A_727 = vector.broadcast %and3A : i32 to vector<16xi32>
      %and3A_728 = arith.andi %shift_right_arithmetic3A_726, %and3A_727 : vector<16xi32>
      %broadcast_in_dim3A_729 = arith.constant true
      %broadcast_in_dim3A_730 = vector.broadcast %broadcast_in_dim3A_729 : i1 to vector<16xi1>
      %unique3A, %unique3A_731 = tpu.scan_count mask(%broadcast_in_dim3A_730 : vector<16xi1>) value(%and3A_728 : vector<16xi32>) : vector<16xi1>, vector<16xi32>
      %gather3A = tpu.vector_load_idx %arg18[%and3A_728] : memref<32xi32, #tpu.memory_space<vmem>>[vector<16xi32>], vector<16xi32>,
      %add3A_732 = arith.addi %gather3A, %unique3A_731 : vector<16xi32>
      %sub3A_733 = arith.constant 1 : i32
      %sub3A_734 = vector.broadcast %sub3A_733 : i32 to vector<16xi32>
      %sub3A_735 = arith.subi %add3A_732, %sub3A_734 : vector<16xi32>
      tpu.vector_store_idx %arg15[%sub3A_735], %get3A_720 : memref<2048xi32, #tpu.memory_space<vmem>>[vector<16xi32>], vector<16xi32>,
      tpu.vector_store_idx %arg16[%sub3A_735], %get3A_724 : memref<2048xi32, #tpu.memory_space<vmem>>[vector<16xi32>], vector<16xi32>,
      tpu.vector_store_idx %arg18[%and3A_728], %unique3A_731 masked %unique3A {add = true} : memref<32xi32, #tpu.memory_space<vmem>>[vector<16xi32>], vector<16xi32>, vector<16xi1>
      %scan3A_736 = arith.constant 0 : i32
      scf.yield %scan3A_736 : i32
    }
    %scan3A_533 = arith.constant 128 : i32
    %swap3A_534 = arith.constant 0 : index
    %swap3A_535 = tpu.vector_load %arg17[%swap3A_534] {strides = array<i32>} : memref<32xi32, #tpu.memory_space<vmem>>, vector<16xi32>,
    tpu.vector_store %arg17[%swap3A_534], %broadcast_in_dim3A_3 {strides = array<i32>} : memref<32xi32, #tpu.memory_space<vmem>>, vector<16xi32>,
    %swap3A_536 = arith.constant 16 : index
    %swap3A_537 = tpu.vector_load %arg17[%swap3A_536] {strides = array<i32>} : memref<32xi32, #tpu.memory_space<vmem>>, vector<16xi32>,
    tpu.vector_store %arg17[%swap3A_536], %broadcast_in_dim3A_3 {strides = array<i32>} : memref<32xi32, #tpu.memory_space<vmem>>, vector<16xi32>,
    %scan3A_538 = arith.constant 0 : i32
    %scan3A_539 = arith.constant 0 : i32
    %scan3A_540 = arith.constant 128 : i32
    %scan3A_541 = arith.addi %scan3A_539, %scan3A_540 : i32
    %scan3A_542 = arith.constant 1 : i32
    %scan3A_543 = scf.for %scan3A_715 = %scan3A_539 to %scan3A_541 step %scan3A_542 iter_args(%scan3A_716 = %scan3A_538) -> (i32)  : i32 {
      %mul3A_717 = arith.constant 16 : i32
      %mul3A_718 = arith.muli %scan3A_715, %mul3A_717 : i32
      %get3A_719 = arith.index_cast %mul3A_718 : i32 to index
      %get3A_720 = tpu.vector_load %arg15[%get3A_719] {strides = array<i32>} : memref<2048xi32, #tpu.memory_space<vmem>>, vector<16xi32>,
      %shift_right_arithmetic3A = arith.constant 15 : i32
      %shift_right_arithmetic3A_721 = vector.broadcast %shift_right_arithmetic3A : i32 to vector<16xi32>
      %shift_right_arithmetic3A_722 = arith.shrsi %get3A_720, %shift_right_arithmetic3A_721 : vector<16xi32>
      %and3A = arith.constant 31 : i32
      %and3A_723 = vector.broadcast %and3A : i32 to vector<16xi32>
      %and3A_724 = arith.andi %shift_right_arithmetic3A_722, %and3A_723 : vector<16xi32>
      %broadcast_in_dim3A_725 = arith.constant true
      %broadcast_in_dim3A_726 = vector.broadcast %broadcast_in_dim3A_725 : i1 to vector<16xi1>
      %unique3A, %unique3A_727 = tpu.scan_count mask(%broadcast_in_dim3A_726 : vector<16xi1>) value(%and3A_724 : vector<16xi32>) : vector<16xi1>, vector<16xi32>
      tpu.vector_store_idx %arg17[%and3A_724], %unique3A_727 masked %unique3A {add = true} : memref<32xi32, #tpu.memory_space<vmem>>[vector<16xi32>], vector<16xi32>, vector<16xi1>
      %scan3A_728 = arith.constant 0 : i32
      scf.yield %scan3A_728 : i32
    }
    %scan3A_544 = arith.constant 128 : i32
    %get3A_545 = arith.constant 0 : index
    %get3A_546 = tpu.vector_load %arg17[%get3A_545] {strides = array<i32>} : memref<32xi32, #tpu.memory_space<vmem>>, vector<16xi32>,
    %get3A_547 = arith.constant 16 : index
    %get3A_548 = tpu.vector_load %arg17[%get3A_547] {strides = array<i32>} : memref<32xi32, #tpu.memory_space<vmem>>, vector<16xi32>,
    %broadcast_in_dim3A_549 = arith.constant true
    %broadcast_in_dim3A_550 = vector.broadcast %broadcast_in_dim3A_549 : i1 to vector<16xi1>
    %masked_cumsum3A_551 = tpu.scan <sum>, %get3A_546 masked %broadcast_in_dim3A_550 : vector<16xi32>, vector<16xi1> -> vector<16xi32>
    %broadcast_in_dim3A_552 = arith.constant true
    %broadcast_in_dim3A_553 = vector.broadcast %broadcast_in_dim3A_552 : i1 to vector<16xi1>
    %masked_cumsum3A_554 = tpu.scan <sum>, %get3A_548 masked %broadcast_in_dim3A_553 : vector<16xi32>, vector<16xi1> -> vector<16xi32>
    %sub3A_555 = arith.subi %masked_cumsum3A_551, %get3A_546 : vector<16xi32>
    %swap3A_556 = arith.constant 0 : index
    %swap3A_557 = tpu.vector_load %arg18[%swap3A_556] {strides = array<i32>} : memref<32xi32, #tpu.memory_space<vmem>>, vector<16xi32>,
    tpu.vector_store %arg18[%swap3A_556], %sub3A_555 {strides = array<i32>} : memref<32xi32, #tpu.memory_space<vmem>>, vector<16xi32>,
    %sub3A_558 = arith.subi %masked_cumsum3A_554, %get3A_548 : vector<16xi32>
    %slice3A_559 = vector.extract_strided_slice %masked_cumsum3A_551 {offsets = [15], sizes = [1], strides = [1]} : vector<16xi32> to vector<1xi32>
    %squeeze3A_560 = vector.extract %slice3A_559[0] : i32 from vector<1xi32>
    %add3A_561 = vector.broadcast %squeeze3A_560 : i32 to vector<16xi32>
    %add3A_562 = arith.addi %sub3A_558, %add3A_561 : vector<16xi32>
    %swap3A_563 = arith.constant 16 : index
    %swap3A_564 = tpu.vector_load %arg18[%swap3A_563] {strides = array<i32>} : memref<32xi32, #tpu.memory_space<vmem>>, vector<16xi32>,
    tpu.vector_store %arg18[%swap3A_563], %add3A_562 {strides = array<i32>} : memref<32xi32, #tpu.memory_space<vmem>>, vector<16xi32>,
    %scan3A_565 = arith.constant 0 : i32
    %scan3A_566 = arith.constant 0 : i32
    %scan3A_567 = arith.constant 128 : i32
    %scan3A_568 = arith.addi %scan3A_566, %scan3A_567 : i32
    %scan3A_569 = arith.constant 1 : i32
    %scan3A_570 = scf.for %scan3A_715 = %scan3A_566 to %scan3A_568 step %scan3A_569 iter_args(%scan3A_716 = %scan3A_565) -> (i32)  : i32 {
      %mul3A_717 = arith.constant 16 : i32
      %mul3A_718 = arith.muli %scan3A_715, %mul3A_717 : i32
      %get3A_719 = arith.index_cast %mul3A_718 : i32 to index
      %get3A_720 = tpu.vector_load %arg15[%get3A_719] {strides = array<i32>} : memref<2048xi32, #tpu.memory_space<vmem>>, vector<16xi32>,
      %mul3A_721 = arith.constant 16 : i32
      %mul3A_722 = arith.muli %scan3A_715, %mul3A_721 : i32
      %get3A_723 = arith.index_cast %mul3A_722 : i32 to index
      %get3A_724 = tpu.vector_load %arg16[%get3A_723] {strides = array<i32>} : memref<2048xi32, #tpu.memory_space<vmem>>, vector<16xi32>,
      %shift_right_arithmetic3A = arith.constant 15 : i32
      %shift_right_arithmetic3A_725 = vector.broadcast %shift_right_arithmetic3A : i32 to vector<16xi32>
      %shift_right_arithmetic3A_726 = arith.shrsi %get3A_720, %shift_right_arithmetic3A_725 : vector<16xi32>
      %and3A = arith.constant 31 : i32
      %and3A_727 = vector.broadcast %and3A : i32 to vector<16xi32>
      %and3A_728 = arith.andi %shift_right_arithmetic3A_726, %and3A_727 : vector<16xi32>
      %broadcast_in_dim3A_729 = arith.constant true
      %broadcast_in_dim3A_730 = vector.broadcast %broadcast_in_dim3A_729 : i1 to vector<16xi1>
      %unique3A, %unique3A_731 = tpu.scan_count mask(%broadcast_in_dim3A_730 : vector<16xi1>) value(%and3A_728 : vector<16xi32>) : vector<16xi1>, vector<16xi32>
      %gather3A = tpu.vector_load_idx %arg18[%and3A_728] : memref<32xi32, #tpu.memory_space<vmem>>[vector<16xi32>], vector<16xi32>,
      %add3A_732 = arith.addi %gather3A, %unique3A_731 : vector<16xi32>
      %sub3A_733 = arith.constant 1 : i32
      %sub3A_734 = vector.broadcast %sub3A_733 : i32 to vector<16xi32>
      %sub3A_735 = arith.subi %add3A_732, %sub3A_734 : vector<16xi32>
      tpu.vector_store_idx %arg13[%sub3A_735], %get3A_720 : memref<2048xi32, #tpu.memory_space<vmem>>[vector<16xi32>], vector<16xi32>,
      tpu.vector_store_idx %arg14[%sub3A_735], %get3A_724 : memref<2048xi32, #tpu.memory_space<vmem>>[vector<16xi32>], vector<16xi32>,
      tpu.vector_store_idx %arg18[%and3A_728], %unique3A_731 masked %unique3A {add = true} : memref<32xi32, #tpu.memory_space<vmem>>[vector<16xi32>], vector<16xi32>, vector<16xi1>
      %scan3A_736 = arith.constant 0 : i32
      scf.yield %scan3A_736 : i32
    }
    %scan3A_571 = arith.constant 128 : i32
    %swap3A_572 = arith.constant 0 : index
    %swap3A_573 = tpu.vector_load %arg17[%swap3A_572] {strides = array<i32>} : memref<32xi32, #tpu.memory_space<vmem>>, vector<16xi32>,
    tpu.vector_store %arg17[%swap3A_572], %broadcast_in_dim3A_3 {strides = array<i32>} : memref<32xi32, #tpu.memory_space<vmem>>, vector<16xi32>,
    %swap3A_574 = arith.constant 16 : index
    %swap3A_575 = tpu.vector_load %arg17[%swap3A_574] {strides = array<i32>} : memref<32xi32, #tpu.memory_space<vmem>>, vector<16xi32>,
    tpu.vector_store %arg17[%swap3A_574], %broadcast_in_dim3A_3 {strides = array<i32>} : memref<32xi32, #tpu.memory_space<vmem>>, vector<16xi32>,
    %scan3A_576 = arith.constant 0 : i32
    %scan3A_577 = arith.constant 0 : i32
    %scan3A_578 = arith.constant 128 : i32
    %scan3A_579 = arith.addi %scan3A_577, %scan3A_578 : i32
    %scan3A_580 = arith.constant 1 : i32
    %scan3A_581 = scf.for %scan3A_715 = %scan3A_577 to %scan3A_579 step %scan3A_580 iter_args(%scan3A_716 = %scan3A_576) -> (i32)  : i32 {
      %mul3A_717 = arith.constant 16 : i32
      %mul3A_718 = arith.muli %scan3A_715, %mul3A_717 : i32
      %get3A_719 = arith.index_cast %mul3A_718 : i32 to index
      %get3A_720 = tpu.vector_load %arg13[%get3A_719] {strides = array<i32>} : memref<2048xi32, #tpu.memory_space<vmem>>, vector<16xi32>,
      %shift_right_arithmetic3A = arith.constant 20 : i32
      %shift_right_arithmetic3A_721 = vector.broadcast %shift_right_arithmetic3A : i32 to vector<16xi32>
      %shift_right_arithmetic3A_722 = arith.shrsi %get3A_720, %shift_right_arithmetic3A_721 : vector<16xi32>
      %and3A = arith.constant 31 : i32
      %and3A_723 = vector.broadcast %and3A : i32 to vector<16xi32>
      %and3A_724 = arith.andi %shift_right_arithmetic3A_722, %and3A_723 : vector<16xi32>
      %broadcast_in_dim3A_725 = arith.constant true
      %broadcast_in_dim3A_726 = vector.broadcast %broadcast_in_dim3A_725 : i1 to vector<16xi1>
      %unique3A, %unique3A_727 = tpu.scan_count mask(%broadcast_in_dim3A_726 : vector<16xi1>) value(%and3A_724 : vector<16xi32>) : vector<16xi1>, vector<16xi32>
      tpu.vector_store_idx %arg17[%and3A_724], %unique3A_727 masked %unique3A {add = true} : memref<32xi32, #tpu.memory_space<vmem>>[vector<16xi32>], vector<16xi32>, vector<16xi1>
      %scan3A_728 = arith.constant 0 : i32
      scf.yield %scan3A_728 : i32
    }
    %scan3A_582 = arith.constant 128 : i32
    %get3A_583 = arith.constant 0 : index
    %get3A_584 = tpu.vector_load %arg17[%get3A_583] {strides = array<i32>} : memref<32xi32, #tpu.memory_space<vmem>>, vector<16xi32>,
    %get3A_585 = arith.constant 16 : index
    %get3A_586 = tpu.vector_load %arg17[%get3A_585] {strides = array<i32>} : memref<32xi32, #tpu.memory_space<vmem>>, vector<16xi32>,
    %broadcast_in_dim3A_587 = arith.constant true
    %broadcast_in_dim3A_588 = vector.broadcast %broadcast_in_dim3A_587 : i1 to vector<16xi1>
    %masked_cumsum3A_589 = tpu.scan <sum>, %get3A_584 masked %broadcast_in_dim3A_588 : vector<16xi32>, vector<16xi1> -> vector<16xi32>
    %broadcast_in_dim3A_590 = arith.constant true
    %broadcast_in_dim3A_591 = vector.broadcast %broadcast_in_dim3A_590 : i1 to vector<16xi1>
    %masked_cumsum3A_592 = tpu.scan <sum>, %get3A_586 masked %broadcast_in_dim3A_591 : vector<16xi32>, vector<16xi1> -> vector<16xi32>
    %sub3A_593 = arith.subi %masked_cumsum3A_589, %get3A_584 : vector<16xi32>
    %swap3A_594 = arith.constant 0 : index
    %swap3A_595 = tpu.vector_load %arg18[%swap3A_594] {strides = array<i32>} : memref<32xi32, #tpu.memory_space<vmem>>, vector<16xi32>,
    tpu.vector_store %arg18[%swap3A_594], %sub3A_593 {strides = array<i32>} : memref<32xi32, #tpu.memory_space<vmem>>, vector<16xi32>,
    %sub3A_596 = arith.subi %masked_cumsum3A_592, %get3A_586 : vector<16xi32>
    %slice3A_597 = vector.extract_strided_slice %masked_cumsum3A_589 {offsets = [15], sizes = [1], strides = [1]} : vector<16xi32> to vector<1xi32>
    %squeeze3A_598 = vector.extract %slice3A_597[0] : i32 from vector<1xi32>
    %add3A_599 = vector.broadcast %squeeze3A_598 : i32 to vector<16xi32>
    %add3A_600 = arith.addi %sub3A_596, %add3A_599 : vector<16xi32>
    %swap3A_601 = arith.constant 16 : index
    %swap3A_602 = tpu.vector_load %arg18[%swap3A_601] {strides = array<i32>} : memref<32xi32, #tpu.memory_space<vmem>>, vector<16xi32>,
    tpu.vector_store %arg18[%swap3A_601], %add3A_600 {strides = array<i32>} : memref<32xi32, #tpu.memory_space<vmem>>, vector<16xi32>,
    %scan3A_603 = arith.constant 0 : i32
    %scan3A_604 = arith.constant 0 : i32
    %scan3A_605 = arith.constant 128 : i32
    %scan3A_606 = arith.addi %scan3A_604, %scan3A_605 : i32
    %scan3A_607 = arith.constant 1 : i32
    %scan3A_608 = scf.for %scan3A_715 = %scan3A_604 to %scan3A_606 step %scan3A_607 iter_args(%scan3A_716 = %scan3A_603) -> (i32)  : i32 {
      %mul3A_717 = arith.constant 16 : i32
      %mul3A_718 = arith.muli %scan3A_715, %mul3A_717 : i32
      %get3A_719 = arith.index_cast %mul3A_718 : i32 to index
      %get3A_720 = tpu.vector_load %arg13[%get3A_719] {strides = array<i32>} : memref<2048xi32, #tpu.memory_space<vmem>>, vector<16xi32>,
      %mul3A_721 = arith.constant 16 : i32
      %mul3A_722 = arith.muli %scan3A_715, %mul3A_721 : i32
      %get3A_723 = arith.index_cast %mul3A_722 : i32 to index
      %get3A_724 = tpu.vector_load %arg14[%get3A_723] {strides = array<i32>} : memref<2048xi32, #tpu.memory_space<vmem>>, vector<16xi32>,
      %shift_right_arithmetic3A = arith.constant 20 : i32
      %shift_right_arithmetic3A_725 = vector.broadcast %shift_right_arithmetic3A : i32 to vector<16xi32>
      %shift_right_arithmetic3A_726 = arith.shrsi %get3A_720, %shift_right_arithmetic3A_725 : vector<16xi32>
      %and3A = arith.constant 31 : i32
      %and3A_727 = vector.broadcast %and3A : i32 to vector<16xi32>
      %and3A_728 = arith.andi %shift_right_arithmetic3A_726, %and3A_727 : vector<16xi32>
      %broadcast_in_dim3A_729 = arith.constant true
      %broadcast_in_dim3A_730 = vector.broadcast %broadcast_in_dim3A_729 : i1 to vector<16xi1>
      %unique3A, %unique3A_731 = tpu.scan_count mask(%broadcast_in_dim3A_730 : vector<16xi1>) value(%and3A_728 : vector<16xi32>) : vector<16xi1>, vector<16xi32>
      %gather3A = tpu.vector_load_idx %arg18[%and3A_728] : memref<32xi32, #tpu.memory_space<vmem>>[vector<16xi32>], vector<16xi32>,
      %add3A_732 = arith.addi %gather3A, %unique3A_731 : vector<16xi32>
      %sub3A_733 = arith.constant 1 : i32
      %sub3A_734 = vector.broadcast %sub3A_733 : i32 to vector<16xi32>
      %sub3A_735 = arith.subi %add3A_732, %sub3A_734 : vector<16xi32>
      tpu.vector_store_idx %arg15[%sub3A_735], %get3A_720 : memref<2048xi32, #tpu.memory_space<vmem>>[vector<16xi32>], vector<16xi32>,
      tpu.vector_store_idx %arg16[%sub3A_735], %get3A_724 : memref<2048xi32, #tpu.memory_space<vmem>>[vector<16xi32>], vector<16xi32>,
      tpu.vector_store_idx %arg18[%and3A_728], %unique3A_731 masked %unique3A {add = true} : memref<32xi32, #tpu.memory_space<vmem>>[vector<16xi32>], vector<16xi32>, vector<16xi1>
      %scan3A_736 = arith.constant 0 : i32
      scf.yield %scan3A_736 : i32
    }
    %scan3A_609 = arith.constant 128 : i32
    %swap3A_610 = arith.constant 0 : index
    %swap3A_611 = tpu.vector_load %arg17[%swap3A_610] {strides = array<i32>} : memref<32xi32, #tpu.memory_space<vmem>>, vector<16xi32>,
    tpu.vector_store %arg17[%swap3A_610], %broadcast_in_dim3A_3 {strides = array<i32>} : memref<32xi32, #tpu.memory_space<vmem>>, vector<16xi32>,
    %swap3A_612 = arith.constant 16 : index
    %swap3A_613 = tpu.vector_load %arg17[%swap3A_612] {strides = array<i32>} : memref<32xi32, #tpu.memory_space<vmem>>, vector<16xi32>,
    tpu.vector_store %arg17[%swap3A_612], %broadcast_in_dim3A_3 {strides = array<i32>} : memref<32xi32, #tpu.memory_space<vmem>>, vector<16xi32>,
    %scan3A_614 = arith.constant 0 : i32
    %scan3A_615 = arith.constant 0 : i32
    %scan3A_616 = arith.constant 128 : i32
    %scan3A_617 = arith.addi %scan3A_615, %scan3A_616 : i32
    %scan3A_618 = arith.constant 1 : i32
    %scan3A_619 = scf.for %scan3A_715 = %scan3A_615 to %scan3A_617 step %scan3A_618 iter_args(%scan3A_716 = %scan3A_614) -> (i32)  : i32 {
      %mul3A_717 = arith.constant 16 : i32
      %mul3A_718 = arith.muli %scan3A_715, %mul3A_717 : i32
      %get3A_719 = arith.index_cast %mul3A_718 : i32 to index
      %get3A_720 = tpu.vector_load %arg15[%get3A_719] {strides = array<i32>} : memref<2048xi32, #tpu.memory_space<vmem>>, vector<16xi32>,
      %shift_right_arithmetic3A = arith.constant 25 : i32
      %shift_right_arithmetic3A_721 = vector.broadcast %shift_right_arithmetic3A : i32 to vector<16xi32>
      %shift_right_arithmetic3A_722 = arith.shrsi %get3A_720, %shift_right_arithmetic3A_721 : vector<16xi32>
      %and3A = arith.constant 31 : i32
      %and3A_723 = vector.broadcast %and3A : i32 to vector<16xi32>
      %and3A_724 = arith.andi %shift_right_arithmetic3A_722, %and3A_723 : vector<16xi32>
      %broadcast_in_dim3A_725 = arith.constant true
      %broadcast_in_dim3A_726 = vector.broadcast %broadcast_in_dim3A_725 : i1 to vector<16xi1>
      %unique3A, %unique3A_727 = tpu.scan_count mask(%broadcast_in_dim3A_726 : vector<16xi1>) value(%and3A_724 : vector<16xi32>) : vector<16xi1>, vector<16xi32>
      tpu.vector_store_idx %arg17[%and3A_724], %unique3A_727 masked %unique3A {add = true} : memref<32xi32, #tpu.memory_space<vmem>>[vector<16xi32>], vector<16xi32>, vector<16xi1>
      %scan3A_728 = arith.constant 0 : i32
      scf.yield %scan3A_728 : i32
    }
    %scan3A_620 = arith.constant 128 : i32
    %get3A_621 = arith.constant 0 : index
    %get3A_622 = tpu.vector_load %arg17[%get3A_621] {strides = array<i32>} : memref<32xi32, #tpu.memory_space<vmem>>, vector<16xi32>,
    %get3A_623 = arith.constant 16 : index
    %get3A_624 = tpu.vector_load %arg17[%get3A_623] {strides = array<i32>} : memref<32xi32, #tpu.memory_space<vmem>>, vector<16xi32>,
    %broadcast_in_dim3A_625 = arith.constant true
    %broadcast_in_dim3A_626 = vector.broadcast %broadcast_in_dim3A_625 : i1 to vector<16xi1>
    %masked_cumsum3A_627 = tpu.scan <sum>, %get3A_622 masked %broadcast_in_dim3A_626 : vector<16xi32>, vector<16xi1> -> vector<16xi32>
    %broadcast_in_dim3A_628 = arith.constant true
    %broadcast_in_dim3A_629 = vector.broadcast %broadcast_in_dim3A_628 : i1 to vector<16xi1>
    %masked_cumsum3A_630 = tpu.scan <sum>, %get3A_624 masked %broadcast_in_dim3A_629 : vector<16xi32>, vector<16xi1> -> vector<16xi32>
    %sub3A_631 = arith.subi %masked_cumsum3A_627, %get3A_622 : vector<16xi32>
    %swap3A_632 = arith.constant 0 : index
    %swap3A_633 = tpu.vector_load %arg18[%swap3A_632] {strides = array<i32>} : memref<32xi32, #tpu.memory_space<vmem>>, vector<16xi32>,
    tpu.vector_store %arg18[%swap3A_632], %sub3A_631 {strides = array<i32>} : memref<32xi32, #tpu.memory_space<vmem>>, vector<16xi32>,
    %sub3A_634 = arith.subi %masked_cumsum3A_630, %get3A_624 : vector<16xi32>
    %slice3A_635 = vector.extract_strided_slice %masked_cumsum3A_627 {offsets = [15], sizes = [1], strides = [1]} : vector<16xi32> to vector<1xi32>
    %squeeze3A_636 = vector.extract %slice3A_635[0] : i32 from vector<1xi32>
    %add3A_637 = vector.broadcast %squeeze3A_636 : i32 to vector<16xi32>
    %add3A_638 = arith.addi %sub3A_634, %add3A_637 : vector<16xi32>
    %swap3A_639 = arith.constant 16 : index
    %swap3A_640 = tpu.vector_load %arg18[%swap3A_639] {strides = array<i32>} : memref<32xi32, #tpu.memory_space<vmem>>, vector<16xi32>,
    tpu.vector_store %arg18[%swap3A_639], %add3A_638 {strides = array<i32>} : memref<32xi32, #tpu.memory_space<vmem>>, vector<16xi32>,
    %scan3A_641 = arith.constant 0 : i32
    %scan3A_642 = arith.constant 0 : i32
    %scan3A_643 = arith.constant 128 : i32
    %scan3A_644 = arith.addi %scan3A_642, %scan3A_643 : i32
    %scan3A_645 = arith.constant 1 : i32
    %scan3A_646 = scf.for %scan3A_715 = %scan3A_642 to %scan3A_644 step %scan3A_645 iter_args(%scan3A_716 = %scan3A_641) -> (i32)  : i32 {
      %mul3A_717 = arith.constant 16 : i32
      %mul3A_718 = arith.muli %scan3A_715, %mul3A_717 : i32
      %get3A_719 = arith.index_cast %mul3A_718 : i32 to index
      %get3A_720 = tpu.vector_load %arg15[%get3A_719] {strides = array<i32>} : memref<2048xi32, #tpu.memory_space<vmem>>, vector<16xi32>,
      %mul3A_721 = arith.constant 16 : i32
      %mul3A_722 = arith.muli %scan3A_715, %mul3A_721 : i32
      %get3A_723 = arith.index_cast %mul3A_722 : i32 to index
      %get3A_724 = tpu.vector_load %arg16[%get3A_723] {strides = array<i32>} : memref<2048xi32, #tpu.memory_space<vmem>>, vector<16xi32>,
      %shift_right_arithmetic3A = arith.constant 25 : i32
      %shift_right_arithmetic3A_725 = vector.broadcast %shift_right_arithmetic3A : i32 to vector<16xi32>
      %shift_right_arithmetic3A_726 = arith.shrsi %get3A_720, %shift_right_arithmetic3A_725 : vector<16xi32>
      %and3A = arith.constant 31 : i32
      %and3A_727 = vector.broadcast %and3A : i32 to vector<16xi32>
      %and3A_728 = arith.andi %shift_right_arithmetic3A_726, %and3A_727 : vector<16xi32>
      %broadcast_in_dim3A_729 = arith.constant true
      %broadcast_in_dim3A_730 = vector.broadcast %broadcast_in_dim3A_729 : i1 to vector<16xi1>
      %unique3A, %unique3A_731 = tpu.scan_count mask(%broadcast_in_dim3A_730 : vector<16xi1>) value(%and3A_728 : vector<16xi32>) : vector<16xi1>, vector<16xi32>
      %gather3A = tpu.vector_load_idx %arg18[%and3A_728] : memref<32xi32, #tpu.memory_space<vmem>>[vector<16xi32>], vector<16xi32>,
      %add3A_732 = arith.addi %gather3A, %unique3A_731 : vector<16xi32>
      %sub3A_733 = arith.constant 1 : i32
      %sub3A_734 = vector.broadcast %sub3A_733 : i32 to vector<16xi32>
      %sub3A_735 = arith.subi %add3A_732, %sub3A_734 : vector<16xi32>
      tpu.vector_store_idx %arg13[%sub3A_735], %get3A_720 : memref<2048xi32, #tpu.memory_space<vmem>>[vector<16xi32>], vector<16xi32>,
      tpu.vector_store_idx %arg14[%sub3A_735], %get3A_724 : memref<2048xi32, #tpu.memory_space<vmem>>[vector<16xi32>], vector<16xi32>,
      tpu.vector_store_idx %arg18[%and3A_728], %unique3A_731 masked %unique3A {add = true} : memref<32xi32, #tpu.memory_space<vmem>>[vector<16xi32>], vector<16xi32>, vector<16xi1>
      %scan3A_736 = arith.constant 0 : i32
      scf.yield %scan3A_736 : i32
    }
    %scan3A_647 = arith.constant 128 : i32
    %swap3A_648 = arith.constant 0 : index
    %swap3A_649 = tpu.vector_load %arg17[%swap3A_648] {strides = array<i32>} : memref<32xi32, #tpu.memory_space<vmem>>, vector<16xi32>,
    tpu.vector_store %arg17[%swap3A_648], %broadcast_in_dim3A_3 {strides = array<i32>} : memref<32xi32, #tpu.memory_space<vmem>>, vector<16xi32>,
    %swap3A_650 = arith.constant 16 : index
    %swap3A_651 = tpu.vector_load %arg17[%swap3A_650] {strides = array<i32>} : memref<32xi32, #tpu.memory_space<vmem>>, vector<16xi32>,
    tpu.vector_store %arg17[%swap3A_650], %broadcast_in_dim3A_3 {strides = array<i32>} : memref<32xi32, #tpu.memory_space<vmem>>, vector<16xi32>,
    %scan3A_652 = arith.constant 0 : i32
    %scan3A_653 = arith.constant 0 : i32
    %scan3A_654 = arith.constant 128 : i32
    %scan3A_655 = arith.addi %scan3A_653, %scan3A_654 : i32
    %scan3A_656 = arith.constant 1 : i32
    %scan3A_657 = scf.for %scan3A_715 = %scan3A_653 to %scan3A_655 step %scan3A_656 iter_args(%scan3A_716 = %scan3A_652) -> (i32)  : i32 {
      %mul3A_717 = arith.constant 16 : i32
      %mul3A_718 = arith.muli %scan3A_715, %mul3A_717 : i32
      %get3A_719 = arith.index_cast %mul3A_718 : i32 to index
      %get3A_720 = tpu.vector_load %arg13[%get3A_719] {strides = array<i32>} : memref<2048xi32, #tpu.memory_space<vmem>>, vector<16xi32>,
      %shift_right_arithmetic3A = arith.constant 30 : i32
      %shift_right_arithmetic3A_721 = vector.broadcast %shift_right_arithmetic3A : i32 to vector<16xi32>
      %shift_right_arithmetic3A_722 = arith.shrsi %get3A_720, %shift_right_arithmetic3A_721 : vector<16xi32>
      %and3A = arith.constant 31 : i32
      %and3A_723 = vector.broadcast %and3A : i32 to vector<16xi32>
      %and3A_724 = arith.andi %shift_right_arithmetic3A_722, %and3A_723 : vector<16xi32>
      %broadcast_in_dim3A_725 = arith.constant true
      %broadcast_in_dim3A_726 = vector.broadcast %broadcast_in_dim3A_725 : i1 to vector<16xi1>
      %unique3A, %unique3A_727 = tpu.scan_count mask(%broadcast_in_dim3A_726 : vector<16xi1>) value(%and3A_724 : vector<16xi32>) : vector<16xi1>, vector<16xi32>
      tpu.vector_store_idx %arg17[%and3A_724], %unique3A_727 masked %unique3A {add = true} : memref<32xi32, #tpu.memory_space<vmem>>[vector<16xi32>], vector<16xi32>, vector<16xi1>
      %scan3A_728 = arith.constant 0 : i32
      scf.yield %scan3A_728 : i32
    }
    %scan3A_658 = arith.constant 128 : i32
    %get3A_659 = arith.constant 0 : index
    %get3A_660 = tpu.vector_load %arg17[%get3A_659] {strides = array<i32>} : memref<32xi32, #tpu.memory_space<vmem>>, vector<16xi32>,
    %get3A_661 = arith.constant 16 : index
    %get3A_662 = tpu.vector_load %arg17[%get3A_661] {strides = array<i32>} : memref<32xi32, #tpu.memory_space<vmem>>, vector<16xi32>,
    %broadcast_in_dim3A_663 = arith.constant true
    %broadcast_in_dim3A_664 = vector.broadcast %broadcast_in_dim3A_663 : i1 to vector<16xi1>
    %masked_cumsum3A_665 = tpu.scan <sum>, %get3A_660 masked %broadcast_in_dim3A_664 : vector<16xi32>, vector<16xi1> -> vector<16xi32>
    %broadcast_in_dim3A_666 = arith.constant true
    %broadcast_in_dim3A_667 = vector.broadcast %broadcast_in_dim3A_666 : i1 to vector<16xi1>
    %masked_cumsum3A_668 = tpu.scan <sum>, %get3A_662 masked %broadcast_in_dim3A_667 : vector<16xi32>, vector<16xi1> -> vector<16xi32>
    %sub3A_669 = arith.subi %masked_cumsum3A_665, %get3A_660 : vector<16xi32>
    %swap3A_670 = arith.constant 0 : index
    %swap3A_671 = tpu.vector_load %arg18[%swap3A_670] {strides = array<i32>} : memref<32xi32, #tpu.memory_space<vmem>>, vector<16xi32>,
    tpu.vector_store %arg18[%swap3A_670], %sub3A_669 {strides = array<i32>} : memref<32xi32, #tpu.memory_space<vmem>>, vector<16xi32>,
    %sub3A_672 = arith.subi %masked_cumsum3A_668, %get3A_662 : vector<16xi32>
    %slice3A_673 = vector.extract_strided_slice %masked_cumsum3A_665 {offsets = [15], sizes = [1], strides = [1]} : vector<16xi32> to vector<1xi32>
    %squeeze3A_674 = vector.extract %slice3A_673[0] : i32 from vector<1xi32>
    %add3A_675 = vector.broadcast %squeeze3A_674 : i32 to vector<16xi32>
    %add3A_676 = arith.addi %sub3A_672, %add3A_675 : vector<16xi32>
    %swap3A_677 = arith.constant 16 : index
    %swap3A_678 = tpu.vector_load %arg18[%swap3A_677] {strides = array<i32>} : memref<32xi32, #tpu.memory_space<vmem>>, vector<16xi32>,
    tpu.vector_store %arg18[%swap3A_677], %add3A_676 {strides = array<i32>} : memref<32xi32, #tpu.memory_space<vmem>>, vector<16xi32>,
    %scan3A_679 = arith.constant 0 : i32
    %scan3A_680 = arith.constant 0 : i32
    %scan3A_681 = arith.constant 128 : i32
    %scan3A_682 = arith.addi %scan3A_680, %scan3A_681 : i32
    %scan3A_683 = arith.constant 1 : i32
    %scan3A_684 = scf.for %scan3A_715 = %scan3A_680 to %scan3A_682 step %scan3A_683 iter_args(%scan3A_716 = %scan3A_679) -> (i32)  : i32 {
      %mul3A_717 = arith.constant 16 : i32
      %mul3A_718 = arith.muli %scan3A_715, %mul3A_717 : i32
      %get3A_719 = arith.index_cast %mul3A_718 : i32 to index
      %get3A_720 = tpu.vector_load %arg13[%get3A_719] {strides = array<i32>} : memref<2048xi32, #tpu.memory_space<vmem>>, vector<16xi32>,
      %mul3A_721 = arith.constant 16 : i32
      %mul3A_722 = arith.muli %scan3A_715, %mul3A_721 : i32
      %get3A_723 = arith.index_cast %mul3A_722 : i32 to index
      %get3A_724 = tpu.vector_load %arg14[%get3A_723] {strides = array<i32>} : memref<2048xi32, #tpu.memory_space<vmem>>, vector<16xi32>,
      %shift_right_arithmetic3A = arith.constant 30 : i32
      %shift_right_arithmetic3A_725 = vector.broadcast %shift_right_arithmetic3A : i32 to vector<16xi32>
      %shift_right_arithmetic3A_726 = arith.shrsi %get3A_720, %shift_right_arithmetic3A_725 : vector<16xi32>
      %and3A = arith.constant 31 : i32
      %and3A_727 = vector.broadcast %and3A : i32 to vector<16xi32>
      %and3A_728 = arith.andi %shift_right_arithmetic3A_726, %and3A_727 : vector<16xi32>
      %broadcast_in_dim3A_729 = arith.constant true
      %broadcast_in_dim3A_730 = vector.broadcast %broadcast_in_dim3A_729 : i1 to vector<16xi1>
      %unique3A, %unique3A_731 = tpu.scan_count mask(%broadcast_in_dim3A_730 : vector<16xi1>) value(%and3A_728 : vector<16xi32>) : vector<16xi1>, vector<16xi32>
      %gather3A = tpu.vector_load_idx %arg18[%and3A_728] : memref<32xi32, #tpu.memory_space<vmem>>[vector<16xi32>], vector<16xi32>,
      %add3A_732 = arith.addi %gather3A, %unique3A_731 : vector<16xi32>
      %sub3A_733 = arith.constant 1 : i32
      %sub3A_734 = vector.broadcast %sub3A_733 : i32 to vector<16xi32>
      %sub3A_735 = arith.subi %add3A_732, %sub3A_734 : vector<16xi32>
      tpu.vector_store_idx %arg15[%sub3A_735], %get3A_720 : memref<2048xi32, #tpu.memory_space<vmem>>[vector<16xi32>], vector<16xi32>,
      tpu.vector_store_idx %arg16[%sub3A_735], %get3A_724 : memref<2048xi32, #tpu.memory_space<vmem>>[vector<16xi32>], vector<16xi32>,
      tpu.vector_store_idx %arg18[%and3A_728], %unique3A_731 masked %unique3A {add = true} : memref<32xi32, #tpu.memory_space<vmem>>[vector<16xi32>], vector<16xi32>, vector<16xi1>
      %scan3A_736 = arith.constant 0 : i32
      scf.yield %scan3A_736 : i32
    }
    %scan3A_685 = arith.constant 128 : i32
    %mul3A_686 = arith.constant 4 : i32
    %mul3A_687 = arith.muli %add3A_359, %mul3A_686 : i32
    %mul3A_688 = arith.constant 5000 : i32
    %mul3A_689 = arith.muli %mul3A_687, %mul3A_688 : i32
    %dma_wait3A_690 = tpu.memref_slice %arg3[%mul3A_689] : memref<1280000xf32, #tpu.memory_space<hbm>> -> memref<20000xf32, #tpu.memory_space<hbm>>
    %dma_wait3A_691 = tpu.memref_slice %arg3[%mul3A_689] : memref<1280000xf32, #tpu.memory_space<hbm>> -> memref<20000xf32, #tpu.memory_space<hbm>>
    tpu.wait_dma2 semaphore(%arg26 : memref<!tpu.dma_semaphore, #tpu.memory_space<semaphore_mem>>) src(%dma_wait3A_691 : memref<20000xf32, #tpu.memory_space<hbm>>) dst(%arg19 : memref<20000xf32, #tpu.memory_space<vmem>>)
    %mul3A_692 = arith.constant 2 : i32
    %mul3A_693 = arith.muli %mul3A_692, %add3A_359 : i32
    %get3A_694 = arith.index_cast %mul3A_693 : i32 to index
    %get3A_695 = tpu.vector_load %arg23[%get3A_694] {strides = array<i32>} : memref<144xf32, #tpu.memory_space<vmem>>, vector<16xf32>,
    %slice3A_696 = vector.extract_strided_slice %get3A_695 {offsets = [0], sizes = [1], strides = [1]} : vector<16xf32> to vector<1xf32>
    %squeeze3A_697 = vector.extract %slice3A_696[0] : f32 from vector<1xf32>
    %slice3A_698 = vector.extract_strided_slice %get3A_695 {offsets = [1], sizes = [1], strides = [1]} : vector<16xf32> to vector<1xf32>
    %squeeze3A_699 = vector.extract %slice3A_698[0] : f32 from vector<1xf32>
    %scan3A_700 = arith.constant 0 : i32
    %scan3A_701 = arith.constant 0 : i32
    %scan3A_702 = arith.constant 20 : i32
    %scan3A_703 = arith.addi %scan3A_701, %scan3A_702 : i32
    %scan3A_704 = arith.constant 1 : i32
    %scan3A_705 = scf.for %scan3A_715 = %scan3A_701 to %scan3A_703 step %scan3A_704 iter_args(%scan3A_716 = %scan3A_700) -> (i32)  : i32 {
      %mul3A_717 = arith.constant 16 : i32
      %mul3A_718 = arith.muli %scan3A_715, %mul3A_717 : i32
      %get3A_719 = arith.index_cast %mul3A_718 : i32 to index
      %get3A_720 = tpu.vector_load %arg15[%get3A_719] {strides = array<i32>} : memref<2048xi32, #tpu.memory_space<vmem>>, vector<16xi32>,
      %mul3A_721 = arith.constant 16 : i32
      %mul3A_722 = arith.muli %scan3A_715, %mul3A_721 : i32
      %get3A_723 = arith.index_cast %mul3A_722 : i32 to index
      %get3A_724 = tpu.vector_load %arg16[%get3A_723] {strides = array<i32>} : memref<2048xi32, #tpu.memory_space<vmem>>, vector<16xi32>,
      %not3A = arith.constant dense<-1> : vector<16xi32>
      %not3A_725 = arith.xori %get3A_720, %not3A : vector<16xi32>
      %bitcast3A = vector.bitcast %not3A_725 : vector<16xi32> to vector<16xf32>
      %mul3A_726 = arith.constant 16 : i32
      %mul3A_727 = arith.muli %scan3A_715, %mul3A_726 : i32
      %swap3A_728 = arith.index_cast %mul3A_727 : i32 to index
      %swap3A_729 = tpu.vector_load %arg20[%swap3A_728] {strides = array<i32>} : memref<320xf32, #tpu.memory_space<vmem>>, vector<16xf32>,
      tpu.vector_store %arg20[%swap3A_728], %bitcast3A {strides = array<i32>} : memref<320xf32, #tpu.memory_space<vmem>>, vector<16xf32>,
      %convert_element_type3A = arith.sitofp %get3A_724 : vector<16xi32> to vector<16xf32>
      %add3A_730 = arith.constant 5.000000e-01 : f32
      %add3A_731 = vector.broadcast %add3A_730 : f32 to vector<16xf32>
      %add3A_732 = arith.addf %convert_element_type3A, %add3A_731 : vector<16xf32>
      %mul3A_733 = arith.constant 1.250000e-02 : f32
      %mul3A_734 = vector.broadcast %mul3A_733 : f32 to vector<16xf32>
      %mul3A_735 = arith.mulf %add3A_732, %mul3A_734 : vector<16xf32>
      %convert_element_type3A_736 = arith.fptosi %mul3A_735 : vector<16xf32> to vector<16xi32>
      %mul3A_737 = arith.constant 80 : i32
      %mul3A_738 = vector.broadcast %mul3A_737 : i32 to vector<16xi32>
      %mul3A_739 = arith.muli %convert_element_type3A_736, %mul3A_738 : vector<16xi32>
      %sub3A_740 = arith.subi %get3A_724, %mul3A_739 : vector<16xi32>
      %mul3A_741 = arith.constant 16 : i32
      %mul3A_742 = arith.muli %scan3A_715, %mul3A_741 : i32
      %swap3A_743 = arith.index_cast %mul3A_742 : i32 to index
      %swap3A_744 = tpu.vector_load %arg21[%swap3A_743] {strides = array<i32>} : memref<320xi32, #tpu.memory_space<vmem>>, vector<16xi32>,
      tpu.vector_store %arg21[%swap3A_743], %sub3A_740 {strides = array<i32>} : memref<320xi32, #tpu.memory_space<vmem>>, vector<16xi32>,
      %mul3A_745 = arith.constant 4 : i32
      %mul3A_746 = vector.broadcast %mul3A_745 : i32 to vector<16xi32>
      %mul3A_747 = arith.muli %convert_element_type3A_736, %mul3A_746 : vector<16xi32>
      %gather3A = tpu.vector_load_idx %arg19[%mul3A_747] : memref<20000xf32, #tpu.memory_space<vmem>>[vector<16xi32>], vector<16xf32>,
      %add3A_748 = arith.constant 1 : i32
      %add3A_749 = vector.broadcast %add3A_748 : i32 to vector<16xi32>
      %add3A_750 = arith.addi %mul3A_747, %add3A_749 : vector<16xi32>
      %gather3A_751 = tpu.vector_load_idx %arg19[%add3A_750] : memref<20000xf32, #tpu.memory_space<vmem>>[vector<16xi32>], vector<16xf32>,
      %add3A_752 = arith.constant 2 : i32
      %add3A_753 = vector.broadcast %add3A_752 : i32 to vector<16xi32>
      %add3A_754 = arith.addi %mul3A_747, %add3A_753 : vector<16xi32>
      %gather3A_755 = tpu.vector_load_idx %arg19[%add3A_754] : memref<20000xf32, #tpu.memory_space<vmem>>[vector<16xi32>], vector<16xf32>,
      %add3A_756 = arith.constant 3 : i32
      %add3A_757 = vector.broadcast %add3A_756 : i32 to vector<16xi32>
      %add3A_758 = arith.addi %mul3A_747, %add3A_757 : vector<16xi32>
      %gather3A_759 = tpu.vector_load_idx %arg19[%add3A_758] : memref<20000xf32, #tpu.memory_space<vmem>>[vector<16xi32>], vector<16xf32>,
      %mul3A_760 = arith.constant 5.000000e-01 : f32
      %mul3A_761 = vector.broadcast %mul3A_760 : f32 to vector<16xf32>
      %mul3A_762 = arith.mulf %mul3A_761, %gather3A_755 : vector<16xf32>
      %mul3A_763 = arith.constant 5.000000e-01 : f32
      %mul3A_764 = vector.broadcast %mul3A_763 : f32 to vector<16xf32>
      %mul3A_765 = arith.mulf %mul3A_764, %gather3A_759 : vector<16xf32>
      %mul3A_766 = arith.constant 16 : i32
      %mul3A_767 = arith.muli %scan3A_715, %mul3A_766 : i32
      %add3A_768 = vector.broadcast %mul3A_767 : i32 to vector<16xi32>
      %add3A_769 = arith.addi %add3A_768, %iota3A : vector<16xi32>
      %mul3A_770 = arith.constant 4 : i32
      %mul3A_771 = vector.broadcast %mul3A_770 : i32 to vector<16xi32>
      %mul3A_772 = arith.muli %add3A_769, %mul3A_771 : vector<16xi32>
      %sub3A_773 = arith.subf %gather3A, %mul3A_762 : vector<16xf32>
      %mul3A_774 = vector.broadcast %squeeze3A_697 : f32 to vector<16xf32>
      %mul3A_775 = arith.mulf %sub3A_773, %mul3A_774 : vector<16xf32>
      tpu.vector_store_idx %arg22[%mul3A_772], %mul3A_775 : memref<1280xf32, #tpu.memory_space<vmem>>[vector<16xi32>], vector<16xf32>,
      %add3A_776 = arith.constant 1 : i32
      %add3A_777 = vector.broadcast %add3A_776 : i32 to vector<16xi32>
      %add3A_778 = arith.addi %mul3A_772, %add3A_777 : vector<16xi32>
      %sub3A_779 = arith.subf %gather3A_751, %mul3A_765 : vector<16xf32>
      %mul3A_780 = vector.broadcast %squeeze3A_699 : f32 to vector<16xf32>
      %mul3A_781 = arith.mulf %sub3A_779, %mul3A_780 : vector<16xf32>
      tpu.vector_store_idx %arg22[%add3A_778], %mul3A_781 : memref<1280xf32, #tpu.memory_space<vmem>>[vector<16xi32>], vector<16xf32>,
      %add3A_782 = arith.constant 2 : i32
      %add3A_783 = vector.broadcast %add3A_782 : i32 to vector<16xi32>
      %add3A_784 = arith.addi %mul3A_772, %add3A_783 : vector<16xi32>
      %add3A_785 = arith.addf %gather3A, %mul3A_762 : vector<16xf32>
      %mul3A_786 = vector.broadcast %squeeze3A_697 : f32 to vector<16xf32>
      %mul3A_787 = arith.mulf %add3A_785, %mul3A_786 : vector<16xf32>
      tpu.vector_store_idx %arg22[%add3A_784], %mul3A_787 : memref<1280xf32, #tpu.memory_space<vmem>>[vector<16xi32>], vector<16xf32>,
      %add3A_788 = arith.constant 3 : i32
      %add3A_789 = vector.broadcast %add3A_788 : i32 to vector<16xi32>
      %add3A_790 = arith.addi %mul3A_772, %add3A_789 : vector<16xi32>
      %add3A_791 = arith.addf %gather3A_751, %mul3A_765 : vector<16xf32>
      %mul3A_792 = vector.broadcast %squeeze3A_699 : f32 to vector<16xf32>
      %mul3A_793 = arith.mulf %add3A_791, %mul3A_792 : vector<16xf32>
      tpu.vector_store_idx %arg22[%add3A_790], %mul3A_793 : memref<1280xf32, #tpu.memory_space<vmem>>[vector<16xi32>], vector<16xf32>,
      %scan3A_794 = arith.constant 0 : i32
      scf.yield %scan3A_794 : i32
    }
    %scan3A_706 = arith.constant 20 : i32
    %mul3A_707 = arith.constant 320 : i32
    %mul3A_708 = arith.muli %add3A_359, %mul3A_707 : i32
    "tpu.region"() ({
      %run_scoped3A = tpu.sem_alloc : memref<!tpu.dma_semaphore, #tpu.memory_space<semaphore_mem>>
      %dma_start3A_715 = tpu.memref_slice %arg7[%mul3A_708] : memref<20480xf32, #tpu.memory_space<hbm>> -> memref<320xf32, #tpu.memory_space<hbm>>
      %dma_start3A_716 = tpu.memref_slice %arg7[%mul3A_708] : memref<20480xf32, #tpu.memory_space<hbm>> -> memref<320xf32, #tpu.memory_space<hbm>>
      tpu.enqueue_dma source(%arg20 : memref<320xf32, #tpu.memory_space<vmem>>) target(%dma_start3A_716 : memref<320xf32, #tpu.memory_space<hbm>>) target_semaphore(%run_scoped3A : memref<!tpu.dma_semaphore, #tpu.memory_space<semaphore_mem>>)
      %dma_wait3A_717 = tpu.memref_slice %arg7[%mul3A_708] : memref<20480xf32, #tpu.memory_space<hbm>> -> memref<320xf32, #tpu.memory_space<hbm>>
      %dma_wait3A_718 = tpu.memref_slice %arg7[%mul3A_708] : memref<20480xf32, #tpu.memory_space<hbm>> -> memref<320xf32, #tpu.memory_space<hbm>>
      tpu.wait_dma2 semaphore(%run_scoped3A : memref<!tpu.dma_semaphore, #tpu.memory_space<semaphore_mem>>) src(%arg20 : memref<320xf32, #tpu.memory_space<vmem>>) dst(%dma_wait3A_718 : memref<320xf32, #tpu.memory_space<hbm>>)
      tpu.yield
    }) : () -> ()
    %mul3A_709 = arith.constant 320 : i32
    %mul3A_710 = arith.muli %add3A_359, %mul3A_709 : i32
    "tpu.region"() ({
      %run_scoped3A = tpu.sem_alloc : memref<!tpu.dma_semaphore, #tpu.memory_space<semaphore_mem>>
      %dma_start3A_715 = tpu.memref_slice %arg5[%mul3A_710] : memref<20480xi32, #tpu.memory_space<hbm>> -> memref<320xi32, #tpu.memory_space<hbm>>
      %dma_start3A_716 = tpu.memref_slice %arg5[%mul3A_710] : memref<20480xi32, #tpu.memory_space<hbm>> -> memref<320xi32, #tpu.memory_space<hbm>>
      tpu.enqueue_dma source(%arg21 : memref<320xi32, #tpu.memory_space<vmem>>) target(%dma_start3A_716 : memref<320xi32, #tpu.memory_space<hbm>>) target_semaphore(%run_scoped3A : memref<!tpu.dma_semaphore, #tpu.memory_space<semaphore_mem>>)
      %dma_wait3A_717 = tpu.memref_slice %arg5[%mul3A_710] : memref<20480xi32, #tpu.memory_space<hbm>> -> memref<320xi32, #tpu.memory_space<hbm>>
      %dma_wait3A_718 = tpu.memref_slice %arg5[%mul3A_710] : memref<20480xi32, #tpu.memory_space<hbm>> -> memref<320xi32, #tpu.memory_space<hbm>>
      tpu.wait_dma2 semaphore(%run_scoped3A : memref<!tpu.dma_semaphore, #tpu.memory_space<semaphore_mem>>) src(%arg21 : memref<320xi32, #tpu.memory_space<vmem>>) dst(%dma_wait3A_718 : memref<320xi32, #tpu.memory_space<hbm>>)
      tpu.yield
    }) : () -> ()
    %mul3A_711 = arith.constant 4 : i32
    %mul3A_712 = arith.muli %add3A_359, %mul3A_711 : i32
    %mul3A_713 = arith.constant 320 : i32
    %mul3A_714 = arith.muli %mul3A_712, %mul3A_713 : i32
    "tpu.region"() ({
      %run_scoped3A = tpu.sem_alloc : memref<!tpu.dma_semaphore, #tpu.memory_space<semaphore_mem>>
      %dma_start3A_715 = tpu.memref_slice %arg6[%mul3A_714] : memref<81920xf32, #tpu.memory_space<hbm>> -> memref<1280xf32, #tpu.memory_space<hbm>>
      %dma_start3A_716 = tpu.memref_slice %arg6[%mul3A_714] : memref<81920xf32, #tpu.memory_space<hbm>> -> memref<1280xf32, #tpu.memory_space<hbm>>
      tpu.enqueue_dma source(%arg22 : memref<1280xf32, #tpu.memory_space<vmem>>) target(%dma_start3A_716 : memref<1280xf32, #tpu.memory_space<hbm>>) target_semaphore(%run_scoped3A : memref<!tpu.dma_semaphore, #tpu.memory_space<semaphore_mem>>)
      %dma_wait3A_717 = tpu.memref_slice %arg6[%mul3A_714] : memref<81920xf32, #tpu.memory_space<hbm>> -> memref<1280xf32, #tpu.memory_space<hbm>>
      %dma_wait3A_718 = tpu.memref_slice %arg6[%mul3A_714] : memref<81920xf32, #tpu.memory_space<hbm>> -> memref<1280xf32, #tpu.memory_space<hbm>>
      tpu.wait_dma2 semaphore(%run_scoped3A : memref<!tpu.dma_semaphore, #tpu.memory_space<semaphore_mem>>) src(%arg22 : memref<1280xf32, #tpu.memory_space<vmem>>) dst(%dma_wait3A_718 : memref<1280xf32, #tpu.memory_space<hbm>>)
      tpu.yield
    }) : () -> ()
    return
  }
}

</mosaic_0001>

<sc_bundles>
// kernel: kernel.3.cloned.1.call-start
scs
__scs_entry_jumppad:
0x0: {  	(pc) =	sbr.rel $0x88, $3  }
0x1: {  	(tag) =	ssettag $0x0;
	lr =	simm.s32 $0x1  }
0x2: {  	[smem:$0x3F9E] =	sst lr;
	_ =	strace $0xD0000000  }
0x3: {  	_ = 	snop  }
0x4: {  	_ = 	snop  }
0x5: {  	_ = 	snop  }
0x6: {  	_ = 	snop  }
0x7: {  	_ = 	snop  }
__scs_overlays_trampoline_lowered:
0x8: {  	[smem:$0x3FAD] =	sst s0  }
0x9: {  	[smem:$0x3FAE] =	sst s1  }
0xa: {  	[smem:$0x3FAF] =	sst s2  }
0xb: {  	[smem:$0x3FB0] =	sst s3  }
0xc: {  	[smem:$0x3FB1] =	sst s4  }
0xd: {  	[smem:$0x3FB2] =	sst s5  }
0xe: {  	[smem:$0x3FB3] =	sst s6  }
0xf: {  	[smem:$0x3FB4] =	sst s7  }
0x10: {  	[smem:$0x3FB5] =	sst s8  }
0x11: {  	[smem:$0x3FB6] =	sst s9;
	s0 =	simm.s32 @!p0 $0x0  }
0x12: {  	s1 =	sld [smem:$0x3F9C];
	s0 =	simm.s32 @p0 $0x1  }
0x13: {  	[smem:$0x3FB7] =	sst s0;
	s0 =	simm.s32 @!p1 $0x0  }
0x14: {  	s2 =	sld [smem:$0x3F9B];
	s0 =	simm.s32 @p1 $0x1  }
0x15: {  	[smem:$0x3FB8] =	sst s0;
	s0 =	simm.s32 @!p2 $0x0  }
0x16: {  	s3 =	sld [smem:$0x3FDB];
	s0 =	simm.s32 @p2 $0x1  }
0x17: {  	s4 =	simm.s32 $0x1BF5;
	[smem:$0x3FBA] =	sst s0  }
0x18: {  	s0 =	sld [smem:$0x3F9D];
	_ =	swait.ge [sflag:s4], $0x0  }
0x19: {  	s7 =	sld [smem:$0x3F9E]  }
0x1a: {  	s8 =	sadd.s32 $0xFFFFE003, lr  }
0x1b: {  	s9 =	sadd.s32 $0xFFFFFEF7, lr;
	s5 =	simm.s32 $0xFFFFFFFF;
	p2 =	slt.u32 s8, $0xFFFFF086  }
0x1c: {  	p1 =	slt.u32 s9, $0xF7A;
	s5 =	simm.s32 @!p2 $0x0  }
0x1d: {  	s5 =	simm.s32 @p1 $0x1;
	p0 =	seq.s32 s7, s2  }
0x1e: {  	s7 =	smul.u32 @!p0 $0xF7A, s2;
	p2 =	seq.s32 @!p0 s5, $0x0  }
0x1f: {  	s9 =	smul.u32 $0xF7A, s1;
	s8 =	simm.s32 @!p0 $0x1BF5;
	p2 =	por !p2, p0  }
0x20: {  	[sflag:s8] =	ssyncset.s32 @!p0 $0xFFFFF086;
	s6 =	sadd.s32 @!p0 s3, s7;
	s7 =	simm.s32 @!p0 $0x108  }
0x21: {  	s3 =	sadd.s32 s3, s9;
	s6 =	sadd.s32 @!p0 $0x88, s6;
	s7 =	simm.s32 @p2 $0x1082  }
0x22: {  	[simem:s7], [sflag:s8] =	dma.local @!p0 [hbm:s6], $0xF7A  }
0x23: {  	s9 =	sor.u32 $0xD0000000, s2;
	s6 =	simm.s32 $0x108;
	_ =	swait.ge @!p0 [sflag:s8], $0x0  }
0x24: {  	s3 =	sadd.s32 $0x88, s3;
	s6 =	simm.s32 @!p1 $0x1082;
	[sflag:s4] =	ssyncset.s32 $0xFFFFF086  }
0x25: {  	[simem:s6], [sflag:s4] =	dma.local [hbm:s3], $0xF7A  }
0x26: {  	[smem:$0x3F9E] =	sst s1;
	(tag) =	ssettag s2;
	_ =	strace s9  }
0x27: {  	s1 =	sld [smem:$0x3FAE]  }
0x28: {  	s2 =	sld [smem:$0x3FAF]  }
0x29: {  	s4 =	sld [smem:$0x3FB1]  }
0x2a: {  	p0 =	seq.s32 s5, $0x0;
	s5 =	sld [smem:$0x3FB2]  }
0x2b: {  	s6 =	sld [smem:$0x3FB3]  }
0x2c: {  	s7 =	sld [smem:$0x3FB4]  }
0x2d: {  	s3 =	simm.s32 $0x108;
	s8 =	sld [smem:$0x3FB5]  }
0x2e: {  	s3 =	simm.s32 @!p0 $0x1082;
	s9 =	sld [smem:$0x3FB6]  }
0x2f: {  	lr =	sadd.s32 s0, s3;
	s0 =	sld [smem:$0x3FAD]  }
0x30: {  	s3 =	sld [smem:$0x3FB0]  }
0x31: {  	[smem:$0x3FB9] =	sst s10  }
0x32: {  	s10 =	sld [smem:$0x3FB7];
	_ =	sdelay $0x3  }
0x33: {  	p0 =	seq.s32 s10, $0x1;
	s10 =	sld [smem:$0x3FB9];
	_ =	sdelay $0x3  }
0x34: {  	[smem:$0x3FB9] =	sst s10  }
0x35: {  	s10 =	sld [smem:$0x3FB8];
	_ =	sdelay $0x3  }
0x36: {  	p1 =	seq.s32 s10, $0x1;
	s10 =	sld [smem:$0x3FB9];
	_ =	sdelay $0x3  }
0x37: {  	[smem:$0x3FB9] =	sst s10  }
0x38: {  	s10 =	sld [smem:$0x3FBA]  }
0x39: {  	_ = 	snop;
	(pc) =	sbr.ind lr, $3  }
0x3a: {  	_ = 	snop  }
0x3b: {  	_ = 	snop  }
0x3c: {  	p2 =	seq.s32 s10, $0x1;
	s10 =	sld [smem:$0x3FB9]  }
0x3d: {  	_ =	shalt  }
0x3e: {  	_ =	shalt  }
0x3f: {  	_ =	shalt  }
0x40: {  	_ =	shalt  }
0x41: {  	_ =	shalt  }
0x42: {  	_ =	shalt  }
0x43: {  	_ =	shalt  }
0x44: {  	_ =	shalt  }
0x45: {  	_ =	shalt  }
0x46: {  	_ =	shalt  }
0x47: {  	_ =	shalt  }
0x48: {  	_ =	shalt  }
0x49: {  	_ =	shalt  }
0x4a: {  	_ =	shalt  }
0x4b: {  	_ =	shalt  }
0x4c: {  	_ =	shalt  }
0x4d: {  	_ =	shalt  }
0x4e: {  	_ =	shalt  }
0x4f: {  	_ =	shalt  }
0x50: {  	_ =	shalt  }
0x51: {  	_ =	shalt  }
0x52: {  	_ =	shalt  }
0x53: {  	_ =	shalt  }
0x54: {  	_ =	shalt  }
0x55: {  	_ =	shalt  }
0x56: {  	_ =	shalt  }
0x57: {  	_ =	shalt  }
0x58: {  	_ =	shalt  }
0x59: {  	_ =	shalt  }
0x5a: {  	_ =	shalt  }
0x5b: {  	_ =	shalt  }
0x5c: {  	_ =	shalt  }
0x5d: {  	_ =	shalt  }
0x5e: {  	_ =	shalt  }
0x5f: {  	_ =	shalt  }
0x60: {  	_ =	shalt  }
0x61: {  	_ =	shalt  }
0x62: {  	_ =	shalt  }
0x63: {  	_ =	shalt  }
0x64: {  	_ =	shalt  }
0x65: {  	_ =	shalt  }
0x66: {  	_ =	shalt  }
0x67: {  	_ =	shalt  }
0x68: {  	_ =	shalt  }
0x69: {  	_ =	shalt  }
0x6a: {  	_ =	shalt  }
0x6b: {  	_ =	shalt  }
0x6c: {  	_ =	shalt  }
0x6d: {  	_ =	shalt  }
0x6e: {  	_ =	shalt  }
0x6f: {  	_ =	shalt  }
0x70: {  	_ =	shalt  }
0x71: {  	_ =	shalt  }
0x72: {  	_ =	shalt  }
0x73: {  	_ =	shalt  }
0x74: {  	_ =	shalt  }
0x75: {  	_ =	shalt  }
0x76: {  	_ =	shalt  }
0x77: {  	_ =	shalt  }
0x78: {  	_ =	shalt  }
0x79: {  	_ =	shalt  }
0x7a: {  	_ =	shalt  }
0x7b: {  	_ =	shalt  }
0x7c: {  	_ =	shalt  }
0x7d: {  	_ =	shalt  }
0x7e: {  	_ =	shalt  }
0x7f: {  	_ =	shalt  }
0x80: {  	_ =	shalt  }
0x81: {  	_ =	shalt  }
0x82: {  	_ =	shalt  }
0x83: {  	_ =	shalt  }
0x84: {  	_ =	shalt  }
0x85: {  	_ =	shalt  }
0x86: {  	_ =	shalt  }
0x87: {  	_ =	shalt  }
.Lfunc_end0:
.L_simem_size_0:
called_computation_lowered:
.L_overlay_start_0:
0x88: {  	s2 =	sld [smem:$0x3FD9]  }
0x89: {  	s3 =	sld [smem:$0x3FFE];
	_ =	sdelay $0x1  }
0x8a: {  	s1 =	srdreg.scid  }
0x8b: {  	s0 =	sand.u32 $0x1, s1  }
0x8c: {  	s14 =	sshll.u32 s0, $0xA;
	s2 =	sadd.s32 s3, s2  }
0x8d: {  	s2 =	sadd.s32 s2, s14  }
0x8e: {  	[smem:$0x3FC5] =	sst s2  }
0x8f: {  	_ = 	snop  }
0x90: {  	s2 =	sld [smem:$0x3FD0];
	_ =	sdelay $0x2  }
0x91: {  	s15 =	simm.s32 $0xA;
	s4 =	simm.s32 $0x10  }
0x92: {  	[smem:s4], [sflag:s15] =	dma.local [hbm:s2], $0x1  }
0x93: {  	_ =	swait.eq [sflag:s15], $0x1  }
0x94: {  	s16 =	sld [smem:$0x10];
	[sflag:s15] =	ssyncset.done $0x0  }
0x95: {  	s17 =	sld [smem:$0x11];
	[sflag:s15] =	ssyncadd.s32 $0xFFFFFFFF  }
0x96: {  	s18 =	sld [smem:$0x12];
	(tm) =	ssettm $0x1  }
0x97: {  	s5 =	sld [smem:$0x3FFB];
	_ =	sdelay $0x3  }
0x98: {  	_ =	strace s5  }
0x99: {  	s5 =	sld [smem:$0x3FFC];
	_ =	sdelay $0x3  }
0x9a: {  	_ =	strace s5  }
0x9b: {  	s5 =	sld [smem:$0x3FFD];
	_ =	sdelay $0x3  }
0x9c: {  	_ =	strace s5  }
0x9d: {  	_ =	strace $0x8FFFFFFF  }
0x9e: {  	s19 =	sld [smem:$0x3FDB];
	_ =	sdelay $0x1  }
0x9f: {  	s6 =	simm.s32 $_scs_section_size  }
0xa0: {  	s7 =	simm.s32 $_size__tile_overlayer_lowered;
	s8 =	simm.s32 $_tile_overlayer_lowered  }
0xa1: {  	s22 =	simm.s32 $0x1BFF;
	s21 =	sshll.u32 s8, $0x1;
	s5 =	sadd.s32 s6, s19  }
0xa2: {  	s9 =	simm.s32 $0x0;
	s20 =	sshll.u32 s7, $0x1;
	s7 =	sadd.s32 s21, s5  }
0xa3: {  	[timem:s9], [sflag:s22] =	dma.local [hbm:s7], s20  }
0xa4: {  	_ =	swait.ge [sflag:s22], s20  }
0xa5: {  	s6 =	ssub.s32 $0x0, s20;
	[sflag:s22] =	ssyncset.done $0x0  }
0xa6: {  	[sflag:s22] =	ssyncadd.s32 s6;
	_ =	sdelay $0x1  }
0xa7: {  	s23 =	simm.s32 $0x1B8B  }
0xa8: {  	_ =	swait.ge [sflag:s23], $0x1  }
0xa9: {  	[sflag:s23] =	ssyncset.done $0x0  }
0xaa: {  	s25 =	simm.s32 $0x1B8E;
	s24 =	sld [smem:$0x3FFE];
	[sflag:s23] =	ssyncadd.s32 $0xFFFFFFFF  }
0xab: {  	s26 =	simm.s32 $execute0_lowered;
	[smem:$0x3FD2] =	sst s25  }
0xac: {  	s7 =	sshll.u32 s26, $0x1;
	_ =	strace $0x80000046;
	[dreg:$0x1] =	wrdreg $0xFFFFFFFF  }
0xad: {  	s28 =	simm.s32 $_size_execute0_lowered;
	s5 =	sadd.s32 s5, s7;
	[dreg:$0x0] =	wrdreg $0x0  }
0xae: {  	s7 =	sshll.u32 s28, $0x1;
	[dreg:$0x2] =	wrdreg s5  }
0xaf: {  	[dreg:$0x3] =	wrdreg s7  }
0xb0: {  	[dreg:$0x4] =	wrdreg $0xC0  }
0xb1: {  	_ =	task [dreg:s9], $0x5FFFF  }
0xb2: {  	[dreg:$0x1] =	wrdreg $0xFFFFFFFF  }
0xb3: {  	[dreg:$0x0] =	wrdreg $0x60  }
0xb4: {  	[dreg:$0x2] =	wrdreg s24  }
0xb5: {  	[dreg:$0x3] =	wrdreg s16  }
0xb6: {  	[dreg:$0x4] =	wrdreg s18  }
0xb7: {  	[dreg:$0x5] =	wrdreg s17  }
0xb8: {  	[dreg:$0x6] =	wrdreg $0x9  }
0xb9: {  	_ =	task.clear_ibuf [dreg:s9], $0x7FFFF;
	_ =	strace $0x90000046  }
0xba: {  	s29 =	simm.s32 $0x9;
	_ =	strace $0x80000048  }
0xbb: {  	_ =	swait.ge [sflag:s29], $0x1  }
0xbc: {  	[sflag:s29] =	ssyncadd.s32 $0xFFFFFFFF  }
0xbd: {  	_ =	strace $0x90000048  }
0xbe: {  	_ =	sfence  }
0xbf: {  	s30 =	sld [smem:$0x0];
	_ =	sdelay $0x2  }
0xc0: {  	s31 =	sshll.u32 s1, $0xD;
	s1 =	sshrl.u32 s1, $0x2  }
0xc1: {  	s3 =	sand.u32 $0x4000, s31;
	s1 =	sadd.s32 s1, s30  }
0xc2: {  	s0 =	sor.u32 s3, s0;
	s1 =	sshll.u32 s1, $0x11  }
0xc3: {  	s0 =	sor.u32 s1, s0  }
0xc4: {  	s0 =	sadd.s32 $0x8F2B, s0  }
0xc5: {  	[sflag:s0] =	ssyncadd.remote.s32 $0x1  }
0xc6: {  	_ =	sfence.sel $0xFFFF  }
0xc7: {  	[dreg:$0x0] =	wrdreg $0xFFFFFFFF;
	(pc) =	sbr.abs _section_cstart, $3  }
0xc8: {  	[dreg:$0x1] =	wrdreg $0xFFFFFFFF  }
0xc9: {  	_ =	task.clear_ibuf [dreg:s9], $0x2FFFF;
	_ =	strace $0x9FFFFFFF  }
0xca: {  	(tm) =	ssettm $0x7FFFFFFF  }
0xcb: {  	_ =	shalt  }
tec
execute0_lowered:
.L_overlay_start_1:
0x0: {  	(tag) =	ssettag $0x1  }
0x1: {  	s2 =	rddreg [dreg:$0x0]  }
0x2: {  	s1 =	rddreg [dreg:$0x2]  }
0x3: {  	s0 =	rddreg [dreg:$0x3]  }
0x4: {  	v1 =	vimm.s32 $0xEFCDAB89;
	s4 =	srdreg.scid;
	s6 =	stileid.u32  }
0x5: {  	v2 =	vimm.s32 $0x67452301;
	s3 =	simm.s32 $0x0;
	v5 =	vimm.s32 $0xDCFE98BA;
	v6 =	vimm.s32 $0x54761032;
	s5 =	sand.u32 $0x1, s4;
	s15 =	sshll.u32 s6, $0x1  }
0x6: {  	v7 =	vimm.s32 $0xCDEF89AB;
	v8 =	vimm.s32 $0x45670123;
	v9 =	vimm.s32 $0xBA98FEDC;
	s23 =	simm.s32 $0x4;
	s28 =	simm.s32 $0x1;
	s6 =	sor.u32 s5, s15  }
0x7: {  	v10 =	vimm.s32 $0x32107654;
	v11 =	vimm.s32 $0x10325476;
	s29 =	simm.s32 $0x3F00;
	s30 =	simm.s32 $0x2;
	s8 =	smul.u32 $0xC3500, s6  }
0x8: {  	v12 =	vimm.s32 $0x89ABCDEF;
	s31 =	simm.s32 $0xF100;
	[smem:$0x7FF] =	sst s3;
	s16 =	smul.u32 $0x1388, s6  }
0x9: {  	v13 =	vimm.s32 $0x1234567;
	s4 =	sadd.s32 $0x4E2C00, s2;
	s9 =	sadd.s32 $0x7F0000, s2;
	s14 =	smul.u32 $0x50, s6  }
0xa: {  	v0 =	vlaneseq.u32;
	v14 =	vimm.s32 $0xFEDCBA98;
	v23 =	vimm.s32 $0x76543210;
	s2 =	sadd.s32 $0xC00, s2;
	s11 =	sshllo.u32 s6, $0x1;
	s18 =	smul.u32 $0x140, s6  }
0xb: {  	v1 =	vunpack.c.l.s4.s8 v1;
	v2 =	vunpack.c.l.s4.s8 v2;
	v3 =	vmul.u32 $0x800, v0;
	_ =	strace $0x80000047;
	s5 =	ssub.s32 $0x2, s5;
	s13 =	smul.u32 $0x61A80, s11  }
0xc: {  	v5 =	vunpack.c.l.s4.s8 v5;
	v6 =	vunpack.c.l.s4.s8 v6;
	v7 =	vunpack.c.l.s4.s8 v7;
	s7 =	sshrl.u32 s5, $0x1;
	s6 =	sshll.u32 s6, $0x4;
	s15 =	smul.u32 $0x9C4, s11  }
0xd: {  	v8 =	vunpack.c.l.s4.s8 v8;
	v9 =	vunpack.c.l.s4.s8 v9;
	v12 =	vunpack.c.l.s4.s8 v12;
	s5 =	ssub.s32 s5, s7;
	s20 =	smul.u32 $0xA0, s11;
	s22 =	sshll.u32 s11, $0x3  }
0xe: {  	v13 =	vunpack.c.l.s4.s8 v13;
	v11 =	vunpack.c.l.s4.s8 v11;
	v14 =	vunpack.c.l.s4.s8 v14;
	s25 =	sshrl.u32 s6, $0x2;
	s10 =	sshrl.u32 s8, $0x3;
	s7 =	sadd.s32 $0x3E80, s8  }
0xf: {  	v23 =	vunpack.c.l.s4.s8 v23;
	v15 =	vunpack.c.0.s8.s32 v1;
	v16 =	vunpack.c.0.s8.s32 v2;
	s8 =	sadd.s32 $0x5DC0, s8;
	s21 =	sadd.s32 s2, s14;
	[dreg:$0x12] =	wrdreg s25  }
0x10: {  	v1 =	vimm.s32 $0x0;
	v2 =	vor.u32 $0x400, v3;
	v17 =	vunpack.c.0.s8.s32 v5;
	s14 =	sadd.s32 s1, s14;
	s24 =	smax.u32 s5, $0x1;
	[dreg:$0xb] =	wrdreg s21  }
0x11: {  	v18 =	vunpack.c.0.s8.s32 v6;
	v5 =	vunpack.c.l.s4.s8 v10;
	v19 =	vunpack.c.0.s8.s32 v7;
	s26 =	sshrl.u32 s22, $0x2;
	s22 =	simm.s32 $0xF080;
	[dreg:$0xc] =	wrdreg s14  }
0x12: {  	v20 =	vunpack.c.0.s8.s32 v8;
	v21 =	vunpack.c.0.s8.s32 v9;
	v6 =	vimm.s32 $0xAB89EFCD;
	s12 =	sadd.s32 s4, s10;
	s10 =	sadd.s32 s9, s16;
	[dreg:$0x11] =	wrdreg s24  }
0x13: {  	v7 =	vimm.s32 $0x23016745;
	v10 =	vimm.s32 $0x98BADCFE;
	v24 =	vunpack.c.0.s8.s32 v12;
	s19 =	sshrl.u32 s13, $0x3;
	s16 =	smul.u32 $0x28, s11;
	[dreg:$0x13] =	wrdreg s26  }
0x14: {  	v13 =	vunpack.c.0.s8.s32 v13;
	v11 =	vunpack.c.0.s8.s32 v11;
	v25 =	vunpack.c.0.s8.s32 v14;
	s9 =	sadd.s32 s9, s15;
	s26 =	simm.s32 $0x1F80;
	[dreg:$0x5] =	wrdreg s12  }
0x15: {  	v23 =	vunpack.c.0.s8.s32 v23;
	v8 =	vunpack.c.l.s4.s8 v6;
	v9 =	vunpack.c.l.s4.s8 v7;
	s14 =	simm.s32 $0xE800;
	s15 =	simm.s32 $0xD000;
	[dreg:$0x7] =	wrdreg s10  }
0x16: {  	v4 =	vcombine.low v16, v15;
	v22 =	vunpack.c.0.s8.s32 v5;
	v5 =	vcombine.low v18, v17;
	s17 =	sadd.s32 $0x3E8, s12;
	s12 =	sadd.s32 s4, s19;
	[dreg:$0xa] =	wrdreg s9  }
0x17: {  	v10 =	vunpack.c.l.s4.s8 v10;
	v6 =	vcombine.low v20, v19;
	v13 =	vcombine.low v13, v24;
	s10 =	sadd.s32 s0, s18;
	s0 =	sadd.s32 s0, s20;
	[dreg:$0x6] =	wrdreg s17  }
0x18: {  	v62 =	vand.u32 $0xF, v25;
	v63 =	vand.u32 $0xF, v15;
	v17 =	vand.u32 $0xF, v17;
	s9 =	simm.s32 $0xE000;
	s18 =	simm.s32 $0x14280;
	[dreg:$0x8] =	wrdreg s12  }
0x19: {  	v8 =	vunpack.c.0.s8.s32 v8;
	v9 =	vunpack.c.0.s8.s32 v9;
	v15 =	vcombine.low v62, v23;
	s19 =	simm.s32 $0x0;
	s12 =	sadd.s32 $0x3E8, s12;
	[dreg:$0xd] =	wrdreg s10  }
0x1a: {  	v10 =	vunpack.c.0.s8.s32 v10;
	v16 =	vcombine.low v63, v16;
	v17 =	vcombine.low v17, v18;
	s2 =	sadd.s32 s2, s16;
	s1 =	sadd.s32 s1, s16;
	[dreg:$0x10] =	wrdreg s0  }
0x1b: {  	v18 =	vand.u32 $0xF, v19;
	v19 =	vand.u32 $0xF, v21;
	v7 =	vcombine.low v22, v21;
	s0 =	simm.s32 $0xBF00;
	s16 =	simm.s32 $0xD800;
	[dreg:$0x9] =	wrdreg s12  }
0x1c: {  	v3 =	vimm.s32 $0x1;
	v18 =	vcombine.low v18, v20;
	v19 =	vcombine.low v19, v22;
	s12 =	sadd.s32 $0x3E80, s13;
	s13 =	sadd.s32 $0x5DC0, s13;
	[dreg:$0xe] =	wrdreg s2  }
0x1d: {  	v20 =	vimm.f32 $-1.000000020e+30;
	v12 =	vcombine.low v9, v8;
	v14 =	vcombine.low v11, v10;
	[dreg:$0xf] =	wrdreg s1;
	s2 =	simm.s32 $0xC780;
	s1 =	simm.s32 $0xF000  }
.LBB2_1:
0x1e: {  	s5 =	rddreg [dreg:$0x1];
	s6 =	simm.s32 $0x14780  }
0x1f: {  	[tilespmem:s6], [sflag:$0x4] =	stream.linear.gather [hbm4b:s5+s3], $0x80, $0x38;
	[tilespmem:$0x14880] =	vst v63  }
0x20: {  	_ =	swait.ge [sflag:s23], $0x80  }
0x21: {  	[sflag:s23] =	ssyncset.done $0x0  }
0x22: {  	s5 =	simm.s32 $0x3F40;
	[sflag:s23] =	ssyncadd.s32 $0xFFFFFF80  }
0x23: {  	[tilespmem:s5+$0xFFFFFFC0] =	vst v1  }
0x24: {  	[tilespmem:s5+$0x30] =	vst v1  }
0x25: {  	[tilespmem:s5+$0x20] =	vst v1  }
0x26: {  	[tilespmem:s5+$0x10] =	vst v1  }
0x27: {  	[tilespmem:s5+$0x0] =	vst v1  }
0x28: {  	[tilespmem:s5+$0xFFFFFFF0] =	vst v1  }
0x29: {  	s6 =	simm.s32 $0x0;
	[tilespmem:s5+$0xFFFFFFE0] =	vst v1  }
.LBB2_2:
0x2a: {  	s6 =	sadd.s32 $0x8, s6;
	[tilespmem:s5+$0xFFFFFFD0] =	vst v1;
	s5 =	sadd.s32 $0x80, s5  }
0x2b: {  	[tilespmem:s5+$0xFFFFFFC0] =	vst v1;
	p0 =	slt.u32 s6, $0x7F8  }
0x2c: {  	[tilespmem:s5+$0x30] =	vst v1  }
.Ltmp0:
0x2d: {  	[tilespmem:s5+$0x20] =	vst v1;
	(pc) =	sbr.rel @p0 .LBB2_2-.Ltmp0, $4  }
0x2e: {  	[tilespmem:s5+$0x10] =	vst v1  }
0x2f: {  	[tilespmem:s5+$0x0] =	vst v1  }
0x30: {  	[tilespmem:s5+$0xFFFFFFF0] =	vst v1  }
0x31: {  	[tilespmem:s5+$0xFFFFFFE0] =	vst v1  }
0x32: {  	[tilespmem:s5+$0xFFFFFFD0] =	vst v1  }
0x33: {  	s20 =	simm.s32 $0x0;
	s5 =	rddreg [dreg:$0x5]  }
0x34: {  	[tilespmem:s20], [sflag:$0x1] =	stream.linear.gather [hbm4b:s5+s20], $0x1F40, $0x38;
	[tilespmem:$0x14880] =	vst v63  }
0x35: {  	s25 =	rddreg [dreg:$0x6]  }
0x36: {  	[tilespmem:s26], [sflag:$0x2] =	stream.linear.gather [hbm4b:s25+s20], $0x1F40, $0x38;
	[tilespmem:$0x14880] =	vst v63  }
.LBB2_4:
0x37: {  	_ =	swait.ge [sflag:s28], $0x1F40  }
0x38: {  	[sflag:s28] =	ssyncset.done $0x0  }
0x39: {  	s5 =	simm.s32 $0x40;
	[sflag:s28] =	ssyncadd.s32 $0xFFFFE0C0  }
0x3a: {  	v21 =	vld [tilespmem:s5+$0x30]  }
0x3b: {  	v22 =	vld [tilespmem:s5+$0xFFFFFFD0]  }
0x3c: {  	v23 =	vld [tilespmem:s5+$0xFFFFFFE0]  }
0x3d: {  	v25 =	vld [tilespmem:s5+$0x0]  }
0x3e: {  	v26 =	vld [tilespmem:s5+$0x10]  }
0x3f: {  	v29 =	vld [tilespmem:s5+$0x20];
	_ =	sdelay $0x2  }
0x40: {  	v24 =	vld [tilespmem:s5+$0xFFFFFFF0]  }
0x41: {  	v27 =	vshra.s32 v21, $0x1F;
	v28 =	vshra.s32 v22, $0x1F;
	v31 =	vshra.s32 v23, $0x1F  }
0x42: {  	v32 =	vshra.s32 v25, $0x1F;
	v34 =	vshra.s32 v26, $0x1F;
	v35 =	vshra.s32 v29, $0x1F  }
0x43: {  	v27 =	vand.u32 $0x7FE00000, v27;
	v28 =	vand.u32 $0x7FE00000, v28;
	v32 =	vand.u32 $0x7FE00000, v32  }
0x44: {  	v34 =	vand.u32 $0x7FE00000, v34;
	v21 =	vxor.u32 v21, v27;
	v27 =	vand.u32 $0x7FE00000, v31  }
0x45: {  	v31 =	vshra.s32 v24, $0x1F;
	v22 =	vxor.u32 v22, v28;
	v28 =	vand.u32 $0x7FE00000, v35  }
0x46: {  	v25 =	vxor.u32 v25, v32;
	v26 =	vxor.u32 v26, v34;
	v21 =	vshra.s32 v21, $0x15  }
0x47: {  	v31 =	vand.u32 $0x7FE00000, v31;
	v23 =	vxor.u32 v23, v27;
	v27 =	vxor.u32 v29, v28  }
0x48: {  	v30 =	vld [tilespmem:s5+$0xFFFFFFC0];
	v22 =	vshra.s32 v22, $0x15;
	v26 =	vshra.s32 v26, $0x15;
	v33 =	vxor.u32 v0, v21  }
0x49: {  	v21 =	vadd.s32 v2, v21;
	v24 =	vxor.u32 v24, v31;
	v23 =	vshra.s32 v23, $0x15  }
0x4a: {  	v63 =	vshra.s32 v27, $0x15;
	v28 =	vxor.u32 v0, v22;
	v36 =	vadd.s32 v2, v22  }
0x4b: {  	v22 =	vxor.u32 v0, v26;
	v26 =	vadd.s32 v2, v26;
	v21 =	vand.u32 $0xFFFFFF80, v21  }
0x4c: {  	v33 =	vand.u32 $0x7F, v33;
	v24 =	vshra.s32 v24, $0x15;
	v27 =	vxor.u32 v0, v23  }
0x4d: {  	v31 =	vadd.s32 v2, v23;
	v33 =	vor.u32 v33, v21;
	v21 =	vshra.s32 v30, $0x1F  }
0x4e: {  	v32 =	vand.u32 $0xFFFFFF80, v36;
	v29 =	vadd.s32 v2, v24;
	v21 =	vand.u32 $0x7FE00000, v21  }
0x4f: {  	v21 =	vxor.u32 v30, v21;
	v30 =	vshra.s32 v25, $0x15;
	v25 =	vxor.u32 v0, v24  }
0x50: {  	v24 =	vadd.s32 v2, v63;
	v21 =	vshra.s32 v21, $0x15;
	v23 =	vxor.u32 v0, v30  }
0x51: {  	v30 =	vadd.s32 v2, v30;
	v61 =	vxor.u32 v0, v21;
	v62 =	vadd.s32 v2, v21  }
0x52: {  	s6 =	simm.s32 $0x0;
	s5 =	simm.s32 $0xC0;
	v21 =	vxor.u32 v0, v63;
	[tilespmem:v33+s29+$0x0] =	vst.idx.add.s32.msk $0xffff, v3;
	v33 =	vand.u32 $0xFFFFFF80, v62;
	v34 =	vand.u32 $0x7F, v61  }
.LBB2_5:
0x53: {  	v35 =	vld [tilespmem:s5+$0x30];
	s6 =	sadd.s32 $0x8, s6;
	v28 =	vand.u32 $0x7F, v28;
	v31 =	vand.u32 $0xFFFFFF80, v31;
	v27 =	vand.u32 $0x7F, v27  }
0x54: {  	v29 =	vand.u32 $0xFFFFFF80, v29;
	v25 =	vand.u32 $0x7F, v25;
	v30 =	vand.u32 $0xFFFFFF80, v30;
	v36 =	vld [tilespmem:s5+$0xFFFFFFD0];
	p0 =	slt.u32 s6, $0x1E8  }
0x55: {  	v23 =	vand.u32 $0x7F, v23;
	v26 =	vand.u32 $0xFFFFFF80, v26;
	v22 =	vand.u32 $0x7F, v22;
	v37 =	vld [tilespmem:s5+$0xFFFFFFE0]  }
0x56: {  	v33 =	vor.u32 v34, v33;
	v24 =	vand.u32 $0xFFFFFF80, v24;
	v21 =	vand.u32 $0x7F, v21;
	v38 =	vld [tilespmem:s5+$0xFFFFFFF0]  }
0x57: {  	v28 =	vor.u32 v28, v32;
	v27 =	vor.u32 v27, v31;
	v25 =	vor.u32 v25, v29;
	v34 =	vld [tilespmem:s5+$0x0]  }
0x58: {  	v23 =	vor.u32 v23, v30;
	v22 =	vor.u32 v22, v26;
	v29 =	vld [tilespmem:s5+$0x10];
	v31 =	vshra.s32 v35, $0x1F  }
0x59: {  	v21 =	vor.u32 v21, v24;
	v26 =	vshra.s32 v36, $0x1F;
	v30 =	vld [tilespmem:s5+$0x20];
	v31 =	vand.u32 $0x7FE00000, v31  }
0x5a: {  	v24 =	vld [tilespmem:s5+$0xFFFFFFC0];
	v26 =	vand.u32 $0x7FE00000, v26;
	v32 =	vshra.s32 v37, $0x1F;
	v31 =	vxor.u32 v35, v31  }
0x5b: {  	v32 =	vand.u32 $0x7FE00000, v32;
	v35 =	vshra.s32 v38, $0x1F;
	v31 =	vshra.s32 v31, $0x15;
	[tilespmem:v33+s29+$0x0] =	vst.idx.add.s32.msk $0xffff, v3  }
0x5c: {  	v33 =	vshra.s32 v34, $0x1F;
	v39 =	vxor.u32 v0, v31;
	v31 =	vadd.s32 v2, v31;
	[tilespmem:v28+s29+$0x0] =	vst.idx.add.s32.msk $0xffff, v3  }
0x5d: {  	v28 =	vshra.s32 v29, $0x1F;
	v31 =	vand.u32 $0xFFFFFF80, v31;
	v39 =	vand.u32 $0x7F, v39;
	[tilespmem:v27+s29+$0x0] =	vst.idx.add.s32.msk $0xffff, v3  }
0x5e: {  	v27 =	vand.u32 $0x7FE00000, v35;
	v35 =	vshra.s32 v30, $0x1F;
	v31 =	vor.u32 v39, v31;
	[tilespmem:v25+s29+$0x0] =	vst.idx.add.s32.msk $0xffff, v3  }
0x5f: {  	v33 =	vand.u32 $0x7FE00000, v33;
	v28 =	vand.u32 $0x7FE00000, v28;
	v25 =	vshra.s32 v24, $0x1F;
	[tilespmem:v23+s29+$0x0] =	vst.idx.add.s32.msk $0xffff, v3  }
0x60: {  	v23 =	vand.u32 $0x7FE00000, v25;
	v25 =	vxor.u32 v36, v26;
	v26 =	vand.u32 $0x7FE00000, v35;
	[tilespmem:v22+s29+$0x0] =	vst.idx.add.s32.msk $0xffff, v3  }
0x61: {  	v22 =	vxor.u32 v24, v23;
	v23 =	vxor.u32 v37, v32;
	v24 =	vxor.u32 v38, v27  }
0x62: {  	v28 =	vxor.u32 v29, v28;
	v27 =	vxor.u32 v34, v33;
	v26 =	vxor.u32 v30, v26  }
0x63: {  	s10 =	simm.s32 $0x0;
	v25 =	vshra.s32 v25, $0x15;
	v22 =	vshra.s32 v22, $0x15;
	v23 =	vshra.s32 v23, $0x15;
	[tilespmem:v31+s29+$0x0] =	vst.idx.add.s32.msk $0xffff, v3  }
0x64: {  	v32 =	vshra.s32 v28, $0x15;
	v24 =	vshra.s32 v24, $0x15;
	v30 =	vshra.s32 v27, $0x15;
	[tilespmem:v21+s29+$0x0] =	vst.idx.add.s32.msk $0xffff, v3  }
0x65: {  	v35 =	vshra.s32 v26, $0x15;
	v34 =	vxor.u32 v0, v22;
	v33 =	vadd.s32 v2, v22  }
.Ltmp1:
0x66: {  	v28 =	vxor.u32 v0, v25;
	v36 =	vadd.s32 v2, v25;
	v27 =	vxor.u32 v0, v23;
	(pc) =	sbr.rel @p0 .LBB2_5-.Ltmp1, $4  }
0x67: {  	v31 =	vadd.s32 v2, v23;
	v25 =	vxor.u32 v0, v24;
	v29 =	vadd.s32 v2, v24  }
0x68: {  	v23 =	vxor.u32 v0, v30;
	v30 =	vadd.s32 v2, v30;
	v22 =	vxor.u32 v0, v32  }
0x69: {  	v26 =	vadd.s32 v2, v32;
	v24 =	vadd.s32 v2, v35;
	v21 =	vxor.u32 v0, v35  }
0x6a: {  	s5 =	sadd.s32 $0x80, s5;
	v32 =	vand.u32 $0xFFFFFF80, v36;
	v33 =	vand.u32 $0xFFFFFF80, v33;
	v34 =	vand.u32 $0x7F, v34  }
0x6b: {  	v28 =	vand.u32 $0x7F, v28;
	v33 =	vor.u32 v34, v33  }
0x6c: {  	v31 =	vand.u32 $0xFFFFFF80, v31;
	v27 =	vand.u32 $0x7F, v27;
	v28 =	vor.u32 v28, v32  }
0x6d: {  	v29 =	vand.u32 $0xFFFFFF80, v29;
	v25 =	vand.u32 $0x7F, v25;
	v27 =	vor.u32 v27, v31  }
0x6e: {  	v30 =	vand.u32 $0xFFFFFF80, v30;
	v23 =	vand.u32 $0x7F, v23;
	v25 =	vor.u32 v25, v29  }
0x6f: {  	v26 =	vand.u32 $0xFFFFFF80, v26;
	v22 =	vand.u32 $0x7F, v22;
	v23 =	vor.u32 v23, v30  }
0x70: {  	v24 =	vand.u32 $0xFFFFFF80, v24;
	v21 =	vand.u32 $0x7F, v21;
	v22 =	vor.u32 v22, v26;
	[tilespmem:v33+s29+$0x0] =	vst.idx.add.s32.msk $0xffff, v3  }
0x71: {  	v21 =	vor.u32 v21, v24;
	[tilespmem:v28+s29+$0x0] =	vst.idx.add.s32.msk $0xffff, v3  }
0x72: {  	[tilespmem:v27+s29+$0x0] =	vst.idx.add.s32.msk $0xffff, v3  }
0x73: {  	[tilespmem:v25+s29+$0x0] =	vst.idx.add.s32.msk $0xffff, v3  }
0x74: {  	[tilespmem:v23+s29+$0x0] =	vst.idx.add.s32.msk $0xffff, v3  }
0x75: {  	[tilespmem:v22+s29+$0x0] =	vst.idx.add.s32.msk $0xffff, v3  }
0x76: {  	[tilespmem:v21+s29+$0x0] =	vst.idx.add.s32.msk $0xffff, v3  }
.LBB2_7:
0x77: {  	s5 =	sshra.s32 s10, $0x2  }
0x78: {  	v21 =	vld [tilespmem:s5+$0x1F00];
	_ =	sdelay $0x4  }
0x79: {  	v22 =	vshra.s32 v21, $0x1F  }
0x7a: {  	v22 =	vand.u32 $0x7FE00000, v22  }
0x7b: {  	v21 =	vxor.u32 v21, v22  }
0x7c: {  	v21 =	vshra.s32 v21, $0x15  }
0x7d: {  	v22 =	vxor.u32 v0, v21;
	v21 =	vadd.s32 v2, v21  }
0x7e: {  	v21 =	vand.u32 $0xFFFFFF80, v21;
	v22 =	vand.u32 $0x7F, v22  }
0x7f: {  	p0 =	sne.s32 s10, $0xC0;
	v21 =	vor.u32 v22, v21  }
.Ltmp2:
0x80: {  	_ = 	snop;
	(pc) =	sbr.rel @p0 .LBB2_7-.Ltmp2, $2  }
0x81: {  	_ =	sdelay $0x2  }
0x82: {  	s10 =	sadd.s32 $0x40, s10;
	[tilespmem:v21+s29+$0x0] =	vst.idx.add.s32.msk $0xffff, v3  }
0x83: {  	p0 =	seq.s32 s20, $0x18  }
0x84: {  	s5 =	smul.u32 @!p0 $0x3E80, s20;
	_ =	sdelay $0x1  }
0x85: {  	s5 =	sadd.s32 @!p0 s5, s7  }
0x86: {  	s5 =	sshrl.u32 @!p0 s5, $0x3  }
0x87: {  	s6 =	simm.s32 @!p0 $0x0;
	s5 =	sadd.s32 @!p0 s4, s5  }
0x88: {  	[tilespmem:s6], [sflag:$0x1] =	stream.linear.gather @!p0 [hbm4b:s5+s6], $0x1F40, $0x38;
	[tilespmem:$0x14880] =	vst v63  }
0x89: {  	_ =	swait.ge [sflag:s30], $0x1F40  }
0x8a: {  	[sflag:s30] =	ssyncset.done $0x0  }
0x8b: {  	s25 =	simm.s32 $0x1FC0;
	[sflag:s30] =	ssyncadd.s32 $0xFFFFE0C0  }
0x8c: {  	v21 =	vld [tilespmem:s25+$0x30]  }
0x8d: {  	v22 =	vld [tilespmem:s25+$0xFFFFFFD0]  }
0x8e: {  	v23 =	vld [tilespmem:s25+$0xFFFFFFE0]  }
0x8f: {  	v25 =	vld [tilespmem:s25+$0x0]  }
0x90: {  	v26 =	vld [tilespmem:s25+$0x10]  }
0x91: {  	v29 =	vld [tilespmem:s25+$0x20];
	_ =	sdelay $0x2  }
0x92: {  	v24 =	vld [tilespmem:s25+$0xFFFFFFF0]  }
0x93: {  	v27 =	vshra.s32 v21, $0x1F;
	v28 =	vshra.s32 v22, $0x1F;
	v31 =	vshra.s32 v23, $0x1F  }
0x94: {  	v32 =	vshra.s32 v25, $0x1F;
	v34 =	vshra.s32 v26, $0x1F;
	v35 =	vshra.s32 v29, $0x1F  }
0x95: {  	v27 =	vand.u32 $0x7FE00000, v27;
	v28 =	vand.u32 $0x7FE00000, v28;
	v32 =	vand.u32 $0x7FE00000, v32  }
0x96: {  	v34 =	vand.u32 $0x7FE00000, v34;
	v21 =	vxor.u32 v21, v27;
	v27 =	vand.u32 $0x7FE00000, v31  }
0x97: {  	v31 =	vshra.s32 v24, $0x1F;
	v22 =	vxor.u32 v22, v28;
	v28 =	vand.u32 $0x7FE00000, v35  }
0x98: {  	v25 =	vxor.u32 v25, v32;
	v26 =	vxor.u32 v26, v34;
	v21 =	vshra.s32 v21, $0x15  }
0x99: {  	v31 =	vand.u32 $0x7FE00000, v31;
	v23 =	vxor.u32 v23, v27;
	v27 =	vxor.u32 v29, v28  }
0x9a: {  	v30 =	vld [tilespmem:s25+$0xFFFFFFC0];
	v22 =	vshra.s32 v22, $0x15;
	v26 =	vshra.s32 v26, $0x15;
	v33 =	vxor.u32 v0, v21  }
0x9b: {  	v21 =	vadd.s32 v2, v21;
	v24 =	vxor.u32 v24, v31;
	v23 =	vshra.s32 v23, $0x15  }
0x9c: {  	v63 =	vshra.s32 v27, $0x15;
	v28 =	vxor.u32 v0, v22;
	v36 =	vadd.s32 v2, v22  }
0x9d: {  	v22 =	vxor.u32 v0, v26;
	v26 =	vadd.s32 v2, v26;
	v21 =	vand.u32 $0xFFFFFF80, v21  }
0x9e: {  	v33 =	vand.u32 $0x7F, v33;
	v24 =	vshra.s32 v24, $0x15;
	v27 =	vxor.u32 v0, v23  }
0x9f: {  	v31 =	vadd.s32 v2, v23;
	v33 =	vor.u32 v33, v21;
	v21 =	vshra.s32 v30, $0x1F  }
0xa0: {  	v32 =	vand.u32 $0xFFFFFF80, v36;
	v29 =	vadd.s32 v2, v24;
	v21 =	vand.u32 $0x7FE00000, v21  }
0xa1: {  	v21 =	vxor.u32 v30, v21;
	v30 =	vshra.s32 v25, $0x15;
	v25 =	vxor.u32 v0, v24  }
0xa2: {  	v24 =	vadd.s32 v2, v63;
	v21 =	vshra.s32 v21, $0x15;
	v23 =	vxor.u32 v0, v30  }
0xa3: {  	v30 =	vadd.s32 v2, v30;
	v61 =	vxor.u32 v0, v21;
	v62 =	vadd.s32 v2, v21  }
0xa4: {  	s6 =	simm.s32 $0x0;
	s5 =	simm.s32 $0x2040;
	v21 =	vxor.u32 v0, v63;
	[tilespmem:v33+s29+$0x0] =	vst.idx.add.s32.msk $0xffff, v3;
	v33 =	vand.u32 $0xFFFFFF80, v62;
	v34 =	vand.u32 $0x7F, v61  }
.LBB2_9:
0xa5: {  	v35 =	vld [tilespmem:s5+$0x30];
	s6 =	sadd.s32 $0x8, s6;
	v28 =	vand.u32 $0x7F, v28;
	v31 =	vand.u32 $0xFFFFFF80, v31;
	v27 =	vand.u32 $0x7F, v27  }
0xa6: {  	v29 =	vand.u32 $0xFFFFFF80, v29;
	v25 =	vand.u32 $0x7F, v25;
	v30 =	vand.u32 $0xFFFFFF80, v30;
	v36 =	vld [tilespmem:s5+$0xFFFFFFD0];
	p1 =	slt.u32 s6, $0x1E8  }
0xa7: {  	v23 =	vand.u32 $0x7F, v23;
	v26 =	vand.u32 $0xFFFFFF80, v26;
	v22 =	vand.u32 $0x7F, v22;
	v37 =	vld [tilespmem:s5+$0xFFFFFFE0]  }
0xa8: {  	v33 =	vor.u32 v34, v33;
	v24 =	vand.u32 $0xFFFFFF80, v24;
	v21 =	vand.u32 $0x7F, v21;
	v38 =	vld [tilespmem:s5+$0xFFFFFFF0]  }
0xa9: {  	v28 =	vor.u32 v28, v32;
	v27 =	vor.u32 v27, v31;
	v25 =	vor.u32 v25, v29;
	v34 =	vld [tilespmem:s5+$0x0]  }
0xaa: {  	v23 =	vor.u32 v23, v30;
	v22 =	vor.u32 v22, v26;
	v29 =	vld [tilespmem:s5+$0x10];
	v31 =	vshra.s32 v35, $0x1F  }
0xab: {  	v21 =	vor.u32 v21, v24;
	v26 =	vshra.s32 v36, $0x1F;
	v30 =	vld [tilespmem:s5+$0x20];
	v31 =	vand.u32 $0x7FE00000, v31  }
0xac: {  	v24 =	vld [tilespmem:s5+$0xFFFFFFC0];
	v26 =	vand.u32 $0x7FE00000, v26;
	v32 =	vshra.s32 v37, $0x1F;
	v31 =	vxor.u32 v35, v31  }
0xad: {  	v32 =	vand.u32 $0x7FE00000, v32;
	v35 =	vshra.s32 v38, $0x1F;
	v31 =	vshra.s32 v31, $0x15;
	[tilespmem:v33+s29+$0x0] =	vst.idx.add.s32.msk $0xffff, v3  }
0xae: {  	v33 =	vshra.s32 v34, $0x1F;
	v39 =	vxor.u32 v0, v31;
	v31 =	vadd.s32 v2, v31;
	[tilespmem:v28+s29+$0x0] =	vst.idx.add.s32.msk $0xffff, v3  }
0xaf: {  	v28 =	vshra.s32 v29, $0x1F;
	v31 =	vand.u32 $0xFFFFFF80, v31;
	v39 =	vand.u32 $0x7F, v39;
	[tilespmem:v27+s29+$0x0] =	vst.idx.add.s32.msk $0xffff, v3  }
0xb0: {  	v27 =	vand.u32 $0x7FE00000, v35;
	v35 =	vshra.s32 v30, $0x1F;
	v31 =	vor.u32 v39, v31;
	[tilespmem:v25+s29+$0x0] =	vst.idx.add.s32.msk $0xffff, v3  }
0xb1: {  	v33 =	vand.u32 $0x7FE00000, v33;
	v28 =	vand.u32 $0x7FE00000, v28;
	v25 =	vshra.s32 v24, $0x1F;
	[tilespmem:v23+s29+$0x0] =	vst.idx.add.s32.msk $0xffff, v3  }
0xb2: {  	v23 =	vand.u32 $0x7FE00000, v25;
	v25 =	vxor.u32 v36, v26;
	v26 =	vand.u32 $0x7FE00000, v35;
	[tilespmem:v22+s29+$0x0] =	vst.idx.add.s32.msk $0xffff, v3  }
0xb3: {  	v22 =	vxor.u32 v24, v23;
	v23 =	vxor.u32 v37, v32;
	v24 =	vxor.u32 v38, v27  }
0xb4: {  	v28 =	vxor.u32 v29, v28;
	v27 =	vxor.u32 v34, v33;
	v26 =	vxor.u32 v30, v26  }
0xb5: {  	s10 =	simm.s32 $0x0;
	v25 =	vshra.s32 v25, $0x15;
	v22 =	vshra.s32 v22, $0x15;
	v23 =	vshra.s32 v23, $0x15;
	[tilespmem:v31+s29+$0x0] =	vst.idx.add.s32.msk $0xffff, v3  }
0xb6: {  	v32 =	vshra.s32 v28, $0x15;
	v24 =	vshra.s32 v24, $0x15;
	v30 =	vshra.s32 v27, $0x15;
	[tilespmem:v21+s29+$0x0] =	vst.idx.add.s32.msk $0xffff, v3  }
0xb7: {  	v35 =	vshra.s32 v26, $0x15;
	v34 =	vxor.u32 v0, v22;
	v33 =	vadd.s32 v2, v22  }
.Ltmp3:
0xb8: {  	v28 =	vxor.u32 v0, v25;
	v36 =	vadd.s32 v2, v25;
	v27 =	vxor.u32 v0, v23;
	(pc) =	sbr.rel @p1 .LBB2_9-.Ltmp3, $4  }
0xb9: {  	v31 =	vadd.s32 v2, v23;
	v25 =	vxor.u32 v0, v24;
	v29 =	vadd.s32 v2, v24  }
0xba: {  	v23 =	vxor.u32 v0, v30;
	v30 =	vadd.s32 v2, v30;
	v22 =	vxor.u32 v0, v32  }
0xbb: {  	v26 =	vadd.s32 v2, v32;
	v24 =	vadd.s32 v2, v35;
	v21 =	vxor.u32 v0, v35  }
0xbc: {  	s5 =	sadd.s32 $0x80, s5;
	v32 =	vand.u32 $0xFFFFFF80, v36;
	v33 =	vand.u32 $0xFFFFFF80, v33;
	v34 =	vand.u32 $0x7F, v34  }
0xbd: {  	v28 =	vand.u32 $0x7F, v28;
	v33 =	vor.u32 v34, v33  }
0xbe: {  	v31 =	vand.u32 $0xFFFFFF80, v31;
	v27 =	vand.u32 $0x7F, v27;
	v28 =	vor.u32 v28, v32  }
0xbf: {  	v29 =	vand.u32 $0xFFFFFF80, v29;
	v25 =	vand.u32 $0x7F, v25;
	v27 =	vor.u32 v27, v31  }
0xc0: {  	v30 =	vand.u32 $0xFFFFFF80, v30;
	v23 =	vand.u32 $0x7F, v23;
	v25 =	vor.u32 v25, v29  }
0xc1: {  	v26 =	vand.u32 $0xFFFFFF80, v26;
	v22 =	vand.u32 $0x7F, v22;
	v23 =	vor.u32 v23, v30  }
0xc2: {  	v24 =	vand.u32 $0xFFFFFF80, v24;
	v21 =	vand.u32 $0x7F, v21;
	v22 =	vor.u32 v22, v26;
	[tilespmem:v33+s29+$0x0] =	vst.idx.add.s32.msk $0xffff, v3  }
0xc3: {  	v21 =	vor.u32 v21, v24;
	[tilespmem:v28+s29+$0x0] =	vst.idx.add.s32.msk $0xffff, v3  }
0xc4: {  	[tilespmem:v27+s29+$0x0] =	vst.idx.add.s32.msk $0xffff, v3  }
0xc5: {  	[tilespmem:v25+s29+$0x0] =	vst.idx.add.s32.msk $0xffff, v3  }
0xc6: {  	[tilespmem:v23+s29+$0x0] =	vst.idx.add.s32.msk $0xffff, v3  }
0xc7: {  	[tilespmem:v22+s29+$0x0] =	vst.idx.add.s32.msk $0xffff, v3  }
0xc8: {  	[tilespmem:v21+s29+$0x0] =	vst.idx.add.s32.msk $0xffff, v3  }
.LBB2_11:
0xc9: {  	s5 =	sshra.s32 s10, $0x2  }
0xca: {  	v21 =	vld [tilespmem:s5+$0x3E80];
	_ =	sdelay $0x4  }
0xcb: {  	v22 =	vshra.s32 v21, $0x1F  }
0xcc: {  	v22 =	vand.u32 $0x7FE00000, v22  }
0xcd: {  	v21 =	vxor.u32 v21, v22  }
0xce: {  	v21 =	vshra.s32 v21, $0x15  }
0xcf: {  	v22 =	vxor.u32 v0, v21;
	v21 =	vadd.s32 v2, v21  }
0xd0: {  	v21 =	vand.u32 $0xFFFFFF80, v21;
	v22 =	vand.u32 $0x7F, v22  }
0xd1: {  	p1 =	sne.s32 s10, $0xC0;
	v21 =	vor.u32 v22, v21  }
.Ltmp4:
0xd2: {  	_ = 	snop;
	(pc) =	sbr.rel @p1 .LBB2_11-.Ltmp4, $2  }
0xd3: {  	_ =	sdelay $0x2  }
0xd4: {  	s10 =	sadd.s32 $0x40, s10;
	[tilespmem:v21+s29+$0x0] =	vst.idx.add.s32.msk $0xffff, v3  }
.Ltmp5:
0xd5: {  	(pc) =	sbr.rel @p0 .LBB2_13-.Ltmp5, $1  }
0xd6: {  	_ =	sdelay $0x3  }
0xd7: {  	s5 =	smul.u32 $0x3E80, s20  }
.Ltmp6:
0xd8: {  	_ = 	snop;
	(pc) =	sbr.rel .LBB2_4-.Ltmp6, $4  }
0xd9: {  	s5 =	sadd.s32 s5, s8  }
0xda: {  	s5 =	sshrl.u32 s5, $0x3  }
0xdb: {  	s20 =	sadd.s32 $0x1, s20;
	s5 =	sadd.s32 s4, s5  }
0xdc: {  	[tilespmem:s26], [sflag:$0x2] =	stream.linear.gather [hbm4b:s5+s3], $0x1F40, $0x38;
	[tilespmem:$0x14880] =	vst v63  }
.LBB2_13:
0xdd: {  	s6 =	simm.s32 $0x0  }
0xde: {  	v21 =	vld [tilespmem:s6+$0x46F0]  }
0xdf: {  	v22 =	vld [tilespmem:s6+$0x4EF0]  }
0xe0: {  	v23 =	vld [tilespmem:s6+$0x56F0]  }
0xe1: {  	v24 =	vld [tilespmem:s6+$0x5EF0]  }
0xe2: {  	v25 =	vld [tilespmem:s6+$0x66F0]  }
0xe3: {  	v26 =	vld [tilespmem:s6+$0x6EF0]  }
0xe4: {  	v27 =	vld [tilespmem:s6+$0x76F0]  }
0xe5: {  	v28 =	vld [tilespmem:s6+$0x7EF0];
	v22 =	vperm.xlane v22, v4  }
0xe6: {  	v29 =	vld [tilespmem:s6+$0xA6F0];
	v23 =	vperm.xlane v23, v5  }
0xe7: {  	v21 =	vadd.s32 v21, v22;
	v22 =	vperm.xlane v24, v6;
	v24 =	vld [tilespmem:s6+$0x86F0]  }
0xe8: {  	v21 =	vadd.s32 v23, v21;
	v23 =	vperm.xlane v25, v7;
	v25 =	vld [tilespmem:s6+$0x8EF0]  }
0xe9: {  	v21 =	vadd.s32 v22, v21;
	v22 =	vperm.xlane v26, v12;
	v26 =	vld [tilespmem:s6+$0x96F0]  }
0xea: {  	v21 =	vadd.s32 v23, v21;
	v23 =	vperm.xlane v27, v14;
	v27 =	vld [tilespmem:s6+$0x9EF0]  }
0xeb: {  	v32 =	vld [tilespmem:s6+$0xBEF0];
	v28 =	vperm.xlane v28, v13;
	v22 =	vadd.s32 v22, v21  }
0xec: {  	v30 =	vand.u32 $0xF, v10;
	v22 =	vadd.s32 v23, v22;
	v23 =	vperm.xlane v24, v15;
	v24 =	vld [tilespmem:s6+$0xAEF0]  }
0xed: {  	v31 =	vand.u32 $0xF, v8;
	s10 =	simm.s32 $0xFFFFFFF0;
	v22 =	vadd.s32 v28, v22;
	v25 =	vperm.xlane v25, v16;
	v28 =	vld [tilespmem:s6+$0xB6F0]  }
0xee: {  	v33 =	vld [tilespmem:s10+$0x5EF0];
	v23 =	vadd.s32 v23, v22;
	v26 =	vperm.xlane v26, v17;
	v22 =	vcombine.low v31, v9  }
0xef: {  	v25 =	vadd.s32 v25, v23;
	v27 =	vperm.xlane v27, v18;
	v23 =	vcombine.low v30, v11;
	v30 =	vld [tilespmem:s10+$0x4EF0]  }
0xf0: {  	v21 =	vmul.u32 $0xFFFFFFFF, v0;
	v25 =	vadd.s32 v26, v25;
	v26 =	vperm.xlane v29, v19;
	v29 =	vld [tilespmem:s10+$0x56F0]  }
0xf1: {  	v31 =	vld [tilespmem:s10+$0x46F0];
	v25 =	vadd.s32 v27, v25;
	v27 =	vperm.xlane v24, v22  }
0xf2: {  	v24 =	vadd.s32 $0xF, v21;
	v25 =	vadd.s32 v26, v25;
	v26 =	vperm.xlane v28, v23;
	v28 =	vld [tilespmem:s10+$0x66F0]  }
0xf3: {  	v52 =	vld [tilespmem:s10+$0x6EF0];
	v25 =	vadd.s32 v27, v25;
	v27 =	vperm.xlane v32, v24  }
0xf4: {  	v25 =	vadd.s32 v26, v25;
	v26 =	vperm.xlane v30, v4;
	v30 =	vld [tilespmem:s10+$0x76F0]  }
0xf5: {  	v25 =	vadd.s32 v27, v25;
	v27 =	vperm.xlane v29, v5;
	v29 =	vld [tilespmem:s10+$0x7EF0]  }
0xf6: {  	v53 =	vld [tilespmem:s10+$0x86F0];
	v25 =	vperm.xlane v25, v24;
	v26 =	vadd.s32 v31, v26;
	v31 =	vperm.xlane v33, v6  }
0xf7: {  	v26 =	vadd.s32 v27, v26;
	v27 =	vperm.xlane v28, v7;
	v28 =	vld [tilespmem:s10+$0x8EF0]  }
0xf8: {  	v54 =	vld [tilespmem:s10+$0xAEF0];
	(xrf0) =	vadd.scan.msk.s32 $0xffff, v25;
	v25 =	vadd.s32 v31, v26;
	v26 =	vperm.xlane v52, v12  }
0xf9: {  	v31 =	vld [tilespmem:s10+$0x96F0];
	v25 =	vadd.s32 v27, v25;
	v27 =	vperm.xlane v30, v14  }
0xfa: {  	v30 =	vld [tilespmem:s10+$0x9EF0];
	v25 =	vadd.s32 v26, v25;
	v26 =	vperm.xlane v29, v13  }
0xfb: {  	s11 =	simm.s32 $0xFFFFFFE0;
	v29 =	vld [tilespmem:s10+$0xA6F0];
	v25 =	vadd.s32 v27, v25;
	v27 =	vperm.xlane v53, v15  }
0xfc: {  	v34 =	vld [tilespmem:s11+$0x46F0];
	v25 =	vadd.s32 v26, v25;
	v26 =	vperm.xlane v28, v16  }
0xfd: {  	v28 =	vld [tilespmem:s10+$0xB6F0];
	v25 =	vadd.s32 v27, v25  }
0xfe: {  	s5 =	simm.s32 $0x7FF;
	v27 =	vperm.xlane v31, v17;
	v31 =	vld [tilespmem:s10+$0xBEF0];
	v55, _, _ =	vpop (xrf0);
	v25 =	vadd.s32 v26, v25  }
0xff: {  	v35 =	vld [tilespmem:s11+$0x4EF0];
	v26 =	vperm.xlane v30, v18;
	v30 =	vadd.s32 s5, v21;
	(v2sf) =	vpush v55, $0xF  }
0x100: {  	s20 =	simm.s32 $0x0;
	v25 =	vadd.s32 v27, v25;
	v27 =	vperm.xlane v29, v19;
	v29 =	vxor.u32 $0x80000000, v30;
	v30 =	vld [tilespmem:s11+$0x56F0]  }
0x101: {  	v57 =	vld [tilespmem:s11+$0x5EF0];
	v56 =	vadd.s32 s20, v55;
	v25 =	vadd.s32 v26, v25;
	v26 =	vperm.xlane v54, v22  }
0x102: {  	vm0 =	vgt.s32 v56, $0x12C;
	v25 =	vadd.s32 v27, v25;
	v27 =	vperm.xlane v28, v23;
	v28 =	vld [tilespmem:s11+$0x66F0]  }
0x103: {  	v29 =	vnsel vm0, $0x7FFFFFFF, v29;
	v25 =	vadd.s32 v26, v25;
	v26 =	vperm.xlane v31, v24;
	v31 =	vld [tilespmem:s11+$0x6EF0]  }
0x104: {  	(xrf0) =	vmax.scan.msk.u32 $0xffff, v29;
	v29 =	vld [tilespmem:s11+$0x76F0];
	v25 =	vadd.s32 v27, v25;
	v27 =	vperm.xlane v35, v4  }
0x105: {  	v25 =	vadd.s32 v26, v25;
	v26 =	vperm.xlane v30, v5;
	v30 =	vld [tilespmem:s11+$0x7EF0]  }
0x106: {  	v59 =	vld [tilespmem:s11+$0x86F0];
	v58 =	vperm.xlane v57, v6;
	v25 =	vperm.xlane v25, v24;
	v27 =	vadd.s32 v34, v27  }
0x107: {  	v26 =	vadd.s32 v26, v27;
	v27 =	vperm.xlane v28, v7;
	v28 =	vld [tilespmem:s11+$0x8EF0]  }
0x108: {  	(xrf0) =	vadd.scan.msk.s32 $0xffff, v25;
	v25 =	vadd.s32 v58, v26;
	v26 =	vperm.xlane v31, v12  }
0x109: {  	v60 =	vld [tilespmem:s11+$0x9EF0];
	v25 =	vadd.s32 v27, v25;
	v27 =	vperm.xlane v29, v14  }
0x10a: {  	v31 =	vld [tilespmem:s11+$0x96F0];
	v29, _, _ =	vpop (xrf0);
	v25 =	vadd.s32 v26, v25;
	v26 =	vperm.xlane v30, v13  }
0x10b: {  	v61 =	vld [tilespmem:s11+$0xA6F0];
	(v2sf) =	vpush v29, $0xF;
	v29 =	vperm.xlane v59, v15;
	v25 =	vadd.s32 v27, v25  }
0x10c: {  	v25 =	vadd.s32 v26, v25;
	v62 =	vperm.xlane v28, v16  }
0x10d: {  	v27 =	vld [tilespmem:s11+$0xAEF0];
	v25 =	vadd.s32 v29, v25  }
0x10e: {  	s24 =	simm.s32 $0x7EF;
	s25 =	simm.s32 $0xFFFFFFD0;
	v28 =	vld [tilespmem:s11+$0xB6F0];
	v25 =	vadd.s32 v62, v25  }
0x10f: {  	v30 =	vadd.s32 s24, v21;
	v26 =	vld [tilespmem:s25+$0x46F0];
	v63 =	vperm.xlane v31, v17;
	s17 =	spop (v2sf)  }
0x110: {  	v32 =	vperm.xlane v60, v18;
	v34 =	vperm.xlane v61, v19;
	v30 =	vxor.u32 $0x80000000, v30;
	v29 =	vld [tilespmem:s11+$0xBEF0];
	v36, _, _ =	vpop (xrf0);
	s6 =	sadd.s32 $0x0, s17  }
0x111: {  	s21 =	simm.s32 $0xFFFFFFFF;
	s5 =	simm.s32 $0xFFFFFF00;
	v31 =	vld [tilespmem:s25+$0x4EF0];
	(v2sf) =	vpush v36, $0xF;
	v35 =	vadd.s32 v63, v25;
	v33 =	vadd.s32 s6, v36;
	v25 =	vmovc v21  }
.LBB2_14:
0x112: {  	s10 =	smov.u32 s21  }
0x113: {  	p0 =	sne.s32 s5, $0xFFFFE040;
	v32 =	vadd.s32 v32, v35;
	v27 =	vperm.xlane v27, v22;
	vm0 =	vgt.s32 v33, $0x12C;
	v36 =	vld [tilespmem:s25+$0x56F0]  }
0x114: {  	v32 =	vadd.s32 v34, v32;
	v28 =	vperm.xlane v28, v23;
	v30 =	vnsel vm0, $0x7FFFFFFF, v30;
	v33 =	vld [tilespmem:s25+$0x5EF0]  }
0x115: {  	v27 =	vadd.s32 v27, v32;
	v29 =	vperm.xlane v29, v24;
	v34 =	vld [tilespmem:s25+$0x66F0];
	(xrf0) =	vmax.scan.msk.u32 $0xffff, v30  }
0x116: {  	v27 =	vadd.s32 v28, v27;
	v30 =	vld [tilespmem:s25+$0x6EF0]  }
0x117: {  	v28 =	vperm.xlane v31, v4;
	v27 =	vadd.s32 v29, v27;
	v31 =	vld [tilespmem:s25+$0x76F0]  }
0x118: {  	v24 =	vperm.xlane v27, v24;
	v29 =	vperm.xlane v36, v5;
	v32 =	vld [tilespmem:s25+$0x7EF0]  }
0x119: {  	v26 =	vadd.s32 v26, v28;
	v35 =	vperm.xlane v33, v6;
	v28 =	vld [tilespmem:s25+$0x86F0]  }
0x11a: {  	v26 =	vadd.s32 v29, v26;
	v29 =	vperm.xlane v34, v7;
	v33 =	vld [tilespmem:s25+$0x8EF0];
	(xrf0) =	vadd.scan.msk.s32 $0xffff, v24  }
0x11b: {  	v24 =	vadd.s32 v35, v26;
	v26 =	vperm.xlane v30, v12;
	v30 =	vld [tilespmem:s25+$0x96F0];
	v27, _, _ =	vpop (xrf0);
	s11 =	spop (v2sf)  }
0x11c: {  	v24 =	vadd.s32 v29, v24;
	v29 =	vperm.xlane v31, v14;
	v31 =	vld [tilespmem:s25+$0x9EF0];
	(v2sf) =	vpush v27, $0xF;
	s21 =	sxor.u32 $0x80000000, s11  }
0x11d: {  	s24 =	sadd.s32 $0xFFFFFFF0, s24;
	v24 =	vadd.s32 v26, v24;
	v26 =	vperm.xlane v32, v13;
	v34 =	vld [tilespmem:s25+$0xA6F0];
	p1 =	sgt.s32 s10, s21  }
.Ltmp7:
0x11e: {  	v32 =	vadd.s32 s24, v25;
	v25 =	vmovc v21;
	v24 =	vadd.s32 v29, v24;
	v29 =	vperm.xlane v28, v15;
	v27 =	vld [tilespmem:s25+$0xAEF0];
	s21 =	smov.u32 @p1 s10;
	(pc) =	sbr.rel @p0 .LBB2_14-.Ltmp7, $4  }
0x11f: {  	v26 =	vadd.s32 v26, v24;
	v33 =	vperm.xlane v33, v16;
	v28 =	vld [tilespmem:s25+$0xB6F0];
	v24 =	vadd.s32 $0xF, v25  }
0x120: {  	v35 =	vadd.s32 v29, v26;
	v36 =	vperm.xlane v30, v17;
	v29 =	vld [tilespmem:s25+$0xBEF0];
	s25 =	sshra.s32 s5, $0x2;
	v30 =	vxor.u32 $0x80000000, v32;
	v37, _, _ =	vpop (xrf0);
	s10 =	spop (v2sf)  }
0x121: {  	v26 =	vld [tilespmem:s25+$0x46F0];
	v33 =	vadd.s32 v33, v35;
	v32 =	vperm.xlane v31, v18;
	(v2sf) =	vpush v37, $0xF;
	s6 =	sadd.s32 s6, s10  }
0x122: {  	s5 =	sadd.s32 $0xFFFFFFC0, s5;
	v31 =	vld [tilespmem:s25+$0x4EF0];
	v35 =	vadd.s32 v36, v33;
	v34 =	vperm.xlane v34, v19;
	v33 =	vadd.s32 s6, v37  }
0x123: {  	v32 =	vadd.s32 v32, v35;
	v27 =	vperm.xlane v27, v22  }
0x124: {  	v57 =	vld [tilespmem:s25+$0x56F0];
	v32 =	vadd.s32 v34, v32;
	v28 =	vperm.xlane v28, v23  }
0x125: {  	v58 =	vld [tilespmem:s25+$0x5EF0];
	v27 =	vadd.s32 v27, v32;
	v29 =	vperm.xlane v29, v24  }
0x126: {  	v59 =	vld [tilespmem:s25+$0x66F0];
	v27 =	vadd.s32 v28, v27  }
0x127: {  	vm0 =	vgt.s32 v33, $0x12C;
	v28 =	vld [tilespmem:s25+$0x6EF0];
	v27 =	vadd.s32 v29, v27  }
0x128: {  	v29 =	vnsel vm0, $0x7FFFFFFF, v30;
	v30 =	vperm.xlane v31, v4;
	v31 =	vld [tilespmem:s25+$0x76F0];
	v24 =	vperm.xlane v27, v24  }
0x129: {  	(xrf0) =	vmax.scan.msk.u32 $0xffff, v29;
	v27 =	vperm.xlane v57, v5;
	v29 =	vld [tilespmem:s25+$0x7EF0]  }
0x12a: {  	v60 =	vld [tilespmem:s25+$0x86F0];
	v26 =	vadd.s32 v26, v30;
	v30 =	vperm.xlane v58, v6;
	(xrf0) =	vadd.scan.msk.s32 $0xffff, v24  }
0x12b: {  	v24 =	vadd.s32 v27, v26;
	v26 =	vperm.xlane v59, v7;
	v27 =	vld [tilespmem:s25+$0x8EF0]  }
0x12c: {  	v24 =	vadd.s32 v30, v24;
	v28 =	vperm.xlane v28, v12;
	v30 =	vld [tilespmem:s25+$0x96F0]  }
0x12d: {  	v24 =	vadd.s32 v26, v24;
	v26 =	vperm.xlane v31, v14;
	v31 =	vld [tilespmem:s25+$0x9EF0]  }
0x12e: {  	v24 =	vadd.s32 v28, v24;
	v28 =	vperm.xlane v29, v13;
	v29 =	vld [tilespmem:s25+$0xA6F0]  }
0x12f: {  	v62 =	vld [tilespmem:s25+$0xAEF0];
	v61, _, _ =	vpop (xrf0);
	v24 =	vadd.s32 v26, v24;
	v26 =	vperm.xlane v60, v15  }
0x130: {  	(v2sf) =	vpush v61, $0xF;
	v24 =	vadd.s32 v28, v24;
	v27 =	vperm.xlane v27, v16;
	v28 =	vld [tilespmem:s25+$0xB6F0];
	v63, _, _ =	vpop (xrf0)  }
0x131: {  	v24 =	vadd.s32 v26, v24;
	v26 =	vperm.xlane v30, v17;
	v30 =	vld [tilespmem:s25+$0xBEF0];
	(v2sf) =	vpush v63, $0xF  }
0x132: {  	v24 =	vadd.s32 v27, v24;
	v27 =	vperm.xlane v31, v18  }
0x133: {  	v24 =	vadd.s32 v26, v24;
	v29 =	vperm.xlane v29, v19  }
0x134: {  	s5 =	spop (v2sf);
	v24 =	vadd.s32 v27, v24;
	v27 =	vperm.xlane v62, v22  }
0x135: {  	s10 =	spop (v2sf);
	v26 =	vadd.s32 $0xF, v21;
	v24 =	vadd.s32 v29, v24;
	v28 =	vperm.xlane v28, v23  }
0x136: {  	s11 =	sadd.s32 $0xFFFFFFF0, s24;
	s6 =	sadd.s32 s6, s10;
	v24 =	vadd.s32 v27, v24;
	v27 =	vperm.xlane v30, v26  }
0x137: {  	v25 =	vadd.s32 s11, v25;
	v29 =	vadd.s32 s6, v63;
	v24 =	vadd.s32 v28, v24  }
0x138: {  	v25 =	vxor.u32 $0x80000000, v25;
	vm14 =	vgt.s32 v29, $0x12C;
	v24 =	vadd.s32 v27, v24  }
0x139: {  	v25 =	vnsel vm14, $0x7FFFFFFF, v25;
	v24 =	vperm.xlane v24, v26  }
0x13a: {  	(xrf0) =	vmax.scan.msk.u32 $0xffff, v25  }
0x13b: {  	(xrf0) =	vadd.scan.msk.s32 $0xffff, v24;
	_ =	sdelay $0x3  }
0x13c: {  	s25 =	spop (v2sf)  }
0x13d: {  	v24, _, _ =	vpop (xrf0);
	s17 =	spop (v2sf)  }
0x13e: {  	s11 =	sadd.s32 $0xFFFFFFF0, s11;
	v25, _, _ =	vpop (xrf0);
	s6 =	sadd.s32 s6, s17  }
0x13f: {  	v27 =	vadd.s32 s11, v21;
	v28 =	vadd.s32 s6, v25  }
0x140: {  	v27 =	vxor.u32 $0x80000000, v27;
	vm15 =	vgt.s32 v28, $0x12C  }
0x141: {  	v27 =	vnsel vm15, $0x7FFFFFFF, v27  }
0x142: {  	(xrf0) =	vmax.scan.msk.u32 $0xffff, v27;
	_ =	sdelay $0x4  }
0x143: {  	(v2sf) =	vpush v24, $0xF  }
0x144: {  	(v2sf) =	vpush v25, $0xF;
	v24, _, _ =	vpop (xrf0)  }
0x145: {  	(v2sf) =	vpush v24, $0xF;
	_ =	sdelay $0x8  }
0x146: {  	s5 =	sxor.u32 $0x80000000, s5  }
0x147: {  	p0 =	sgt.s32 s21, s5  }
0x148: {  	s5 =	smov.u32 @p0 s21;
	s21 =	simm.s32 $0x20;
	s17 =	simm.s32 $0x10  }
0x149: {  	s24 =	simm.s32 $0x30;
	s11 =	simm.s32 $0xBF20;
	s6 =	sxor.u32 $0x80000000, s25;
	v25 =	vmov s17;
	v28 =	vmov s21;
	v24 =	vmov s20  }
0x14a: {  	[tilespmem:s11+$0x0] =	vst v20;
	p0 =	sgt.s32 s5, s6;
	v29 =	vmul.u32 $0x50, v25;
	v27 =	vmov s24;
	s25 =	spop (v2sf);
	v24 =	vmul.u32 $0x50, v24  }
0x14b: {  	[tilespmem:s11+$0x10] =	vst v20;
	s6 =	smov.u32 @p0 s5;
	v28 =	vmul.u32 $0x50, v28;
	v27 =	vmul.u32 $0x50, v27;
	s10 =	sxor.u32 $0x80000000, s25;
	s24 =	spop (v2sf)  }
0x14c: {  	[tilespmem:s11+$0xFFFFFFF0] =	vst v20;
	v25 =	vmul.u32 $0x50, v0;
	v29 =	vbroadcast v29, $0x0;
	p0 =	sgt.s32 s6, s10;
	v24 =	vbroadcast v24, $0x0;
	s25 =	spop (v2sf)  }
0x14d: {  	[tilespmem:s11+$0xFFFFFFE0] =	vst v20;
	s11 =	simm.s32 $0x40;
	v30 =	vbroadcast v28, $0x0;
	v27 =	vbroadcast v27, $0x0;
	s10 =	smov.u32 @p0 s6;
	s5 =	sxor.u32 $0x80000000, s25  }
0x14e: {  	s17 =	simm.s32 $0xBF60;
	s6 =	simm.s32 $0xC7A0;
	v28 =	vadd.s32 v25, v24;
	p0 =	sgt.s32 s10, s5  }
0x14f: {  	s20 =	simm.s32 $0xC7E0;
	v24 =	vadd.s32 v25, v27;
	v27 =	vadd.s32 v25, v30;
	[tilespmem:s6+$0xFFFFFFE0] =	vst v28;
	v28 =	vadd.s32 v25, v29;
	s5 =	smov.u32 @p0 s10;
	s10 =	simm.s32 $0x0  }
.LBB2_16:
0x150: {  	v29 =	vmov s11;
	s21 =	sadd.s32 $0x10, s11;
	s24 =	sadd.s32 $0x20, s11;
	s25 =	sadd.s32 $0x30, s11;
	[tilespmem:s6+$0xFFFFFFF0] =	vst v28  }
0x151: {  	s10 =	sadd.s32 $0x4, s10;
	v28 =	vmov s21;
	v30 =	vmov s24;
	v31 =	vmov s25;
	[tilespmem:s6+$0x0] =	vst v27  }
0x152: {  	v27 =	vmul.u32 $0x50, v29;
	p0 =	slt.u32 s10, $0x7C;
	v28 =	vmul.u32 $0x50, v28;
	v29 =	vmul.u32 $0x50, v31;
	[tilespmem:s6+$0x10] =	vst v24;
	s6 =	smov.u32 s20  }
.Ltmp8:
0x153: {  	v24 =	vmul.u32 $0x50, v30;
	[tilespmem:s17+$0x0] =	vst v20;
	(pc) =	sbr.rel @p0 .LBB2_16-.Ltmp8, $4  }
0x154: {  	v27 =	vbroadcast v27, $0x0;
	[tilespmem:s17+$0x10] =	vst v20;
	v29 =	vbroadcast v29, $0x0  }
0x155: {  	v28 =	vbroadcast v28, $0x0;
	v30 =	vbroadcast v24, $0x0;
	[tilespmem:s17+$0xFFFFFFF0] =	vst v20  }
0x156: {  	v27 =	vadd.s32 v25, v27;
	[tilespmem:s17+$0xFFFFFFE0] =	vst v20;
	v24 =	vadd.s32 v25, v29  }
0x157: {  	s11 =	sadd.s32 $0x40, s11;
	s20 =	sadd.s32 $0x40, s20;
	v28 =	vadd.s32 v25, v28;
	s17 =	sadd.s32 $0x40, s17;
	[tilespmem:s6+$0xFFFFFFE0] =	vst v27;
	v27 =	vadd.s32 v25, v30  }
0x158: {  	[tilespmem:s6+$0xFFFFFFF0] =	vst v28  }
0x159: {  	[tilespmem:s6+$0x0] =	vst v27  }
0x15a: {  	[tilespmem:s6+$0x10] =	vst v24  }
0x15b: {  	v27 =	vor.u32 $0x28000, v25;
	[tilespmem:$0xC700] =	vst v20  }
0x15c: {  	s6 =	simm.s32 $0x0;
	[tilespmem:$0xCF80] =	vst v27;
	s10 =	rddreg [dreg:$0x5]  }
0x15d: {  	[tilespmem:s6], [sflag:$0x1] =	stream.linear.gather [hbm4b:s10+s6], $0x1F40, $0x38;
	[tilespmem:$0x14880] =	vst v63  }
0x15e: {  	s5 =	sshll.u32 s5, $0x15;
	s21 =	simm.s32 $0x1F40;
	s24 =	rddreg [dreg:$0x6]  }
0x15f: {  	[tilespmem:s26], [sflag:$0x2] =	stream.linear.gather [hbm4b:s24+s6], $0x1F40, $0x38;
	[tilespmem:$0x14880] =	vst v63  }
0x160: {  	s25 =	rddreg [dreg:$0x7];
	s5 =	sxor.u32 $0x80000000, s5;
	s24 =	simm.s32 $0x0  }
0x161: {  	v35 =	vimm.s32 $0x0;
	v24 =	vmov s5;
	[tilespmem:s31], [sflag:$0x3] =	stream.linear.gather [hbm4b:s25+s6], $0x4E20, $0x38;
	[tilespmem:$0x14880] =	vst v63  }
.LBB2_18:
0x162: {  	_ =	swait.ge [sflag:s28], $0x1F40  }
0x163: {  	[sflag:s28] =	ssyncset.done $0x0  }
0x164: {  	s5 =	simm.s32 $0x20;
	[sflag:s28] =	ssyncadd.s32 $0xFFFFE0C0  }
0x165: {  	v32 =	vld [tilespmem:s5+$0xFFFFFFE0]  }
0x166: {  	v36 =	vld [tilespmem:s5+$0xFFFFFFF0]  }
0x167: {  	v34 =	vld [tilespmem:s5+$0x0];
	_ =	sdelay $0x2  }
0x168: {  	v33 =	vld [tilespmem:s5+$0x10];
	v28 =	vshra.s32 v32, $0x1F  }
0x169: {  	v29 =	vshra.s32 v36, $0x1F;
	v28 =	vand.u32 $0x7FFFFFFF, v28  }
0x16a: {  	v30 =	vshra.s32 v34, $0x1F;
	v29 =	vand.u32 $0x7FFFFFFF, v29;
	v28 =	vxor.u32 v32, v28  }
0x16b: {  	v30 =	vand.u32 $0x7FFFFFFF, v30;
	vm0 =	vge.s32 v28, v24;
	v28 =	vxor.u32 v36, v29  }
0x16c: {  	vm2 =	vge.s32 v28, v24;
	v28 =	vxor.u32 v34, v30  }
0x16d: {  	s11 =	simm.s32 $0x60;
	v29 =	vsel vm0, $0x1, v1;
	v30 =	vshra.s32 v33, $0x1F;
	v31 =	vmpcnt.ones.xlane vm0  }
0x16e: {  	vm3 =	vge.s32 v28, v24;
	v28 =	vsel vm2, $0x1, v1;
	(xrf0) =	vadd.scan.msk.s32 $0xffff, v29;
	v29 =	vand.u32 $0x7FFFFFFF, v30;
	v30 =	vld [tilespmem:s11+$0xFFFFFFE0]  }
0x16f: {  	(xrf0) =	vadd.scan.msk.s32 $0xffff, v28;
	v28 =	vmpcnt.ones.xlane vm2;
	v29 =	vxor.u32 v33, v29;
	v60 =	vadd.s32 v35, v31;
	v31 =	vld [tilespmem:s11+$0xFFFFFFF0]  }
0x170: {  	vm1 =	vmmov vm0;
	v37 =	vsel vm3, $0x1, v1;
	vm4 =	vge.s32 v29, v24;
	v29 =	vld [tilespmem:s11+$0x0]  }
0x171: {  	v38 =	vmpcnt.ones.xlane vm3;
	vm2 =	vmmov vm2;
	(xrf0) =	vadd.scan.msk.s32 $0xffff, v37;
	v40 =	vadd.s32 v60, v28;
	v28 =	vld [tilespmem:s11+$0x10]  }
0x172: {  	vm0 =	vmmov vm3;
	v39 =	vmpcnt.ones.xlane vm4;
	v41 =	vsel vm4, $0x1, v1  }
0x173: {  	vm3 =	vmmov vm4;
	v38 =	vadd.s32 v40, v38;
	v48 =	vshra.s32 v30, $0x1F  }
0x174: {  	v46 =	vadd.s32 v38, v39;
	v61, _, _ =	vpop (xrf0);
	v43 =	vshra.s32 v31, $0x1F;
	v49 =	vand.u32 $0x7FFFFFFF, v48  }
0x175: {  	v62 =	vadd.s32 v61, v35;
	v42, _, _ =	vpop (xrf0);
	v50 =	vshra.s32 v29, $0x1F;
	v51 =	vand.u32 $0x7FFFFFFF, v43  }
0x176: {  	s17 =	sadd.s32 $0x10, s6;
	v39 =	vadd.s32 $0xFFFFFFFF, v62;
	v63 =	vadd.s32 v42, v60;
	v44 =	vshra.s32 v28, $0x1F  }
0x177: {  	v47, _, _ =	vpop (xrf0);
	v42 =	vand.u32 $0x7FFFFFFF, v50;
	v52 =	vxor.u32 v31, v51;
	v51 =	vor.u32 s17, v0  }
0x178: {  	v37 =	vadd.s32 v47, v40;
	v40 =	vxor.u32 v30, v49;
	v53 =	vand.u32 $0x7FFFFFFF, v44  }
0x179: {  	(xrf0) =	vadd.scan.msk.s32 $0xffff, v41;
	vm8 =	vge.s32 v52, v24;
	v55 =	vxor.u32 v29, v42;
	vm9 =	vge.s32 v40, v24  }
0x17a: {  	s10 =	sadd.s32 $0x20, s6;
	vm4 =	vlt.s32 v39, $0x800;
	v52 =	vor.u32 s6, v0;
	v59 =	vsel vm9, $0x1, v1  }
0x17b: {  	v49 =	vor.u32 s10, v0;
	v56 =	vmpcnt.ones.xlane vm8;
	vm10 =	vge.s32 v55, v24;
	(xrf0) =	vadd.scan.msk.s32 $0xffff, v59  }
0x17c: {  	v57 =	vxor.u32 v28, v53;
	v62 =	vsel vm8, $0x1, v1;
	v44 =	vadd.s32 $0xFFFFFFFF, v37  }
0x17d: {  	vm7 =	vmand vm1, vm4;
	v54 =	vmpcnt.ones.xlane vm9;
	v58 =	vmpcnt.ones.xlane vm10  }
0x17e: {  	vm5 =	vge.s32 v57, v24;
	v45 =	vsel vm10, $0x1, v1;
	vm11 =	vlt.s32 v44, $0x800;
	(xrf0) =	vadd.scan.msk.s32 $0xffff, v62  }
0x17f: {  	s11 =	simm.s32 $0xA0;
	v60 =	vmpcnt.ones.xlane vm5;
	v50 =	vsel vm5, $0x1, v1;
	v48 =	vadd.s32 v46, v54;
	v61, _, _ =	vpop (xrf0);
	(xrf0) =	vadd.scan.msk.s32 $0xffff, v45  }
0x180: {  	v43 =	vld [tilespmem:s11+$0xFFFFFFE0];
	vm4 =	vmand vm0, vm11;
	v47 =	vadd.s32 v48, v56;
	v38 =	vadd.s32 v61, v38  }
0x181: {  	v45 =	vadd.s32 $0xFFFFFFFF, v63;
	v41 =	vadd.s32 v47, v58;
	v40 =	vadd.s32 $0xFFFFFFFF, v38;
	v38 =	vld [tilespmem:s11+$0xFFFFFFF0];
	v63, _, _ =	vpop (xrf0);
	(xrf0) =	vadd.scan.msk.s32 $0xffff, v50  }
0x182: {  	v35 =	vld [tilespmem:s11+$0x0];
	vm6 =	vlt.s32 v45, $0x800;
	v42 =	vadd.s32 v41, v60;
	vm1 =	vlt.s32 v40, $0x800  }
0x183: {  	v37 =	vld [tilespmem:s11+$0x10];
	vm6 =	vmand vm2, vm6;
	vm2 =	vmmov vm9;
	vm0 =	vmand vm3, vm1  }
0x184: {  	s20 =	sadd.s32 $0x30, s6;
	vm3 =	vmmov vm8;
	vm1 =	vmmov vm10;
	v46 =	vadd.s32 v63, v46;
	v53, _, _ =	vpop (xrf0)  }
0x185: {  	s25 =	smul.u32 $0x3E80, s24;
	s5 =	simm.s32 $0x8;
	v50 =	vadd.s32 $0xFFFFFFFF, v46;
	v48 =	vadd.s32 v53, v48;
	v53, _, _ =	vpop (xrf0);
	v46 =	vor.u32 s20, v0;
	s20 =	smov.u32 s6  }
.LBB2_19:
0x186: {  	v54 =	vshra.s32 v43, $0x1F;
	v55 =	vshra.s32 v38, $0x1F  }
0x187: {  	s5 =	sadd.s32 $0x4, s5;
	v53 =	vadd.s32 v53, v47;
	v56, _, _ =	vpop (xrf0);
	v57 =	vmov v42;
	vm8 =	vmmov vm5  }
0x188: {  	p0 =	slt.u32 s5, $0x1F0;
	v47 =	vand.u32 $0x7FFFFFFF, v54;
	v54 =	vshra.s32 v35, $0x1F;
	v58 =	vshra.s32 v37, $0x1F;
	[tilespmem:v39+s0+$0x0] =	vst.idx.msk vm7, v32;
	v32 =	vmovc v30;
	v30 =	vmovc v43  }
0x189: {  	v43 =	vxor.u32 v30, v47;
	v47 =	vand.u32 $0x7FFFFFFF, v55;
	v54 =	vand.u32 $0x7FFFFFFF, v54;
	[tilespmem:v39+s2+$0x0] =	vst.idx.msk vm7, v52;
	v39 =	vmovc v50  }
0x18a: {  	vm9 =	vge.s32 v43, v24;
	v43 =	vxor.u32 v38, v47;
	v47 =	vand.u32 $0x7FFFFFFF, v58;
	[tilespmem:v45+s0+$0x0] =	vst.idx.msk vm6, v36  }
0x18b: {  	v50 =	vmpcnt.ones.xlane vm9;
	vm10 =	vge.s32 v43, v24;
	v43 =	vxor.u32 v35, v54;
	[tilespmem:v45+s2+$0x0] =	vst.idx.msk vm6, v51  }
0x18c: {  	v45 =	vmpcnt.ones.xlane vm10;
	vm11 =	vge.s32 v43, v24;
	v43 =	vxor.u32 v37, v47;
	[tilespmem:v44+s0+$0x0] =	vst.idx.msk vm4, v34  }
0x18d: {  	v54 =	vadd.s32 v42, v50;
	v34 =	vmpcnt.ones.xlane vm11;
	vm5 =	vge.s32 v43, v24;
	[tilespmem:v44+s2+$0x0] =	vst.idx.msk vm4, v49  }
0x18e: {  	v36 =	vmovc v31;
	v42 =	vsel vm9, $0x1, v1;
	v47 =	vadd.s32 v54, v45;
	v43 =	vmpcnt.ones.xlane vm5;
	[tilespmem:v40+s0+$0x0] =	vst.idx.msk vm0, v33  }
0x18f: {  	v31 =	vmovc v38;
	v44 =	vsel vm11, $0x1, v1;
	v33 =	vsel vm10, $0x1, v1;
	v50 =	vadd.s32 v47, v34;
	(xrf0) =	vadd.scan.msk.s32 $0xffff, v42  }
0x190: {  	s11 =	sadd.s32 $0x40, s11;
	v49 =	vsel vm5, $0x1, v1;
	v42 =	vadd.s32 v50, v43;
	(xrf0) =	vadd.scan.msk.s32 $0xffff, v33;
	v33 =	vadd.s32 v56, v41;
	v41 =	vmovc v50  }
0x191: {  	v45 =	vadd.s32 $0xFFFFFFFF, v48;
	v43 =	vld [tilespmem:s11+$0xFFFFFFE0];
	(xrf0) =	vadd.scan.msk.s32 $0xffff, v44;
	v44 =	vadd.s32 $0xFFFFFFFF, v53;
	v48 =	vadd.s32 $0xFFFFFFFF, v33;
	v34 =	vmovc v29  }
0x192: {  	vm4 =	vlt.s32 v39, $0x800;
	vm6 =	vlt.s32 v45, $0x800;
	v29 =	vmovc v35;
	v38 =	vld [tilespmem:s11+$0xFFFFFFF0];
	(xrf0) =	vadd.scan.msk.s32 $0xffff, v49;
	vm12 =	vlt.s32 v44, $0x800  }
.Ltmp9:
0x193: {  	vm7 =	vmand vm2, vm4;
	vm6 =	vmand vm3, vm6;
	vm2 =	vlt.s32 v48, $0x800;
	v35 =	vld [tilespmem:s11+$0x0];
	[tilespmem:v40+s2+$0x0] =	vst.idx.msk vm0, v46;
	v40 =	vmovc v48;
	v33 =	vmovc v28;
	(pc) =	sbr.rel @p0 .LBB2_19-.Ltmp9, $4  }
0x194: {  	s20 =	sadd.s32 $0x40, s20;
	vm4 =	vmand vm1, vm12;
	vm0 =	vmand vm8, vm2;
	v28 =	vmovc v37;
	vm2 =	vmmov vm9;
	v37 =	vld [tilespmem:s11+$0x10]  }
0x195: {  	s10 =	sadd.s32 $0x10, s20;
	s17 =	sadd.s32 $0x20, s20;
	v52 =	vor.u32 s20, v0;
	vm3 =	vmmov vm10;
	vm1 =	vmmov vm11;
	v46, _, _ =	vpop (xrf0)  }
0x196: {  	v51 =	vor.u32 s10, v0;
	s10 =	sadd.s32 $0x30, s20;
	v49 =	vor.u32 s17, v0;
	v46 =	vadd.s32 v46, v57;
	v48, _, _ =	vpop (xrf0)  }
0x197: {  	v50 =	vadd.s32 $0xFFFFFFFF, v46;
	v48 =	vadd.s32 v48, v54;
	v53, _, _ =	vpop (xrf0);
	v46 =	vor.u32 s10, v0  }
0x198: {  	_ =	sdelay $0x3  }
0x199: {  	v54 =	vshra.s32 v43, $0x1F  }
0x19a: {  	v55 =	vshra.s32 v38, $0x1F;
	v47 =	vadd.s32 v53, v47;
	vm8 =	vmmov vm5;
	[tilespmem:v39+s0+$0x0] =	vst.idx.msk vm7, v32  }
0x19b: {  	v62 =	vshra.s32 v35, $0x1F;
	[tilespmem:v45+s0+$0x0] =	vst.idx.msk vm6, v36;
	v61 =	vand.u32 $0x7FFFFFFF, v54;
	v56 =	vshra.s32 v37, $0x1F  }
0x19c: {  	v63 =	vand.u32 $0x7FFFFFFF, v55;
	v54 =	vand.u32 $0x7FFFFFFF, v62;
	[tilespmem:v39+s2+$0x0] =	vst.idx.msk vm7, v52;
	v53 =	vxor.u32 v43, v61  }
0x19d: {  	[tilespmem:v45+s2+$0x0] =	vst.idx.msk vm6, v51;
	vm6 =	vlt.s32 v50, $0x800;
	v52 =	vadd.s32 $0xFFFFFFFF, v48;
	vm9 =	vge.s32 v53, v24  }
0x19e: {  	v32 =	vxor.u32 v38, v63;
	v56 =	vand.u32 $0x7FFFFFFF, v56;
	v59 =	vsel vm9, $0x1, v1  }
0x19f: {  	v58 =	vxor.u32 v35, v54;
	vm6 =	vmand vm2, vm6;
	vm7 =	vge.s32 v32, v24;
	(xrf0) =	vadd.scan.msk.s32 $0xffff, v59  }
0x1a0: {  	[tilespmem:v44+s0+$0x0] =	vst.idx.msk vm4, v34;
	vm10 =	vlt.s32 v52, $0x800;
	vm5 =	vge.s32 v58, v24;
	v62 =	vsel vm7, $0x1, v1  }
0x1a1: {  	v61 =	vxor.u32 v37, v56;
	v57 =	vmpcnt.ones.xlane vm9;
	v60 =	vmpcnt.ones.xlane vm7;
	(xrf0) =	vadd.scan.msk.s32 $0xffff, v62  }
0x1a2: {  	[tilespmem:v40+s0+$0x0] =	vst.idx.msk vm0, v33;
	vm3 =	vmand vm3, vm10;
	v63 =	vmpcnt.ones.xlane vm5;
	v54 =	vsel vm5, $0x1, v1  }
0x1a3: {  	v55, _, _ =	vpop (xrf0);
	vm2 =	vge.s32 v61, v24;
	v36 =	vadd.s32 v42, v57;
	v57 =	vadd.s32 $0xFFFFFFFF, v47;
	(xrf0) =	vadd.scan.msk.s32 $0xffff, v54  }
0x1a4: {  	[tilespmem:v44+s2+$0x0] =	vst.idx.msk vm4, v49;
	v34 =	vadd.s32 v55, v41;
	v58 =	vsel vm2, $0x1, v1;
	vm4 =	vlt.s32 v57, $0x800  }
0x1a5: {  	s5 =	sadd.s32 $0x40, s20;
	v59 =	vadd.s32 $0xFFFFFFFF, v34;
	v56 =	vadd.s32 v36, v60;
	(xrf0) =	vadd.scan.msk.s32 $0xffff, v58;
	vm1 =	vmand vm1, vm4;
	v60, _, _ =	vpop (xrf0)  }
0x1a6: {  	[tilespmem:v40+s2+$0x0] =	vst.idx.msk vm0, v46;
	v62 =	vor.u32 s5, v0;
	vm4 =	vlt.s32 v59, $0x800;
	v34 =	vadd.s32 v60, v42  }
0x1a7: {  	v61 =	vadd.s32 v56, v63;
	[tilespmem:v50+s0+$0x0] =	vst.idx.msk vm6, v30;
	vm0 =	vmand vm8, vm4;
	v63, _, _ =	vpop (xrf0);
	v34 =	vadd.s32 $0xFFFFFFFF, v34  }
0x1a8: {  	s10 =	sadd.s32 $0x10, s5;
	vm4 =	vmmov vm9;
	[tilespmem:v50+s2+$0x0] =	vst.idx.msk vm6, v62;
	v30 =	vadd.s32 v63, v36;
	vm6 =	vlt.s32 v34, $0x800  }
0x1a9: {  	v44 =	vor.u32 s10, v0;
	[tilespmem:v52+s0+$0x0] =	vst.idx.msk vm3, v31;
	v45, _, _ =	vpop (xrf0);
	v30 =	vadd.s32 $0xFFFFFFFF, v30;
	vm4 =	vmand vm4, vm6  }
0x1aa: {  	s11 =	sadd.s32 $0x20, s5;
	[tilespmem:v52+s2+$0x0] =	vst.idx.msk vm3, v44;
	v31 =	vadd.s32 v45, v56;
	vm6 =	vmmov vm7;
	vm3 =	vlt.s32 v30, $0x800  }
0x1ab: {  	v46 =	vor.u32 s11, v0;
	v47, _, _ =	vpop (xrf0);
	[tilespmem:v57+s0+$0x0] =	vst.idx.msk vm1, v29;
	v29 =	vadd.s32 $0xFFFFFFFF, v31;
	vm3 =	vmand vm6, vm3  }
0x1ac: {  	s17 =	sadd.s32 $0x30, s5;
	vm5 =	vmmov vm5;
	[tilespmem:v57+s2+$0x0] =	vst.idx.msk vm1, v46;
	v31 =	vadd.s32 v47, v61;
	vm1 =	vlt.s32 v29, $0x800  }
0x1ad: {  	v48 =	vor.u32 s17, v0;
	[tilespmem:v59+s0+$0x0] =	vst.idx.msk vm0, v28;
	v28 =	vadd.s32 $0xFFFFFFFF, v31;
	vm1 =	vmand vm5, vm1  }
0x1ae: {  	s5 =	sadd.s32 $0x40, s5;
	[tilespmem:v59+s2+$0x0] =	vst.idx.msk vm0, v48;
	vm5 =	vmmov vm2;
	vm6 =	vlt.s32 v28, $0x800  }
0x1af: {  	v31 =	vor.u32 s5, v0;
	vm0 =	vmand vm5, vm6;
	[tilespmem:v34+s0+$0x0] =	vst.idx.msk vm4, v43  }
0x1b0: {  	s20 =	sadd.s32 $0x10, s5;
	[tilespmem:v34+s2+$0x0] =	vst.idx.msk vm4, v31  }
0x1b1: {  	v31 =	vor.u32 s20, v0;
	[tilespmem:v30+s0+$0x0] =	vst.idx.msk vm3, v38  }
0x1b2: {  	s11 =	sadd.s32 $0x20, s5;
	[tilespmem:v30+s2+$0x0] =	vst.idx.msk vm3, v31  }
0x1b3: {  	p0 =	seq.s32 s24, $0x18;
	v30 =	vor.u32 s11, v0;
	[tilespmem:v29+s0+$0x0] =	vst.idx.msk vm1, v35  }
0x1b4: {  	s10 =	sadd.s32 @!p0 s25, s7;
	s5 =	sadd.s32 $0x30, s5;
	[tilespmem:v29+s2+$0x0] =	vst.idx.msk vm1, v30  }
0x1b5: {  	v29 =	vor.u32 s5, v0;
	[tilespmem:v28+s0+$0x0] =	vst.idx.msk vm0, v37;
	s5 =	sshrl.u32 @!p0 s10, $0x3  }
0x1b6: {  	s10 =	simm.s32 @!p0 $0x0;
	[tilespmem:v28+s2+$0x0] =	vst.idx.msk vm0, v29;
	s5 =	sadd.s32 @!p0 s4, s5  }
0x1b7: {  	[tilespmem:s10], [sflag:$0x1] =	stream.linear.gather @!p0 [hbm4b:s5+s10], $0x1F40, $0x38;
	[tilespmem:$0x14880] =	vst v63  }
0x1b8: {  	_ =	swait.ge [sflag:s30], $0x1F40  }
0x1b9: {  	[sflag:s30] =	ssyncset.done $0x0  }
0x1ba: {  	s17 =	simm.s32 $0x1FA0;
	[sflag:s30] =	ssyncadd.s32 $0xFFFFE0C0  }
0x1bb: {  	v32 =	vld [tilespmem:s17+$0xFFFFFFE0]  }
0x1bc: {  	v35 =	vld [tilespmem:s17+$0xFFFFFFF0];
	_ =	sdelay $0x1  }
0x1bd: {  	v34 =	vld [tilespmem:s17+$0x0];
	_ =	sdelay $0x1  }
0x1be: {  	v33 =	vld [tilespmem:s17+$0x10];
	v28 =	vshra.s32 v32, $0x1F  }
0x1bf: {  	v30 =	vshra.s32 v35, $0x1F;
	v28 =	vand.u32 $0x7FFFFFFF, v28  }
0x1c0: {  	v30 =	vand.u32 $0x7FFFFFFF, v30;
	v28 =	vxor.u32 v32, v28  }
0x1c1: {  	v31 =	vshra.s32 v34, $0x1F;
	vm0 =	vge.s32 v28, v24;
	v28 =	vxor.u32 v35, v30  }
0x1c2: {  	v29 =	vmpcnt.ones.xlane vm2;
	v31 =	vand.u32 $0x7FFFFFFF, v31;
	vm2 =	vge.s32 v28, v24  }
0x1c3: {  	v28 =	vxor.u32 v34, v31;
	v30 =	vsel vm0, $0x1, v1;
	v31 =	vshra.s32 v33, $0x1F  }
0x1c4: {  	s20 =	simm.s32 $0x1FE0;
	v50 =	vadd.s32 v61, v29;
	(xrf0) =	vadd.scan.msk.s32 $0xffff, v30;
	v30 =	vand.u32 $0x7FFFFFFF, v31;
	v31 =	vmpcnt.ones.xlane vm0  }
0x1c5: {  	vm3 =	vge.s32 v28, v24;
	v28 =	vsel vm2, $0x1, v1;
	v29 =	vxor.u32 v33, v30;
	v30 =	vld [tilespmem:s20+$0xFFFFFFE0]  }
0x1c6: {  	v49 =	vsel vm3, $0x1, v1;
	(xrf0) =	vadd.scan.msk.s32 $0xffff, v28;
	v28 =	vmpcnt.ones.xlane vm2;
	v51 =	vadd.s32 v50, v31;
	v31 =	vld [tilespmem:s20+$0xFFFFFFF0]  }
0x1c7: {  	v52 =	vmpcnt.ones.xlane vm3;
	(xrf0) =	vadd.scan.msk.s32 $0xffff, v49;
	vm4 =	vge.s32 v29, v24;
	v29 =	vld [tilespmem:s20+$0x0]  }
0x1c8: {  	vm1 =	vmmov vm0;
	v53 =	vadd.s32 v51, v28;
	v54 =	vmpcnt.ones.xlane vm4;
	v28 =	vld [tilespmem:s20+$0x10]  }
0x1c9: {  	vm2 =	vmmov vm2;
	vm0 =	vmmov vm3;
	v38 =	vadd.s32 v53, v52  }
0x1ca: {  	v55 =	vsel vm4, $0x1, v1;
	vm3 =	vmmov vm4;
	v45 =	vadd.s32 v38, v54;
	v56, _, _ =	vpop (xrf0)  }
0x1cb: {  	v59 =	vshra.s32 v30, $0x1F;
	v37 =	vadd.s32 v56, v50;
	v60 =	vshra.s32 v31, $0x1F  }
0x1cc: {  	v57, _, _ =	vpop (xrf0);
	v61 =	vand.u32 $0x7FFFFFFF, v59;
	v62 =	vshra.s32 v29, $0x1F;
	v39 =	vadd.s32 $0xFFFFFFFF, v37  }
0x1cd: {  	v36 =	vadd.s32 v57, v51;
	v58, _, _ =	vpop (xrf0);
	v63 =	vshra.s32 v28, $0x1F;
	v40 =	vxor.u32 v30, v61  }
0x1ce: {  	v48 =	vand.u32 $0x7FFFFFFF, v60;
	v42 =	vand.u32 $0x7FFFFFFF, v62;
	v37 =	vadd.s32 v58, v53  }
0x1cf: {  	vm14 =	vge.s32 v40, v24;
	v49 =	vxor.u32 v31, v48;
	v50 =	vand.u32 $0x7FFFFFFF, v63  }
0x1d0: {  	(xrf0) =	vadd.scan.msk.s32 $0xffff, v55;
	v52 =	vxor.u32 v29, v42;
	v46 =	vadd.s32 $0xFFFFFFFF, v36;
	vm4 =	vlt.s32 v39, $0x800  }
0x1d1: {  	v51 =	vmpcnt.ones.xlane vm14;
	vm8 =	vge.s32 v49, v24;
	v56 =	vsel vm14, $0x1, v1  }
0x1d2: {  	vm15 =	vge.s32 v52, v24;
	v54 =	vxor.u32 v28, v50;
	v44 =	vadd.s32 $0xFFFFFFFF, v37;
	(xrf0) =	vadd.scan.msk.s32 $0xffff, v56  }
0x1d3: {  	s17 =	sadd.s32 $0x20, s21;
	vm6 =	vlt.s32 v46, $0x800;
	vm7 =	vmand vm1, vm4;
	v52 =	vor.u32 s21, v0  }
0x1d4: {  	v49 =	vor.u32 s17, v0;
	v53 =	vmpcnt.ones.xlane vm8;
	v59 =	vsel vm8, $0x1, v1  }
0x1d5: {  	v55 =	vmpcnt.ones.xlane vm15;
	vm5 =	vge.s32 v54, v24;
	v60 =	vsel vm15, $0x1, v1;
	(xrf0) =	vadd.scan.msk.s32 $0xffff, v59  }
0x1d6: {  	s11 =	simm.s32 $0x2020;
	vm11 =	vlt.s32 v44, $0x800;
	vm6 =	vmand vm2, vm6;
	vm2 =	vmmov vm14;
	v58, _, _ =	vpop (xrf0);
	(xrf0) =	vadd.scan.msk.s32 $0xffff, v60  }
0x1d7: {  	v43 =	vld [tilespmem:s11+$0xFFFFFFE0];
	v48 =	vadd.s32 v45, v51;
	v61 =	vsel vm5, $0x1, v1;
	v38 =	vadd.s32 v58, v38  }
0x1d8: {  	v57 =	vmpcnt.ones.xlane vm5;
	v47 =	vadd.s32 v48, v53;
	v40 =	vadd.s32 $0xFFFFFFFF, v38;
	v38 =	vld [tilespmem:s11+$0xFFFFFFF0];
	v62, _, _ =	vpop (xrf0);
	(xrf0) =	vadd.scan.msk.s32 $0xffff, v61  }
0x1d9: {  	s10 =	sadd.s32 $0x10, s21;
	v36 =	vld [tilespmem:s11+$0x0];
	vm4 =	vmand vm0, vm11;
	v41 =	vadd.s32 v47, v55;
	vm1 =	vlt.s32 v40, $0x800  }
0x1da: {  	v37 =	vld [tilespmem:s11+$0x10];
	v51 =	vor.u32 s10, v0;
	v42 =	vadd.s32 v41, v57;
	vm0 =	vmand vm3, vm1  }
0x1db: {  	s20 =	sadd.s32 $0x30, s21;
	vm3 =	vmmov vm8;
	vm1 =	vmmov vm15;
	v45 =	vadd.s32 v62, v45;
	v63, _, _ =	vpop (xrf0)  }
0x1dc: {  	s5 =	simm.s32 $0x8;
	v50 =	vadd.s32 $0xFFFFFFFF, v45;
	v48 =	vadd.s32 v63, v48;
	v45 =	vor.u32 s20, v0;
	s20 =	smov.u32 s21;
	v53, _, _ =	vpop (xrf0)  }
.LBB2_21:
0x1dd: {  	v54 =	vshra.s32 v43, $0x1F;
	v55 =	vshra.s32 v38, $0x1F  }
0x1de: {  	s5 =	sadd.s32 $0x4, s5;
	v53 =	vadd.s32 v53, v47;
	v56, _, _ =	vpop (xrf0);
	v57 =	vmov v42;
	vm8 =	vmmov vm5  }
0x1df: {  	p1 =	slt.u32 s5, $0x1F0;
	v47 =	vand.u32 $0x7FFFFFFF, v54;
	v54 =	vshra.s32 v36, $0x1F;
	v58 =	vshra.s32 v37, $0x1F;
	[tilespmem:v39+s0+$0x0] =	vst.idx.msk vm7, v32;
	v32 =	vmovc v30;
	v30 =	vmovc v43  }
0x1e0: {  	v43 =	vxor.u32 v30, v47;
	v47 =	vand.u32 $0x7FFFFFFF, v55;
	v54 =	vand.u32 $0x7FFFFFFF, v54;
	[tilespmem:v39+s2+$0x0] =	vst.idx.msk vm7, v52;
	v39 =	vmovc v50  }
0x1e1: {  	vm9 =	vge.s32 v43, v24;
	v43 =	vxor.u32 v38, v47;
	v47 =	vand.u32 $0x7FFFFFFF, v58;
	[tilespmem:v46+s0+$0x0] =	vst.idx.msk vm6, v35  }
0x1e2: {  	v50 =	vmpcnt.ones.xlane vm9;
	vm10 =	vge.s32 v43, v24;
	v43 =	vxor.u32 v36, v54;
	[tilespmem:v46+s2+$0x0] =	vst.idx.msk vm6, v51  }
0x1e3: {  	v46 =	vmpcnt.ones.xlane vm10;
	vm11 =	vge.s32 v43, v24;
	v43 =	vxor.u32 v37, v47;
	[tilespmem:v44+s0+$0x0] =	vst.idx.msk vm4, v34  }
0x1e4: {  	v54 =	vadd.s32 v42, v50;
	v34 =	vmpcnt.ones.xlane vm11;
	vm5 =	vge.s32 v43, v24;
	[tilespmem:v44+s2+$0x0] =	vst.idx.msk vm4, v49  }
0x1e5: {  	v35 =	vmovc v31;
	v42 =	vsel vm9, $0x1, v1;
	v47 =	vadd.s32 v54, v46;
	v43 =	vmpcnt.ones.xlane vm5;
	[tilespmem:v40+s0+$0x0] =	vst.idx.msk vm0, v33  }
0x1e6: {  	v31 =	vmovc v38;
	v44 =	vsel vm11, $0x1, v1;
	v33 =	vsel vm10, $0x1, v1;
	v50 =	vadd.s32 v47, v34;
	(xrf0) =	vadd.scan.msk.s32 $0xffff, v42  }
0x1e7: {  	s11 =	sadd.s32 $0x40, s11;
	v49 =	vsel vm5, $0x1, v1;
	v42 =	vadd.s32 v50, v43;
	(xrf0) =	vadd.scan.msk.s32 $0xffff, v33;
	v33 =	vadd.s32 v56, v41;
	v41 =	vmovc v50  }
0x1e8: {  	v46 =	vadd.s32 $0xFFFFFFFF, v48;
	v43 =	vld [tilespmem:s11+$0xFFFFFFE0];
	(xrf0) =	vadd.scan.msk.s32 $0xffff, v44;
	v44 =	vadd.s32 $0xFFFFFFFF, v53;
	v48 =	vadd.s32 $0xFFFFFFFF, v33;
	v34 =	vmovc v29  }
0x1e9: {  	vm4 =	vlt.s32 v39, $0x800;
	vm6 =	vlt.s32 v46, $0x800;
	v29 =	vmovc v36;
	v38 =	vld [tilespmem:s11+$0xFFFFFFF0];
	(xrf0) =	vadd.scan.msk.s32 $0xffff, v49;
	vm12 =	vlt.s32 v44, $0x800  }
.Ltmp10:
0x1ea: {  	vm7 =	vmand vm2, vm4;
	vm6 =	vmand vm3, vm6;
	vm2 =	vlt.s32 v48, $0x800;
	v36 =	vld [tilespmem:s11+$0x0];
	[tilespmem:v40+s2+$0x0] =	vst.idx.msk vm0, v45;
	v40 =	vmovc v48;
	v33 =	vmovc v28;
	(pc) =	sbr.rel @p1 .LBB2_21-.Ltmp10, $4  }
0x1eb: {  	s20 =	sadd.s32 $0x40, s20;
	vm4 =	vmand vm1, vm12;
	vm0 =	vmand vm8, vm2;
	v28 =	vmovc v37;
	vm2 =	vmmov vm9;
	v37 =	vld [tilespmem:s11+$0x10]  }
0x1ec: {  	s10 =	sadd.s32 $0x10, s20;
	s17 =	sadd.s32 $0x20, s20;
	v52 =	vor.u32 s20, v0;
	vm3 =	vmmov vm10;
	vm1 =	vmmov vm11;
	v45, _, _ =	vpop (xrf0)  }
0x1ed: {  	v51 =	vor.u32 s10, v0;
	s10 =	sadd.s32 $0x30, s20;
	v49 =	vor.u32 s17, v0;
	v45 =	vadd.s32 v45, v57;
	v48, _, _ =	vpop (xrf0)  }
0x1ee: {  	v50 =	vadd.s32 $0xFFFFFFFF, v45;
	v48 =	vadd.s32 v48, v54;
	v53, _, _ =	vpop (xrf0);
	v45 =	vor.u32 s10, v0  }
0x1ef: {  	_ =	sdelay $0x2  }
0x1f0: {  	v54 =	vshra.s32 v43, $0x1F  }
0x1f1: {  	v55 =	vshra.s32 v38, $0x1F;
	v47 =	vadd.s32 v53, v47;
	vm8 =	vmmov vm5  }
0x1f2: {  	v63 =	vshra.s32 v36, $0x1F;
	[tilespmem:v39+s0+$0x0] =	vst.idx.msk vm7, v32;
	vm12 =	vlt.s32 v50, $0x800;
	v62 =	vand.u32 $0x7FFFFFFF, v54  }
0x1f3: {  	[tilespmem:v46+s0+$0x0] =	vst.idx.msk vm6, v35;
	v56 =	vshra.s32 v37, $0x1F;
	v57 =	vand.u32 $0x7FFFFFFF, v55;
	v53 =	vxor.u32 v43, v62  }
0x1f4: {  	v54 =	vand.u32 $0x7FFFFFFF, v63;
	[tilespmem:v46+s2+$0x0] =	vst.idx.msk vm6, v51;
	vm6 =	vmand vm2, vm12;
	vm9 =	vge.s32 v53, v24  }
0x1f5: {  	[tilespmem:v39+s2+$0x0] =	vst.idx.msk vm7, v52;
	v32 =	vxor.u32 v38, v57;
	v58 =	vand.u32 $0x7FFFFFFF, v56;
	v61 =	vsel vm9, $0x1, v1  }
0x1f6: {  	v60 =	vxor.u32 v36, v54;
	vm7 =	vge.s32 v32, v24;
	v59 =	vmpcnt.ones.xlane vm9;
	(xrf0) =	vadd.scan.msk.s32 $0xffff, v61  }
0x1f7: {  	[tilespmem:v44+s0+$0x0] =	vst.idx.msk vm4, v34;
	v57 =	vadd.s32 $0xFFFFFFFF, v48;
	vm5 =	vge.s32 v60, v24;
	v55 =	vsel vm7, $0x1, v1  }
0x1f8: {  	v63 =	vxor.u32 v37, v58;
	vm10 =	vlt.s32 v57, $0x800;
	v62 =	vmpcnt.ones.xlane vm7;
	(xrf0) =	vadd.scan.msk.s32 $0xffff, v55  }
0x1f9: {  	[tilespmem:v40+s0+$0x0] =	vst.idx.msk vm0, v33;
	vm2 =	vge.s32 v63, v24;
	v58 =	vsel vm5, $0x1, v1;
	v61 =	vadd.s32 $0xFFFFFFFF, v47  }
0x1fa: {  	vm3 =	vmand vm3, vm10;
	v54 =	vadd.s32 v42, v59;
	vm13 =	vlt.s32 v61, $0x800;
	v59, _, _ =	vpop (xrf0);
	(xrf0) =	vadd.scan.msk.s32 $0xffff, v58  }
0x1fb: {  	s5 =	sadd.s32 $0x40, s20;
	[tilespmem:v44+s2+$0x0] =	vst.idx.msk vm4, v49;
	v60 =	vadd.s32 v54, v62;
	v62 =	vsel vm2, $0x1, v1;
	v34 =	vadd.s32 v59, v41  }
0x1fc: {  	v49 =	vor.u32 s5, v0;
	s10 =	sadd.s32 $0x10, s5;
	vm1 =	vmand vm1, vm13;
	(xrf0) =	vadd.scan.msk.s32 $0xffff, v62;
	v63 =	vadd.s32 $0xFFFFFFFF, v34;
	v44, _, _ =	vpop (xrf0)  }
0x1fd: {  	[tilespmem:v40+s2+$0x0] =	vst.idx.msk vm0, v45;
	v53 =	vor.u32 s10, v0;
	vm14 =	vlt.s32 v63, $0x800;
	v34 =	vadd.s32 v44, v42  }
0x1fe: {  	v56 =	vmpcnt.ones.xlane vm5;
	[tilespmem:v50+s0+$0x0] =	vst.idx.msk vm6, v30;
	vm0 =	vmand vm8, vm14;
	v51, _, _ =	vpop (xrf0);
	v34 =	vadd.s32 $0xFFFFFFFF, v34  }
0x1ff: {  	vm15 =	vmmov vm9;
	[tilespmem:v50+s2+$0x0] =	vst.idx.msk vm6, v49;
	v52 =	vadd.s32 v51, v54;
	vm9 =	vlt.s32 v34, $0x800  }
0x200: {  	vm10 =	vmmov vm7;
	[tilespmem:v57+s0+$0x0] =	vst.idx.msk vm3, v31;
	v54, _, _ =	vpop (xrf0);
	v30 =	vadd.s32 $0xFFFFFFFF, v52;
	vm4 =	vmand vm15, vm9  }
0x201: {  	s20 =	sadd.s32 $0x20, s5;
	v47 =	vadd.s32 v60, v56;
	[tilespmem:v57+s2+$0x0] =	vst.idx.msk vm3, v53;
	v55 =	vadd.s32 v54, v60;
	vm11 =	vlt.s32 v30, $0x800  }
0x202: {  	v56 =	vor.u32 s20, v0;
	[tilespmem:v61+s0+$0x0] =	vst.idx.msk vm1, v29;
	v57, _, _ =	vpop (xrf0);
	v29 =	vadd.s32 $0xFFFFFFFF, v55;
	vm3 =	vmand vm10, vm11  }
0x203: {  	s11 =	sadd.s32 $0x30, s5;
	vm5 =	vmmov vm5;
	[tilespmem:v61+s2+$0x0] =	vst.idx.msk vm1, v56;
	v58 =	vadd.s32 v57, v47;
	vm12 =	vlt.s32 v29, $0x800  }
0x204: {  	v59 =	vor.u32 s11, v0;
	[tilespmem:v63+s0+$0x0] =	vst.idx.msk vm0, v28;
	v28 =	vadd.s32 $0xFFFFFFFF, v58;
	vm1 =	vmand vm5, vm12  }
0x205: {  	s5 =	sadd.s32 $0x40, s5;
	vm13 =	vmmov vm2;
	vm14 =	vlt.s32 v28, $0x800;
	[tilespmem:v63+s2+$0x0] =	vst.idx.msk vm0, v59  }
0x206: {  	v60 =	vor.u32 s5, v0;
	vm15 =	vmand vm13, vm14;
	[tilespmem:v34+s0+$0x0] =	vst.idx.msk vm4, v43  }
0x207: {  	s17 =	sadd.s32 $0x10, s5;
	[tilespmem:v34+s2+$0x0] =	vst.idx.msk vm4, v60  }
0x208: {  	v61 =	vor.u32 s17, v0;
	[tilespmem:v30+s0+$0x0] =	vst.idx.msk vm3, v38  }
.Ltmp11:
0x209: {  	s20 =	sadd.s32 $0x20, s5;
	[tilespmem:v30+s2+$0x0] =	vst.idx.msk vm3, v61;
	(pc) =	sbr.rel @p0 .LBB2_23-.Ltmp11, $4  }
0x20a: {  	v62 =	vor.u32 s20, v0;
	[tilespmem:v29+s0+$0x0] =	vst.idx.msk vm1, v36  }
0x20b: {  	s5 =	sadd.s32 $0x30, s5;
	v63 =	vmpcnt.ones.xlane vm2;
	[tilespmem:v29+s2+$0x0] =	vst.idx.msk vm1, v62  }
0x20c: {  	v29 =	vor.u32 s5, v0;
	[tilespmem:v28+s0+$0x0] =	vst.idx.msk vm15, v37  }
0x20d: {  	v35 =	vadd.s32 v47, v63;
	[tilespmem:v28+s2+$0x0] =	vst.idx.msk vm15, v29  }
.Ltmp12:
0x20e: {  	(pc) =	sbr.rel .LBB2_18-.Ltmp12, $4  }
0x20f: {  	s5 =	sadd.s32 s25, s8  }
0x210: {  	s24 =	sadd.s32 $0x1, s24;
	s5 =	sshrl.u32 s5, $0x3  }
0x211: {  	s6 =	sadd.s32 $0x3E80, s6;
	s21 =	sadd.s32 $0x3E80, s21;
	s5 =	sadd.s32 s4, s5  }
0x212: {  	[tilespmem:s26], [sflag:$0x2] =	stream.linear.gather [hbm4b:s5+s3], $0x1F40, $0x38;
	[tilespmem:$0x14880] =	vst v63  }
.LBB2_23:
0x213: {  	s5 =	simm.s32 $0xBF20  }
0x214: {  	v24 =	vld [tilespmem:s5+$0x0]  }
0x215: {  	v28 =	vld [tilespmem:s5+$0xFFFFFFE0];
	_ =	sdelay $0x3  }
0x216: {  	v24 =	vsub.f32 $0.0e+00, v24  }
0x217: {  	v29 =	vld [tilespmem:s5+$0xFFFFFFF0];
	v28 =	vsub.f32 $0.0e+00, v28  }
0x218: {  	s10 =	simm.s32 $0xBF60;
	v30 =	vld [tilespmem:s5+$0x10];
	v24 =	vmul.f32 $1.442695020e+00, v24  }
0x219: {  	v31 =	vld [tilespmem:s10+$0x0];
	v28 =	vmul.f32 $1.442695020e+00, v28  }
0x21a: {  	v32 =	vld [tilespmem:s10+$0xFFFFFFE0];
	(erf) = vpow2.f32 v24  }
0x21b: {  	(erf) = vpow2.f32 v28;
	v28 =	vld [tilespmem:s10+$0xFFFFFFF0]  }
0x21c: {  	v24 =	vsub.f32 $0.0e+00, v29  }
0x21d: {  	v30 =	vsub.f32 $0.0e+00, v30  }
0x21e: {  	s11 =	simm.s32 $0xBFA0;
	v31 =	vsub.f32 $0.0e+00, v31;
	v29 =	vld [tilespmem:s10+$0x10];
	v24 =	vmul.f32 $1.442695020e+00, v24  }
0x21f: {  	v33 =	vld [tilespmem:s11+$0x0];
	v32 =	vsub.f32 $0.0e+00, v32;
	v30 =	vmul.f32 $1.442695020e+00, v30  }
0x220: {  	(erf) = vpow2.f32 v24;
	v24 =	vmul.f32 $1.442695020e+00, v31;
	v28 =	vsub.f32 $0.0e+00, v28  }
0x221: {  	v31 =	vld [tilespmem:s11+$0xFFFFFFE0];
	(erf) = vpow2.f32 v30;
	v30 =	vmul.f32 $1.442695020e+00, v32;
	_ =	sdelay $0x1  }
0x222: {  	v29 =	vsub.f32 $0.0e+00, v29;
	(erf) = vpow2.f32 v24;
	v24 =	vmul.f32 $1.442695020e+00, v28  }
0x223: {  	v46 =	vld [tilespmem:s11+$0xFFFFFFF0];
	v33 =	vsub.f32 $0.0e+00, v33;
	(erf) = vpow2.f32 v30;
	v28 =	vpop (erf)  }
0x224: {  	v29 =	vmul.f32 $1.442695020e+00, v29;
	(erf) = vpow2.f32 v24;
	v30 =	vpop (erf)  }
0x225: {  	v24 =	vadd.f32 $1.000000000e+00, v30;
	v30 =	vsub.f32 $0.0e+00, v31;
	v31 =	vmul.f32 $1.442695020e+00, v33  }
0x226: {  	s17 =	simm.s32 $0xBFE0;
	v34 =	vld [tilespmem:s11+$0x10]  }
0x227: {  	v47 =	vld [tilespmem:s17+$0x0];
	(erf) = vpow2.f32 v29  }
0x228: {  	v28 =	vadd.f32 $1.000000000e+00, v28;
	v29 =	vsub.f32 $0.0e+00, v46;
	(erf) = vrcp.f32 v24  }
0x229: {  	v24 =	vld [tilespmem:s17+$0xFFFFFFE0];
	v30 =	vmul.f32 $1.442695020e+00, v30;
	(erf) = vpow2.f32 v31;
	v31 =	vpop (erf)  }
0x22a: {  	s21 =	simm.s32 $0xC020;
	v29 =	vmul.f32 $1.442695020e+00, v29;
	(erf) = vrcp.f32 v28;
	v48 =	vpop (erf)  }
0x22b: {  	v36 =	vld [tilespmem:s21+$0xFFFFFFE0];
	(erf) = vpow2.f32 v30;
	v30 =	vadd.f32 $1.000000000e+00, v31;
	v35 =	vpop (erf)  }
0x22c: {  	v34 =	vsub.f32 $0.0e+00, v34;
	v32 =	vsub.f32 $0.0e+00, v47;
	v28 =	vld [tilespmem:s17+$0xFFFFFFF0];
	(erf) = vpow2.f32 v29;
	v49 =	vpop (erf)  }
0x22d: {  	v31 =	vld [tilespmem:s17+$0x10];
	v33 =	vadd.f32 $1.000000000e+00, v48;
	(erf) = vrcp.f32 v30;
	v30 =	vadd.f32 $1.000000000e+00, v49  }
0x22e: {  	v29 =	vmul.f32 $1.442695020e+00, v34;
	v24 =	vsub.f32 $0.0e+00, v24  }
0x22f: {  	v32 =	vmul.f32 $1.442695020e+00, v32;
	(erf) = vrcp.f32 v33  }
0x230: {  	v52 =	vld [tilespmem:s21+$0x0];
	v51 =	vpop (erf);
	(erf) = vpow2.f32 v29;
	v24 =	vmul.f32 $1.442695020e+00, v24  }
0x231: {  	v50 =	vadd.f32 $1.000000000e+00, v35;
	v28 =	vsub.f32 $0.0e+00, v28;
	v29 =	vld [tilespmem:s21+$0xFFFFFFF0];
	(erf) = vrcp.f32 v30;
	v30 =	vpop (erf)  }
0x232: {  	v57 =	vsub.f32 $0.0e+00, v36;
	v31 =	vsub.f32 $0.0e+00, v31;
	(erf) = vpow2.f32 v32;
	v53 =	vpop (erf)  }
0x233: {  	v54 =	vld [tilespmem:s21+$0x10];
	v37 =	vmul.f32 $1.442695020e+00, v28;
	v30 =	vadd.f32 $1.000000000e+00, v30;
	v38 =	vpop (erf);
	(erf) = vrcp.f32 v50  }
0x234: {  	s25 =	simm.s32 $0xC060;
	v42 =	vmul.f32 $1.442695020e+00, v57;
	v34 =	vadd.f32 $1.000000000e+00, v51;
	(erf) = vpow2.f32 v24;
	v24 =	vpop (erf)  }
0x235: {  	v35 =	vsub.f32 $0.0e+00, v52;
	v28 =	vld [tilespmem:s25+$0xFFFFFFE0];
	v31 =	vmul.f32 $1.442695020e+00, v31;
	(erf) = vpow2.f32 v37;
	v55 =	vpop (erf)  }
0x236: {  	s6 =	simm.s32 $0xD020;
	v40 =	vsub.f32 $0.0e+00, v29;
	v29 =	vld [tilespmem:s25+$0x0];
	v56 =	vxor.u32 $0xFFFFFFFF, v24;
	v41 =	vpop (erf);
	(erf) = vrcp.f32 v34  }
0x237: {  	s24 =	simm.s32 $0xC7A0;
	v32 =	vxor.u32 $0xFFFFFFFF, v53;
	v24 =	vld [tilespmem:s25+$0x10];
	v58 =	vadd.f32 $1.000000000e+00, v55;
	[tilespmem:s6+$0x0] =	vst v56;
	(erf) = vrcp.f32 v30;
	v30 =	vpop (erf)  }
0x238: {  	v43 =	vsub.f32 $0.0e+00, v54;
	v35 =	vmul.f32 $1.442695020e+00, v35;
	[tilespmem:s6+$0xFFFFFFE0] =	vst v32;
	v33 =	vld [tilespmem:s24+$0x0];
	(erf) = vpow2.f32 v31;
	v60 =	vpop (erf)  }
0x239: {  	s20 =	simm.s32 $0xD820;
	s5 =	simm.s32 $0xC7E0;
	v39 =	vadd.f32 $1.000000000e+00, v38;
	v31 =	vld [tilespmem:s24+$0xFFFFFFE0];
	v59 =	vxor.u32 $0xFFFFFFFF, v30;
	(erf) = vrcp.f32 v58;
	v61 =	vpop (erf)  }
0x23a: {  	v36 =	vmul.f32 $1.442695020e+00, v43;
	s10 =	simm.s32 $0x14;
	s11 =	simm.s32 $0xD060;
	v30 =	vld [tilespmem:s25+$0xFFFFFFF0];
	v44 =	vxor.u32 $0xFFFFFFFF, v60;
	[tilespmem:s6+$0xFFFFFFF0] =	vst v59;
	(erf) = vpow2.f32 v35;
	v62 =	vpop (erf)  }
0x23b: {  	s17 =	simm.s32 $0xC0A0;
	s21 =	simm.s32 $0xD860;
	v38 =	vmul.f32 $1.442695020e+00, v40;
	v32 =	vld [tilespmem:s24+$0xFFFFFFF0];
	[tilespmem:s6+$0x10] =	vst v44;
	v37 =	vpop (erf);
	(erf) = vrcp.f32 v39;
	v63 =	vxor.u32 $0xFFFFFFFF, v62  }
0x23c: {  	s25 =	simm.s32 $0xC7E0;
	v35 =	vadd.f32 $1.000000000e+00, v61;
	s6 =	simm.s32 $0xD0A0;
	v39 =	vadd.f32 $1.000000000e+00, v41;
	v34 =	vld [tilespmem:s24+$0x10];
	s24 =	simm.s32 $0xD860;
	(erf) = vpow2.f32 v42;
	[tilespmem:s11+$0xFFFFFFE0] =	vst v63;
	v40 =	vpop (erf)  }
.LBB2_24:
0x23d: {  	(erf) = vpow2.f32 v38;
	v41 =	vadd.f32 $1.000000000e+00, v37  }
0x23e: {  	s10 =	sadd.s32 $0x4, s10;
	v37 =	vpop (erf);
	v38 =	vxor.u32 $0xFFFFFFFF, v40;
	s21 =	sadd.s32 $0x40, s21;
	s25 =	sadd.s32 $0x40, s25;
	[tilespmem:s20+$0xFFFFFFE0] =	vst v31;
	v31 =	vmov v28;
	v28 =	vld [tilespmem:s17+$0xFFFFFFE0];
	v40 =	vmov v24  }
0x23f: {  	v24 =	vld [tilespmem:s17+$0x10];
	p0 =	slt.u32 s10, $0x7C;
	v42 =	vsub.f32 $0.0e+00, v30;
	v30 =	vsub.f32 $0.0e+00, v29;
	v43 =	vpop (erf);
	[tilespmem:s11+$0x0] =	vst v38;
	(erf) = vrcp.f32 v39  }
0x240: {  	v38 =	vsub.f32 $0.0e+00, v31;
	v37 =	vadd.f32 $1.000000000e+00, v37;
	v29 =	vld [tilespmem:s17+$0x0];
	(erf) = vrcp.f32 v35;
	v35 =	vpop (erf);
	[tilespmem:s20+$0x0] =	vst v33  }
.Ltmp13:
0x241: {  	v33 =	vmul.f32 $1.442695020e+00, v30;
	(erf) = vpow2.f32 v36;
	v31 =	vld [tilespmem:s5+$0xFFFFFFE0];
	v36 =	vxor.u32 $0xFFFFFFFF, v35;
	v35 =	vpop (erf);
	[tilespmem:s20+$0xFFFFFFF0] =	vst v32;
	(pc) =	sbr.rel @p0 .LBB2_24-.Ltmp13, $4  }
0x242: {  	v39 =	vmul.f32 $1.442695020e+00, v38;
	v30 =	vld [tilespmem:s17+$0xFFFFFFF0];
	(erf) = vrcp.f32 v37;
	v32 =	vpop (erf);
	v44 =	vxor.u32 $0xFFFFFFFF, v35;
	[tilespmem:s20+$0x10] =	vst v34;
	s20 =	smov.u32 s24;
	s24 =	smov.u32 s21  }
0x243: {  	v34 =	vsub.f32 $0.0e+00, v40;
	(erf) = vpow2.f32 v33;
	v35 =	vadd.f32 $1.000000000e+00, v32;
	v32 =	vpop (erf);
	[tilespmem:s11+$0xFFFFFFF0] =	vst v36;
	v33 =	vld [tilespmem:s5+$0x0]  }
0x244: {  	v38 =	vmul.f32 $1.442695020e+00, v42;
	v37 =	vpop (erf);
	(erf) = vrcp.f32 v41;
	v41 =	vxor.u32 $0xFFFFFFFF, v32;
	v32 =	vld [tilespmem:s5+$0xFFFFFFF0];
	[tilespmem:s11+$0x10] =	vst v44;
	s11 =	smov.u32 s6  }
0x245: {  	s17 =	sadd.s32 $0x40, s17;
	v36 =	vmul.f32 $1.442695020e+00, v34;
	s6 =	sadd.s32 $0x40, s6;
	(erf) = vpow2.f32 v39;
	v39 =	vadd.f32 $1.000000000e+00, v43;
	[tilespmem:s11+$0xFFFFFFE0] =	vst v41;
	v40 =	vpop (erf);
	v34 =	vld [tilespmem:s5+$0x10];
	s5 =	smov.u32 s25  }
0x246: {  	v29 =	vsub.f32 $0.0e+00, v29  }
0x247: {  	(erf) = vpow2.f32 v38;
	v53 =	vpop (erf)  }
0x248: {  	v54 =	vpop (erf);
	(erf) = vrcp.f32 v39;
	v29 =	vmul.f32 $1.442695020e+00, v29  }
0x249: {  	v38 =	vadd.f32 $1.000000000e+00, v53;
	(erf) = vrcp.f32 v35;
	v55 =	vpop (erf)  }
0x24a: {  	(erf) = vpow2.f32 v36;
	v57 =	vpop (erf)  }
0x24b: {  	v40 =	vxor.u32 $0xFFFFFFFF, v40;
	[tilespmem:s20+$0xFFFFFFE0] =	vst v31;
	(erf) = vrcp.f32 v38;
	v59 =	vpop (erf)  }
0x24c: {  	v28 =	vsub.f32 $0.0e+00, v28;
	[tilespmem:s11+$0x0] =	vst v40;
	(erf) = vpow2.f32 v29;
	v29 =	vpop (erf)  }
0x24d: {  	v37 =	vadd.f32 $1.000000000e+00, v37;
	v30 =	vsub.f32 $0.0e+00, v30;
	[tilespmem:s20+$0x0] =	vst v33;
	v29 =	vxor.u32 $0xFFFFFFFF, v29  }
0x24e: {  	v56 =	vld [tilespmem:s5+$0xFFFFFFE0];
	v28 =	vmul.f32 $1.442695020e+00, v28;
	[tilespmem:s20+$0xFFFFFFF0] =	vst v32;
	v58 =	vxor.u32 $0xFFFFFFFF, v55  }
0x24f: {  	v24 =	vsub.f32 $0.0e+00, v24;
	v30 =	vmul.f32 $1.442695020e+00, v30;
	[tilespmem:s11+$0xFFFFFFF0] =	vst v58;
	(erf) = vrcp.f32 v37;
	v62 =	vpop (erf)  }
0x250: {  	v61 =	vld [tilespmem:s5+$0x0];
	v60 =	vxor.u32 $0xFFFFFFFF, v57;
	(erf) = vpow2.f32 v28;
	v28 =	vadd.f32 $1.000000000e+00, v54;
	[tilespmem:s6+$0xFFFFFFE0] =	vst v29;
	v29 =	vpop (erf)  }
0x251: {  	[tilespmem:s20+$0x10] =	vst v34;
	v63 =	vld [tilespmem:s5+$0xFFFFFFF0];
	v39 =	vadd.f32 $1.000000000e+00, v59;
	(erf) = vpow2.f32 v30;
	v40 =	vpop (erf);
	v29 =	vxor.u32 $0xFFFFFFFF, v29  }
0x252: {  	v24 =	vmul.f32 $1.442695020e+00, v24;
	[tilespmem:s11+$0x10] =	vst v60;
	v41 =	vpop (erf);
	(erf) = vrcp.f32 v28  }
0x253: {  	[tilespmem:s24+$0xFFFFFFE0] =	vst v56;
	s11 =	sadd.s32 $0x40, s25;
	v28 =	vadd.f32 $1.000000000e+00, v40;
	(erf) = vrcp.f32 v39  }
0x254: {  	[tilespmem:s6+$0x0] =	vst v29;
	v29 =	vpop (erf);
	(erf) = vpow2.f32 v24;
	v24 =	vld [tilespmem:s11+$0xFFFFFFE0]  }
0x255: {  	v38 =	vld [tilespmem:s5+$0x10];
	[tilespmem:s24+$0x0] =	vst v61  }
0x256: {  	[tilespmem:s24+$0xFFFFFFF0] =	vst v63;
	v42 =	vpop (erf);
	v29 =	vxor.u32 $0xFFFFFFFF, v29  }
0x257: {  	v43 =	vadd.f32 $1.000000000e+00, v62;
	(erf) = vrcp.f32 v28;
	v28 =	vpop (erf);
	v30 =	vxor.u32 $0xFFFFFFFF, v42;
	[tilespmem:s6+$0xFFFFFFF0] =	vst v29  }
0x258: {  	s17 =	sadd.s32 $0x40, s21;
	v33 =	vadd.f32 $1.000000000e+00, v41;
	v29 =	vld [tilespmem:s11+$0x0];
	v44 =	vpop (erf);
	[tilespmem:s6+$0x10] =	vst v30  }
0x259: {  	(erf) = vrcp.f32 v43;
	v46 =	vld [tilespmem:s11+$0xFFFFFFF0];
	v45 =	vpop (erf);
	[tilespmem:s17+$0xFFFFFFE0] =	vst v24;
	v24 =	vadd.f32 $1.000000000e+00, v28  }
0x25a: {  	s10 =	sadd.s32 $0x40, s6;
	[tilespmem:s24+$0x10] =	vst v38;
	(erf) = vrcp.f32 v33;
	v31 =	vxor.u32 $0xFFFFFFFF, v44;
	v48 =	vld [tilespmem:s11+$0x10];
	v47 =	vpop (erf)  }
0x25b: {  	[tilespmem:s10+$0xFFFFFFE0] =	vst v31;
	v49 =	vpop (erf);
	v30 =	vxor.u32 $0xFFFFFFFF, v47;
	(erf) = vrcp.f32 v24  }
0x25c: {  	s5 =	sadd.s32 $0x40, s11;
	v28 =	vpop (erf);
	[tilespmem:s10+$0x0] =	vst v30;
	v50 =	vadd.f32 $1.000000000e+00, v49  }
0x25d: {  	v52 =	vadd.f32 $1.000000000e+00, v45;
	[tilespmem:s17+$0x0] =	vst v29;
	v24 =	vld [tilespmem:s5+$0xFFFFFFE0];
	v51 =	vpop (erf)  }
0x25e: {  	[tilespmem:s17+$0xFFFFFFF0] =	vst v46;
	v29 =	vpop (erf);
	(erf) = vrcp.f32 v50  }
0x25f: {  	v55 =	vld [tilespmem:s5+$0x0];
	[tilespmem:s17+$0x10] =	vst v48;
	v53 =	vpop (erf);
	v29 =	vxor.u32 $0xFFFFFFFF, v29;
	(erf) = vrcp.f32 v52  }
0x260: {  	v33 =	vxor.u32 $0xFFFFFFFF, v51;
	[tilespmem:s10+$0x10] =	vst v29;
	v29 =	vadd.f32 $1.000000000e+00, v53  }
0x261: {  	s6 =	sadd.s32 $0x40, s17;
	v28 =	vadd.f32 $1.000000000e+00, v28;
	[tilespmem:s10+$0xFFFFFFF0] =	vst v33;
	v54 =	vpop (erf)  }
0x262: {  	s20 =	sadd.s32 $0x40, s10;
	v56 =	vld [tilespmem:s5+$0xFFFFFFF0];
	v31 =	vxor.u32 $0xFFFFFFFF, v54;
	v57 =	vpop (erf);
	[tilespmem:s6+$0xFFFFFFE0] =	vst v24  }
0x263: {  	(erf) = vrcp.f32 v28;
	[tilespmem:s20+$0xFFFFFFE0] =	vst v31;
	v24 =	vpop (erf)  }
0x264: {  	v58 =	vld [tilespmem:s5+$0x10];
	s5 =	sadd.s32 $0x40, s5;
	v30 =	vxor.u32 $0xFFFFFFFF, v57;
	(erf) = vrcp.f32 v29;
	[tilespmem:s6+$0x0] =	vst v55;
	v29 =	vpop (erf)  }
0x265: {  	[tilespmem:s20+$0x0] =	vst v30;
	v28 =	vld [tilespmem:s5+$0xFFFFFFE0];
	v24 =	vxor.u32 $0xFFFFFFFF, v24;
	v29 =	vxor.u32 $0xFFFFFFFF, v29  }
0x266: {  	[tilespmem:s20+$0xFFFFFFF0] =	vst v24  }
0x267: {  	[tilespmem:s6+$0xFFFFFFF0] =	vst v56;
	v59 =	vpop (erf)  }
0x268: {  	v24 =	vld [tilespmem:s5+$0x0];
	[tilespmem:s20+$0x10] =	vst v29;
	v29 =	vpop (erf)  }
0x269: {  	[tilespmem:s6+$0x10] =	vst v58;
	s6 =	sadd.s32 $0x40, s6;
	v29 =	vxor.u32 $0xFFFFFFFF, v29  }
0x26a: {  	s21 =	sadd.s32 $0x40, s20;
	v30 =	vxor.u32 $0xFFFFFFFF, v59;
	[tilespmem:s6+$0xFFFFFFE0] =	vst v28  }
0x26b: {  	v60 =	vld [tilespmem:s5+$0xFFFFFFF0];
	[tilespmem:s21+$0xFFFFFFE0] =	vst v30  }
0x26c: {  	s24 =	sadd.s32 $0x40, s5;
	v28 =	vld [tilespmem:s5+$0x10];
	[tilespmem:s21+$0x0] =	vst v29;
	v29 =	vpop (erf)  }
0x26d: {  	[tilespmem:s6+$0x0] =	vst v24;
	v24 =	vld [tilespmem:s24+$0xFFFFFFE0];
	v29 =	vxor.u32 $0xFFFFFFFF, v29;
	v61 =	vpop (erf)  }
0x26e: {  	v31 =	vxor.u32 $0xFFFFFFFF, v61;
	[tilespmem:s21+$0xFFFFFFF0] =	vst v29;
	v29 =	vld [tilespmem:s24+$0x0]  }
0x26f: {  	v62 =	vld [tilespmem:s24+$0xFFFFFFF0];
	[tilespmem:s21+$0x10] =	vst v31  }
0x270: {  	[tilespmem:s6+$0xFFFFFFF0] =	vst v60;
	v63 =	vld [tilespmem:s24+$0x10]  }
0x271: {  	s25 =	sadd.s32 $0x40, s6;
	[tilespmem:s6+$0x10] =	vst v28  }
0x272: {  	[tilespmem:s25+$0xFFFFFFE0] =	vst v24  }
0x273: {  	[tilespmem:s25+$0x0] =	vst v29  }
0x274: {  	[tilespmem:s25+$0xFFFFFFF0] =	vst v62  }
0x275: {  	[tilespmem:s25+$0x10] =	vst v63  }
0x276: {  	[tilespmem:$0xF000] =	vst v1  }
0x277: {  	s5 =	simm.s32 $0x40;
	s6 =	simm.s32 $0x0;
	[tilespmem:$0xF010] =	vst v1  }
.LBB2_26:
0x278: {  	p0 =	sne.s32 s5, $0x1FC0;
	v24 =	vld [tilespmem:s6+$0xD000];
	_ =	sdelay $0x4  }
0x279: {  	v24 =	vand.u32 $0x1F, v24  }
0x27a: {  	(xrf1) =	vunique.msk.u32 $0xffff, v24;
	_ =	sdelay $0xd  }
0x27b: {  	_, v28, vm0 =	vpop (xrf1);
	_ =	sdelay $0x1  }
.Ltmp14:
0x27c: {  	(pc) =	sbr.rel @p0 .LBB2_26-.Ltmp14, $2  }
0x27d: {  	_ =	sdelay $0x2  }
0x27e: {  	s6 =	sshra.s32 s5, $0x2;
	s5 =	sadd.s32 $0x40, s5;
	[tilespmem:v24+s1+$0x0] =	vst.idx.add.s32.msk vm0, v28  }
0x27f: {  	v24 =	vld [tilespmem:s6+$0xD000];
	_ =	sdelay $0x4  }
0x280: {  	v24 =	vand.u32 $0x1F, v24  }
0x281: {  	(xrf1) =	vunique.msk.u32 $0xffff, v24;
	_ =	sdelay $0xd  }
0x282: {  	_, v28, vm0 =	vpop (xrf1);
	_ =	sdelay $0x5  }
0x283: {  	[tilespmem:v24+s1+$0x0] =	vst.idx.add.s32.msk vm0, v28  }
0x284: {  	v24 =	vld [tilespmem:$0xF000]  }
0x285: {  	v28 =	vld [tilespmem:$0xF010];
	_ =	sdelay $0x3  }
0x286: {  	(xrf0) =	vadd.scan.msk.s32 $0xffff, v24  }
0x287: {  	(xrf0) =	vadd.scan.msk.s32 $0xffff, v28;
	_ =	sdelay $0x4  }
0x288: {  	v29, _, _ =	vpop (xrf0)  }
0x289: {  	v30, _, _ =	vpop (xrf0);
	v31 =	vbroadcast v29, $0xF  }
0x28a: {  	v24 =	vsub.s32 v29, v24;
	v28 =	vsub.s32 v30, v28  }
0x28b: {  	[tilespmem:$0xF080] =	vst v24;
	v24 =	vadd.s32 v31, v28  }
0x28c: {  	s5 =	simm.s32 $0x0;
	[tilespmem:$0xF090] =	vst v24  }
0x28d: {  	v24 =	vld [tilespmem:s5+$0xD000]  }
0x28e: {  	v28 =	vld [tilespmem:s5+$0xD800];
	s5 =	simm.s32 $0x40  }
.LBB2_28:
0x28f: {  	p0 =	sne.s32 s5, $0x1FC0;
	_ =	sdelay $0x2  }
0x290: {  	v29 =	vand.u32 $0x1F, v24  }
0x291: {  	(xrf1) =	vunique.msk.u32 $0xffff, v29;
	_ =	sdelay $0x8  }
0x292: {  	v30 =	vld.idx.msk [tilespmem:v29+s22+$0x0], $0xffff;
	_ =	sdelay $0x4  }
0x293: {  	_, v31, vm0 =	vpop (xrf1)  }
0x294: {  	v30 =	vadd.s32 v31, v30  }
0x295: {  	v30 =	vadd.s32 $0xFFFFFFFF, v30;
	_ =	sdelay $0x4  }
.Ltmp15:
0x296: {  	[tilespmem:v30+s9+$0x0] =	vst.idx.msk $0xffff, v24;
	(pc) =	sbr.rel @p0 .LBB2_28-.Ltmp15, $4  }
0x297: {  	[tilespmem:v30+s14+$0x0] =	vst.idx.msk $0xffff, v28  }
0x298: {  	s6 =	sshra.s32 s5, $0x2;
	[tilespmem:v29+s22+$0x0] =	vst.idx.add.s32.msk vm0, v31  }
0x299: {  	v24 =	vld [tilespmem:s6+$0xD000]  }
0x29a: {  	s5 =	sadd.s32 $0x40, s5;
	v28 =	vld [tilespmem:s6+$0xD800]  }
0x29b: {  	_ =	sdelay $0x2  }
0x29c: {  	v29 =	vand.u32 $0x1F, v24  }
0x29d: {  	(xrf1) =	vunique.msk.u32 $0xffff, v29;
	_ =	sdelay $0x9  }
0x29e: {  	v30 =	vld.idx.msk [tilespmem:v29+s22+$0x0], $0xffff;
	_ =	sdelay $0x3  }
0x29f: {  	_, v31, vm0 =	vpop (xrf1)  }
0x2a0: {  	v30 =	vadd.s32 v31, v30  }
0x2a1: {  	v30 =	vadd.s32 $0xFFFFFFFF, v30;
	_ =	sdelay $0x4  }
0x2a2: {  	[tilespmem:v30+s9+$0x0] =	vst.idx.msk $0xffff, v24  }
0x2a3: {  	[tilespmem:v30+s14+$0x0] =	vst.idx.msk $0xffff, v28  }
0x2a4: {  	[tilespmem:v29+s22+$0x0] =	vst.idx.add.s32.msk vm0, v31  }
0x2a5: {  	[tilespmem:$0xF000] =	vst v1  }
0x2a6: {  	s6 =	simm.s32 $0x0;
	s5 =	simm.s32 $0x40;
	[tilespmem:$0xF010] =	vst v1  }
.LBB2_30:
0x2a7: {  	p0 =	sne.s32 s5, $0x1FC0;
	v24 =	vld [tilespmem:s6+$0xE000];
	_ =	sdelay $0x4  }
0x2a8: {  	v24 =	vshrl.u32 v24, $0x5  }
0x2a9: {  	v24 =	vand.u32 $0x1F, v24  }
0x2aa: {  	(xrf1) =	vunique.msk.u32 $0xffff, v24;
	_ =	sdelay $0xd  }
0x2ab: {  	_, v28, vm0 =	vpop (xrf1);
	_ =	sdelay $0x1  }
.Ltmp16:
0x2ac: {  	(pc) =	sbr.rel @p0 .LBB2_30-.Ltmp16, $2  }
0x2ad: {  	_ =	sdelay $0x2  }
0x2ae: {  	s6 =	sshra.s32 s5, $0x2;
	s5 =	sadd.s32 $0x40, s5;
	[tilespmem:v24+s1+$0x0] =	vst.idx.add.s32.msk vm0, v28  }
0x2af: {  	v24 =	vld [tilespmem:s6+$0xE000];
	_ =	sdelay $0x4  }
0x2b0: {  	v24 =	vshrl.u32 v24, $0x5  }
0x2b1: {  	v24 =	vand.u32 $0x1F, v24  }
0x2b2: {  	(xrf1) =	vunique.msk.u32 $0xffff, v24;
	_ =	sdelay $0xd  }
0x2b3: {  	_, v28, vm0 =	vpop (xrf1);
	_ =	sdelay $0x5  }
0x2b4: {  	[tilespmem:v24+s1+$0x0] =	vst.idx.add.s32.msk vm0, v28  }
0x2b5: {  	v24 =	vld [tilespmem:$0xF000]  }
0x2b6: {  	v28 =	vld [tilespmem:$0xF010];
	_ =	sdelay $0x3  }
0x2b7: {  	(xrf0) =	vadd.scan.msk.s32 $0xffff, v24  }
0x2b8: {  	(xrf0) =	vadd.scan.msk.s32 $0xffff, v28;
	_ =	sdelay $0x4  }
0x2b9: {  	v29, _, _ =	vpop (xrf0)  }
0x2ba: {  	v30, _, _ =	vpop (xrf0);
	v31 =	vbroadcast v29, $0xF  }
0x2bb: {  	v24 =	vsub.s32 v29, v24;
	v28 =	vsub.s32 v30, v28  }
0x2bc: {  	[tilespmem:$0xF080] =	vst v24;
	v24 =	vadd.s32 v31, v28  }
0x2bd: {  	s5 =	simm.s32 $0x0;
	[tilespmem:$0xF090] =	vst v24  }
0x2be: {  	v24 =	vld [tilespmem:s5+$0xE000]  }
0x2bf: {  	v28 =	vld [tilespmem:s5+$0xE800];
	s5 =	simm.s32 $0x40  }
.LBB2_32:
0x2c0: {  	p0 =	sne.s32 s5, $0x1FC0;
	_ =	sdelay $0x2  }
0x2c1: {  	v29 =	vshrl.u32 v24, $0x5  }
0x2c2: {  	v29 =	vand.u32 $0x1F, v29  }
0x2c3: {  	(xrf1) =	vunique.msk.u32 $0xffff, v29;
	_ =	sdelay $0x8  }
0x2c4: {  	v30 =	vld.idx.msk [tilespmem:v29+s22+$0x0], $0xffff;
	_ =	sdelay $0x4  }
0x2c5: {  	_, v31, vm0 =	vpop (xrf1)  }
0x2c6: {  	v30 =	vadd.s32 v31, v30  }
0x2c7: {  	v30 =	vadd.s32 $0xFFFFFFFF, v30;
	_ =	sdelay $0x4  }
.Ltmp17:
0x2c8: {  	[tilespmem:v30+s15+$0x0] =	vst.idx.msk $0xffff, v24;
	(pc) =	sbr.rel @p0 .LBB2_32-.Ltmp17, $4  }
0x2c9: {  	[tilespmem:v30+s16+$0x0] =	vst.idx.msk $0xffff, v28  }
0x2ca: {  	s6 =	sshra.s32 s5, $0x2;
	[tilespmem:v29+s22+$0x0] =	vst.idx.add.s32.msk vm0, v31  }
0x2cb: {  	v24 =	vld [tilespmem:s6+$0xE000]  }
0x2cc: {  	s5 =	sadd.s32 $0x40, s5;
	v28 =	vld [tilespmem:s6+$0xE800]  }
0x2cd: {  	_ =	sdelay $0x2  }
0x2ce: {  	v29 =	vshrl.u32 v24, $0x5  }
0x2cf: {  	v29 =	vand.u32 $0x1F, v29  }
0x2d0: {  	(xrf1) =	vunique.msk.u32 $0xffff, v29;
	_ =	sdelay $0x9  }
0x2d1: {  	v30 =	vld.idx.msk [tilespmem:v29+s22+$0x0], $0xffff;
	_ =	sdelay $0x3  }
0x2d2: {  	_, v31, vm0 =	vpop (xrf1)  }
0x2d3: {  	v30 =	vadd.s32 v31, v30  }
0x2d4: {  	v30 =	vadd.s32 $0xFFFFFFFF, v30;
	_ =	sdelay $0x4  }
0x2d5: {  	[tilespmem:v30+s15+$0x0] =	vst.idx.msk $0xffff, v24  }
0x2d6: {  	[tilespmem:v30+s16+$0x0] =	vst.idx.msk $0xffff, v28  }
0x2d7: {  	[tilespmem:v29+s22+$0x0] =	vst.idx.add.s32.msk vm0, v31  }
0x2d8: {  	[tilespmem:$0xF000] =	vst v1  }
0x2d9: {  	s6 =	simm.s32 $0x0;
	s5 =	simm.s32 $0x40;
	[tilespmem:$0xF010] =	vst v1  }
.LBB2_34:
0x2da: {  	p0 =	sne.s32 s5, $0x1FC0;
	v24 =	vld [tilespmem:s6+$0xD000];
	_ =	sdelay $0x4  }
0x2db: {  	v24 =	vshrl.u32 v24, $0xA  }
0x2dc: {  	v24 =	vand.u32 $0x1F, v24  }
0x2dd: {  	(xrf1) =	vunique.msk.u32 $0xffff, v24;
	_ =	sdelay $0xd  }
0x2de: {  	_, v28, vm0 =	vpop (xrf1);
	_ =	sdelay $0x1  }
.Ltmp18:
0x2df: {  	(pc) =	sbr.rel @p0 .LBB2_34-.Ltmp18, $2  }
0x2e0: {  	_ =	sdelay $0x2  }
0x2e1: {  	s6 =	sshra.s32 s5, $0x2;
	s5 =	sadd.s32 $0x40, s5;
	[tilespmem:v24+s1+$0x0] =	vst.idx.add.s32.msk vm0, v28  }
0x2e2: {  	v24 =	vld [tilespmem:s6+$0xD000];
	_ =	sdelay $0x4  }
0x2e3: {  	v24 =	vshrl.u32 v24, $0xA  }
0x2e4: {  	v24 =	vand.u32 $0x1F, v24  }
0x2e5: {  	(xrf1) =	vunique.msk.u32 $0xffff, v24;
	_ =	sdelay $0xd  }
0x2e6: {  	_, v28, vm0 =	vpop (xrf1);
	_ =	sdelay $0x5  }
0x2e7: {  	[tilespmem:v24+s1+$0x0] =	vst.idx.add.s32.msk vm0, v28  }
0x2e8: {  	v24 =	vld [tilespmem:$0xF000]  }
0x2e9: {  	v28 =	vld [tilespmem:$0xF010];
	_ =	sdelay $0x3  }
0x2ea: {  	(xrf0) =	vadd.scan.msk.s32 $0xffff, v24  }
0x2eb: {  	(xrf0) =	vadd.scan.msk.s32 $0xffff, v28;
	_ =	sdelay $0x4  }
0x2ec: {  	v29, _, _ =	vpop (xrf0)  }
0x2ed: {  	v30, _, _ =	vpop (xrf0);
	v31 =	vbroadcast v29, $0xF  }
0x2ee: {  	v24 =	vsub.s32 v29, v24;
	v28 =	vsub.s32 v30, v28  }
0x2ef: {  	[tilespmem:$0xF080] =	vst v24;
	v24 =	vadd.s32 v31, v28  }
0x2f0: {  	s5 =	simm.s32 $0x0;
	[tilespmem:$0xF090] =	vst v24  }
0x2f1: {  	v24 =	vld [tilespmem:s5+$0xD000]  }
0x2f2: {  	v28 =	vld [tilespmem:s5+$0xD800];
	s5 =	simm.s32 $0x40  }
.LBB2_36:
0x2f3: {  	p0 =	sne.s32 s5, $0x1FC0;
	_ =	sdelay $0x2  }
0x2f4: {  	v29 =	vshrl.u32 v24, $0xA  }
0x2f5: {  	v29 =	vand.u32 $0x1F, v29  }
0x2f6: {  	(xrf1) =	vunique.msk.u32 $0xffff, v29;
	_ =	sdelay $0x8  }
0x2f7: {  	v30 =	vld.idx.msk [tilespmem:v29+s22+$0x0], $0xffff;
	_ =	sdelay $0x4  }
0x2f8: {  	_, v31, vm0 =	vpop (xrf1)  }
0x2f9: {  	v30 =	vadd.s32 v31, v30  }
0x2fa: {  	v30 =	vadd.s32 $0xFFFFFFFF, v30;
	_ =	sdelay $0x4  }
.Ltmp19:
0x2fb: {  	[tilespmem:v30+s9+$0x0] =	vst.idx.msk $0xffff, v24;
	(pc) =	sbr.rel @p0 .LBB2_36-.Ltmp19, $4  }
0x2fc: {  	[tilespmem:v30+s14+$0x0] =	vst.idx.msk $0xffff, v28  }
0x2fd: {  	s6 =	sshra.s32 s5, $0x2;
	[tilespmem:v29+s22+$0x0] =	vst.idx.add.s32.msk vm0, v31  }
0x2fe: {  	v24 =	vld [tilespmem:s6+$0xD000]  }
0x2ff: {  	s5 =	sadd.s32 $0x40, s5;
	v28 =	vld [tilespmem:s6+$0xD800]  }
0x300: {  	_ =	sdelay $0x2  }
0x301: {  	v29 =	vshrl.u32 v24, $0xA  }
0x302: {  	v29 =	vand.u32 $0x1F, v29  }
0x303: {  	(xrf1) =	vunique.msk.u32 $0xffff, v29;
	_ =	sdelay $0x9  }
0x304: {  	v30 =	vld.idx.msk [tilespmem:v29+s22+$0x0], $0xffff;
	_ =	sdelay $0x3  }
0x305: {  	_, v31, vm0 =	vpop (xrf1)  }
0x306: {  	v30 =	vadd.s32 v31, v30  }
0x307: {  	v30 =	vadd.s32 $0xFFFFFFFF, v30;
	_ =	sdelay $0x4  }
0x308: {  	[tilespmem:v30+s9+$0x0] =	vst.idx.msk $0xffff, v24  }
0x309: {  	[tilespmem:v30+s14+$0x0] =	vst.idx.msk $0xffff, v28  }
0x30a: {  	[tilespmem:v29+s22+$0x0] =	vst.idx.add.s32.msk vm0, v31  }
0x30b: {  	[tilespmem:$0xF000] =	vst v1  }
0x30c: {  	s6 =	simm.s32 $0x0;
	s5 =	simm.s32 $0x40;
	[tilespmem:$0xF010] =	vst v1  }
.LBB2_38:
0x30d: {  	p0 =	sne.s32 s5, $0x1FC0;
	v24 =	vld [tilespmem:s6+$0xE000];
	_ =	sdelay $0x4  }
0x30e: {  	v24 =	vshrl.u32 v24, $0xF  }
0x30f: {  	v24 =	vand.u32 $0x1F, v24  }
0x310: {  	(xrf1) =	vunique.msk.u32 $0xffff, v24;
	_ =	sdelay $0xd  }
0x311: {  	_, v28, vm0 =	vpop (xrf1);
	_ =	sdelay $0x1  }
.Ltmp20:
0x312: {  	(pc) =	sbr.rel @p0 .LBB2_38-.Ltmp20, $2  }
0x313: {  	_ =	sdelay $0x2  }
0x314: {  	s6 =	sshra.s32 s5, $0x2;
	s5 =	sadd.s32 $0x40, s5;
	[tilespmem:v24+s1+$0x0] =	vst.idx.add.s32.msk vm0, v28  }
0x315: {  	v24 =	vld [tilespmem:s6+$0xE000];
	_ =	sdelay $0x4  }
0x316: {  	v24 =	vshrl.u32 v24, $0xF  }
0x317: {  	v24 =	vand.u32 $0x1F, v24  }
0x318: {  	(xrf1) =	vunique.msk.u32 $0xffff, v24;
	_ =	sdelay $0xd  }
0x319: {  	_, v28, vm0 =	vpop (xrf1);
	_ =	sdelay $0x5  }
0x31a: {  	[tilespmem:v24+s1+$0x0] =	vst.idx.add.s32.msk vm0, v28  }
0x31b: {  	v24 =	vld [tilespmem:$0xF000]  }
0x31c: {  	v28 =	vld [tilespmem:$0xF010];
	_ =	sdelay $0x3  }
0x31d: {  	(xrf0) =	vadd.scan.msk.s32 $0xffff, v24  }
0x31e: {  	(xrf0) =	vadd.scan.msk.s32 $0xffff, v28;
	_ =	sdelay $0x4  }
0x31f: {  	v29, _, _ =	vpop (xrf0)  }
0x320: {  	v30, _, _ =	vpop (xrf0);
	v31 =	vbroadcast v29, $0xF  }
0x321: {  	v24 =	vsub.s32 v29, v24;
	v28 =	vsub.s32 v30, v28  }
0x322: {  	[tilespmem:$0xF080] =	vst v24;
	v24 =	vadd.s32 v31, v28  }
0x323: {  	s5 =	simm.s32 $0x0;
	[tilespmem:$0xF090] =	vst v24  }
0x324: {  	v24 =	vld [tilespmem:s5+$0xE000]  }
0x325: {  	v28 =	vld [tilespmem:s5+$0xE800];
	s5 =	simm.s32 $0x40  }
.LBB2_40:
0x326: {  	p0 =	sne.s32 s5, $0x1FC0;
	_ =	sdelay $0x2  }
0x327: {  	v29 =	vshrl.u32 v24, $0xF  }
0x328: {  	v29 =	vand.u32 $0x1F, v29  }
0x329: {  	(xrf1) =	vunique.msk.u32 $0xffff, v29;
	_ =	sdelay $0x8  }
0x32a: {  	v30 =	vld.idx.msk [tilespmem:v29+s22+$0x0], $0xffff;
	_ =	sdelay $0x4  }
0x32b: {  	_, v31, vm0 =	vpop (xrf1)  }
0x32c: {  	v30 =	vadd.s32 v31, v30  }
0x32d: {  	v30 =	vadd.s32 $0xFFFFFFFF, v30;
	_ =	sdelay $0x4  }
.Ltmp21:
0x32e: {  	[tilespmem:v30+s15+$0x0] =	vst.idx.msk $0xffff, v24;
	(pc) =	sbr.rel @p0 .LBB2_40-.Ltmp21, $4  }
0x32f: {  	[tilespmem:v30+s16+$0x0] =	vst.idx.msk $0xffff, v28  }
0x330: {  	s6 =	sshra.s32 s5, $0x2;
	[tilespmem:v29+s22+$0x0] =	vst.idx.add.s32.msk vm0, v31  }
0x331: {  	v24 =	vld [tilespmem:s6+$0xE000]  }
0x332: {  	s5 =	sadd.s32 $0x40, s5;
	v28 =	vld [tilespmem:s6+$0xE800]  }
0x333: {  	_ =	sdelay $0x2  }
0x334: {  	v29 =	vshrl.u32 v24, $0xF  }
0x335: {  	v29 =	vand.u32 $0x1F, v29  }
0x336: {  	(xrf1) =	vunique.msk.u32 $0xffff, v29;
	_ =	sdelay $0x9  }
0x337: {  	v30 =	vld.idx.msk [tilespmem:v29+s22+$0x0], $0xffff;
	_ =	sdelay $0x3  }
0x338: {  	_, v31, vm0 =	vpop (xrf1)  }
0x339: {  	v30 =	vadd.s32 v31, v30  }
0x33a: {  	v30 =	vadd.s32 $0xFFFFFFFF, v30;
	_ =	sdelay $0x4  }
0x33b: {  	[tilespmem:v30+s15+$0x0] =	vst.idx.msk $0xffff, v24  }
0x33c: {  	[tilespmem:v30+s16+$0x0] =	vst.idx.msk $0xffff, v28  }
0x33d: {  	[tilespmem:v29+s22+$0x0] =	vst.idx.add.s32.msk vm0, v31  }
0x33e: {  	[tilespmem:$0xF000] =	vst v1  }
0x33f: {  	s6 =	simm.s32 $0x0;
	s5 =	simm.s32 $0x40;
	[tilespmem:$0xF010] =	vst v1  }
.LBB2_42:
0x340: {  	p0 =	sne.s32 s5, $0x1FC0;
	v24 =	vld [tilespmem:s6+$0xD000];
	_ =	sdelay $0x4  }
0x341: {  	v24 =	vshrl.u32 v24, $0x14  }
0x342: {  	v24 =	vand.u32 $0x1F, v24  }
0x343: {  	(xrf1) =	vunique.msk.u32 $0xffff, v24;
	_ =	sdelay $0xd  }
0x344: {  	_, v28, vm0 =	vpop (xrf1);
	_ =	sdelay $0x1  }
.Ltmp22:
0x345: {  	(pc) =	sbr.rel @p0 .LBB2_42-.Ltmp22, $2  }
0x346: {  	_ =	sdelay $0x2  }
0x347: {  	s6 =	sshra.s32 s5, $0x2;
	s5 =	sadd.s32 $0x40, s5;
	[tilespmem:v24+s1+$0x0] =	vst.idx.add.s32.msk vm0, v28  }
0x348: {  	v24 =	vld [tilespmem:s6+$0xD000];
	_ =	sdelay $0x4  }
0x349: {  	v24 =	vshrl.u32 v24, $0x14  }
0x34a: {  	v24 =	vand.u32 $0x1F, v24  }
0x34b: {  	(xrf1) =	vunique.msk.u32 $0xffff, v24;
	_ =	sdelay $0xd  }
0x34c: {  	_, v28, vm0 =	vpop (xrf1);
	_ =	sdelay $0x5  }
0x34d: {  	[tilespmem:v24+s1+$0x0] =	vst.idx.add.s32.msk vm0, v28  }
0x34e: {  	v24 =	vld [tilespmem:$0xF000]  }
0x34f: {  	v28 =	vld [tilespmem:$0xF010];
	_ =	sdelay $0x3  }
0x350: {  	(xrf0) =	vadd.scan.msk.s32 $0xffff, v24  }
0x351: {  	(xrf0) =	vadd.scan.msk.s32 $0xffff, v28;
	_ =	sdelay $0x4  }
0x352: {  	v29, _, _ =	vpop (xrf0)  }
0x353: {  	v30, _, _ =	vpop (xrf0);
	v31 =	vbroadcast v29, $0xF  }
0x354: {  	v24 =	vsub.s32 v29, v24;
	v28 =	vsub.s32 v30, v28  }
0x355: {  	[tilespmem:$0xF080] =	vst v24;
	v24 =	vadd.s32 v31, v28  }
0x356: {  	s5 =	simm.s32 $0x0;
	[tilespmem:$0xF090] =	vst v24  }
0x357: {  	v24 =	vld [tilespmem:s5+$0xD000]  }
0x358: {  	v28 =	vld [tilespmem:s5+$0xD800];
	s5 =	simm.s32 $0x40  }
.LBB2_44:
0x359: {  	p0 =	sne.s32 s5, $0x1FC0;
	_ =	sdelay $0x2  }
0x35a: {  	v29 =	vshrl.u32 v24, $0x14  }
0x35b: {  	v29 =	vand.u32 $0x1F, v29  }
0x35c: {  	(xrf1) =	vunique.msk.u32 $0xffff, v29;
	_ =	sdelay $0x8  }
0x35d: {  	v30 =	vld.idx.msk [tilespmem:v29+s22+$0x0], $0xffff;
	_ =	sdelay $0x4  }
0x35e: {  	_, v31, vm0 =	vpop (xrf1)  }
0x35f: {  	v30 =	vadd.s32 v31, v30  }
0x360: {  	v30 =	vadd.s32 $0xFFFFFFFF, v30;
	_ =	sdelay $0x4  }
.Ltmp23:
0x361: {  	[tilespmem:v30+s9+$0x0] =	vst.idx.msk $0xffff, v24;
	(pc) =	sbr.rel @p0 .LBB2_44-.Ltmp23, $4  }
0x362: {  	[tilespmem:v30+s14+$0x0] =	vst.idx.msk $0xffff, v28  }
0x363: {  	s6 =	sshra.s32 s5, $0x2;
	[tilespmem:v29+s22+$0x0] =	vst.idx.add.s32.msk vm0, v31  }
0x364: {  	v24 =	vld [tilespmem:s6+$0xD000]  }
0x365: {  	s5 =	sadd.s32 $0x40, s5;
	v28 =	vld [tilespmem:s6+$0xD800]  }
0x366: {  	_ =	sdelay $0x2  }
0x367: {  	v29 =	vshrl.u32 v24, $0x14  }
0x368: {  	v29 =	vand.u32 $0x1F, v29  }
0x369: {  	(xrf1) =	vunique.msk.u32 $0xffff, v29;
	_ =	sdelay $0x9  }
0x36a: {  	v30 =	vld.idx.msk [tilespmem:v29+s22+$0x0], $0xffff;
	_ =	sdelay $0x3  }
0x36b: {  	_, v31, vm0 =	vpop (xrf1)  }
0x36c: {  	v30 =	vadd.s32 v31, v30  }
0x36d: {  	v30 =	vadd.s32 $0xFFFFFFFF, v30;
	_ =	sdelay $0x4  }
0x36e: {  	[tilespmem:v30+s9+$0x0] =	vst.idx.msk $0xffff, v24  }
0x36f: {  	[tilespmem:v30+s14+$0x0] =	vst.idx.msk $0xffff, v28  }
0x370: {  	[tilespmem:v29+s22+$0x0] =	vst.idx.add.s32.msk vm0, v31  }
0x371: {  	[tilespmem:$0xF000] =	vst v1  }
0x372: {  	s6 =	simm.s32 $0x0;
	s5 =	simm.s32 $0x40;
	[tilespmem:$0xF010] =	vst v1  }
.LBB2_46:
0x373: {  	p0 =	sne.s32 s5, $0x1FC0;
	v24 =	vld [tilespmem:s6+$0xE000];
	_ =	sdelay $0x4  }
0x374: {  	v24 =	vshrl.u32 v24, $0x19  }
0x375: {  	v24 =	vand.u32 $0x1F, v24  }
0x376: {  	(xrf1) =	vunique.msk.u32 $0xffff, v24;
	_ =	sdelay $0xd  }
0x377: {  	_, v28, vm0 =	vpop (xrf1);
	_ =	sdelay $0x1  }
.Ltmp24:
0x378: {  	(pc) =	sbr.rel @p0 .LBB2_46-.Ltmp24, $2  }
0x379: {  	_ =	sdelay $0x2  }
0x37a: {  	s6 =	sshra.s32 s5, $0x2;
	s5 =	sadd.s32 $0x40, s5;
	[tilespmem:v24+s1+$0x0] =	vst.idx.add.s32.msk vm0, v28  }
0x37b: {  	v24 =	vld [tilespmem:s6+$0xE000];
	_ =	sdelay $0x4  }
0x37c: {  	v24 =	vshrl.u32 v24, $0x19  }
0x37d: {  	v24 =	vand.u32 $0x1F, v24  }
0x37e: {  	(xrf1) =	vunique.msk.u32 $0xffff, v24;
	_ =	sdelay $0xd  }
0x37f: {  	_, v28, vm0 =	vpop (xrf1);
	_ =	sdelay $0x5  }
0x380: {  	[tilespmem:v24+s1+$0x0] =	vst.idx.add.s32.msk vm0, v28  }
0x381: {  	v24 =	vld [tilespmem:$0xF000]  }
0x382: {  	v28 =	vld [tilespmem:$0xF010];
	_ =	sdelay $0x3  }
0x383: {  	(xrf0) =	vadd.scan.msk.s32 $0xffff, v24  }
0x384: {  	(xrf0) =	vadd.scan.msk.s32 $0xffff, v28;
	_ =	sdelay $0x4  }
0x385: {  	v29, _, _ =	vpop (xrf0)  }
0x386: {  	v30, _, _ =	vpop (xrf0);
	v31 =	vbroadcast v29, $0xF  }
0x387: {  	v24 =	vsub.s32 v29, v24;
	v28 =	vsub.s32 v30, v28  }
0x388: {  	[tilespmem:$0xF080] =	vst v24;
	v24 =	vadd.s32 v31, v28  }
0x389: {  	s5 =	simm.s32 $0x0;
	[tilespmem:$0xF090] =	vst v24  }
0x38a: {  	v24 =	vld [tilespmem:s5+$0xE000]  }
0x38b: {  	v28 =	vld [tilespmem:s5+$0xE800];
	s5 =	simm.s32 $0x40  }
.LBB2_48:
0x38c: {  	p0 =	sne.s32 s5, $0x1FC0;
	_ =	sdelay $0x2  }
0x38d: {  	v29 =	vshrl.u32 v24, $0x19  }
0x38e: {  	v29 =	vand.u32 $0x1F, v29  }
0x38f: {  	(xrf1) =	vunique.msk.u32 $0xffff, v29;
	_ =	sdelay $0x8  }
0x390: {  	v30 =	vld.idx.msk [tilespmem:v29+s22+$0x0], $0xffff;
	_ =	sdelay $0x4  }
0x391: {  	_, v31, vm0 =	vpop (xrf1)  }
0x392: {  	v30 =	vadd.s32 v31, v30  }
0x393: {  	v30 =	vadd.s32 $0xFFFFFFFF, v30;
	_ =	sdelay $0x4  }
.Ltmp25:
0x394: {  	[tilespmem:v30+s15+$0x0] =	vst.idx.msk $0xffff, v24;
	(pc) =	sbr.rel @p0 .LBB2_48-.Ltmp25, $4  }
0x395: {  	[tilespmem:v30+s16+$0x0] =	vst.idx.msk $0xffff, v28  }
0x396: {  	s6 =	sshra.s32 s5, $0x2;
	[tilespmem:v29+s22+$0x0] =	vst.idx.add.s32.msk vm0, v31  }
0x397: {  	v24 =	vld [tilespmem:s6+$0xE000]  }
0x398: {  	s5 =	sadd.s32 $0x40, s5;
	v28 =	vld [tilespmem:s6+$0xE800]  }
0x399: {  	_ =	sdelay $0x2  }
0x39a: {  	v29 =	vshrl.u32 v24, $0x19  }
0x39b: {  	v29 =	vand.u32 $0x1F, v29  }
0x39c: {  	(xrf1) =	vunique.msk.u32 $0xffff, v29;
	_ =	sdelay $0x9  }
0x39d: {  	v30 =	vld.idx.msk [tilespmem:v29+s22+$0x0], $0xffff;
	_ =	sdelay $0x3  }
0x39e: {  	_, v31, vm0 =	vpop (xrf1)  }
0x39f: {  	v30 =	vadd.s32 v31, v30  }
0x3a0: {  	v30 =	vadd.s32 $0xFFFFFFFF, v30;
	_ =	sdelay $0x4  }
0x3a1: {  	[tilespmem:v30+s15+$0x0] =	vst.idx.msk $0xffff, v24  }
0x3a2: {  	[tilespmem:v30+s16+$0x0] =	vst.idx.msk $0xffff, v28  }
0x3a3: {  	[tilespmem:v29+s22+$0x0] =	vst.idx.add.s32.msk vm0, v31  }
0x3a4: {  	[tilespmem:$0xF000] =	vst v1  }
0x3a5: {  	s6 =	simm.s32 $0x0;
	s5 =	simm.s32 $0x40;
	[tilespmem:$0xF010] =	vst v1  }
.LBB2_50:
0x3a6: {  	p0 =	sne.s32 s5, $0x1FC0;
	v24 =	vld [tilespmem:s6+$0xD000];
	_ =	sdelay $0x4  }
0x3a7: {  	v24 =	vshra.s32 v24, $0x1E  }
0x3a8: {  	v24 =	vand.u32 $0x1F, v24  }
0x3a9: {  	(xrf1) =	vunique.msk.u32 $0xffff, v24;
	_ =	sdelay $0xd  }
0x3aa: {  	_, v28, vm0 =	vpop (xrf1);
	_ =	sdelay $0x1  }
.Ltmp26:
0x3ab: {  	(pc) =	sbr.rel @p0 .LBB2_50-.Ltmp26, $2  }
0x3ac: {  	_ =	sdelay $0x2  }
0x3ad: {  	s6 =	sshra.s32 s5, $0x2;
	s5 =	sadd.s32 $0x40, s5;
	[tilespmem:v24+s1+$0x0] =	vst.idx.add.s32.msk vm0, v28  }
0x3ae: {  	v24 =	vld [tilespmem:s6+$0xD000];
	_ =	sdelay $0x4  }
0x3af: {  	v24 =	vshra.s32 v24, $0x1E  }
0x3b0: {  	v24 =	vand.u32 $0x1F, v24  }
0x3b1: {  	(xrf1) =	vunique.msk.u32 $0xffff, v24;
	_ =	sdelay $0xd  }
0x3b2: {  	_, v28, vm0 =	vpop (xrf1);
	_ =	sdelay $0x5  }
0x3b3: {  	[tilespmem:v24+s1+$0x0] =	vst.idx.add.s32.msk vm0, v28  }
0x3b4: {  	v24 =	vld [tilespmem:$0xF000]  }
0x3b5: {  	v28 =	vld [tilespmem:$0xF010];
	_ =	sdelay $0x3  }
0x3b6: {  	(xrf0) =	vadd.scan.msk.s32 $0xffff, v24  }
0x3b7: {  	(xrf0) =	vadd.scan.msk.s32 $0xffff, v28;
	_ =	sdelay $0x4  }
0x3b8: {  	v29, _, _ =	vpop (xrf0)  }
0x3b9: {  	v30, _, _ =	vpop (xrf0);
	v31 =	vbroadcast v29, $0xF  }
0x3ba: {  	v24 =	vsub.s32 v29, v24;
	v28 =	vsub.s32 v30, v28  }
0x3bb: {  	[tilespmem:$0xF080] =	vst v24;
	v24 =	vadd.s32 v31, v28  }
0x3bc: {  	s5 =	simm.s32 $0x0;
	[tilespmem:$0xF090] =	vst v24  }
0x3bd: {  	v24 =	vld [tilespmem:s5+$0xD000]  }
0x3be: {  	v28 =	vld [tilespmem:s5+$0xD800];
	s5 =	simm.s32 $0x40  }
.LBB2_52:
0x3bf: {  	p0 =	sne.s32 s5, $0x1FC0;
	_ =	sdelay $0x2  }
0x3c0: {  	v29 =	vshra.s32 v24, $0x1E  }
0x3c1: {  	v29 =	vand.u32 $0x1F, v29  }
0x3c2: {  	(xrf1) =	vunique.msk.u32 $0xffff, v29;
	_ =	sdelay $0x8  }
0x3c3: {  	v30 =	vld.idx.msk [tilespmem:v29+s22+$0x0], $0xffff;
	_ =	sdelay $0x4  }
0x3c4: {  	_, v31, vm0 =	vpop (xrf1)  }
0x3c5: {  	v30 =	vadd.s32 v31, v30  }
0x3c6: {  	v30 =	vadd.s32 $0xFFFFFFFF, v30;
	_ =	sdelay $0x4  }
.Ltmp27:
0x3c7: {  	[tilespmem:v30+s9+$0x0] =	vst.idx.msk $0xffff, v24;
	(pc) =	sbr.rel @p0 .LBB2_52-.Ltmp27, $4  }
0x3c8: {  	[tilespmem:v30+s14+$0x0] =	vst.idx.msk $0xffff, v28  }
0x3c9: {  	s6 =	sshra.s32 s5, $0x2;
	[tilespmem:v29+s22+$0x0] =	vst.idx.add.s32.msk vm0, v31  }
0x3ca: {  	v24 =	vld [tilespmem:s6+$0xD000]  }
0x3cb: {  	s5 =	sadd.s32 $0x40, s5;
	v28 =	vld [tilespmem:s6+$0xD800]  }
0x3cc: {  	_ =	sdelay $0x2  }
0x3cd: {  	v29 =	vshra.s32 v24, $0x1E  }
0x3ce: {  	v29 =	vand.u32 $0x1F, v29  }
0x3cf: {  	(xrf1) =	vunique.msk.u32 $0xffff, v29;
	_ =	sdelay $0x9  }
0x3d0: {  	v30 =	vld.idx.msk [tilespmem:v29+s22+$0x0], $0xffff;
	_ =	sdelay $0x3  }
0x3d1: {  	_, v31, vm0 =	vpop (xrf1)  }
0x3d2: {  	v30 =	vadd.s32 v31, v30  }
0x3d3: {  	v30 =	vadd.s32 $0xFFFFFFFF, v30;
	_ =	sdelay $0x4  }
0x3d4: {  	[tilespmem:v30+s9+$0x0] =	vst.idx.msk $0xffff, v24  }
0x3d5: {  	[tilespmem:v30+s14+$0x0] =	vst.idx.msk $0xffff, v28  }
0x3d6: {  	s5 =	simm.s32 $0x3;
	[tilespmem:v29+s22+$0x0] =	vst.idx.add.s32.msk vm0, v31  }
0x3d7: {  	_ =	swait.ge [sflag:s5], $0x4E20  }
0x3d8: {  	[sflag:s5] =	ssyncset.done $0x0  }
0x3d9: {  	s6 =	simm.s32 $0xE800;
	[sflag:s5] =	ssyncadd.s32 $0xFFFFB1E0  }
0x3da: {  	v24 =	vld [tilespmem:s6+$0x0];
	_ =	sdelay $0x4  }
0x3db: {  	v28 =	vcvt.s32.f32 v24;
	_ =	sdelay $0x1  }
0x3dc: {  	v28 =	vadd.f32 $5.000000000e-01, v28;
	_ =	sdelay $0x1  }
0x3dd: {  	v28 =	vmul.f32 $1.250000020e-02, v28;
	_ =	sdelay $0x1  }
0x3de: {  	s11 =	simm.s32 $0xE000;
	v28 =	vtrunc.f32 v28  }
0x3df: {  	v29 =	vld [tilespmem:s11+$0x0];
	v28 =	vcvt.f32.s32 v28;
	_ =	sdelay $0x1  }
0x3e0: {  	v30 =	vshll.u32 v28, $0x2  }
0x3e1: {  	v31 =	vor.u32 $0x2, v30  }
0x3e2: {  	v28 =	vmul.u32 $0xFFFFFFB0, v28;
	v32 =	vor.u32 $0x3, v30  }
0x3e3: {  	s24 =	rddreg [dreg:$0x12];
	s5 =	simm.s32 $0x13F80;
	v29 =	vxor.u32 $0xFFFFFFFF, v29  }
0x3e4: {  	s10 =	simm.s32 $0x14100;
	v33 =	vld [tilespmem:s24+$0x14780];
	[tilespmem:s5+$0x0] =	vst v29;
	v34 =	vor.u32 $0x1, v30;
	v24 =	vadd.s32 v24, v28  }
0x3e5: {  	[tilespmem:s10+$0x0] =	vst v24  }
0x3e6: {  	v28 =	vld.idx.msk [tilespmem:v31+s31+$0x0], $0xffff  }
0x3e7: {  	v29 =	vld.idx.msk [tilespmem:v32+s31+$0x0], $0xffff  }
0x3e8: {  	v30 =	vld.idx.msk [tilespmem:v30+s31+$0x0], $0xffff  }
0x3e9: {  	s25 =	simm.s32 $0x0;
	v31 =	vld.idx.msk [tilespmem:v34+s31+$0x0], $0xffff  }
0x3ea: {  	v58 =	vmov s25;
	v24 =	vmul.u32 $0x4, v0  }
0x3eb: {  	v59 =	vmul.f32 $5.000000000e-01, v28;
	v28 =	vshll.u32 v58, $0x2  }
0x3ec: {  	v60 =	vmul.f32 $5.000000000e-01, v29;
	v35 =	vor.u32 v24, v28;
	v28 =	vbroadcast v33, $0x0  }
0x3ed: {  	v36 =	vsub.f32 v30, v59;
	v37 =	vor.u32 $0x1, v35;
	v30 =	vadd.f32 v59, v30  }
0x3ee: {  	v29 =	vbroadcast v33, $0x1;
	v61 =	vsub.f32 v31, v60;
	v38 =	vor.u32 $0x2, v35  }
0x3ef: {  	v62 =	vmul.f32 v36, v28;
	v63 =	vmul.f32 v30, v28;
	v30 =	vor.u32 $0x3, v35  }
0x3f0: {  	v31 =	vadd.f32 v60, v31;
	v33 =	vmul.f32 v61, v29  }
0x3f1: {  	[tilespmem:v35+s18+$0x0] =	vst.idx.msk $0xffff, v62  }
0x3f2: {  	v31 =	vmul.f32 v31, v29;
	[tilespmem:v37+s18+$0x0] =	vst.idx.msk $0xffff, v33  }
0x3f3: {  	s17 =	simm.s32 $0x14110;
	s10 =	simm.s32 $0x10;
	[tilespmem:v38+s18+$0x0] =	vst.idx.msk $0xffff, v63  }
.LBB2_54:
0x3f4: {  	[tilespmem:v30+s18+$0x0] =	vst.idx.msk $0xffff, v31;
	s11 =	sadd.s32 $0x10, s11;
	s6 =	sadd.s32 $0x10, s6;
	s5 =	sadd.s32 $0x10, s5  }
0x3f5: {  	p0 =	sne.s32 s10, $0x130;
	s20 =	smov.u32 s10;
	s10 =	sadd.s32 $0x10, s10;
	v30 =	vld [tilespmem:s6+$0x0]  }
0x3f6: {  	_ =	sdelay $0x3  }
0x3f7: {  	v31 =	vcvt.s32.f32 v30;
	_ =	sdelay $0x1  }
0x3f8: {  	v31 =	vadd.f32 $5.000000000e-01, v31;
	_ =	sdelay $0x1  }
0x3f9: {  	v31 =	vmul.f32 $1.250000020e-02, v31;
	_ =	sdelay $0x1  }
0x3fa: {  	v31 =	vtrunc.f32 v31  }
0x3fb: {  	v32 =	vld [tilespmem:s11+$0x0];
	v31 =	vcvt.f32.s32 v31;
	_ =	sdelay $0x1  }
0x3fc: {  	v33 =	vmul.u32 $0xFFFFFFB0, v31;
	v31 =	vshll.u32 v31, $0x2  }
0x3fd: {  	v34 =	vor.u32 $0x1, v31;
	v35 =	vor.u32 $0x2, v31;
	v36 =	vor.u32 $0x3, v31  }
0x3fe: {  	v30 =	vadd.s32 v30, v33  }
0x3ff: {  	v32 =	vxor.u32 $0xFFFFFFFF, v32  }
0x400: {  	[tilespmem:s5+$0x0] =	vst v32  }
0x401: {  	[tilespmem:s17+$0x0] =	vst v30  }
0x402: {  	v30 =	vld.idx.msk [tilespmem:v35+s31+$0x0], $0xffff  }
0x403: {  	v32 =	vld.idx.msk [tilespmem:v36+s31+$0x0], $0xffff  }
0x404: {  	v31 =	vld.idx.msk [tilespmem:v31+s31+$0x0], $0xffff  }
0x405: {  	v33 =	vld.idx.msk [tilespmem:v34+s31+$0x0], $0xffff;
	_ =	sdelay $0x1  }
0x406: {  	v34 =	vmov s20  }
0x407: {  	v34 =	vshll.u32 v34, $0x2;
	v30 =	vmul.f32 $5.000000000e-01, v30  }
0x408: {  	v34 =	vor.u32 v24, v34;
	v32 =	vmul.f32 $5.000000000e-01, v32  }
0x409: {  	v36 =	vor.u32 $0x1, v34;
	v35 =	vsub.f32 v31, v30;
	v31 =	vadd.f32 v30, v31  }
0x40a: {  	v38 =	vor.u32 $0x2, v34;
	v37 =	vsub.f32 v33, v32;
	v32 =	vadd.f32 v32, v33  }
.Ltmp28:
0x40b: {  	v30 =	vor.u32 $0x3, v34;
	v33 =	vmul.f32 v35, v28;
	(pc) =	sbr.rel @p0 .LBB2_54-.Ltmp28, $4  }
0x40c: {  	v35 =	vmul.f32 v37, v29  }
0x40d: {  	[tilespmem:v34+s18+$0x0] =	vst.idx.msk $0xffff, v33;
	v33 =	vmul.f32 v31, v28  }
0x40e: {  	v31 =	vmul.f32 v32, v29;
	[tilespmem:v36+s18+$0x0] =	vst.idx.msk $0xffff, v35  }
0x40f: {  	s17 =	sadd.s32 $0x10, s17;
	[tilespmem:v38+s18+$0x0] =	vst.idx.msk $0xffff, v33  }
0x410: {  	_ =	sdelay $0x3  }
0x411: {  	[tilespmem:v30+s18+$0x0] =	vst.idx.msk $0xffff, v31;
	s5 =	rddreg [dreg:$0xb];
	s6 =	simm.s32 $0x13F80  }
0x412: {  	[hbm4b:s5+s3] =	stream.linear.scatter [tilespmem:s6], [sflag:$0x4], $0x140, $0x38;
	[tilespmem:$0x14880] =	vst v63  }
0x413: {  	_ =	swait.ge [sflag:s23], $0x140  }
0x414: {  	[sflag:s23] =	ssyncset.done $0x0  }
0x415: {  	s24 =	simm.s32 $0x14100;
	s21 =	rddreg [dreg:$0xc];
	[sflag:s23] =	ssyncadd.s32 $0xFFFFFEC0  }
0x416: {  	[hbm4b:s21+s3] =	stream.linear.scatter [tilespmem:s24], [sflag:$0x4], $0x140, $0x38;
	[tilespmem:$0x14880] =	vst v63  }
0x417: {  	_ =	swait.ge [sflag:s23], $0x140  }
0x418: {  	[sflag:s23] =	ssyncset.done $0x0  }
0x419: {  	s25 =	rddreg [dreg:$0xd];
	[sflag:s23] =	ssyncadd.s32 $0xFFFFFEC0  }
0x41a: {  	[hbm4b:s25+s3] =	stream.linear.scatter [tilespmem:s18], [sflag:$0x4], $0x500, $0x38;
	[tilespmem:$0x14880] =	vst v63  }
0x41b: {  	_ =	swait.ge [sflag:s23], $0x500  }
0x41c: {  	[sflag:s23] =	ssyncset.done $0x0  }
0x41d: {  	s5 =	simm.s32 $0x3F40;
	[sflag:s23] =	ssyncadd.s32 $0xFFFFFB00  }
0x41e: {  	[tilespmem:s5+$0xFFFFFFC0] =	vst v1  }
0x41f: {  	[tilespmem:s5+$0x30] =	vst v1  }
0x420: {  	[tilespmem:s5+$0x20] =	vst v1  }
0x421: {  	[tilespmem:s5+$0x10] =	vst v1  }
0x422: {  	[tilespmem:s5+$0x0] =	vst v1  }
0x423: {  	[tilespmem:s5+$0xFFFFFFF0] =	vst v1  }
0x424: {  	s6 =	simm.s32 $0x0;
	[tilespmem:s5+$0xFFFFFFE0] =	vst v1  }
.LBB2_56:
0x425: {  	s6 =	sadd.s32 $0x8, s6;
	[tilespmem:s5+$0xFFFFFFD0] =	vst v1;
	s5 =	sadd.s32 $0x80, s5  }
0x426: {  	[tilespmem:s5+$0xFFFFFFC0] =	vst v1;
	p0 =	slt.u32 s6, $0x7F8  }
0x427: {  	[tilespmem:s5+$0x30] =	vst v1  }
.Ltmp29:
0x428: {  	[tilespmem:s5+$0x20] =	vst v1;
	(pc) =	sbr.rel @p0 .LBB2_56-.Ltmp29, $4  }
0x429: {  	[tilespmem:s5+$0x10] =	vst v1  }
0x42a: {  	[tilespmem:s5+$0x0] =	vst v1  }
0x42b: {  	[tilespmem:s5+$0xFFFFFFF0] =	vst v1  }
0x42c: {  	[tilespmem:s5+$0xFFFFFFE0] =	vst v1  }
0x42d: {  	[tilespmem:s5+$0xFFFFFFD0] =	vst v1  }
0x42e: {  	s20 =	simm.s32 $0x0;
	s5 =	rddreg [dreg:$0x8]  }
0x42f: {  	[tilespmem:s20], [sflag:$0x1] =	stream.linear.gather [hbm4b:s5+s20], $0x1F40, $0x38;
	[tilespmem:$0x14880] =	vst v63  }
0x430: {  	s25 =	rddreg [dreg:$0x9]  }
0x431: {  	[tilespmem:s26], [sflag:$0x2] =	stream.linear.gather [hbm4b:s25+s20], $0x1F40, $0x38;
	[tilespmem:$0x14880] =	vst v63  }
.LBB2_58:
0x432: {  	_ =	swait.ge [sflag:s28], $0x1F40  }
0x433: {  	[sflag:s28] =	ssyncset.done $0x0  }
0x434: {  	s5 =	simm.s32 $0x40;
	[sflag:s28] =	ssyncadd.s32 $0xFFFFE0C0  }
0x435: {  	v28 =	vld [tilespmem:s5+$0x30]  }
0x436: {  	v29 =	vld [tilespmem:s5+$0xFFFFFFD0]  }
0x437: {  	v30 =	vld [tilespmem:s5+$0xFFFFFFE0]  }
0x438: {  	v31 =	vld [tilespmem:s5+$0xFFFFFFF0]  }
0x439: {  	v32 =	vld [tilespmem:s5+$0x0]  }
0x43a: {  	v33 =	vld [tilespmem:s5+$0x10]  }
0x43b: {  	v36 =	vld [tilespmem:s5+$0x20];
	_ =	sdelay $0x2  }
0x43c: {  	v34 =	vshra.s32 v28, $0x1F;
	v35 =	vshra.s32 v29, $0x1F;
	v38 =	vshra.s32 v30, $0x1F  }
0x43d: {  	v57 =	vshra.s32 v31, $0x1F;
	v39 =	vshra.s32 v32, $0x1F;
	v41 =	vshra.s32 v33, $0x1F  }
0x43e: {  	v42 =	vshra.s32 v36, $0x1F;
	v34 =	vand.u32 $0x7FE00000, v34;
	v35 =	vand.u32 $0x7FE00000, v35  }
0x43f: {  	v56 =	vand.u32 $0x7FE00000, v38;
	v38 =	vand.u32 $0x7FE00000, v57;
	v39 =	vand.u32 $0x7FE00000, v39  }
0x440: {  	v41 =	vand.u32 $0x7FE00000, v41;
	v58 =	vand.u32 $0x7FE00000, v42;
	v28 =	vxor.u32 v28, v34  }
0x441: {  	v29 =	vxor.u32 v29, v35;
	v30 =	vxor.u32 v30, v56;
	v31 =	vxor.u32 v31, v38  }
0x442: {  	v32 =	vxor.u32 v32, v39;
	v33 =	vxor.u32 v33, v41;
	v59 =	vxor.u32 v36, v58  }
0x443: {  	v37 =	vld [tilespmem:s5+$0xFFFFFFC0];
	v28 =	vshra.s32 v28, $0x15;
	v29 =	vshra.s32 v29, $0x15;
	v30 =	vshra.s32 v30, $0x15  }
0x444: {  	v31 =	vshra.s32 v31, $0x15;
	v60 =	vshra.s32 v32, $0x15;
	v33 =	vshra.s32 v33, $0x15  }
0x445: {  	v63 =	vshra.s32 v59, $0x15;
	v40 =	vxor.u32 v0, v28;
	v28 =	vadd.s32 v2, v28  }
0x446: {  	v35 =	vxor.u32 v0, v29;
	v43 =	vadd.s32 v2, v29;
	v34 =	vxor.u32 v0, v30  }
0x447: {  	v38 =	vadd.s32 v2, v30;
	v28 =	vand.u32 $0xFFFFFF80, v28;
	v40 =	vand.u32 $0x7F, v40  }
0x448: {  	v32 =	vxor.u32 v0, v31;
	v40 =	vor.u32 v40, v28;
	v28 =	vshra.s32 v37, $0x1F  }
0x449: {  	v36 =	vadd.s32 v2, v31;
	v30 =	vxor.u32 v0, v60;
	v28 =	vand.u32 $0x7FE00000, v28  }
0x44a: {  	v29 =	vxor.u32 v0, v33;
	v33 =	vadd.s32 v2, v33;
	v28 =	vxor.u32 v37, v28  }
0x44b: {  	v31 =	vadd.s32 v2, v63;
	v39 =	vand.u32 $0xFFFFFF80, v43;
	v28 =	vshra.s32 v28, $0x15  }
0x44c: {  	v37 =	vadd.s32 v2, v60;
	v61 =	vxor.u32 v0, v28;
	v62 =	vadd.s32 v2, v28  }
0x44d: {  	s6 =	simm.s32 $0x0;
	s5 =	simm.s32 $0xC0;
	v28 =	vxor.u32 v0, v63;
	[tilespmem:v40+s29+$0x0] =	vst.idx.add.s32.msk $0xffff, v3;
	v40 =	vand.u32 $0xFFFFFF80, v62;
	v41 =	vand.u32 $0x7F, v61  }
.LBB2_59:
0x44e: {  	v42 =	vld [tilespmem:s5+$0x30];
	s6 =	sadd.s32 $0x8, s6;
	v35 =	vand.u32 $0x7F, v35;
	v38 =	vand.u32 $0xFFFFFF80, v38;
	v34 =	vand.u32 $0x7F, v34  }
0x44f: {  	v36 =	vand.u32 $0xFFFFFF80, v36;
	v32 =	vand.u32 $0x7F, v32;
	v37 =	vand.u32 $0xFFFFFF80, v37;
	v43 =	vld [tilespmem:s5+$0xFFFFFFD0];
	p0 =	slt.u32 s6, $0x1E8  }
0x450: {  	v30 =	vand.u32 $0x7F, v30;
	v33 =	vand.u32 $0xFFFFFF80, v33;
	v29 =	vand.u32 $0x7F, v29;
	v44 =	vld [tilespmem:s5+$0xFFFFFFE0]  }
0x451: {  	v40 =	vor.u32 v41, v40;
	v31 =	vand.u32 $0xFFFFFF80, v31;
	v28 =	vand.u32 $0x7F, v28;
	v45 =	vld [tilespmem:s5+$0xFFFFFFF0]  }
0x452: {  	v35 =	vor.u32 v35, v39;
	v34 =	vor.u32 v34, v38;
	v32 =	vor.u32 v32, v36;
	v41 =	vld [tilespmem:s5+$0x0]  }
0x453: {  	v30 =	vor.u32 v30, v37;
	v29 =	vor.u32 v29, v33;
	v36 =	vld [tilespmem:s5+$0x10];
	v38 =	vshra.s32 v42, $0x1F  }
0x454: {  	v28 =	vor.u32 v28, v31;
	v33 =	vshra.s32 v43, $0x1F;
	v37 =	vld [tilespmem:s5+$0x20];
	v38 =	vand.u32 $0x7FE00000, v38  }
0x455: {  	v31 =	vld [tilespmem:s5+$0xFFFFFFC0];
	v33 =	vand.u32 $0x7FE00000, v33;
	v39 =	vshra.s32 v44, $0x1F;
	v38 =	vxor.u32 v42, v38  }
0x456: {  	v39 =	vand.u32 $0x7FE00000, v39;
	v42 =	vshra.s32 v45, $0x1F;
	v38 =	vshra.s32 v38, $0x15;
	[tilespmem:v40+s29+$0x0] =	vst.idx.add.s32.msk $0xffff, v3  }
0x457: {  	v40 =	vshra.s32 v41, $0x1F;
	v46 =	vxor.u32 v0, v38;
	v38 =	vadd.s32 v2, v38;
	[tilespmem:v35+s29+$0x0] =	vst.idx.add.s32.msk $0xffff, v3  }
0x458: {  	v35 =	vshra.s32 v36, $0x1F;
	v38 =	vand.u32 $0xFFFFFF80, v38;
	v46 =	vand.u32 $0x7F, v46;
	[tilespmem:v34+s29+$0x0] =	vst.idx.add.s32.msk $0xffff, v3  }
0x459: {  	v34 =	vand.u32 $0x7FE00000, v42;
	v42 =	vshra.s32 v37, $0x1F;
	v38 =	vor.u32 v46, v38;
	[tilespmem:v32+s29+$0x0] =	vst.idx.add.s32.msk $0xffff, v3  }
0x45a: {  	v40 =	vand.u32 $0x7FE00000, v40;
	v35 =	vand.u32 $0x7FE00000, v35;
	v32 =	vshra.s32 v31, $0x1F;
	[tilespmem:v30+s29+$0x0] =	vst.idx.add.s32.msk $0xffff, v3  }
0x45b: {  	v30 =	vand.u32 $0x7FE00000, v32;
	v32 =	vxor.u32 v43, v33;
	v33 =	vand.u32 $0x7FE00000, v42;
	[tilespmem:v29+s29+$0x0] =	vst.idx.add.s32.msk $0xffff, v3  }
0x45c: {  	v29 =	vxor.u32 v31, v30;
	v30 =	vxor.u32 v44, v39;
	v31 =	vxor.u32 v45, v34  }
0x45d: {  	v35 =	vxor.u32 v36, v35;
	v34 =	vxor.u32 v41, v40;
	v33 =	vxor.u32 v37, v33  }
0x45e: {  	s10 =	simm.s32 $0x0;
	v32 =	vshra.s32 v32, $0x15;
	v29 =	vshra.s32 v29, $0x15;
	v30 =	vshra.s32 v30, $0x15;
	[tilespmem:v38+s29+$0x0] =	vst.idx.add.s32.msk $0xffff, v3  }
0x45f: {  	v39 =	vshra.s32 v35, $0x15;
	v31 =	vshra.s32 v31, $0x15;
	v37 =	vshra.s32 v34, $0x15;
	[tilespmem:v28+s29+$0x0] =	vst.idx.add.s32.msk $0xffff, v3  }
0x460: {  	v42 =	vshra.s32 v33, $0x15;
	v41 =	vxor.u32 v0, v29;
	v40 =	vadd.s32 v2, v29  }
.Ltmp30:
0x461: {  	v35 =	vxor.u32 v0, v32;
	v43 =	vadd.s32 v2, v32;
	v34 =	vxor.u32 v0, v30;
	(pc) =	sbr.rel @p0 .LBB2_59-.Ltmp30, $4  }
0x462: {  	v38 =	vadd.s32 v2, v30;
	v32 =	vxor.u32 v0, v31;
	v36 =	vadd.s32 v2, v31  }
0x463: {  	v30 =	vxor.u32 v0, v37;
	v37 =	vadd.s32 v2, v37;
	v29 =	vxor.u32 v0, v39  }
0x464: {  	v33 =	vadd.s32 v2, v39;
	v31 =	vadd.s32 v2, v42;
	v28 =	vxor.u32 v0, v42  }
0x465: {  	s5 =	sadd.s32 $0x80, s5;
	v39 =	vand.u32 $0xFFFFFF80, v43;
	v40 =	vand.u32 $0xFFFFFF80, v40;
	v41 =	vand.u32 $0x7F, v41  }
0x466: {  	v35 =	vand.u32 $0x7F, v35;
	v40 =	vor.u32 v41, v40  }
0x467: {  	v38 =	vand.u32 $0xFFFFFF80, v38;
	v34 =	vand.u32 $0x7F, v34;
	v35 =	vor.u32 v35, v39  }
0x468: {  	v36 =	vand.u32 $0xFFFFFF80, v36;
	v32 =	vand.u32 $0x7F, v32;
	v34 =	vor.u32 v34, v38  }
0x469: {  	v37 =	vand.u32 $0xFFFFFF80, v37;
	v30 =	vand.u32 $0x7F, v30;
	v32 =	vor.u32 v32, v36  }
0x46a: {  	v33 =	vand.u32 $0xFFFFFF80, v33;
	v29 =	vand.u32 $0x7F, v29;
	v30 =	vor.u32 v30, v37  }
0x46b: {  	v31 =	vand.u32 $0xFFFFFF80, v31;
	v28 =	vand.u32 $0x7F, v28;
	v29 =	vor.u32 v29, v33;
	[tilespmem:v40+s29+$0x0] =	vst.idx.add.s32.msk $0xffff, v3  }
0x46c: {  	v28 =	vor.u32 v28, v31;
	[tilespmem:v35+s29+$0x0] =	vst.idx.add.s32.msk $0xffff, v3  }
0x46d: {  	[tilespmem:v34+s29+$0x0] =	vst.idx.add.s32.msk $0xffff, v3  }
0x46e: {  	[tilespmem:v32+s29+$0x0] =	vst.idx.add.s32.msk $0xffff, v3  }
0x46f: {  	[tilespmem:v30+s29+$0x0] =	vst.idx.add.s32.msk $0xffff, v3  }
0x470: {  	[tilespmem:v29+s29+$0x0] =	vst.idx.add.s32.msk $0xffff, v3  }
0x471: {  	[tilespmem:v28+s29+$0x0] =	vst.idx.add.s32.msk $0xffff, v3  }
.LBB2_61:
0x472: {  	s5 =	sshra.s32 s10, $0x2  }
0x473: {  	v28 =	vld [tilespmem:s5+$0x1F00];
	_ =	sdelay $0x4  }
0x474: {  	v29 =	vshra.s32 v28, $0x1F  }
0x475: {  	v29 =	vand.u32 $0x7FE00000, v29  }
0x476: {  	v28 =	vxor.u32 v28, v29  }
0x477: {  	v28 =	vshra.s32 v28, $0x15  }
0x478: {  	v29 =	vxor.u32 v0, v28;
	v28 =	vadd.s32 v2, v28  }
0x479: {  	v28 =	vand.u32 $0xFFFFFF80, v28;
	v29 =	vand.u32 $0x7F, v29  }
0x47a: {  	p0 =	sne.s32 s10, $0xC0;
	v28 =	vor.u32 v29, v28  }
.Ltmp31:
0x47b: {  	_ = 	snop;
	(pc) =	sbr.rel @p0 .LBB2_61-.Ltmp31, $2  }
0x47c: {  	_ =	sdelay $0x2  }
0x47d: {  	s10 =	sadd.s32 $0x40, s10;
	[tilespmem:v28+s29+$0x0] =	vst.idx.add.s32.msk $0xffff, v3  }
0x47e: {  	p0 =	seq.s32 s20, $0x18  }
0x47f: {  	s5 =	smul.u32 @!p0 $0x3E80, s20;
	_ =	sdelay $0x1  }
0x480: {  	s5 =	sadd.s32 @!p0 s5, s12  }
0x481: {  	s5 =	sshrl.u32 @!p0 s5, $0x3  }
0x482: {  	s6 =	simm.s32 @!p0 $0x0;
	s5 =	sadd.s32 @!p0 s4, s5  }
0x483: {  	[tilespmem:s6], [sflag:$0x1] =	stream.linear.gather @!p0 [hbm4b:s5+s6], $0x1F40, $0x38;
	[tilespmem:$0x14880] =	vst v63  }
0x484: {  	_ =	swait.ge [sflag:s30], $0x1F40  }
0x485: {  	[sflag:s30] =	ssyncset.done $0x0  }
0x486: {  	s25 =	simm.s32 $0x1FC0;
	[sflag:s30] =	ssyncadd.s32 $0xFFFFE0C0  }
0x487: {  	v28 =	vld [tilespmem:s25+$0x30]  }
0x488: {  	v29 =	vld [tilespmem:s25+$0xFFFFFFD0]  }
0x489: {  	v30 =	vld [tilespmem:s25+$0xFFFFFFE0]  }
0x48a: {  	v31 =	vld [tilespmem:s25+$0xFFFFFFF0]  }
0x48b: {  	v32 =	vld [tilespmem:s25+$0x0]  }
0x48c: {  	v33 =	vld [tilespmem:s25+$0x10]  }
0x48d: {  	v36 =	vld [tilespmem:s25+$0x20];
	_ =	sdelay $0x2  }
0x48e: {  	v34 =	vshra.s32 v28, $0x1F;
	v35 =	vshra.s32 v29, $0x1F;
	v38 =	vshra.s32 v30, $0x1F  }
0x48f: {  	v57 =	vshra.s32 v31, $0x1F;
	v39 =	vshra.s32 v32, $0x1F;
	v41 =	vshra.s32 v33, $0x1F  }
0x490: {  	v42 =	vshra.s32 v36, $0x1F;
	v34 =	vand.u32 $0x7FE00000, v34;
	v35 =	vand.u32 $0x7FE00000, v35  }
0x491: {  	v56 =	vand.u32 $0x7FE00000, v38;
	v38 =	vand.u32 $0x7FE00000, v57;
	v39 =	vand.u32 $0x7FE00000, v39  }
0x492: {  	v41 =	vand.u32 $0x7FE00000, v41;
	v58 =	vand.u32 $0x7FE00000, v42;
	v28 =	vxor.u32 v28, v34  }
0x493: {  	v29 =	vxor.u32 v29, v35;
	v30 =	vxor.u32 v30, v56;
	v31 =	vxor.u32 v31, v38  }
0x494: {  	v32 =	vxor.u32 v32, v39;
	v33 =	vxor.u32 v33, v41;
	v59 =	vxor.u32 v36, v58  }
0x495: {  	v37 =	vld [tilespmem:s25+$0xFFFFFFC0];
	v28 =	vshra.s32 v28, $0x15;
	v29 =	vshra.s32 v29, $0x15;
	v30 =	vshra.s32 v30, $0x15  }
0x496: {  	v31 =	vshra.s32 v31, $0x15;
	v60 =	vshra.s32 v32, $0x15;
	v33 =	vshra.s32 v33, $0x15  }
0x497: {  	v63 =	vshra.s32 v59, $0x15;
	v40 =	vxor.u32 v0, v28;
	v28 =	vadd.s32 v2, v28  }
0x498: {  	v35 =	vxor.u32 v0, v29;
	v43 =	vadd.s32 v2, v29;
	v34 =	vxor.u32 v0, v30  }
0x499: {  	v38 =	vadd.s32 v2, v30;
	v28 =	vand.u32 $0xFFFFFF80, v28;
	v40 =	vand.u32 $0x7F, v40  }
0x49a: {  	v32 =	vxor.u32 v0, v31;
	v40 =	vor.u32 v40, v28;
	v28 =	vshra.s32 v37, $0x1F  }
0x49b: {  	v36 =	vadd.s32 v2, v31;
	v30 =	vxor.u32 v0, v60;
	v28 =	vand.u32 $0x7FE00000, v28  }
0x49c: {  	v29 =	vxor.u32 v0, v33;
	v33 =	vadd.s32 v2, v33;
	v28 =	vxor.u32 v37, v28  }
0x49d: {  	v31 =	vadd.s32 v2, v63;
	v39 =	vand.u32 $0xFFFFFF80, v43;
	v28 =	vshra.s32 v28, $0x15  }
0x49e: {  	v37 =	vadd.s32 v2, v60;
	v61 =	vxor.u32 v0, v28;
	v62 =	vadd.s32 v2, v28  }
0x49f: {  	s6 =	simm.s32 $0x0;
	s5 =	simm.s32 $0x2040;
	v28 =	vxor.u32 v0, v63;
	[tilespmem:v40+s29+$0x0] =	vst.idx.add.s32.msk $0xffff, v3;
	v40 =	vand.u32 $0xFFFFFF80, v62;
	v41 =	vand.u32 $0x7F, v61  }
.LBB2_63:
0x4a0: {  	v42 =	vld [tilespmem:s5+$0x30];
	s6 =	sadd.s32 $0x8, s6;
	v35 =	vand.u32 $0x7F, v35;
	v38 =	vand.u32 $0xFFFFFF80, v38;
	v34 =	vand.u32 $0x7F, v34  }
0x4a1: {  	v36 =	vand.u32 $0xFFFFFF80, v36;
	v32 =	vand.u32 $0x7F, v32;
	v37 =	vand.u32 $0xFFFFFF80, v37;
	v43 =	vld [tilespmem:s5+$0xFFFFFFD0];
	p1 =	slt.u32 s6, $0x1E8  }
0x4a2: {  	v30 =	vand.u32 $0x7F, v30;
	v33 =	vand.u32 $0xFFFFFF80, v33;
	v29 =	vand.u32 $0x7F, v29;
	v44 =	vld [tilespmem:s5+$0xFFFFFFE0]  }
0x4a3: {  	v40 =	vor.u32 v41, v40;
	v31 =	vand.u32 $0xFFFFFF80, v31;
	v28 =	vand.u32 $0x7F, v28;
	v45 =	vld [tilespmem:s5+$0xFFFFFFF0]  }
0x4a4: {  	v35 =	vor.u32 v35, v39;
	v34 =	vor.u32 v34, v38;
	v32 =	vor.u32 v32, v36;
	v41 =	vld [tilespmem:s5+$0x0]  }
0x4a5: {  	v30 =	vor.u32 v30, v37;
	v29 =	vor.u32 v29, v33;
	v36 =	vld [tilespmem:s5+$0x10];
	v38 =	vshra.s32 v42, $0x1F  }
0x4a6: {  	v28 =	vor.u32 v28, v31;
	v33 =	vshra.s32 v43, $0x1F;
	v37 =	vld [tilespmem:s5+$0x20];
	v38 =	vand.u32 $0x7FE00000, v38  }
0x4a7: {  	v31 =	vld [tilespmem:s5+$0xFFFFFFC0];
	v33 =	vand.u32 $0x7FE00000, v33;
	v39 =	vshra.s32 v44, $0x1F;
	v38 =	vxor.u32 v42, v38  }
0x4a8: {  	v39 =	vand.u32 $0x7FE00000, v39;
	v42 =	vshra.s32 v45, $0x1F;
	v38 =	vshra.s32 v38, $0x15;
	[tilespmem:v40+s29+$0x0] =	vst.idx.add.s32.msk $0xffff, v3  }
0x4a9: {  	v40 =	vshra.s32 v41, $0x1F;
	v46 =	vxor.u32 v0, v38;
	v38 =	vadd.s32 v2, v38;
	[tilespmem:v35+s29+$0x0] =	vst.idx.add.s32.msk $0xffff, v3  }
0x4aa: {  	v35 =	vshra.s32 v36, $0x1F;
	v38 =	vand.u32 $0xFFFFFF80, v38;
	v46 =	vand.u32 $0x7F, v46;
	[tilespmem:v34+s29+$0x0] =	vst.idx.add.s32.msk $0xffff, v3  }
0x4ab: {  	v34 =	vand.u32 $0x7FE00000, v42;
	v42 =	vshra.s32 v37, $0x1F;
	v38 =	vor.u32 v46, v38;
	[tilespmem:v32+s29+$0x0] =	vst.idx.add.s32.msk $0xffff, v3  }
0x4ac: {  	v40 =	vand.u32 $0x7FE00000, v40;
	v35 =	vand.u32 $0x7FE00000, v35;
	v32 =	vshra.s32 v31, $0x1F;
	[tilespmem:v30+s29+$0x0] =	vst.idx.add.s32.msk $0xffff, v3  }
0x4ad: {  	v30 =	vand.u32 $0x7FE00000, v32;
	v32 =	vxor.u32 v43, v33;
	v33 =	vand.u32 $0x7FE00000, v42;
	[tilespmem:v29+s29+$0x0] =	vst.idx.add.s32.msk $0xffff, v3  }
0x4ae: {  	v29 =	vxor.u32 v31, v30;
	v30 =	vxor.u32 v44, v39;
	v31 =	vxor.u32 v45, v34  }
0x4af: {  	v35 =	vxor.u32 v36, v35;
	v34 =	vxor.u32 v41, v40;
	v33 =	vxor.u32 v37, v33  }
0x4b0: {  	s10 =	simm.s32 $0x0;
	v32 =	vshra.s32 v32, $0x15;
	v29 =	vshra.s32 v29, $0x15;
	v30 =	vshra.s32 v30, $0x15;
	[tilespmem:v38+s29+$0x0] =	vst.idx.add.s32.msk $0xffff, v3  }
0x4b1: {  	v39 =	vshra.s32 v35, $0x15;
	v31 =	vshra.s32 v31, $0x15;
	v37 =	vshra.s32 v34, $0x15;
	[tilespmem:v28+s29+$0x0] =	vst.idx.add.s32.msk $0xffff, v3  }
0x4b2: {  	v42 =	vshra.s32 v33, $0x15;
	v41 =	vxor.u32 v0, v29;
	v40 =	vadd.s32 v2, v29  }
.Ltmp32:
0x4b3: {  	v35 =	vxor.u32 v0, v32;
	v43 =	vadd.s32 v2, v32;
	v34 =	vxor.u32 v0, v30;
	(pc) =	sbr.rel @p1 .LBB2_63-.Ltmp32, $4  }
0x4b4: {  	v38 =	vadd.s32 v2, v30;
	v32 =	vxor.u32 v0, v31;
	v36 =	vadd.s32 v2, v31  }
0x4b5: {  	v30 =	vxor.u32 v0, v37;
	v37 =	vadd.s32 v2, v37;
	v29 =	vxor.u32 v0, v39  }
0x4b6: {  	v33 =	vadd.s32 v2, v39;
	v31 =	vadd.s32 v2, v42;
	v28 =	vxor.u32 v0, v42  }
0x4b7: {  	s5 =	sadd.s32 $0x80, s5;
	v39 =	vand.u32 $0xFFFFFF80, v43;
	v40 =	vand.u32 $0xFFFFFF80, v40;
	v41 =	vand.u32 $0x7F, v41  }
0x4b8: {  	v35 =	vand.u32 $0x7F, v35;
	v40 =	vor.u32 v41, v40  }
0x4b9: {  	v38 =	vand.u32 $0xFFFFFF80, v38;
	v34 =	vand.u32 $0x7F, v34;
	v35 =	vor.u32 v35, v39  }
0x4ba: {  	v36 =	vand.u32 $0xFFFFFF80, v36;
	v32 =	vand.u32 $0x7F, v32;
	v34 =	vor.u32 v34, v38  }
0x4bb: {  	v37 =	vand.u32 $0xFFFFFF80, v37;
	v30 =	vand.u32 $0x7F, v30;
	v32 =	vor.u32 v32, v36  }
0x4bc: {  	v33 =	vand.u32 $0xFFFFFF80, v33;
	v29 =	vand.u32 $0x7F, v29;
	v30 =	vor.u32 v30, v37  }
0x4bd: {  	v31 =	vand.u32 $0xFFFFFF80, v31;
	v28 =	vand.u32 $0x7F, v28;
	v29 =	vor.u32 v29, v33;
	[tilespmem:v40+s29+$0x0] =	vst.idx.add.s32.msk $0xffff, v3  }
0x4be: {  	v28 =	vor.u32 v28, v31;
	[tilespmem:v35+s29+$0x0] =	vst.idx.add.s32.msk $0xffff, v3  }
0x4bf: {  	[tilespmem:v34+s29+$0x0] =	vst.idx.add.s32.msk $0xffff, v3  }
0x4c0: {  	[tilespmem:v32+s29+$0x0] =	vst.idx.add.s32.msk $0xffff, v3  }
0x4c1: {  	[tilespmem:v30+s29+$0x0] =	vst.idx.add.s32.msk $0xffff, v3  }
0x4c2: {  	[tilespmem:v29+s29+$0x0] =	vst.idx.add.s32.msk $0xffff, v3  }
0x4c3: {  	[tilespmem:v28+s29+$0x0] =	vst.idx.add.s32.msk $0xffff, v3  }
.LBB2_65:
0x4c4: {  	s5 =	sshra.s32 s10, $0x2  }
0x4c5: {  	v28 =	vld [tilespmem:s5+$0x3E80];
	_ =	sdelay $0x4  }
0x4c6: {  	v29 =	vshra.s32 v28, $0x1F  }
0x4c7: {  	v29 =	vand.u32 $0x7FE00000, v29  }
0x4c8: {  	v28 =	vxor.u32 v28, v29  }
0x4c9: {  	v28 =	vshra.s32 v28, $0x15  }
0x4ca: {  	v29 =	vxor.u32 v0, v28;
	v28 =	vadd.s32 v2, v28  }
0x4cb: {  	v28 =	vand.u32 $0xFFFFFF80, v28;
	v29 =	vand.u32 $0x7F, v29  }
0x4cc: {  	p1 =	sne.s32 s10, $0xC0;
	v28 =	vor.u32 v29, v28  }
.Ltmp33:
0x4cd: {  	_ = 	snop;
	(pc) =	sbr.rel @p1 .LBB2_65-.Ltmp33, $2  }
0x4ce: {  	_ =	sdelay $0x2  }
0x4cf: {  	s10 =	sadd.s32 $0x40, s10;
	[tilespmem:v28+s29+$0x0] =	vst.idx.add.s32.msk $0xffff, v3  }
.Ltmp34:
0x4d0: {  	(pc) =	sbr.rel @p0 .LBB2_67-.Ltmp34, $1  }
0x4d1: {  	_ =	sdelay $0x3  }
0x4d2: {  	s5 =	smul.u32 $0x3E80, s20  }
.Ltmp35:
0x4d3: {  	_ = 	snop;
	(pc) =	sbr.rel .LBB2_58-.Ltmp35, $4  }
0x4d4: {  	s5 =	sadd.s32 s5, s13  }
0x4d5: {  	s5 =	sshrl.u32 s5, $0x3  }
0x4d6: {  	s20 =	sadd.s32 $0x1, s20;
	s5 =	sadd.s32 s4, s5  }
0x4d7: {  	[tilespmem:s26], [sflag:$0x2] =	stream.linear.gather [hbm4b:s5+s3], $0x1F40, $0x38;
	[tilespmem:$0x14880] =	vst v63  }
.LBB2_67:
0x4d8: {  	s6 =	simm.s32 $0x0  }
0x4d9: {  	v28 =	vld [tilespmem:s6+$0x46F0]  }
0x4da: {  	v29 =	vld [tilespmem:s6+$0x4EF0]  }
0x4db: {  	v30 =	vld [tilespmem:s6+$0x56F0]  }
0x4dc: {  	v31 =	vld [tilespmem:s6+$0x5EF0]  }
0x4dd: {  	v32 =	vld [tilespmem:s6+$0x66F0]  }
0x4de: {  	v33 =	vld [tilespmem:s6+$0x6EF0]  }
0x4df: {  	v34 =	vld [tilespmem:s6+$0x76F0];
	v29 =	vperm.xlane v29, v4  }
0x4e0: {  	v35 =	vld [tilespmem:s6+$0x7EF0];
	v30 =	vperm.xlane v30, v5  }
0x4e1: {  	v28 =	vadd.s32 v28, v29;
	v29 =	vperm.xlane v31, v6;
	v31 =	vld [tilespmem:s6+$0x86F0]  }
0x4e2: {  	v53 =	vld [tilespmem:s6+$0x8EF0];
	v28 =	vadd.s32 v30, v28;
	v30 =	vperm.xlane v32, v7  }
0x4e3: {  	v54 =	vld [tilespmem:s6+$0x96F0];
	v28 =	vadd.s32 v29, v28;
	v29 =	vperm.xlane v33, v12  }
0x4e4: {  	v55 =	vld [tilespmem:s6+$0x9EF0];
	v28 =	vadd.s32 v30, v28;
	v30 =	vperm.xlane v34, v14  }
0x4e5: {  	v56 =	vld [tilespmem:s6+$0xA6F0];
	v28 =	vadd.s32 v29, v28;
	v29 =	vperm.xlane v35, v13  }
0x4e6: {  	v28 =	vadd.s32 v30, v28;
	v30 =	vperm.xlane v31, v15;
	v31 =	vld [tilespmem:s6+$0xAEF0]  }
0x4e7: {  	v57 =	vld [tilespmem:s6+$0xB6F0];
	v28 =	vadd.s32 v29, v28;
	v29 =	vperm.xlane v53, v16  }
0x4e8: {  	s10 =	simm.s32 $0xFFFFFFF0;
	v58 =	vld [tilespmem:s6+$0xBEF0];
	v28 =	vadd.s32 v30, v28;
	v30 =	vperm.xlane v54, v17  }
0x4e9: {  	v36 =	vld [tilespmem:s10+$0x46F0];
	v28 =	vadd.s32 v29, v28;
	v29 =	vperm.xlane v55, v18  }
0x4ea: {  	v59 =	vld [tilespmem:s10+$0x4EF0];
	v28 =	vadd.s32 v30, v28;
	v30 =	vperm.xlane v56, v19  }
0x4eb: {  	v60 =	vld [tilespmem:s10+$0x56F0];
	v28 =	vadd.s32 v29, v28;
	v29 =	vperm.xlane v31, v22  }
0x4ec: {  	v31 =	vld [tilespmem:s10+$0x5EF0];
	v28 =	vadd.s32 v30, v28;
	v30 =	vperm.xlane v57, v23  }
0x4ed: {  	v61 =	vld [tilespmem:s10+$0x66F0];
	v28 =	vadd.s32 v29, v28;
	v29 =	vperm.xlane v58, v26  }
0x4ee: {  	v62 =	vld [tilespmem:s10+$0x6EF0];
	v28 =	vadd.s32 v30, v28  }
0x4ef: {  	v63 =	vld [tilespmem:s10+$0x76F0];
	v30 =	vperm.xlane v59, v4;
	v28 =	vadd.s32 v29, v28  }
0x4f0: {  	v40 =	vld [tilespmem:s10+$0x7EF0];
	v29 =	vperm.xlane v60, v5;
	v28 =	vperm.xlane v28, v26  }
0x4f1: {  	v41 =	vld [tilespmem:s10+$0x86F0];
	v30 =	vadd.s32 v36, v30;
	v31 =	vperm.xlane v31, v6  }
0x4f2: {  	v42 =	vld [tilespmem:s10+$0x8EF0];
	v29 =	vadd.s32 v29, v30;
	v30 =	vperm.xlane v61, v7;
	(xrf0) =	vadd.scan.msk.s32 $0xffff, v28  }
0x4f3: {  	v28 =	vadd.s32 v31, v29;
	v29 =	vperm.xlane v62, v12;
	v31 =	vld [tilespmem:s10+$0x96F0]  }
0x4f4: {  	v43 =	vld [tilespmem:s10+$0x9EF0];
	v28 =	vadd.s32 v30, v28;
	v30 =	vperm.xlane v63, v14  }
0x4f5: {  	v44 =	vld [tilespmem:s10+$0xA6F0];
	v28 =	vadd.s32 v29, v28;
	v29 =	vperm.xlane v40, v13  }
0x4f6: {  	v45 =	vld [tilespmem:s10+$0xAEF0];
	v28 =	vadd.s32 v30, v28;
	v30 =	vperm.xlane v41, v15  }
0x4f7: {  	s5 =	simm.s32 $0x7FF;
	v46 =	vld [tilespmem:s10+$0xB6F0];
	v28 =	vadd.s32 v29, v28;
	v29 =	vperm.xlane v42, v16  }
0x4f8: {  	s11 =	simm.s32 $0xFFFFFFE0;
	v48 =	vadd.s32 s5, v21;
	v28 =	vadd.s32 v30, v28;
	v30 =	vperm.xlane v31, v17;
	v31 =	vld [tilespmem:s10+$0xBEF0];
	v47, _, _ =	vpop (xrf0)  }
0x4f9: {  	v37 =	vld [tilespmem:s11+$0x46F0];
	v28 =	vadd.s32 v29, v28;
	v29 =	vperm.xlane v43, v18;
	(v2sf) =	vpush v47, $0xF  }
0x4fa: {  	s20 =	simm.s32 $0x0;
	v38 =	vld [tilespmem:s11+$0x4EF0];
	v33 =	vxor.u32 $0x80000000, v48;
	v28 =	vadd.s32 v30, v28;
	v30 =	vperm.xlane v44, v19  }
0x4fb: {  	v49 =	vld [tilespmem:s11+$0x56F0];
	v50 =	vadd.s32 s20, v47;
	v28 =	vadd.s32 v29, v28;
	v29 =	vperm.xlane v45, v22  }
0x4fc: {  	v51 =	vld [tilespmem:s11+$0x5EF0];
	vm0 =	vgt.s32 v50, $0x12C;
	v28 =	vadd.s32 v30, v28;
	v30 =	vperm.xlane v46, v23  }
0x4fd: {  	v52 =	vld [tilespmem:s11+$0x66F0];
	v28 =	vadd.s32 v29, v28;
	v29 =	vperm.xlane v31, v26;
	v31 =	vnsel vm0, $0x7FFFFFFF, v33  }
0x4fe: {  	v53 =	vld [tilespmem:s11+$0x6EF0];
	v28 =	vadd.s32 v30, v28;
	(xrf0) =	vmax.scan.msk.u32 $0xffff, v31  }
0x4ff: {  	v30 =	vperm.xlane v38, v4;
	v31 =	vld [tilespmem:s11+$0x76F0];
	v28 =	vadd.s32 v29, v28  }
0x500: {  	v54 =	vld [tilespmem:s11+$0x7EF0];
	v29 =	vperm.xlane v49, v5;
	v28 =	vperm.xlane v28, v26  }
0x501: {  	v55 =	vperm.xlane v51, v6;
	v56 =	vld [tilespmem:s11+$0x86F0];
	v30 =	vadd.s32 v37, v30  }
0x502: {  	v57 =	vld [tilespmem:s11+$0x8EF0];
	v29 =	vadd.s32 v29, v30;
	v30 =	vperm.xlane v52, v7;
	(xrf0) =	vadd.scan.msk.s32 $0xffff, v28  }
0x503: {  	v58 =	vld [tilespmem:s11+$0x96F0];
	v28 =	vadd.s32 v55, v29;
	v29 =	vperm.xlane v53, v12  }
0x504: {  	v59 =	vld [tilespmem:s11+$0x9EF0];
	v28 =	vadd.s32 v30, v28;
	v30 =	vperm.xlane v31, v14;
	v31, _, _ =	vpop (xrf0)  }
0x505: {  	s25 =	simm.s32 $0xFFFFFFD0;
	v34 =	vperm.xlane v54, v13;
	v60 =	vld [tilespmem:s11+$0xA6F0];
	v28 =	vadd.s32 v29, v28;
	(v2sf) =	vpush v31, $0xF  }
0x506: {  	s24 =	simm.s32 $0x7EF;
	v33 =	vld [tilespmem:s25+$0x4EF0];
	v28 =	vadd.s32 v30, v28;
	v31 =	vperm.xlane v56, v15  }
0x507: {  	v61 =	vperm.xlane v57, v16;
	v62 =	vadd.s32 s24, v21;
	v29 =	vld [tilespmem:s11+$0xAEF0];
	v28 =	vadd.s32 v34, v28  }
0x508: {  	v63 =	vperm.xlane v58, v17;
	v32 =	vxor.u32 $0x80000000, v62;
	v30 =	vld [tilespmem:s11+$0xB6F0];
	v36 =	vadd.s32 v31, v28;
	v39, _, _ =	vpop (xrf0);
	s17 =	spop (v2sf)  }
0x509: {  	v34 =	vperm.xlane v59, v18;
	v31 =	vld [tilespmem:s11+$0xBEF0];
	v36 =	vadd.s32 v61, v36;
	(v2sf) =	vpush v39, $0xF;
	s6 =	sadd.s32 $0x0, s17  }
0x50a: {  	s21 =	simm.s32 $0xFFFFFFFF;
	s5 =	simm.s32 $0xFFFFFF00;
	v28 =	vld [tilespmem:s25+$0x46F0];
	v37 =	vadd.s32 v63, v36;
	v36 =	vperm.xlane v60, v19;
	v35 =	vadd.s32 s6, v39  }
.LBB2_68:
0x50b: {  	s10 =	smov.u32 s21  }
0x50c: {  	p0 =	sne.s32 s5, $0xFFFFE040;
	v34 =	vadd.s32 v34, v37;
	v29 =	vperm.xlane v29, v22;
	vm0 =	vgt.s32 v35, $0x12C;
	v38 =	vld [tilespmem:s25+$0x56F0]  }
0x50d: {  	v34 =	vadd.s32 v36, v34;
	v30 =	vperm.xlane v30, v23;
	v32 =	vnsel vm0, $0x7FFFFFFF, v32;
	v35 =	vld [tilespmem:s25+$0x5EF0]  }
0x50e: {  	v29 =	vadd.s32 v29, v34;
	v31 =	vperm.xlane v31, v26;
	v36 =	vld [tilespmem:s25+$0x66F0];
	(xrf0) =	vmax.scan.msk.u32 $0xffff, v32  }
0x50f: {  	v29 =	vadd.s32 v30, v29;
	v32 =	vld [tilespmem:s25+$0x6EF0]  }
0x510: {  	v30 =	vperm.xlane v33, v4;
	v29 =	vadd.s32 v31, v29;
	v33 =	vld [tilespmem:s25+$0x76F0]  }
0x511: {  	v29 =	vperm.xlane v29, v26;
	v31 =	vperm.xlane v38, v5;
	v34 =	vld [tilespmem:s25+$0x7EF0]  }
0x512: {  	v28 =	vadd.s32 v28, v30;
	v37 =	vperm.xlane v35, v6;
	v35 =	vld [tilespmem:s25+$0x86F0]  }
0x513: {  	v28 =	vadd.s32 v31, v28;
	v31 =	vperm.xlane v36, v7;
	v36 =	vld [tilespmem:s25+$0x8EF0];
	(xrf0) =	vadd.scan.msk.s32 $0xffff, v29  }
0x514: {  	v28 =	vadd.s32 v37, v28;
	v29 =	vperm.xlane v32, v12;
	v32 =	vld [tilespmem:s25+$0x96F0];
	v30, _, _ =	vpop (xrf0);
	s11 =	spop (v2sf)  }
0x515: {  	v28 =	vadd.s32 v31, v28;
	v31 =	vperm.xlane v33, v14;
	v33 =	vld [tilespmem:s25+$0x9EF0];
	(v2sf) =	vpush v30, $0xF;
	s21 =	sxor.u32 $0x80000000, s11  }
0x516: {  	v28 =	vadd.s32 v29, v28;
	v30 =	vperm.xlane v34, v13;
	v38 =	vld [tilespmem:s25+$0xA6F0];
	p1 =	sgt.s32 s10, s21  }
.Ltmp36:
0x517: {  	s24 =	sadd.s32 $0xFFFFFFF0, s24;
	v28 =	vadd.s32 v31, v28;
	v31 =	vperm.xlane v35, v15;
	v29 =	vld [tilespmem:s25+$0xAEF0];
	s21 =	smov.u32 @p1 s10;
	(pc) =	sbr.rel @p0 .LBB2_68-.Ltmp36, $4  }
0x518: {  	v39 =	vadd.s32 s24, v21;
	v28 =	vadd.s32 v30, v28;
	v34 =	vperm.xlane v36, v16;
	v30 =	vld [tilespmem:s25+$0xB6F0]  }
0x519: {  	v36 =	vadd.s32 v31, v28;
	v37 =	vperm.xlane v32, v17;
	v31 =	vld [tilespmem:s25+$0xBEF0];
	s25 =	sshra.s32 s5, $0x2;
	v32 =	vxor.u32 $0x80000000, v39;
	v35, _, _ =	vpop (xrf0);
	s10 =	spop (v2sf)  }
0x51a: {  	v28 =	vld [tilespmem:s25+$0x46F0];
	v36 =	vadd.s32 v34, v36;
	v34 =	vperm.xlane v33, v18;
	(v2sf) =	vpush v35, $0xF;
	s6 =	sadd.s32 s6, s10  }
0x51b: {  	s5 =	sadd.s32 $0xFFFFFFC0, s5;
	v33 =	vld [tilespmem:s25+$0x4EF0];
	v37 =	vadd.s32 v37, v36;
	v36 =	vperm.xlane v38, v19;
	v35 =	vadd.s32 s6, v35  }
0x51c: {  	v34 =	vadd.s32 v34, v37;
	v29 =	vperm.xlane v29, v22  }
0x51d: {  	v40 =	vld [tilespmem:s25+$0x56F0];
	v34 =	vadd.s32 v36, v34;
	v30 =	vperm.xlane v30, v23  }
0x51e: {  	v41 =	vld [tilespmem:s25+$0x5EF0];
	v29 =	vadd.s32 v29, v34;
	v31 =	vperm.xlane v31, v26  }
0x51f: {  	v42 =	vld [tilespmem:s25+$0x66F0];
	v29 =	vadd.s32 v30, v29  }
0x520: {  	vm0 =	vgt.s32 v35, $0x12C;
	v43 =	vld [tilespmem:s25+$0x6EF0];
	v29 =	vadd.s32 v31, v29  }
0x521: {  	v46 =	vld [tilespmem:s25+$0x76F0];
	v44 =	vnsel vm0, $0x7FFFFFFF, v32;
	v45 =	vperm.xlane v33, v4;
	v29 =	vperm.xlane v29, v26  }
0x522: {  	v48 =	vld [tilespmem:s25+$0x7EF0];
	(xrf0) =	vmax.scan.msk.u32 $0xffff, v44;
	v47 =	vperm.xlane v40, v5  }
0x523: {  	v50 =	vld [tilespmem:s25+$0x86F0];
	v49 =	vperm.xlane v41, v6;
	v28 =	vadd.s32 v28, v45;
	(xrf0) =	vadd.scan.msk.s32 $0xffff, v29  }
0x524: {  	v51 =	vld [tilespmem:s25+$0x8EF0];
	v28 =	vadd.s32 v47, v28;
	v29 =	vperm.xlane v42, v7  }
0x525: {  	v52 =	vld [tilespmem:s25+$0x96F0];
	v30 =	vperm.xlane v43, v12;
	v28 =	vadd.s32 v49, v28  }
0x526: {  	v53 =	vld [tilespmem:s25+$0x9EF0];
	v28 =	vadd.s32 v29, v28;
	v29 =	vperm.xlane v46, v14  }
0x527: {  	v55 =	vld [tilespmem:s25+$0xA6F0];
	v54 =	vperm.xlane v48, v13;
	v28 =	vadd.s32 v30, v28  }
0x528: {  	v57 =	vld [tilespmem:s25+$0xAEF0];
	v56, _, _ =	vpop (xrf0);
	v28 =	vadd.s32 v29, v28;
	v29 =	vperm.xlane v50, v15  }
0x529: {  	v59 =	vld [tilespmem:s25+$0xB6F0];
	v58 =	vperm.xlane v51, v16;
	(v2sf) =	vpush v56, $0xF;
	v28 =	vadd.s32 v54, v28;
	v60, _, _ =	vpop (xrf0)  }
0x52a: {  	v61 =	vld [tilespmem:s25+$0xBEF0];
	v28 =	vadd.s32 v29, v28;
	v29 =	vperm.xlane v52, v17;
	(v2sf) =	vpush v60, $0xF  }
0x52b: {  	v62 =	vperm.xlane v53, v18;
	v28 =	vadd.s32 v58, v28  }
0x52c: {  	v28 =	vadd.s32 v29, v28;
	v29 =	vperm.xlane v55, v19  }
0x52d: {  	v22 =	vperm.xlane v57, v22;
	s5 =	spop (v2sf);
	v28 =	vadd.s32 v62, v28  }
0x52e: {  	v23 =	vperm.xlane v59, v23;
	s10 =	spop (v2sf);
	v28 =	vadd.s32 v29, v28  }
0x52f: {  	s11 =	sadd.s32 $0xFFFFFFF0, s24;
	s6 =	sadd.s32 s6, s10;
	v22 =	vadd.s32 v22, v28;
	v28 =	vperm.xlane v61, v26  }
0x530: {  	v63 =	vadd.s32 s6, v60;
	v29 =	vadd.s32 s11, v21;
	v22 =	vadd.s32 v23, v22  }
0x531: {  	vm14 =	vgt.s32 v63, $0x12C;
	v23 =	vxor.u32 $0x80000000, v29;
	v22 =	vadd.s32 v28, v22  }
0x532: {  	v23 =	vnsel vm14, $0x7FFFFFFF, v23;
	v22 =	vperm.xlane v22, v26  }
0x533: {  	(xrf0) =	vmax.scan.msk.u32 $0xffff, v23  }
0x534: {  	(xrf0) =	vadd.scan.msk.s32 $0xffff, v22;
	_ =	sdelay $0x3  }
0x535: {  	s25 =	spop (v2sf)  }
0x536: {  	v22, _, _ =	vpop (xrf0);
	s17 =	spop (v2sf)  }
0x537: {  	s11 =	sadd.s32 $0xFFFFFFF0, s11;
	v23, _, _ =	vpop (xrf0);
	s6 =	sadd.s32 s6, s17  }
0x538: {  	v21 =	vadd.s32 s11, v21;
	v26 =	vadd.s32 s6, v23  }
0x539: {  	v21 =	vxor.u32 $0x80000000, v21;
	vm15 =	vgt.s32 v26, $0x12C  }
0x53a: {  	v21 =	vnsel vm15, $0x7FFFFFFF, v21  }
0x53b: {  	(xrf0) =	vmax.scan.msk.u32 $0xffff, v21;
	_ =	sdelay $0x4  }
0x53c: {  	(v2sf) =	vpush v22, $0xF  }
0x53d: {  	(v2sf) =	vpush v23, $0xF;
	v21, _, _ =	vpop (xrf0)  }
0x53e: {  	(v2sf) =	vpush v21, $0xF;
	_ =	sdelay $0x8  }
0x53f: {  	s5 =	sxor.u32 $0x80000000, s5  }
0x540: {  	p0 =	sgt.s32 s21, s5  }
0x541: {  	s5 =	smov.u32 @p0 s21;
	s21 =	simm.s32 $0x20;
	s17 =	simm.s32 $0x30  }
0x542: {  	s10 =	sxor.u32 $0x80000000, s25;
	v22 =	vmov s17;
	v26 =	vmov s21;
	v21 =	vmov s20;
	s20 =	simm.s32 $0x10  }
0x543: {  	p0 =	sgt.s32 s5, s10;
	v22 =	vmul.u32 $0x50, v22;
	v26 =	vmul.u32 $0x50, v26;
	v23 =	vmov s20;
	s24 =	spop (v2sf)  }
0x544: {  	s10 =	smov.u32 @p0 s5;
	v21 =	vmul.u32 $0x50, v21;
	v23 =	vmul.u32 $0x50, v23;
	s11 =	sxor.u32 $0x80000000, s24;
	s25 =	spop (v2sf)  }
0x545: {  	v22 =	vbroadcast v22, $0x0;
	v26 =	vbroadcast v26, $0x0;
	p0 =	sgt.s32 s10, s11;
	s5 =	spop (v2sf)  }
0x546: {  	s6 =	simm.s32 $0xBF20;
	v21 =	vbroadcast v21, $0x0;
	v23 =	vbroadcast v23, $0x0;
	s11 =	smov.u32 @p0 s10;
	s5 =	sxor.u32 $0x80000000, s5  }
0x547: {  	[tilespmem:s6+$0x10] =	vst v20;
	v28 =	vadd.s32 v25, v22;
	s10 =	simm.s32 $0xC7A0;
	p0 =	sgt.s32 s11, s5  }
0x548: {  	s17 =	simm.s32 $0x40;
	v22 =	vadd.s32 v25, v26;
	v21 =	vadd.s32 v25, v21;
	v23 =	vadd.s32 v25, v23;
	[tilespmem:s10+$0x10] =	vst v28;
	s5 =	smov.u32 @p0 s11;
	s11 =	simm.s32 $0x0  }
.LBB2_70:
0x549: {  	v26 =	vmov s17;
	s20 =	sadd.s32 $0x10, s17;
	s21 =	sadd.s32 $0x30, s17;
	s11 =	sadd.s32 $0x4, s11;
	[tilespmem:s6+$0xFFFFFFF0] =	vst v20  }
0x54a: {  	v26 =	vmul.u32 $0x50, v26;
	v28 =	vmov s20;
	s20 =	sadd.s32 $0x20, s17;
	v29 =	vmov s21;
	p0 =	slt.u32 s11, $0x7C;
	[tilespmem:s10+$0xFFFFFFF0] =	vst v23  }
0x54b: {  	v23 =	vmul.u32 $0x50, v28;
	v28 =	vmov s20;
	v29 =	vmul.u32 $0x50, v29;
	[tilespmem:s6+$0x0] =	vst v20  }
.Ltmp37:
0x54c: {  	v26 =	vbroadcast v26, $0x0;
	v28 =	vmul.u32 $0x50, v28;
	[tilespmem:s10+$0x0] =	vst v22;
	(pc) =	sbr.rel @p0 .LBB2_70-.Ltmp37, $4  }
0x54d: {  	v22 =	vbroadcast v23, $0x0;
	v29 =	vbroadcast v29, $0x0;
	[tilespmem:s6+$0xFFFFFFE0] =	vst v20  }
0x54e: {  	s6 =	sadd.s32 $0x40, s6;
	v28 =	vbroadcast v28, $0x0;
	[tilespmem:s10+$0xFFFFFFE0] =	vst v21;
	v21 =	vadd.s32 v25, v26  }
0x54f: {  	s10 =	sadd.s32 $0x40, s10;
	v23 =	vadd.s32 v25, v22;
	[tilespmem:s6+$0x10] =	vst v20;
	v26 =	vadd.s32 v25, v29  }
0x550: {  	s17 =	sadd.s32 $0x40, s17;
	v22 =	vadd.s32 v25, v28;
	[tilespmem:s10+$0x10] =	vst v26  }
0x551: {  	[tilespmem:s6+$0xFFFFFFF0] =	vst v20  }
0x552: {  	[tilespmem:s6+$0x0] =	vst v20  }
0x553: {  	[tilespmem:s6+$0xFFFFFFE0] =	vst v20  }
0x554: {  	[tilespmem:s10+$0xFFFFFFF0] =	vst v23  }
0x555: {  	[tilespmem:s10+$0x0] =	vst v22  }
0x556: {  	[tilespmem:s10+$0xFFFFFFE0] =	vst v21  }
0x557: {  	[tilespmem:$0xC700] =	vst v20  }
0x558: {  	s20 =	simm.s32 $0x0;
	[tilespmem:$0xCF80] =	vst v27;
	s6 =	rddreg [dreg:$0x8]  }
0x559: {  	[tilespmem:s20], [sflag:$0x1] =	stream.linear.gather [hbm4b:s6+s20], $0x1F40, $0x38;
	[tilespmem:$0x14880] =	vst v63  }
0x55a: {  	s5 =	sshll.u32 s5, $0x15;
	s21 =	simm.s32 $0x1F40;
	s24 =	rddreg [dreg:$0x9]  }
0x55b: {  	[tilespmem:s26], [sflag:$0x2] =	stream.linear.gather [hbm4b:s24+s20], $0x1F40, $0x38;
	[tilespmem:$0x14880] =	vst v63  }
0x55c: {  	s5 =	sxor.u32 $0x80000000, s5;
	s25 =	rddreg [dreg:$0xa];
	s24 =	simm.s32 $0x0  }
0x55d: {  	v30 =	vimm.s32 $0x0;
	v21 =	vmov s5;
	[tilespmem:s31], [sflag:$0x3] =	stream.linear.gather [hbm4b:s25+s20], $0x4E20, $0x38;
	[tilespmem:$0x14880] =	vst v63  }
.LBB2_72:
0x55e: {  	_ =	swait.ge [sflag:s28], $0x1F40  }
0x55f: {  	[sflag:s28] =	ssyncset.done $0x0  }
0x560: {  	s5 =	simm.s32 $0x20;
	[sflag:s28] =	ssyncadd.s32 $0xFFFFE0C0  }
0x561: {  	v27 =	vld [tilespmem:s5+$0xFFFFFFE0]  }
0x562: {  	v31 =	vld [tilespmem:s5+$0xFFFFFFF0]  }
0x563: {  	v29 =	vld [tilespmem:s5+$0x0];
	_ =	sdelay $0x2  }
0x564: {  	v28 =	vld [tilespmem:s5+$0x10];
	v22 =	vshra.s32 v27, $0x1F  }
0x565: {  	v23 =	vshra.s32 v31, $0x1F;
	v22 =	vand.u32 $0x7FFFFFFF, v22  }
0x566: {  	v25 =	vshra.s32 v29, $0x1F;
	v23 =	vand.u32 $0x7FFFFFFF, v23;
	v22 =	vxor.u32 v27, v22  }
0x567: {  	v25 =	vand.u32 $0x7FFFFFFF, v25;
	vm0 =	vge.s32 v22, v21;
	v22 =	vxor.u32 v31, v23  }
0x568: {  	vm2 =	vge.s32 v22, v21;
	v22 =	vxor.u32 v29, v25  }
0x569: {  	s6 =	simm.s32 $0x60;
	v23 =	vsel vm0, $0x1, v1;
	v25 =	vshra.s32 v28, $0x1F;
	v26 =	vmpcnt.ones.xlane vm0  }
0x56a: {  	vm1 =	vmmov vm0;
	vm3 =	vge.s32 v22, v21;
	(xrf0) =	vadd.scan.msk.s32 $0xffff, v23;
	v23 =	vand.u32 $0x7FFFFFFF, v25;
	v25 =	vld [tilespmem:s6+$0xFFFFFFE0]  }
0x56b: {  	v22 =	vsel vm2, $0x1, v1;
	v23 =	vxor.u32 v28, v23;
	v45 =	vadd.s32 v30, v26;
	v26 =	vld [tilespmem:s6+$0xFFFFFFF0]  }
0x56c: {  	v32 =	vsel vm3, $0x1, v1;
	(xrf0) =	vadd.scan.msk.s32 $0xffff, v22;
	v22 =	vmpcnt.ones.xlane vm2;
	vm4 =	vge.s32 v23, v21;
	v23 =	vld [tilespmem:s6+$0x0]  }
0x56d: {  	v33 =	vmpcnt.ones.xlane vm3;
	vm2 =	vmmov vm2;
	vm0 =	vmmov vm3;
	(xrf0) =	vadd.scan.msk.s32 $0xffff, v32  }
0x56e: {  	v35 =	vadd.s32 v45, v22;
	v34 =	vmpcnt.ones.xlane vm4;
	v22 =	vld [tilespmem:s6+$0x10];
	v36 =	vsel vm4, $0x1, v1;
	s6 =	sadd.s32 $0x20, s20  }
0x56f: {  	vm3 =	vmmov vm4;
	v33 =	vadd.s32 v35, v33;
	v44 =	vor.u32 s6, v0  }
0x570: {  	v41 =	vadd.s32 v33, v34;
	v48 =	vshra.s32 v25, $0x1F;
	v46, _, _ =	vpop (xrf0);
	v38 =	vshra.s32 v26, $0x1F  }
0x571: {  	s10 =	sadd.s32 $0x10, s20;
	v49 =	vand.u32 $0x7FFFFFFF, v48;
	v30 =	vadd.s32 v46, v30;
	v50 =	vshra.s32 v23, $0x1F  }
0x572: {  	v37, _, _ =	vpop (xrf0);
	v51 =	vand.u32 $0x7FFFFFFF, v38;
	v46 =	vor.u32 s10, v0;
	v34 =	vadd.s32 $0xFFFFFFFF, v30  }
0x573: {  	v30 =	vadd.s32 v37, v45;
	v47, _, _ =	vpop (xrf0);
	v39 =	vshra.s32 v22, $0x1F;
	v37 =	vand.u32 $0x7FFFFFFF, v50  }
0x574: {  	v52 =	vxor.u32 v26, v51;
	v32 =	vadd.s32 v47, v35;
	v35 =	vxor.u32 v25, v49  }
0x575: {  	(xrf0) =	vadd.scan.msk.s32 $0xffff, v36;
	v53 =	vand.u32 $0x7FFFFFFF, v39;
	vm8 =	vge.s32 v52, v21;
	vm9 =	vge.s32 v35, v21  }
0x576: {  	v55 =	vxor.u32 v23, v37;
	vm4 =	vlt.s32 v34, $0x800;
	v59 =	vsel vm9, $0x1, v1  }
0x577: {  	v47 =	vor.u32 s20, v0;
	v56 =	vmpcnt.ones.xlane vm8;
	vm10 =	vge.s32 v55, v21;
	(xrf0) =	vadd.scan.msk.s32 $0xffff, v59  }
0x578: {  	v57 =	vxor.u32 v22, v53;
	v62 =	vsel vm8, $0x1, v1;
	v39 =	vadd.s32 $0xFFFFFFFF, v32  }
0x579: {  	vm7 =	vmand vm1, vm4;
	v54 =	vmpcnt.ones.xlane vm9;
	v58 =	vmpcnt.ones.xlane vm10  }
0x57a: {  	vm5 =	vge.s32 v57, v21;
	v40 =	vsel vm10, $0x1, v1;
	vm11 =	vlt.s32 v39, $0x800;
	(xrf0) =	vadd.scan.msk.s32 $0xffff, v62  }
0x57b: {  	s11 =	simm.s32 $0xA0;
	v60 =	vmpcnt.ones.xlane vm5;
	v45 =	vsel vm5, $0x1, v1;
	v43 =	vadd.s32 v41, v54;
	v61, _, _ =	vpop (xrf0);
	(xrf0) =	vadd.scan.msk.s32 $0xffff, v40  }
0x57c: {  	v38 =	vld [tilespmem:s11+$0xFFFFFFE0];
	vm4 =	vmand vm0, vm11;
	v42 =	vadd.s32 v43, v56;
	v33 =	vadd.s32 v61, v33  }
0x57d: {  	v40 =	vadd.s32 $0xFFFFFFFF, v30;
	v36 =	vadd.s32 v42, v58;
	v35 =	vadd.s32 $0xFFFFFFFF, v33;
	v33 =	vld [tilespmem:s11+$0xFFFFFFF0];
	v63, _, _ =	vpop (xrf0);
	(xrf0) =	vadd.scan.msk.s32 $0xffff, v45  }
0x57e: {  	v32 =	vld [tilespmem:s11+$0x10];
	vm6 =	vlt.s32 v40, $0x800;
	v37 =	vadd.s32 v36, v60;
	vm1 =	vlt.s32 v35, $0x800  }
0x57f: {  	v30 =	vld [tilespmem:s11+$0x0];
	vm6 =	vmand vm2, vm6;
	vm2 =	vmmov vm9;
	vm0 =	vmand vm3, vm1  }
0x580: {  	s17 =	sadd.s32 $0x30, s20;
	vm3 =	vmmov vm8;
	vm1 =	vmmov vm10;
	v41 =	vadd.s32 v63, v41;
	v48, _, _ =	vpop (xrf0)  }
0x581: {  	s25 =	smul.u32 $0x3E80, s24;
	s5 =	simm.s32 $0x8;
	s6 =	smov.u32 s20;
	v45 =	vadd.s32 $0xFFFFFFFF, v41;
	v43 =	vadd.s32 v48, v43;
	v48, _, _ =	vpop (xrf0);
	v41 =	vor.u32 s17, v0  }
.LBB2_73:
0x582: {  	v49 =	vshra.s32 v38, $0x1F;
	v50 =	vshra.s32 v33, $0x1F  }
0x583: {  	s5 =	sadd.s32 $0x4, s5;
	v48 =	vadd.s32 v48, v42;
	v51, _, _ =	vpop (xrf0);
	v52 =	vmov v37;
	vm8 =	vmmov vm5  }
0x584: {  	p0 =	slt.u32 s5, $0x1F0;
	v42 =	vand.u32 $0x7FFFFFFF, v49;
	v49 =	vshra.s32 v30, $0x1F;
	v53 =	vshra.s32 v32, $0x1F;
	[tilespmem:v34+s0+$0x0] =	vst.idx.msk vm7, v27;
	v27 =	vmovc v25;
	v25 =	vmovc v38  }
0x585: {  	v38 =	vxor.u32 v25, v42;
	v42 =	vand.u32 $0x7FFFFFFF, v50;
	v49 =	vand.u32 $0x7FFFFFFF, v49;
	[tilespmem:v34+s2+$0x0] =	vst.idx.msk vm7, v47;
	v34 =	vmovc v45  }
0x586: {  	vm9 =	vge.s32 v38, v21;
	v38 =	vxor.u32 v33, v42;
	v42 =	vand.u32 $0x7FFFFFFF, v53;
	[tilespmem:v40+s0+$0x0] =	vst.idx.msk vm6, v31  }
0x587: {  	v45 =	vmpcnt.ones.xlane vm9;
	vm10 =	vge.s32 v38, v21;
	v38 =	vxor.u32 v30, v49;
	[tilespmem:v40+s2+$0x0] =	vst.idx.msk vm6, v46  }
0x588: {  	v40 =	vmpcnt.ones.xlane vm10;
	vm11 =	vge.s32 v38, v21;
	v38 =	vxor.u32 v32, v42;
	[tilespmem:v39+s0+$0x0] =	vst.idx.msk vm4, v29  }
0x589: {  	v49 =	vadd.s32 v37, v45;
	v29 =	vmpcnt.ones.xlane vm11;
	vm5 =	vge.s32 v38, v21;
	[tilespmem:v39+s2+$0x0] =	vst.idx.msk vm4, v44  }
0x58a: {  	v31 =	vmovc v26;
	v37 =	vsel vm9, $0x1, v1;
	v42 =	vadd.s32 v49, v40;
	v38 =	vmpcnt.ones.xlane vm5;
	[tilespmem:v35+s0+$0x0] =	vst.idx.msk vm0, v28  }
0x58b: {  	v26 =	vmovc v33;
	v39 =	vsel vm11, $0x1, v1;
	v28 =	vsel vm10, $0x1, v1;
	v45 =	vadd.s32 v42, v29;
	(xrf0) =	vadd.scan.msk.s32 $0xffff, v37  }
0x58c: {  	s11 =	sadd.s32 $0x40, s11;
	v44 =	vsel vm5, $0x1, v1;
	v37 =	vadd.s32 v45, v38;
	(xrf0) =	vadd.scan.msk.s32 $0xffff, v28;
	v28 =	vadd.s32 v51, v36;
	v36 =	vmovc v45  }
0x58d: {  	v40 =	vadd.s32 $0xFFFFFFFF, v43;
	v38 =	vld [tilespmem:s11+$0xFFFFFFE0];
	(xrf0) =	vadd.scan.msk.s32 $0xffff, v39;
	v39 =	vadd.s32 $0xFFFFFFFF, v48;
	v43 =	vadd.s32 $0xFFFFFFFF, v28;
	v29 =	vmovc v23  }
0x58e: {  	vm4 =	vlt.s32 v34, $0x800;
	vm6 =	vlt.s32 v40, $0x800;
	v23 =	vmovc v30;
	v33 =	vld [tilespmem:s11+$0xFFFFFFF0];
	(xrf0) =	vadd.scan.msk.s32 $0xffff, v44;
	vm12 =	vlt.s32 v39, $0x800  }
.Ltmp38:
0x58f: {  	vm7 =	vmand vm2, vm4;
	vm6 =	vmand vm3, vm6;
	vm2 =	vlt.s32 v43, $0x800;
	v30 =	vld [tilespmem:s11+$0x0];
	[tilespmem:v35+s2+$0x0] =	vst.idx.msk vm0, v41;
	v35 =	vmovc v43;
	v28 =	vmovc v22;
	(pc) =	sbr.rel @p0 .LBB2_73-.Ltmp38, $4  }
0x590: {  	s6 =	sadd.s32 $0x40, s6;
	vm4 =	vmand vm1, vm12;
	vm0 =	vmand vm8, vm2;
	v22 =	vmovc v32;
	vm2 =	vmmov vm9;
	v32 =	vld [tilespmem:s11+$0x10]  }
0x591: {  	s10 =	sadd.s32 $0x10, s6;
	s17 =	sadd.s32 $0x20, s6;
	v47 =	vor.u32 s6, v0;
	vm3 =	vmmov vm10;
	vm1 =	vmmov vm11;
	v41, _, _ =	vpop (xrf0)  }
0x592: {  	v46 =	vor.u32 s10, v0;
	s10 =	sadd.s32 $0x30, s6;
	v44 =	vor.u32 s17, v0;
	v41 =	vadd.s32 v41, v52;
	v43, _, _ =	vpop (xrf0)  }
0x593: {  	v45 =	vadd.s32 $0xFFFFFFFF, v41;
	v43 =	vadd.s32 v43, v49;
	v48, _, _ =	vpop (xrf0);
	v41 =	vor.u32 s10, v0  }
0x594: {  	_ =	sdelay $0x3  }
0x595: {  	v49 =	vshra.s32 v38, $0x1F  }
0x596: {  	v50 =	vshra.s32 v33, $0x1F;
	v42 =	vadd.s32 v48, v42;
	vm8 =	vmmov vm5;
	[tilespmem:v34+s0+$0x0] =	vst.idx.msk vm7, v27  }
0x597: {  	v60 =	vshra.s32 v30, $0x1F;
	[tilespmem:v40+s0+$0x0] =	vst.idx.msk vm6, v31;
	v59 =	vand.u32 $0x7FFFFFFF, v49;
	v51 =	vshra.s32 v32, $0x1F  }
0x598: {  	[tilespmem:v39+s0+$0x0] =	vst.idx.msk vm4, v29;
	v29, _, _ =	vpop (xrf0);
	v27 =	vand.u32 $0x7FFFFFFF, v50;
	v49 =	vand.u32 $0x7FFFFFFF, v60;
	v48 =	vxor.u32 v38, v59  }
0x599: {  	s5 =	sadd.s32 $0x40, s6;
	[tilespmem:v40+s2+$0x0] =	vst.idx.msk vm6, v46;
	vm6 =	vlt.s32 v45, $0x800;
	v29 =	vadd.s32 v29, v36;
	vm9 =	vge.s32 v48, v21  }
0x59a: {  	[tilespmem:v34+s2+$0x0] =	vst.idx.msk vm7, v47;
	v53 =	vor.u32 s5, v0;
	v27 =	vxor.u32 v33, v27;
	v31 =	vsel vm9, $0x1, v1  }
0x59b: {  	v61 =	vand.u32 $0x7FFFFFFF, v51;
	vm6 =	vmand vm2, vm6;
	vm7 =	vge.s32 v27, v21;
	(xrf0) =	vadd.scan.msk.s32 $0xffff, v31  }
0x59c: {  	[tilespmem:v35+s0+$0x0] =	vst.idx.msk vm0, v28;
	v28 =	vadd.s32 $0xFFFFFFFF, v29;
	v27 =	vxor.u32 v30, v49;
	v46 =	vsel vm7, $0x1, v1  }
0x59d: {  	v49 =	vadd.s32 $0xFFFFFFFF, v43;
	vm5 =	vge.s32 v27, v21;
	v27 =	vxor.u32 v32, v61;
	(xrf0) =	vadd.scan.msk.s32 $0xffff, v46  }
0x59e: {  	vm10 =	vlt.s32 v49, $0x800;
	vm2 =	vge.s32 v27, v21;
	v27 =	vsel vm5, $0x1, v1  }
0x59f: {  	v62 =	vmpcnt.ones.xlane vm9;
	vm3 =	vmand vm3, vm10;
	(xrf0) =	vadd.scan.msk.s32 $0xffff, v27;
	v27 =	vadd.s32 $0xFFFFFFFF, v42  }
0x5a0: {  	[tilespmem:v39+s2+$0x0] =	vst.idx.msk vm4, v44;
	v63 =	vmpcnt.ones.xlane vm7;
	v51 =	vsel vm2, $0x1, v1;
	vm4 =	vlt.s32 v27, $0x800  }
0x5a1: {  	v47 =	vmpcnt.ones.xlane vm5;
	v31 =	vadd.s32 v37, v62;
	(xrf0) =	vadd.scan.msk.s32 $0xffff, v51;
	vm1 =	vmand vm1, vm4;
	v29, _, _ =	vpop (xrf0)  }
0x5a2: {  	[tilespmem:v35+s2+$0x0] =	vst.idx.msk vm0, v41;
	v50 =	vadd.s32 v31, v63;
	vm4 =	vlt.s32 v28, $0x800;
	v29 =	vadd.s32 v29, v37  }
0x5a3: {  	v52 =	vadd.s32 v50, v47;
	[tilespmem:v45+s0+$0x0] =	vst.idx.msk vm6, v25;
	vm0 =	vmand vm8, vm4;
	v54, _, _ =	vpop (xrf0);
	v29 =	vadd.s32 $0xFFFFFFFF, v29  }
0x5a4: {  	s6 =	sadd.s32 $0x10, s5;
	[tilespmem:v45+s2+$0x0] =	vst.idx.msk vm6, v53;
	vm4 =	vmmov vm9;
	v25 =	vadd.s32 v54, v31;
	vm6 =	vlt.s32 v29, $0x800  }
0x5a5: {  	[tilespmem:v49+s0+$0x0] =	vst.idx.msk vm3, v26;
	v31 =	vor.u32 s6, v0;
	v55, _, _ =	vpop (xrf0);
	v25 =	vadd.s32 $0xFFFFFFFF, v25;
	vm4 =	vmand vm4, vm6  }
0x5a6: {  	s10 =	sadd.s32 $0x20, s5;
	v26 =	vadd.s32 v55, v50;
	[tilespmem:v49+s2+$0x0] =	vst.idx.msk vm3, v31;
	vm6 =	vmmov vm7;
	vm3 =	vlt.s32 v25, $0x800  }
0x5a7: {  	v31 =	vor.u32 s10, v0;
	v56, _, _ =	vpop (xrf0);
	[tilespmem:v27+s0+$0x0] =	vst.idx.msk vm1, v23;
	v23 =	vadd.s32 $0xFFFFFFFF, v26;
	vm3 =	vmand vm6, vm3  }
0x5a8: {  	s11 =	sadd.s32 $0x30, s5;
	vm5 =	vmmov vm5;
	v26 =	vadd.s32 v56, v52;
	[tilespmem:v27+s2+$0x0] =	vst.idx.msk vm1, v31;
	vm1 =	vlt.s32 v23, $0x800  }
0x5a9: {  	v27 =	vor.u32 s11, v0;
	[tilespmem:v28+s0+$0x0] =	vst.idx.msk vm0, v22;
	v22 =	vadd.s32 $0xFFFFFFFF, v26;
	vm1 =	vmand vm5, vm1  }
0x5aa: {  	s5 =	sadd.s32 $0x40, s5;
	vm5 =	vmmov vm2;
	vm6 =	vlt.s32 v22, $0x800;
	[tilespmem:v28+s2+$0x0] =	vst.idx.msk vm0, v27  }
0x5ab: {  	v26 =	vor.u32 s5, v0;
	vm0 =	vmand vm5, vm6;
	[tilespmem:v29+s0+$0x0] =	vst.idx.msk vm4, v38  }
0x5ac: {  	s17 =	sadd.s32 $0x10, s5;
	[tilespmem:v29+s2+$0x0] =	vst.idx.msk vm4, v26  }
0x5ad: {  	v26 =	vor.u32 s17, v0;
	[tilespmem:v25+s0+$0x0] =	vst.idx.msk vm3, v33  }
0x5ae: {  	s10 =	sadd.s32 $0x20, s5;
	[tilespmem:v25+s2+$0x0] =	vst.idx.msk vm3, v26  }
0x5af: {  	p0 =	seq.s32 s24, $0x18;
	v25 =	vor.u32 s10, v0;
	[tilespmem:v23+s0+$0x0] =	vst.idx.msk vm1, v30  }
0x5b0: {  	s6 =	sadd.s32 @!p0 s25, s12;
	s5 =	sadd.s32 $0x30, s5;
	[tilespmem:v23+s2+$0x0] =	vst.idx.msk vm1, v25  }
0x5b1: {  	v23 =	vor.u32 s5, v0;
	[tilespmem:v22+s0+$0x0] =	vst.idx.msk vm0, v32;
	s5 =	sshrl.u32 @!p0 s6, $0x3  }
0x5b2: {  	s6 =	simm.s32 @!p0 $0x0;
	[tilespmem:v22+s2+$0x0] =	vst.idx.msk vm0, v23;
	s5 =	sadd.s32 @!p0 s4, s5  }
0x5b3: {  	[tilespmem:s6], [sflag:$0x1] =	stream.linear.gather @!p0 [hbm4b:s5+s6], $0x1F40, $0x38;
	[tilespmem:$0x14880] =	vst v63  }
0x5b4: {  	_ =	swait.ge [sflag:s30], $0x1F40  }
0x5b5: {  	[sflag:s30] =	ssyncset.done $0x0  }
0x5b6: {  	s11 =	simm.s32 $0x1FA0;
	[sflag:s30] =	ssyncadd.s32 $0xFFFFE0C0  }
0x5b7: {  	v27 =	vld [tilespmem:s11+$0xFFFFFFE0]  }
0x5b8: {  	v30 =	vld [tilespmem:s11+$0xFFFFFFF0]  }
0x5b9: {  	v29 =	vld [tilespmem:s11+$0x0];
	_ =	sdelay $0x2  }
0x5ba: {  	v28 =	vld [tilespmem:s11+$0x10];
	v22 =	vshra.s32 v27, $0x1F  }
0x5bb: {  	v25 =	vshra.s32 v30, $0x1F;
	v22 =	vand.u32 $0x7FFFFFFF, v22  }
0x5bc: {  	v26 =	vshra.s32 v29, $0x1F;
	v25 =	vand.u32 $0x7FFFFFFF, v25;
	v22 =	vxor.u32 v27, v22  }
0x5bd: {  	v26 =	vand.u32 $0x7FFFFFFF, v26;
	vm0 =	vge.s32 v22, v21;
	v22 =	vxor.u32 v30, v25  }
0x5be: {  	v23 =	vmpcnt.ones.xlane vm2;
	vm2 =	vge.s32 v22, v21;
	v22 =	vxor.u32 v29, v26  }
0x5bf: {  	v25 =	vsel vm0, $0x1, v1;
	v26 =	vshra.s32 v28, $0x1F;
	vm3 =	vge.s32 v22, v21  }
0x5c0: {  	s17 =	simm.s32 $0x1FE0;
	v22 =	vsel vm2, $0x1, v1;
	(xrf0) =	vadd.scan.msk.s32 $0xffff, v25;
	v25 =	vand.u32 $0x7FFFFFFF, v26;
	v26 =	vmpcnt.ones.xlane vm0  }
0x5c1: {  	v57 =	vadd.s32 v52, v23;
	v31 =	vsel vm3, $0x1, v1;
	(xrf0) =	vadd.scan.msk.s32 $0xffff, v22;
	v23 =	vxor.u32 v28, v25;
	v25 =	vld [tilespmem:s17+$0xFFFFFFE0]  }
0x5c2: {  	v22 =	vmpcnt.ones.xlane vm2;
	(xrf0) =	vadd.scan.msk.s32 $0xffff, v31;
	v31 =	vadd.s32 v57, v26;
	v26 =	vld [tilespmem:s17+$0xFFFFFFF0]  }
0x5c3: {  	v58 =	vmpcnt.ones.xlane vm3;
	vm4 =	vge.s32 v23, v21;
	v23 =	vld [tilespmem:s17+$0x0]  }
0x5c4: {  	vm1 =	vmmov vm0;
	v59 =	vadd.s32 v31, v22;
	v60 =	vmpcnt.ones.xlane vm4;
	v22 =	vld [tilespmem:s17+$0x10]  }
0x5c5: {  	vm2 =	vmmov vm2;
	vm0 =	vmmov vm3;
	v33 =	vadd.s32 v59, v58  }
0x5c6: {  	v61 =	vsel vm4, $0x1, v1;
	vm3 =	vmmov vm4;
	v40 =	vadd.s32 v33, v60;
	v62, _, _ =	vpop (xrf0)  }
0x5c7: {  	v42 =	vshra.s32 v25, $0x1F;
	v32 =	vadd.s32 v62, v57;
	v43 =	vshra.s32 v26, $0x1F  }
0x5c8: {  	v63, _, _ =	vpop (xrf0);
	v44 =	vand.u32 $0x7FFFFFFF, v42;
	v45 =	vshra.s32 v23, $0x1F;
	v34 =	vadd.s32 $0xFFFFFFFF, v32  }
0x5c9: {  	s10 =	sadd.s32 $0x20, s21;
	v31 =	vadd.s32 v63, v31;
	v46 =	vshra.s32 v22, $0x1F;
	v35 =	vxor.u32 v25, v44  }
0x5ca: {  	v41, _, _ =	vpop (xrf0);
	v47 =	vand.u32 $0x7FFFFFFF, v43;
	v37 =	vand.u32 $0x7FFFFFFF, v45;
	v44 =	vor.u32 s10, v0  }
0x5cb: {  	v32 =	vadd.s32 v41, v59;
	vm14 =	vge.s32 v35, v21;
	v48 =	vxor.u32 v26, v47  }
0x5cc: {  	(xrf0) =	vadd.scan.msk.s32 $0xffff, v61;
	v49 =	vand.u32 $0x7FFFFFFF, v46;
	v51 =	vxor.u32 v23, v37;
	v41 =	vadd.s32 $0xFFFFFFFF, v31  }
0x5cd: {  	s6 =	sadd.s32 $0x10, s21;
	vm4 =	vlt.s32 v34, $0x800;
	v47 =	vor.u32 s21, v0;
	v56 =	vsel vm14, $0x1, v1  }
0x5ce: {  	v46 =	vor.u32 s6, v0;
	v50 =	vmpcnt.ones.xlane vm14;
	vm8 =	vge.s32 v48, v21;
	(xrf0) =	vadd.scan.msk.s32 $0xffff, v56  }
0x5cf: {  	vm15 =	vge.s32 v51, v21;
	v53 =	vxor.u32 v22, v49;
	v39 =	vadd.s32 $0xFFFFFFFF, v32  }
0x5d0: {  	vm6 =	vlt.s32 v41, $0x800;
	vm7 =	vmand vm1, vm4;
	v59 =	vsel vm8, $0x1, v1  }
0x5d1: {  	v52 =	vmpcnt.ones.xlane vm8;
	v55 =	vmpcnt.ones.xlane vm15;
	v60 =	vsel vm15, $0x1, v1;
	(xrf0) =	vadd.scan.msk.s32 $0xffff, v59  }
0x5d2: {  	s11 =	simm.s32 $0x2020;
	vm5 =	vge.s32 v53, v21;
	vm11 =	vlt.s32 v39, $0x800;
	vm6 =	vmand vm2, vm6;
	v58, _, _ =	vpop (xrf0);
	(xrf0) =	vadd.scan.msk.s32 $0xffff, v60  }
0x5d3: {  	v38 =	vld [tilespmem:s11+$0xFFFFFFE0];
	v54 =	vadd.s32 v40, v50;
	v61 =	vsel vm5, $0x1, v1;
	v33 =	vadd.s32 v58, v33  }
0x5d4: {  	v57 =	vmpcnt.ones.xlane vm5;
	v42 =	vadd.s32 v54, v52;
	v35 =	vadd.s32 $0xFFFFFFFF, v33;
	v33 =	vld [tilespmem:s11+$0xFFFFFFF0];
	v62, _, _ =	vpop (xrf0);
	(xrf0) =	vadd.scan.msk.s32 $0xffff, v61  }
0x5d5: {  	v31 =	vld [tilespmem:s11+$0x0];
	vm2 =	vmmov vm14;
	v36 =	vadd.s32 v42, v55;
	vm1 =	vlt.s32 v35, $0x800  }
0x5d6: {  	v32 =	vld [tilespmem:s11+$0x10];
	vm4 =	vmand vm0, vm11;
	v37 =	vadd.s32 v36, v57;
	vm0 =	vmand vm3, vm1  }
0x5d7: {  	s17 =	sadd.s32 $0x30, s21;
	vm3 =	vmmov vm8;
	vm1 =	vmmov vm15;
	v40 =	vadd.s32 v62, v40;
	v63, _, _ =	vpop (xrf0)  }
0x5d8: {  	s5 =	simm.s32 $0x8;
	s6 =	smov.u32 s21;
	v45 =	vadd.s32 $0xFFFFFFFF, v40;
	v43 =	vadd.s32 v63, v54;
	v40 =	vor.u32 s17, v0;
	v48, _, _ =	vpop (xrf0)  }
.LBB2_75:
0x5d9: {  	v49 =	vshra.s32 v38, $0x1F;
	v50 =	vshra.s32 v33, $0x1F  }
0x5da: {  	s5 =	sadd.s32 $0x4, s5;
	v48 =	vadd.s32 v48, v42;
	v51, _, _ =	vpop (xrf0);
	v52 =	vmov v37;
	vm8 =	vmmov vm5  }
0x5db: {  	p1 =	slt.u32 s5, $0x1F0;
	v42 =	vand.u32 $0x7FFFFFFF, v49;
	v49 =	vshra.s32 v31, $0x1F;
	v53 =	vshra.s32 v32, $0x1F;
	[tilespmem:v34+s0+$0x0] =	vst.idx.msk vm7, v27;
	v27 =	vmovc v25;
	v25 =	vmovc v38  }
0x5dc: {  	v38 =	vxor.u32 v25, v42;
	v42 =	vand.u32 $0x7FFFFFFF, v50;
	v49 =	vand.u32 $0x7FFFFFFF, v49;
	[tilespmem:v34+s2+$0x0] =	vst.idx.msk vm7, v47;
	v34 =	vmovc v45  }
0x5dd: {  	vm9 =	vge.s32 v38, v21;
	v38 =	vxor.u32 v33, v42;
	v42 =	vand.u32 $0x7FFFFFFF, v53;
	[tilespmem:v41+s0+$0x0] =	vst.idx.msk vm6, v30  }
0x5de: {  	v45 =	vmpcnt.ones.xlane vm9;
	vm10 =	vge.s32 v38, v21;
	v38 =	vxor.u32 v31, v49;
	[tilespmem:v41+s2+$0x0] =	vst.idx.msk vm6, v46  }
0x5df: {  	v41 =	vmpcnt.ones.xlane vm10;
	vm11 =	vge.s32 v38, v21;
	v38 =	vxor.u32 v32, v42;
	[tilespmem:v39+s0+$0x0] =	vst.idx.msk vm4, v29  }
0x5e0: {  	v49 =	vadd.s32 v37, v45;
	v29 =	vmpcnt.ones.xlane vm11;
	vm5 =	vge.s32 v38, v21;
	[tilespmem:v39+s2+$0x0] =	vst.idx.msk vm4, v44  }
0x5e1: {  	v30 =	vmovc v26;
	v37 =	vsel vm9, $0x1, v1;
	v42 =	vadd.s32 v49, v41;
	v38 =	vmpcnt.ones.xlane vm5;
	[tilespmem:v35+s0+$0x0] =	vst.idx.msk vm0, v28  }
0x5e2: {  	v26 =	vmovc v33;
	v39 =	vsel vm11, $0x1, v1;
	v28 =	vsel vm10, $0x1, v1;
	v45 =	vadd.s32 v42, v29;
	(xrf0) =	vadd.scan.msk.s32 $0xffff, v37  }
0x5e3: {  	s11 =	sadd.s32 $0x40, s11;
	v44 =	vsel vm5, $0x1, v1;
	v37 =	vadd.s32 v45, v38;
	(xrf0) =	vadd.scan.msk.s32 $0xffff, v28;
	v28 =	vadd.s32 v51, v36;
	v36 =	vmovc v45  }
0x5e4: {  	v41 =	vadd.s32 $0xFFFFFFFF, v43;
	v38 =	vld [tilespmem:s11+$0xFFFFFFE0];
	(xrf0) =	vadd.scan.msk.s32 $0xffff, v39;
	v39 =	vadd.s32 $0xFFFFFFFF, v48;
	v43 =	vadd.s32 $0xFFFFFFFF, v28;
	v29 =	vmovc v23  }
0x5e5: {  	vm4 =	vlt.s32 v34, $0x800;
	vm6 =	vlt.s32 v41, $0x800;
	v23 =	vmovc v31;
	v33 =	vld [tilespmem:s11+$0xFFFFFFF0];
	(xrf0) =	vadd.scan.msk.s32 $0xffff, v44;
	vm12 =	vlt.s32 v39, $0x800  }
.Ltmp39:
0x5e6: {  	vm7 =	vmand vm2, vm4;
	vm6 =	vmand vm3, vm6;
	vm2 =	vlt.s32 v43, $0x800;
	v31 =	vld [tilespmem:s11+$0x0];
	[tilespmem:v35+s2+$0x0] =	vst.idx.msk vm0, v40;
	v35 =	vmovc v43;
	v28 =	vmovc v22;
	(pc) =	sbr.rel @p1 .LBB2_75-.Ltmp39, $4  }
0x5e7: {  	s6 =	sadd.s32 $0x40, s6;
	vm4 =	vmand vm1, vm12;
	vm0 =	vmand vm8, vm2;
	v22 =	vmovc v32;
	vm2 =	vmmov vm9;
	v32 =	vld [tilespmem:s11+$0x10]  }
0x5e8: {  	s10 =	sadd.s32 $0x10, s6;
	s17 =	sadd.s32 $0x20, s6;
	v47 =	vor.u32 s6, v0;
	vm3 =	vmmov vm10;
	vm1 =	vmmov vm11;
	v40, _, _ =	vpop (xrf0)  }
0x5e9: {  	v46 =	vor.u32 s10, v0;
	s10 =	sadd.s32 $0x30, s6;
	v44 =	vor.u32 s17, v0;
	v40 =	vadd.s32 v40, v52;
	v43, _, _ =	vpop (xrf0)  }
0x5ea: {  	v45 =	vadd.s32 $0xFFFFFFFF, v40;
	v43 =	vadd.s32 v43, v49;
	v48, _, _ =	vpop (xrf0);
	v40 =	vor.u32 s10, v0  }
0x5eb: {  	_ =	sdelay $0x3  }
0x5ec: {  	v49 =	vshra.s32 v38, $0x1F  }
0x5ed: {  	v50 =	vshra.s32 v33, $0x1F;
	v42 =	vadd.s32 v48, v42;
	vm8 =	vmmov vm5;
	[tilespmem:v34+s0+$0x0] =	vst.idx.msk vm7, v27  }
0x5ee: {  	v62 =	vshra.s32 v31, $0x1F;
	[tilespmem:v41+s0+$0x0] =	vst.idx.msk vm6, v30;
	vm12 =	vlt.s32 v45, $0x800;
	v61 =	vand.u32 $0x7FFFFFFF, v49  }
0x5ef: {  	v56 =	vadd.s32 $0xFFFFFFFF, v43;
	[tilespmem:v39+s0+$0x0] =	vst.idx.msk vm4, v29;
	v51 =	vshra.s32 v32, $0x1F;
	v48 =	vxor.u32 v38, v61  }
0x5f0: {  	v27 =	vand.u32 $0x7FFFFFFF, v50;
	v49 =	vand.u32 $0x7FFFFFFF, v62;
	[tilespmem:v34+s2+$0x0] =	vst.idx.msk vm7, v47;
	vm9 =	vge.s32 v48, v21  }
0x5f1: {  	v29, _, _ =	vpop (xrf0);
	[tilespmem:v41+s2+$0x0] =	vst.idx.msk vm6, v46;
	vm6 =	vmand vm2, vm12;
	v27 =	vxor.u32 v33, v27;
	v30 =	vsel vm9, $0x1, v1  }
0x5f2: {  	vm10 =	vlt.s32 v56, $0x800;
	v29 =	vadd.s32 v29, v36;
	vm7 =	vge.s32 v27, v21;
	(xrf0) =	vadd.scan.msk.s32 $0xffff, v30  }
0x5f3: {  	s5 =	sadd.s32 $0x40, s6;
	v63 =	vand.u32 $0x7FFFFFFF, v51;
	v27 =	vxor.u32 v31, v49;
	v54 =	vsel vm7, $0x1, v1  }
0x5f4: {  	v60 =	vor.u32 s5, v0;
	vm5 =	vge.s32 v27, v21;
	v27 =	vxor.u32 v32, v63;
	(xrf0) =	vadd.scan.msk.s32 $0xffff, v54  }
0x5f5: {  	[tilespmem:v35+s0+$0x0] =	vst.idx.msk vm0, v28;
	v28 =	vadd.s32 $0xFFFFFFFF, v29;
	vm2 =	vge.s32 v27, v21;
	v27 =	vsel vm5, $0x1, v1  }
0x5f6: {  	vm3 =	vmand vm3, vm10;
	vm14 =	vlt.s32 v28, $0x800;
	(xrf0) =	vadd.scan.msk.s32 $0xffff, v27;
	v27 =	vadd.s32 $0xFFFFFFFF, v42  }
0x5f7: {  	[tilespmem:v35+s2+$0x0] =	vst.idx.msk vm0, v40;
	v52 =	vmpcnt.ones.xlane vm9;
	v58 =	vsel vm2, $0x1, v1;
	vm13 =	vlt.s32 v27, $0x800  }
0x5f8: {  	v53 =	vmpcnt.ones.xlane vm7;
	vm0 =	vmand vm8, vm14;
	(xrf0) =	vadd.scan.msk.s32 $0xffff, v58;
	vm1 =	vmand vm1, vm13;
	v29, _, _ =	vpop (xrf0)  }
0x5f9: {  	[tilespmem:v39+s2+$0x0] =	vst.idx.msk vm4, v44;
	vm15 =	vmmov vm9;
	vm10 =	vmmov vm7;
	v29 =	vadd.s32 v29, v37  }
0x5fa: {  	v55 =	vmpcnt.ones.xlane vm5;
	v30 =	vadd.s32 v37, v52;
	[tilespmem:v45+s0+$0x0] =	vst.idx.msk vm6, v25;
	v61, _, _ =	vpop (xrf0);
	v29 =	vadd.s32 $0xFFFFFFFF, v29  }
0x5fb: {  	s6 =	sadd.s32 $0x10, s5;
	v57 =	vadd.s32 v30, v53;
	[tilespmem:v45+s2+$0x0] =	vst.idx.msk vm6, v60;
	v25 =	vadd.s32 v61, v30;
	vm9 =	vlt.s32 v29, $0x800  }
0x5fc: {  	[tilespmem:v56+s0+$0x0] =	vst.idx.msk vm3, v26;
	v30 =	vor.u32 s6, v0;
	v62, _, _ =	vpop (xrf0);
	v25 =	vadd.s32 $0xFFFFFFFF, v25;
	vm4 =	vmand vm15, vm9  }
0x5fd: {  	vm5 =	vmmov vm5;
	v26 =	vadd.s32 v62, v57;
	[tilespmem:v56+s2+$0x0] =	vst.idx.msk vm3, v30;
	vm11 =	vlt.s32 v25, $0x800  }
0x5fe: {  	s17 =	sadd.s32 $0x20, s5;
	v59 =	vadd.s32 v57, v55;
	v63, _, _ =	vpop (xrf0);
	[tilespmem:v27+s0+$0x0] =	vst.idx.msk vm1, v23;
	v23 =	vadd.s32 $0xFFFFFFFF, v26;
	vm3 =	vmand vm10, vm11  }
0x5ff: {  	s10 =	sadd.s32 $0x30, s5;
	[tilespmem:v28+s0+$0x0] =	vst.idx.msk vm0, v22;
	v30 =	vor.u32 s17, v0;
	v26 =	vadd.s32 v63, v59;
	vm12 =	vlt.s32 v23, $0x800  }
0x600: {  	[tilespmem:v27+s2+$0x0] =	vst.idx.msk vm1, v30;
	v27 =	vor.u32 s10, v0;
	v22 =	vadd.s32 $0xFFFFFFFF, v26;
	vm1 =	vmand vm5, vm12  }
0x601: {  	s5 =	sadd.s32 $0x40, s5;
	vm13 =	vmmov vm2;
	vm14 =	vlt.s32 v22, $0x800;
	[tilespmem:v28+s2+$0x0] =	vst.idx.msk vm0, v27  }
0x602: {  	v26 =	vor.u32 s5, v0;
	vm15 =	vmand vm13, vm14;
	[tilespmem:v29+s0+$0x0] =	vst.idx.msk vm4, v38  }
0x603: {  	s11 =	sadd.s32 $0x10, s5;
	[tilespmem:v29+s2+$0x0] =	vst.idx.msk vm4, v26  }
0x604: {  	v26 =	vor.u32 s11, v0;
	[tilespmem:v25+s0+$0x0] =	vst.idx.msk vm3, v33  }
.Ltmp40:
0x605: {  	s17 =	sadd.s32 $0x20, s5;
	[tilespmem:v25+s2+$0x0] =	vst.idx.msk vm3, v26;
	(pc) =	sbr.rel @p0 .LBB2_77-.Ltmp40, $4  }
0x606: {  	v25 =	vor.u32 s17, v0;
	[tilespmem:v23+s0+$0x0] =	vst.idx.msk vm1, v31  }
0x607: {  	s5 =	sadd.s32 $0x30, s5;
	v26 =	vmpcnt.ones.xlane vm2;
	[tilespmem:v23+s2+$0x0] =	vst.idx.msk vm1, v25  }
0x608: {  	v23 =	vor.u32 s5, v0;
	[tilespmem:v22+s0+$0x0] =	vst.idx.msk vm15, v32  }
0x609: {  	v30 =	vadd.s32 v59, v26;
	[tilespmem:v22+s2+$0x0] =	vst.idx.msk vm15, v23  }
.Ltmp41:
0x60a: {  	(pc) =	sbr.rel .LBB2_72-.Ltmp41, $4  }
0x60b: {  	s5 =	sadd.s32 s25, s13  }
0x60c: {  	s24 =	sadd.s32 $0x1, s24;
	s5 =	sshrl.u32 s5, $0x3  }
0x60d: {  	s20 =	sadd.s32 $0x3E80, s20;
	s21 =	sadd.s32 $0x3E80, s21;
	s5 =	sadd.s32 s4, s5  }
0x60e: {  	[tilespmem:s26], [sflag:$0x2] =	stream.linear.gather [hbm4b:s5+s3], $0x1F40, $0x38;
	[tilespmem:$0x14880] =	vst v63  }
.LBB2_77:
0x60f: {  	s5 =	simm.s32 $0xBF20  }
0x610: {  	v21 =	vld [tilespmem:s5+$0x0]  }
0x611: {  	v22 =	vld [tilespmem:s5+$0xFFFFFFE0];
	_ =	sdelay $0x3  }
0x612: {  	v21 =	vsub.f32 $0.0e+00, v21  }
0x613: {  	v23 =	vld [tilespmem:s5+$0xFFFFFFF0];
	v22 =	vsub.f32 $0.0e+00, v22  }
0x614: {  	s10 =	simm.s32 $0xBF60;
	v25 =	vld [tilespmem:s5+$0x10];
	v21 =	vmul.f32 $1.442695020e+00, v21  }
0x615: {  	v26 =	vld [tilespmem:s10+$0x0];
	v22 =	vmul.f32 $1.442695020e+00, v22  }
0x616: {  	v27 =	vld [tilespmem:s10+$0xFFFFFFE0];
	(erf) = vpow2.f32 v21  }
0x617: {  	(erf) = vpow2.f32 v22;
	v22 =	vld [tilespmem:s10+$0xFFFFFFF0]  }
0x618: {  	v21 =	vsub.f32 $0.0e+00, v23  }
0x619: {  	v25 =	vsub.f32 $0.0e+00, v25  }
0x61a: {  	s11 =	simm.s32 $0xBFA0;
	v26 =	vsub.f32 $0.0e+00, v26;
	v23 =	vld [tilespmem:s10+$0x10];
	v21 =	vmul.f32 $1.442695020e+00, v21  }
0x61b: {  	v28 =	vld [tilespmem:s11+$0x0];
	v27 =	vsub.f32 $0.0e+00, v27;
	v25 =	vmul.f32 $1.442695020e+00, v25  }
0x61c: {  	(erf) = vpow2.f32 v21;
	v21 =	vmul.f32 $1.442695020e+00, v26;
	v22 =	vsub.f32 $0.0e+00, v22  }
0x61d: {  	v26 =	vld [tilespmem:s11+$0xFFFFFFE0];
	(erf) = vpow2.f32 v25;
	v25 =	vmul.f32 $1.442695020e+00, v27;
	_ =	sdelay $0x1  }
0x61e: {  	v27 =	vld [tilespmem:s11+$0xFFFFFFF0];
	v23 =	vsub.f32 $0.0e+00, v23;
	(erf) = vpow2.f32 v21;
	v21 =	vmul.f32 $1.442695020e+00, v22  }
0x61f: {  	v29 =	vld [tilespmem:s11+$0x10];
	v28 =	vsub.f32 $0.0e+00, v28;
	(erf) = vpow2.f32 v25;
	v22 =	vpop (erf)  }
0x620: {  	v23 =	vmul.f32 $1.442695020e+00, v23;
	(erf) = vpow2.f32 v21;
	v25 =	vpop (erf)  }
0x621: {  	v21 =	vadd.f32 $1.000000000e+00, v25;
	v25 =	vsub.f32 $0.0e+00, v26;
	v26 =	vmul.f32 $1.442695020e+00, v28  }
0x622: {  	s17 =	simm.s32 $0xBFE0  }
0x623: {  	(erf) = vpow2.f32 v23;
	v23 =	vsub.f32 $0.0e+00, v27;
	v27 =	vld [tilespmem:s17+$0x0]  }
0x624: {  	v29 =	vsub.f32 $0.0e+00, v29;
	v22 =	vadd.f32 $1.000000000e+00, v22;
	(erf) = vrcp.f32 v21  }
0x625: {  	v21 =	vld [tilespmem:s17+$0xFFFFFFE0];
	v25 =	vmul.f32 $1.442695020e+00, v25;
	(erf) = vpow2.f32 v26;
	v26 =	vpop (erf)  }
0x626: {  	v23 =	vmul.f32 $1.442695020e+00, v23;
	(erf) = vrcp.f32 v22;
	v28 =	vpop (erf)  }
0x627: {  	(erf) = vpow2.f32 v25;
	v25 =	vadd.f32 $1.000000000e+00, v26;
	v30 =	vpop (erf)  }
0x628: {  	v22 =	vld [tilespmem:s17+$0xFFFFFFF0];
	v27 =	vsub.f32 $0.0e+00, v27;
	(erf) = vpow2.f32 v23;
	v23 =	vmul.f32 $1.442695020e+00, v29;
	v29 =	vpop (erf)  }
0x629: {  	v28 =	vadd.f32 $1.000000000e+00, v28;
	(erf) = vrcp.f32 v25;
	v25 =	vadd.f32 $1.000000000e+00, v29  }
0x62a: {  	v27 =	vmul.f32 $1.442695020e+00, v27;
	v21 =	vsub.f32 $0.0e+00, v21  }
0x62b: {  	s21 =	simm.s32 $0xC020;
	v26 =	vld [tilespmem:s17+$0x10];
	(erf) = vrcp.f32 v28  }
0x62c: {  	v28 =	vadd.f32 $1.000000000e+00, v30;
	v29 =	vpop (erf);
	v30 =	vld [tilespmem:s21+$0x0];
	(erf) = vpow2.f32 v23;
	v21 =	vmul.f32 $1.442695020e+00, v21  }
0x62d: {  	v31 =	vld [tilespmem:s21+$0xFFFFFFE0];
	v22 =	vsub.f32 $0.0e+00, v22;
	(erf) = vrcp.f32 v25;
	v25 =	vpop (erf)  }
0x62e: {  	v23 =	vld [tilespmem:s21+$0xFFFFFFF0];
	(erf) = vpow2.f32 v27;
	v27 =	vpop (erf)  }
0x62f: {  	v32 =	vmul.f32 $1.442695020e+00, v22;
	v33 =	vpop (erf);
	(erf) = vrcp.f32 v28  }
0x630: {  	s25 =	simm.s32 $0xC060;
	v29 =	vadd.f32 $1.000000000e+00, v29;
	v25 =	vadd.f32 $1.000000000e+00, v25;
	(erf) = vpow2.f32 v21;
	v21 =	vpop (erf)  }
0x631: {  	v26 =	vsub.f32 $0.0e+00, v26;
	v22 =	vld [tilespmem:s25+$0xFFFFFFE0];
	v30 =	vsub.f32 $0.0e+00, v30;
	(erf) = vpow2.f32 v32;
	v60 =	vpop (erf)  }
0x632: {  	s6 =	simm.s32 $0xD020;
	v27 =	vxor.u32 $0xFFFFFFFF, v27;
	v28 =	vld [tilespmem:s21+$0x10];
	(erf) = vrcp.f32 v29;
	v29 =	vadd.f32 $1.000000000e+00, v60  }
0x633: {  	v26 =	vmul.f32 $1.442695020e+00, v26;
	v35 =	vsub.f32 $0.0e+00, v23;
	v23 =	vld [tilespmem:s25+$0x0];
	[tilespmem:s6+$0xFFFFFFE0] =	vst v27;
	v27 =	vsub.f32 $0.0e+00, v31;
	v36 =	vpop (erf)  }
0x634: {  	s24 =	simm.s32 $0xC7A0;
	v30 =	vmul.f32 $1.442695020e+00, v30;
	v61 =	vxor.u32 $0xFFFFFFFF, v21;
	v21 =	vld [tilespmem:s25+$0x10];
	(erf) = vrcp.f32 v25;
	v25 =	vpop (erf)  }
0x635: {  	v34 =	vadd.f32 $1.000000000e+00, v33;
	v33 =	vmul.f32 $1.442695020e+00, v35;
	(erf) = vpow2.f32 v26;
	v26 =	vld [tilespmem:s24+$0xFFFFFFE0];
	v62 =	vpop (erf)  }
0x636: {  	s20 =	simm.s32 $0xD820;
	[tilespmem:s6+$0x0] =	vst v61;
	v31 =	vxor.u32 $0xFFFFFFFF, v25;
	v25 =	vld [tilespmem:s25+$0xFFFFFFF0];
	(erf) = vrcp.f32 v29;
	v39 =	vxor.u32 $0xFFFFFFFF, v62;
	v29 =	vpop (erf)  }
0x637: {  	s5 =	simm.s32 $0xC7E0;
	s10 =	simm.s32 $0x14;
	v37 =	vmul.f32 $1.442695020e+00, v27;
	v38 =	vsub.f32 $0.0e+00, v28;
	v28 =	vld [tilespmem:s24+$0x0];
	(erf) = vpow2.f32 v30;
	[tilespmem:s6+$0x10] =	vst v39;
	v27 =	vpop (erf)  }
0x638: {  	s11 =	simm.s32 $0xD060;
	s17 =	simm.s32 $0xC0A0;
	s25 =	simm.s32 $0xC7E0;
	[tilespmem:s6+$0xFFFFFFF0] =	vst v31;
	(erf) = vrcp.f32 v34;
	v30 =	vadd.f32 $1.000000000e+00, v29;
	v29 =	vld [tilespmem:s24+$0x10];
	v32 =	vpop (erf);
	v63 =	vxor.u32 $0xFFFFFFFF, v27  }
0x639: {  	s21 =	simm.s32 $0xD860;
	v31 =	vmul.f32 $1.442695020e+00, v38;
	s6 =	simm.s32 $0xD0A0;
	v34 =	vadd.f32 $1.000000000e+00, v36;
	v27 =	vld [tilespmem:s24+$0xFFFFFFF0];
	(erf) = vpow2.f32 v37;
	s24 =	simm.s32 $0xD860;
	[tilespmem:s11+$0xFFFFFFE0] =	vst v63;
	v35 =	vpop (erf)  }
.LBB2_78:
0x63a: {  	(erf) = vpow2.f32 v33;
	v36 =	vadd.f32 $1.000000000e+00, v32  }
0x63b: {  	s10 =	sadd.s32 $0x4, s10;
	v32 =	vpop (erf);
	v33 =	vxor.u32 $0xFFFFFFFF, v35;
	s21 =	sadd.s32 $0x40, s21;
	s25 =	sadd.s32 $0x40, s25;
	[tilespmem:s20+$0xFFFFFFE0] =	vst v26;
	v26 =	vmov v22;
	v22 =	vld [tilespmem:s17+$0xFFFFFFE0];
	v35 =	vmov v21  }
0x63c: {  	v21 =	vld [tilespmem:s17+$0x10];
	p0 =	slt.u32 s10, $0x7C;
	v37 =	vsub.f32 $0.0e+00, v25;
	v25 =	vsub.f32 $0.0e+00, v23;
	v38 =	vpop (erf);
	[tilespmem:s11+$0x0] =	vst v33;
	(erf) = vrcp.f32 v34  }
0x63d: {  	v33 =	vsub.f32 $0.0e+00, v26;
	v32 =	vadd.f32 $1.000000000e+00, v32;
	v23 =	vld [tilespmem:s17+$0x0];
	(erf) = vrcp.f32 v30;
	v30 =	vpop (erf);
	[tilespmem:s20+$0x0] =	vst v28  }
.Ltmp42:
0x63e: {  	v28 =	vmul.f32 $1.442695020e+00, v25;
	(erf) = vpow2.f32 v31;
	v26 =	vld [tilespmem:s5+$0xFFFFFFE0];
	v31 =	vxor.u32 $0xFFFFFFFF, v30;
	v30 =	vpop (erf);
	[tilespmem:s20+$0xFFFFFFF0] =	vst v27;
	(pc) =	sbr.rel @p0 .LBB2_78-.Ltmp42, $4  }
0x63f: {  	v34 =	vmul.f32 $1.442695020e+00, v33;
	v25 =	vld [tilespmem:s17+$0xFFFFFFF0];
	(erf) = vrcp.f32 v32;
	v27 =	vpop (erf);
	v39 =	vxor.u32 $0xFFFFFFFF, v30;
	[tilespmem:s20+$0x10] =	vst v29;
	s20 =	smov.u32 s24;
	s24 =	smov.u32 s21  }
0x640: {  	v29 =	vsub.f32 $0.0e+00, v35;
	(erf) = vpow2.f32 v28;
	v30 =	vadd.f32 $1.000000000e+00, v27;
	v27 =	vpop (erf);
	[tilespmem:s11+$0xFFFFFFF0] =	vst v31;
	v28 =	vld [tilespmem:s5+$0x0]  }
0x641: {  	v33 =	vmul.f32 $1.442695020e+00, v37;
	v32 =	vpop (erf);
	(erf) = vrcp.f32 v36;
	v36 =	vxor.u32 $0xFFFFFFFF, v27;
	v27 =	vld [tilespmem:s5+$0xFFFFFFF0];
	[tilespmem:s11+$0x10] =	vst v39;
	s11 =	smov.u32 s6  }
0x642: {  	s17 =	sadd.s32 $0x40, s17;
	v31 =	vmul.f32 $1.442695020e+00, v29;
	s6 =	sadd.s32 $0x40, s6;
	(erf) = vpow2.f32 v34;
	v34 =	vadd.f32 $1.000000000e+00, v38;
	[tilespmem:s11+$0xFFFFFFE0] =	vst v36;
	v35 =	vpop (erf);
	v29 =	vld [tilespmem:s5+$0x10];
	s5 =	smov.u32 s25  }
0x643: {  	v23 =	vsub.f32 $0.0e+00, v23  }
0x644: {  	(erf) = vpow2.f32 v33;
	v50 =	vpop (erf)  }
0x645: {  	[tilespmem:s20+$0xFFFFFFE0] =	vst v26;
	v26 =	vpop (erf);
	(erf) = vrcp.f32 v34;
	v23 =	vmul.f32 $1.442695020e+00, v23  }
0x646: {  	v33 =	vadd.f32 $1.000000000e+00, v50;
	(erf) = vrcp.f32 v30;
	v51 =	vpop (erf)  }
0x647: {  	(erf) = vpow2.f32 v31;
	v53 =	vpop (erf)  }
0x648: {  	v35 =	vxor.u32 $0xFFFFFFFF, v35;
	v25 =	vsub.f32 $0.0e+00, v25;
	(erf) = vrcp.f32 v33;
	v54 =	vpop (erf)  }
0x649: {  	v32 =	vadd.f32 $1.000000000e+00, v32;
	v22 =	vsub.f32 $0.0e+00, v22;
	[tilespmem:s11+$0x0] =	vst v35;
	(erf) = vpow2.f32 v23;
	v23 =	vpop (erf)  }
0x64a: {  	[tilespmem:s20+$0xFFFFFFF0] =	vst v27;
	v27 =	vxor.u32 $0xFFFFFFFF, v51;
	v25 =	vmul.f32 $1.442695020e+00, v25;
	v23 =	vxor.u32 $0xFFFFFFFF, v23  }
0x64b: {  	v52 =	vld [tilespmem:s5+$0xFFFFFFE0];
	v22 =	vmul.f32 $1.442695020e+00, v22;
	v55 =	vxor.u32 $0xFFFFFFFF, v53;
	[tilespmem:s11+$0xFFFFFFF0] =	vst v27  }
0x64c: {  	[tilespmem:s11+$0x10] =	vst v55;
	(erf) = vrcp.f32 v32;
	v56 =	vpop (erf)  }
0x64d: {  	v21 =	vsub.f32 $0.0e+00, v21;
	v27 =	vld [tilespmem:s5+$0x0];
	(erf) = vpow2.f32 v22;
	v22 =	vadd.f32 $1.000000000e+00, v26;
	[tilespmem:s6+$0xFFFFFFE0] =	vst v23;
	v23 =	vpop (erf)  }
0x64e: {  	[tilespmem:s20+$0x0] =	vst v28;
	v58 =	vadd.f32 $1.000000000e+00, v54;
	v26 =	vld [tilespmem:s5+$0x10];
	(erf) = vpow2.f32 v25;
	v25 =	vpop (erf);
	v23 =	vxor.u32 $0xFFFFFFFF, v23  }
0x64f: {  	v21 =	vmul.f32 $1.442695020e+00, v21;
	[tilespmem:s20+$0x10] =	vst v29;
	v59 =	vpop (erf);
	(erf) = vrcp.f32 v22;
	v22 =	vadd.f32 $1.000000000e+00, v25  }
0x650: {  	[tilespmem:s24+$0xFFFFFFE0] =	vst v52;
	s11 =	sadd.s32 $0x40, s25;
	(erf) = vrcp.f32 v58  }
0x651: {  	[tilespmem:s6+$0x0] =	vst v23;
	v23 =	vpop (erf);
	(erf) = vpow2.f32 v21;
	v21 =	vld [tilespmem:s11+$0xFFFFFFE0]  }
0x652: {  	v57 =	vld [tilespmem:s5+$0xFFFFFFF0];
	[tilespmem:s24+$0x0] =	vst v27;
	v27 =	vadd.f32 $1.000000000e+00, v56;
	v25 =	vpop (erf)  }
0x653: {  	[tilespmem:s24+$0x10] =	vst v26;
	v23 =	vxor.u32 $0xFFFFFFFF, v23;
	(erf) = vrcp.f32 v22;
	v22 =	vpop (erf);
	v25 =	vxor.u32 $0xFFFFFFFF, v25  }
0x654: {  	[tilespmem:s6+$0xFFFFFFF0] =	vst v23;
	v26 =	vpop (erf)  }
0x655: {  	s17 =	sadd.s32 $0x40, s21;
	v28 =	vadd.f32 $1.000000000e+00, v59;
	(erf) = vrcp.f32 v27;
	v27 =	vld [tilespmem:s11+$0xFFFFFFF0];
	[tilespmem:s6+$0x10] =	vst v25;
	v60 =	vpop (erf)  }
0x656: {  	v23 =	vld [tilespmem:s11+$0x0];
	v25 =	vpop (erf);
	[tilespmem:s17+$0xFFFFFFE0] =	vst v21;
	v21 =	vadd.f32 $1.000000000e+00, v22  }
0x657: {  	s10 =	sadd.s32 $0x40, s6;
	[tilespmem:s24+$0xFFFFFFF0] =	vst v57;
	(erf) = vrcp.f32 v28;
	v61 =	vpop (erf);
	v25 =	vxor.u32 $0xFFFFFFFF, v25  }
0x658: {  	v26 =	vxor.u32 $0xFFFFFFFF, v26;
	[tilespmem:s10+$0x0] =	vst v25;
	v25 =	vadd.f32 $1.000000000e+00, v61;
	(erf) = vrcp.f32 v21  }
0x659: {  	s5 =	sadd.s32 $0x40, s11;
	[tilespmem:s10+$0xFFFFFFE0] =	vst v26;
	v26 =	vld [tilespmem:s11+$0x10];
	v22 =	vpop (erf)  }
0x65a: {  	v21 =	vld [tilespmem:s5+$0xFFFFFFE0];
	v62 =	vpop (erf);
	[tilespmem:s17+$0xFFFFFFF0] =	vst v27;
	v27 =	vadd.f32 $1.000000000e+00, v60  }
0x65b: {  	[tilespmem:s17+$0x0] =	vst v23;
	v63 =	vld [tilespmem:s5+$0x0];
	v23 =	vpop (erf);
	v28 =	vxor.u32 $0xFFFFFFFF, v62;
	(erf) = vrcp.f32 v25  }
0x65c: {  	v23 =	vxor.u32 $0xFFFFFFFF, v23;
	[tilespmem:s10+$0xFFFFFFF0] =	vst v28;
	v25 =	vpop (erf);
	(erf) = vrcp.f32 v27  }
0x65d: {  	[tilespmem:s10+$0x10] =	vst v23;
	v23 =	vadd.f32 $1.000000000e+00, v25  }
0x65e: {  	s6 =	sadd.s32 $0x40, s17;
	v22 =	vadd.f32 $1.000000000e+00, v22;
	[tilespmem:s17+$0x10] =	vst v26;
	v27 =	vld [tilespmem:s5+$0xFFFFFFF0];
	v26 =	vpop (erf)  }
0x65f: {  	[tilespmem:s6+$0xFFFFFFE0] =	vst v21;
	v25 =	vpop (erf)  }
0x660: {  	s20 =	sadd.s32 $0x40, s10;
	(erf) = vrcp.f32 v22;
	v26 =	vxor.u32 $0xFFFFFFFF, v26;
	[tilespmem:s6+$0x0] =	vst v63;
	v21 =	vpop (erf)  }
0x661: {  	[tilespmem:s20+$0xFFFFFFE0] =	vst v26;
	v26 =	vld [tilespmem:s5+$0x10];
	v25 =	vxor.u32 $0xFFFFFFFF, v25;
	(erf) = vrcp.f32 v23;
	v23 =	vpop (erf)  }
0x662: {  	s5 =	sadd.s32 $0x40, s5;
	[tilespmem:s20+$0x0] =	vst v25;
	v23 =	vxor.u32 $0xFFFFFFFF, v23  }
0x663: {  	v22 =	vld [tilespmem:s5+$0xFFFFFFE0];
	v21 =	vxor.u32 $0xFFFFFFFF, v21;
	[tilespmem:s6+$0xFFFFFFF0] =	vst v27  }
0x664: {  	[tilespmem:s20+$0xFFFFFFF0] =	vst v21;
	v25 =	vpop (erf)  }
0x665: {  	v21 =	vld [tilespmem:s5+$0x0];
	[tilespmem:s20+$0x10] =	vst v23;
	v23 =	vpop (erf)  }
0x666: {  	s21 =	sadd.s32 $0x40, s20;
	[tilespmem:s6+$0x10] =	vst v26;
	v25 =	vxor.u32 $0xFFFFFFFF, v25;
	v23 =	vxor.u32 $0xFFFFFFFF, v23  }
0x667: {  	s6 =	sadd.s32 $0x40, s6;
	[tilespmem:s21+$0xFFFFFFE0] =	vst v25  }
0x668: {  	v25 =	vld [tilespmem:s5+$0xFFFFFFF0];
	[tilespmem:s6+$0xFFFFFFE0] =	vst v22  }
0x669: {  	s24 =	sadd.s32 $0x40, s5;
	v22 =	vld [tilespmem:s5+$0x10];
	[tilespmem:s21+$0x0] =	vst v23;
	v23 =	vpop (erf)  }
0x66a: {  	[tilespmem:s6+$0x0] =	vst v21;
	v21 =	vld [tilespmem:s24+$0xFFFFFFE0];
	v23 =	vxor.u32 $0xFFFFFFFF, v23;
	v26 =	vpop (erf)  }
0x66b: {  	v26 =	vxor.u32 $0xFFFFFFFF, v26;
	[tilespmem:s21+$0xFFFFFFF0] =	vst v23;
	v23 =	vld [tilespmem:s24+$0x0]  }
0x66c: {  	v27 =	vld [tilespmem:s24+$0xFFFFFFF0];
	[tilespmem:s21+$0x10] =	vst v26  }
0x66d: {  	[tilespmem:s6+$0xFFFFFFF0] =	vst v25;
	v25 =	vld [tilespmem:s24+$0x10]  }
0x66e: {  	s25 =	sadd.s32 $0x40, s6;
	[tilespmem:s6+$0x10] =	vst v22  }
0x66f: {  	[tilespmem:s25+$0xFFFFFFE0] =	vst v21  }
0x670: {  	[tilespmem:s25+$0x0] =	vst v23  }
0x671: {  	[tilespmem:s25+$0xFFFFFFF0] =	vst v27  }
0x672: {  	[tilespmem:s25+$0x10] =	vst v25  }
0x673: {  	[tilespmem:$0xF000] =	vst v1  }
0x674: {  	s5 =	simm.s32 $0x40;
	s6 =	simm.s32 $0x0;
	[tilespmem:$0xF010] =	vst v1  }
.LBB2_80:
0x675: {  	p0 =	sne.s32 s5, $0x1FC0;
	v21 =	vld [tilespmem:s6+$0xD000];
	_ =	sdelay $0x4  }
0x676: {  	v21 =	vand.u32 $0x1F, v21  }
0x677: {  	(xrf1) =	vunique.msk.u32 $0xffff, v21;
	_ =	sdelay $0xd  }
0x678: {  	_, v22, vm0 =	vpop (xrf1);
	_ =	sdelay $0x1  }
.Ltmp43:
0x679: {  	(pc) =	sbr.rel @p0 .LBB2_80-.Ltmp43, $2  }
0x67a: {  	_ =	sdelay $0x2  }
0x67b: {  	s6 =	sshra.s32 s5, $0x2;
	s5 =	sadd.s32 $0x40, s5;
	[tilespmem:v21+s1+$0x0] =	vst.idx.add.s32.msk vm0, v22  }
0x67c: {  	v21 =	vld [tilespmem:s6+$0xD000];
	_ =	sdelay $0x4  }
0x67d: {  	v21 =	vand.u32 $0x1F, v21  }
0x67e: {  	(xrf1) =	vunique.msk.u32 $0xffff, v21;
	_ =	sdelay $0xd  }
0x67f: {  	_, v22, vm0 =	vpop (xrf1);
	_ =	sdelay $0x5  }
0x680: {  	[tilespmem:v21+s1+$0x0] =	vst.idx.add.s32.msk vm0, v22  }
0x681: {  	v21 =	vld [tilespmem:$0xF000]  }
0x682: {  	v22 =	vld [tilespmem:$0xF010];
	_ =	sdelay $0x3  }
0x683: {  	(xrf0) =	vadd.scan.msk.s32 $0xffff, v21  }
0x684: {  	(xrf0) =	vadd.scan.msk.s32 $0xffff, v22;
	_ =	sdelay $0x4  }
0x685: {  	v23, _, _ =	vpop (xrf0)  }
0x686: {  	v25, _, _ =	vpop (xrf0);
	v26 =	vbroadcast v23, $0xF  }
0x687: {  	v21 =	vsub.s32 v23, v21;
	v22 =	vsub.s32 v25, v22  }
0x688: {  	[tilespmem:$0xF080] =	vst v21;
	v21 =	vadd.s32 v26, v22  }
0x689: {  	s5 =	simm.s32 $0x0;
	[tilespmem:$0xF090] =	vst v21  }
0x68a: {  	v21 =	vld [tilespmem:s5+$0xD000]  }
0x68b: {  	v22 =	vld [tilespmem:s5+$0xD800];
	s5 =	simm.s32 $0x40  }
.LBB2_82:
0x68c: {  	p0 =	sne.s32 s5, $0x1FC0;
	_ =	sdelay $0x2  }
0x68d: {  	v23 =	vand.u32 $0x1F, v21  }
0x68e: {  	(xrf1) =	vunique.msk.u32 $0xffff, v23;
	_ =	sdelay $0x8  }
0x68f: {  	v25 =	vld.idx.msk [tilespmem:v23+s22+$0x0], $0xffff;
	_ =	sdelay $0x4  }
0x690: {  	_, v26, vm0 =	vpop (xrf1)  }
0x691: {  	v25 =	vadd.s32 v26, v25  }
0x692: {  	v25 =	vadd.s32 $0xFFFFFFFF, v25;
	_ =	sdelay $0x4  }
.Ltmp44:
0x693: {  	[tilespmem:v25+s9+$0x0] =	vst.idx.msk $0xffff, v21;
	(pc) =	sbr.rel @p0 .LBB2_82-.Ltmp44, $4  }
0x694: {  	[tilespmem:v25+s14+$0x0] =	vst.idx.msk $0xffff, v22  }
0x695: {  	s6 =	sshra.s32 s5, $0x2;
	[tilespmem:v23+s22+$0x0] =	vst.idx.add.s32.msk vm0, v26  }
0x696: {  	v21 =	vld [tilespmem:s6+$0xD000]  }
0x697: {  	s5 =	sadd.s32 $0x40, s5;
	v22 =	vld [tilespmem:s6+$0xD800]  }
0x698: {  	_ =	sdelay $0x2  }
0x699: {  	v23 =	vand.u32 $0x1F, v21  }
0x69a: {  	(xrf1) =	vunique.msk.u32 $0xffff, v23;
	_ =	sdelay $0x9  }
0x69b: {  	v25 =	vld.idx.msk [tilespmem:v23+s22+$0x0], $0xffff;
	_ =	sdelay $0x3  }
0x69c: {  	_, v26, vm0 =	vpop (xrf1)  }
0x69d: {  	v25 =	vadd.s32 v26, v25  }
0x69e: {  	v25 =	vadd.s32 $0xFFFFFFFF, v25;
	_ =	sdelay $0x4  }
0x69f: {  	[tilespmem:v25+s9+$0x0] =	vst.idx.msk $0xffff, v21  }
0x6a0: {  	[tilespmem:v25+s14+$0x0] =	vst.idx.msk $0xffff, v22  }
0x6a1: {  	[tilespmem:v23+s22+$0x0] =	vst.idx.add.s32.msk vm0, v26  }
0x6a2: {  	[tilespmem:$0xF000] =	vst v1  }
0x6a3: {  	s6 =	simm.s32 $0x0;
	s5 =	simm.s32 $0x40;
	[tilespmem:$0xF010] =	vst v1  }
.LBB2_84:
0x6a4: {  	p0 =	sne.s32 s5, $0x1FC0;
	v21 =	vld [tilespmem:s6+$0xE000];
	_ =	sdelay $0x4  }
0x6a5: {  	v21 =	vshrl.u32 v21, $0x5  }
0x6a6: {  	v21 =	vand.u32 $0x1F, v21  }
0x6a7: {  	(xrf1) =	vunique.msk.u32 $0xffff, v21;
	_ =	sdelay $0xd  }
0x6a8: {  	_, v22, vm0 =	vpop (xrf1);
	_ =	sdelay $0x1  }
.Ltmp45:
0x6a9: {  	(pc) =	sbr.rel @p0 .LBB2_84-.Ltmp45, $2  }
0x6aa: {  	_ =	sdelay $0x2  }
0x6ab: {  	s6 =	sshra.s32 s5, $0x2;
	s5 =	sadd.s32 $0x40, s5;
	[tilespmem:v21+s1+$0x0] =	vst.idx.add.s32.msk vm0, v22  }
0x6ac: {  	v21 =	vld [tilespmem:s6+$0xE000];
	_ =	sdelay $0x4  }
0x6ad: {  	v21 =	vshrl.u32 v21, $0x5  }
0x6ae: {  	v21 =	vand.u32 $0x1F, v21  }
0x6af: {  	(xrf1) =	vunique.msk.u32 $0xffff, v21;
	_ =	sdelay $0xd  }
0x6b0: {  	_, v22, vm0 =	vpop (xrf1);
	_ =	sdelay $0x5  }
0x6b1: {  	[tilespmem:v21+s1+$0x0] =	vst.idx.add.s32.msk vm0, v22  }
0x6b2: {  	v21 =	vld [tilespmem:$0xF000]  }
0x6b3: {  	v22 =	vld [tilespmem:$0xF010];
	_ =	sdelay $0x3  }
0x6b4: {  	(xrf0) =	vadd.scan.msk.s32 $0xffff, v21  }
0x6b5: {  	(xrf0) =	vadd.scan.msk.s32 $0xffff, v22;
	_ =	sdelay $0x4  }
0x6b6: {  	v23, _, _ =	vpop (xrf0)  }
0x6b7: {  	v25, _, _ =	vpop (xrf0);
	v26 =	vbroadcast v23, $0xF  }
0x6b8: {  	v21 =	vsub.s32 v23, v21;
	v22 =	vsub.s32 v25, v22  }
0x6b9: {  	[tilespmem:$0xF080] =	vst v21;
	v21 =	vadd.s32 v26, v22  }
0x6ba: {  	s5 =	simm.s32 $0x0;
	[tilespmem:$0xF090] =	vst v21  }
0x6bb: {  	v21 =	vld [tilespmem:s5+$0xE000]  }
0x6bc: {  	v22 =	vld [tilespmem:s5+$0xE800];
	s5 =	simm.s32 $0x40  }
.LBB2_86:
0x6bd: {  	p0 =	sne.s32 s5, $0x1FC0;
	_ =	sdelay $0x2  }
0x6be: {  	v23 =	vshrl.u32 v21, $0x5  }
0x6bf: {  	v23 =	vand.u32 $0x1F, v23  }
0x6c0: {  	(xrf1) =	vunique.msk.u32 $0xffff, v23;
	_ =	sdelay $0x8  }
0x6c1: {  	v25 =	vld.idx.msk [tilespmem:v23+s22+$0x0], $0xffff;
	_ =	sdelay $0x4  }
0x6c2: {  	_, v26, vm0 =	vpop (xrf1)  }
0x6c3: {  	v25 =	vadd.s32 v26, v25  }
0x6c4: {  	v25 =	vadd.s32 $0xFFFFFFFF, v25;
	_ =	sdelay $0x4  }
.Ltmp46:
0x6c5: {  	[tilespmem:v25+s15+$0x0] =	vst.idx.msk $0xffff, v21;
	(pc) =	sbr.rel @p0 .LBB2_86-.Ltmp46, $4  }
0x6c6: {  	[tilespmem:v25+s16+$0x0] =	vst.idx.msk $0xffff, v22  }
0x6c7: {  	s6 =	sshra.s32 s5, $0x2;
	[tilespmem:v23+s22+$0x0] =	vst.idx.add.s32.msk vm0, v26  }
0x6c8: {  	v21 =	vld [tilespmem:s6+$0xE000]  }
0x6c9: {  	s5 =	sadd.s32 $0x40, s5;
	v22 =	vld [tilespmem:s6+$0xE800]  }
0x6ca: {  	_ =	sdelay $0x2  }
0x6cb: {  	v23 =	vshrl.u32 v21, $0x5  }
0x6cc: {  	v23 =	vand.u32 $0x1F, v23  }
0x6cd: {  	(xrf1) =	vunique.msk.u32 $0xffff, v23;
	_ =	sdelay $0x9  }
0x6ce: {  	v25 =	vld.idx.msk [tilespmem:v23+s22+$0x0], $0xffff;
	_ =	sdelay $0x3  }
0x6cf: {  	_, v26, vm0 =	vpop (xrf1)  }
0x6d0: {  	v25 =	vadd.s32 v26, v25  }
0x6d1: {  	v25 =	vadd.s32 $0xFFFFFFFF, v25;
	_ =	sdelay $0x4  }
0x6d2: {  	[tilespmem:v25+s15+$0x0] =	vst.idx.msk $0xffff, v21  }
0x6d3: {  	[tilespmem:v25+s16+$0x0] =	vst.idx.msk $0xffff, v22  }
0x6d4: {  	[tilespmem:v23+s22+$0x0] =	vst.idx.add.s32.msk vm0, v26  }
0x6d5: {  	[tilespmem:$0xF000] =	vst v1  }
0x6d6: {  	s6 =	simm.s32 $0x0;
	s5 =	simm.s32 $0x40;
	[tilespmem:$0xF010] =	vst v1  }
.LBB2_88:
0x6d7: {  	p0 =	sne.s32 s5, $0x1FC0;
	v21 =	vld [tilespmem:s6+$0xD000];
	_ =	sdelay $0x4  }
0x6d8: {  	v21 =	vshrl.u32 v21, $0xA  }
0x6d9: {  	v21 =	vand.u32 $0x1F, v21  }
0x6da: {  	(xrf1) =	vunique.msk.u32 $0xffff, v21;
	_ =	sdelay $0xd  }
0x6db: {  	_, v22, vm0 =	vpop (xrf1);
	_ =	sdelay $0x1  }
.Ltmp47:
0x6dc: {  	(pc) =	sbr.rel @p0 .LBB2_88-.Ltmp47, $2  }
0x6dd: {  	_ =	sdelay $0x2  }
0x6de: {  	s6 =	sshra.s32 s5, $0x2;
	s5 =	sadd.s32 $0x40, s5;
	[tilespmem:v21+s1+$0x0] =	vst.idx.add.s32.msk vm0, v22  }
0x6df: {  	v21 =	vld [tilespmem:s6+$0xD000];
	_ =	sdelay $0x4  }
0x6e0: {  	v21 =	vshrl.u32 v21, $0xA  }
0x6e1: {  	v21 =	vand.u32 $0x1F, v21  }
0x6e2: {  	(xrf1) =	vunique.msk.u32 $0xffff, v21;
	_ =	sdelay $0xd  }
0x6e3: {  	_, v22, vm0 =	vpop (xrf1);
	_ =	sdelay $0x5  }
0x6e4: {  	[tilespmem:v21+s1+$0x0] =	vst.idx.add.s32.msk vm0, v22  }
0x6e5: {  	v21 =	vld [tilespmem:$0xF000]  }
0x6e6: {  	v22 =	vld [tilespmem:$0xF010];
	_ =	sdelay $0x3  }
0x6e7: {  	(xrf0) =	vadd.scan.msk.s32 $0xffff, v21  }
0x6e8: {  	(xrf0) =	vadd.scan.msk.s32 $0xffff, v22;
	_ =	sdelay $0x4  }
0x6e9: {  	v23, _, _ =	vpop (xrf0)  }
0x6ea: {  	v25, _, _ =	vpop (xrf0);
	v26 =	vbroadcast v23, $0xF  }
0x6eb: {  	v21 =	vsub.s32 v23, v21;
	v22 =	vsub.s32 v25, v22  }
0x6ec: {  	[tilespmem:$0xF080] =	vst v21;
	v21 =	vadd.s32 v26, v22  }
0x6ed: {  	s5 =	simm.s32 $0x0;
	[tilespmem:$0xF090] =	vst v21  }
0x6ee: {  	v21 =	vld [tilespmem:s5+$0xD000]  }
0x6ef: {  	v22 =	vld [tilespmem:s5+$0xD800];
	s5 =	simm.s32 $0x40  }
.LBB2_90:
0x6f0: {  	p0 =	sne.s32 s5, $0x1FC0;
	_ =	sdelay $0x2  }
0x6f1: {  	v23 =	vshrl.u32 v21, $0xA  }
0x6f2: {  	v23 =	vand.u32 $0x1F, v23  }
0x6f3: {  	(xrf1) =	vunique.msk.u32 $0xffff, v23;
	_ =	sdelay $0x8  }
0x6f4: {  	v25 =	vld.idx.msk [tilespmem:v23+s22+$0x0], $0xffff;
	_ =	sdelay $0x4  }
0x6f5: {  	_, v26, vm0 =	vpop (xrf1)  }
0x6f6: {  	v25 =	vadd.s32 v26, v25  }
0x6f7: {  	v25 =	vadd.s32 $0xFFFFFFFF, v25;
	_ =	sdelay $0x4  }
.Ltmp48:
0x6f8: {  	[tilespmem:v25+s9+$0x0] =	vst.idx.msk $0xffff, v21;
	(pc) =	sbr.rel @p0 .LBB2_90-.Ltmp48, $4  }
0x6f9: {  	[tilespmem:v25+s14+$0x0] =	vst.idx.msk $0xffff, v22  }
0x6fa: {  	s6 =	sshra.s32 s5, $0x2;
	[tilespmem:v23+s22+$0x0] =	vst.idx.add.s32.msk vm0, v26  }
0x6fb: {  	v21 =	vld [tilespmem:s6+$0xD000]  }
0x6fc: {  	s5 =	sadd.s32 $0x40, s5;
	v22 =	vld [tilespmem:s6+$0xD800]  }
0x6fd: {  	_ =	sdelay $0x2  }
0x6fe: {  	v23 =	vshrl.u32 v21, $0xA  }
0x6ff: {  	v23 =	vand.u32 $0x1F, v23  }
0x700: {  	(xrf1) =	vunique.msk.u32 $0xffff, v23;
	_ =	sdelay $0x9  }
0x701: {  	v25 =	vld.idx.msk [tilespmem:v23+s22+$0x0], $0xffff;
	_ =	sdelay $0x3  }
0x702: {  	_, v26, vm0 =	vpop (xrf1)  }
0x703: {  	v25 =	vadd.s32 v26, v25  }
0x704: {  	v25 =	vadd.s32 $0xFFFFFFFF, v25;
	_ =	sdelay $0x4  }
0x705: {  	[tilespmem:v25+s9+$0x0] =	vst.idx.msk $0xffff, v21  }
0x706: {  	[tilespmem:v25+s14+$0x0] =	vst.idx.msk $0xffff, v22  }
0x707: {  	[tilespmem:v23+s22+$0x0] =	vst.idx.add.s32.msk vm0, v26  }
0x708: {  	[tilespmem:$0xF000] =	vst v1  }
0x709: {  	s6 =	simm.s32 $0x0;
	s5 =	simm.s32 $0x40;
	[tilespmem:$0xF010] =	vst v1  }
.LBB2_92:
0x70a: {  	p0 =	sne.s32 s5, $0x1FC0;
	v21 =	vld [tilespmem:s6+$0xE000];
	_ =	sdelay $0x4  }
0x70b: {  	v21 =	vshrl.u32 v21, $0xF  }
0x70c: {  	v21 =	vand.u32 $0x1F, v21  }
0x70d: {  	(xrf1) =	vunique.msk.u32 $0xffff, v21;
	_ =	sdelay $0xd  }
0x70e: {  	_, v22, vm0 =	vpop (xrf1);
	_ =	sdelay $0x1  }
.Ltmp49:
0x70f: {  	(pc) =	sbr.rel @p0 .LBB2_92-.Ltmp49, $2  }
0x710: {  	_ =	sdelay $0x2  }
0x711: {  	s6 =	sshra.s32 s5, $0x2;
	s5 =	sadd.s32 $0x40, s5;
	[tilespmem:v21+s1+$0x0] =	vst.idx.add.s32.msk vm0, v22  }
0x712: {  	v21 =	vld [tilespmem:s6+$0xE000];
	_ =	sdelay $0x4  }
0x713: {  	v21 =	vshrl.u32 v21, $0xF  }
0x714: {  	v21 =	vand.u32 $0x1F, v21  }
0x715: {  	(xrf1) =	vunique.msk.u32 $0xffff, v21;
	_ =	sdelay $0xd  }
0x716: {  	_, v22, vm0 =	vpop (xrf1);
	_ =	sdelay $0x5  }
0x717: {  	[tilespmem:v21+s1+$0x0] =	vst.idx.add.s32.msk vm0, v22  }
0x718: {  	v21 =	vld [tilespmem:$0xF000]  }
0x719: {  	v22 =	vld [tilespmem:$0xF010];
	_ =	sdelay $0x3  }
0x71a: {  	(xrf0) =	vadd.scan.msk.s32 $0xffff, v21  }
0x71b: {  	(xrf0) =	vadd.scan.msk.s32 $0xffff, v22;
	_ =	sdelay $0x4  }
0x71c: {  	v23, _, _ =	vpop (xrf0)  }
0x71d: {  	v25, _, _ =	vpop (xrf0);
	v26 =	vbroadcast v23, $0xF  }
0x71e: {  	v21 =	vsub.s32 v23, v21;
	v22 =	vsub.s32 v25, v22  }
0x71f: {  	[tilespmem:$0xF080] =	vst v21;
	v21 =	vadd.s32 v26, v22  }
0x720: {  	s5 =	simm.s32 $0x0;
	[tilespmem:$0xF090] =	vst v21  }
0x721: {  	v21 =	vld [tilespmem:s5+$0xE000]  }
0x722: {  	v22 =	vld [tilespmem:s5+$0xE800];
	s5 =	simm.s32 $0x40  }
.LBB2_94:
0x723: {  	p0 =	sne.s32 s5, $0x1FC0;
	_ =	sdelay $0x2  }
0x724: {  	v23 =	vshrl.u32 v21, $0xF  }
0x725: {  	v23 =	vand.u32 $0x1F, v23  }
0x726: {  	(xrf1) =	vunique.msk.u32 $0xffff, v23;
	_ =	sdelay $0x8  }
0x727: {  	v25 =	vld.idx.msk [tilespmem:v23+s22+$0x0], $0xffff;
	_ =	sdelay $0x4  }
0x728: {  	_, v26, vm0 =	vpop (xrf1)  }
0x729: {  	v25 =	vadd.s32 v26, v25  }
0x72a: {  	v25 =	vadd.s32 $0xFFFFFFFF, v25;
	_ =	sdelay $0x4  }
.Ltmp50:
0x72b: {  	[tilespmem:v25+s15+$0x0] =	vst.idx.msk $0xffff, v21;
	(pc) =	sbr.rel @p0 .LBB2_94-.Ltmp50, $4  }
0x72c: {  	[tilespmem:v25+s16+$0x0] =	vst.idx.msk $0xffff, v22  }
0x72d: {  	s6 =	sshra.s32 s5, $0x2;
	[tilespmem:v23+s22+$0x0] =	vst.idx.add.s32.msk vm0, v26  }
0x72e: {  	v21 =	vld [tilespmem:s6+$0xE000]  }
0x72f: {  	s5 =	sadd.s32 $0x40, s5;
	v22 =	vld [tilespmem:s6+$0xE800]  }
0x730: {  	_ =	sdelay $0x2  }
0x731: {  	v23 =	vshrl.u32 v21, $0xF  }
0x732: {  	v23 =	vand.u32 $0x1F, v23  }
0x733: {  	(xrf1) =	vunique.msk.u32 $0xffff, v23;
	_ =	sdelay $0x9  }
0x734: {  	v25 =	vld.idx.msk [tilespmem:v23+s22+$0x0], $0xffff;
	_ =	sdelay $0x3  }
0x735: {  	_, v26, vm0 =	vpop (xrf1)  }
0x736: {  	v25 =	vadd.s32 v26, v25  }
0x737: {  	v25 =	vadd.s32 $0xFFFFFFFF, v25;
	_ =	sdelay $0x4  }
0x738: {  	[tilespmem:v25+s15+$0x0] =	vst.idx.msk $0xffff, v21  }
0x739: {  	[tilespmem:v25+s16+$0x0] =	vst.idx.msk $0xffff, v22  }
0x73a: {  	[tilespmem:v23+s22+$0x0] =	vst.idx.add.s32.msk vm0, v26  }
0x73b: {  	[tilespmem:$0xF000] =	vst v1  }
0x73c: {  	s6 =	simm.s32 $0x0;
	s5 =	simm.s32 $0x40;
	[tilespmem:$0xF010] =	vst v1  }
.LBB2_96:
0x73d: {  	p0 =	sne.s32 s5, $0x1FC0;
	v21 =	vld [tilespmem:s6+$0xD000];
	_ =	sdelay $0x4  }
0x73e: {  	v21 =	vshrl.u32 v21, $0x14  }
0x73f: {  	v21 =	vand.u32 $0x1F, v21  }
0x740: {  	(xrf1) =	vunique.msk.u32 $0xffff, v21;
	_ =	sdelay $0xd  }
0x741: {  	_, v22, vm0 =	vpop (xrf1);
	_ =	sdelay $0x1  }
.Ltmp51:
0x742: {  	(pc) =	sbr.rel @p0 .LBB2_96-.Ltmp51, $2  }
0x743: {  	_ =	sdelay $0x2  }
0x744: {  	s6 =	sshra.s32 s5, $0x2;
	s5 =	sadd.s32 $0x40, s5;
	[tilespmem:v21+s1+$0x0] =	vst.idx.add.s32.msk vm0, v22  }
0x745: {  	v21 =	vld [tilespmem:s6+$0xD000];
	_ =	sdelay $0x4  }
0x746: {  	v21 =	vshrl.u32 v21, $0x14  }
0x747: {  	v21 =	vand.u32 $0x1F, v21  }
0x748: {  	(xrf1) =	vunique.msk.u32 $0xffff, v21;
	_ =	sdelay $0xd  }
0x749: {  	_, v22, vm0 =	vpop (xrf1);
	_ =	sdelay $0x5  }
0x74a: {  	[tilespmem:v21+s1+$0x0] =	vst.idx.add.s32.msk vm0, v22  }
0x74b: {  	v21 =	vld [tilespmem:$0xF000]  }
0x74c: {  	v22 =	vld [tilespmem:$0xF010];
	_ =	sdelay $0x3  }
0x74d: {  	(xrf0) =	vadd.scan.msk.s32 $0xffff, v21  }
0x74e: {  	(xrf0) =	vadd.scan.msk.s32 $0xffff, v22;
	_ =	sdelay $0x4  }
0x74f: {  	v23, _, _ =	vpop (xrf0)  }
0x750: {  	v25, _, _ =	vpop (xrf0);
	v26 =	vbroadcast v23, $0xF  }
0x751: {  	v21 =	vsub.s32 v23, v21;
	v22 =	vsub.s32 v25, v22  }
0x752: {  	[tilespmem:$0xF080] =	vst v21;
	v21 =	vadd.s32 v26, v22  }
0x753: {  	s5 =	simm.s32 $0x0;
	[tilespmem:$0xF090] =	vst v21  }
0x754: {  	v21 =	vld [tilespmem:s5+$0xD000]  }
0x755: {  	v22 =	vld [tilespmem:s5+$0xD800];
	s5 =	simm.s32 $0x40  }
.LBB2_98:
0x756: {  	p0 =	sne.s32 s5, $0x1FC0;
	_ =	sdelay $0x2  }
0x757: {  	v23 =	vshrl.u32 v21, $0x14  }
0x758: {  	v23 =	vand.u32 $0x1F, v23  }
0x759: {  	(xrf1) =	vunique.msk.u32 $0xffff, v23;
	_ =	sdelay $0x8  }
0x75a: {  	v25 =	vld.idx.msk [tilespmem:v23+s22+$0x0], $0xffff;
	_ =	sdelay $0x4  }
0x75b: {  	_, v26, vm0 =	vpop (xrf1)  }
0x75c: {  	v25 =	vadd.s32 v26, v25  }
0x75d: {  	v25 =	vadd.s32 $0xFFFFFFFF, v25;
	_ =	sdelay $0x4  }
.Ltmp52:
0x75e: {  	[tilespmem:v25+s9+$0x0] =	vst.idx.msk $0xffff, v21;
	(pc) =	sbr.rel @p0 .LBB2_98-.Ltmp52, $4  }
0x75f: {  	[tilespmem:v25+s14+$0x0] =	vst.idx.msk $0xffff, v22  }
0x760: {  	s6 =	sshra.s32 s5, $0x2;
	[tilespmem:v23+s22+$0x0] =	vst.idx.add.s32.msk vm0, v26  }
0x761: {  	v21 =	vld [tilespmem:s6+$0xD000]  }
0x762: {  	s5 =	sadd.s32 $0x40, s5;
	v22 =	vld [tilespmem:s6+$0xD800]  }
0x763: {  	_ =	sdelay $0x2  }
0x764: {  	v23 =	vshrl.u32 v21, $0x14  }
0x765: {  	v23 =	vand.u32 $0x1F, v23  }
0x766: {  	(xrf1) =	vunique.msk.u32 $0xffff, v23;
	_ =	sdelay $0x9  }
0x767: {  	v25 =	vld.idx.msk [tilespmem:v23+s22+$0x0], $0xffff;
	_ =	sdelay $0x3  }
0x768: {  	_, v26, vm0 =	vpop (xrf1)  }
0x769: {  	v25 =	vadd.s32 v26, v25  }
0x76a: {  	v25 =	vadd.s32 $0xFFFFFFFF, v25;
	_ =	sdelay $0x4  }
0x76b: {  	[tilespmem:v25+s9+$0x0] =	vst.idx.msk $0xffff, v21  }
0x76c: {  	[tilespmem:v25+s14+$0x0] =	vst.idx.msk $0xffff, v22  }
0x76d: {  	[tilespmem:v23+s22+$0x0] =	vst.idx.add.s32.msk vm0, v26  }
0x76e: {  	[tilespmem:$0xF000] =	vst v1  }
0x76f: {  	s6 =	simm.s32 $0x0;
	s5 =	simm.s32 $0x40;
	[tilespmem:$0xF010] =	vst v1  }
.LBB2_100:
0x770: {  	p0 =	sne.s32 s5, $0x1FC0;
	v21 =	vld [tilespmem:s6+$0xE000];
	_ =	sdelay $0x4  }
0x771: {  	v21 =	vshrl.u32 v21, $0x19  }
0x772: {  	v21 =	vand.u32 $0x1F, v21  }
0x773: {  	(xrf1) =	vunique.msk.u32 $0xffff, v21;
	_ =	sdelay $0xd  }
0x774: {  	_, v22, vm0 =	vpop (xrf1);
	_ =	sdelay $0x1  }
.Ltmp53:
0x775: {  	(pc) =	sbr.rel @p0 .LBB2_100-.Ltmp53, $2  }
0x776: {  	_ =	sdelay $0x2  }
0x777: {  	s6 =	sshra.s32 s5, $0x2;
	s5 =	sadd.s32 $0x40, s5;
	[tilespmem:v21+s1+$0x0] =	vst.idx.add.s32.msk vm0, v22  }
0x778: {  	v21 =	vld [tilespmem:s6+$0xE000];
	_ =	sdelay $0x4  }
0x779: {  	v21 =	vshrl.u32 v21, $0x19  }
0x77a: {  	v21 =	vand.u32 $0x1F, v21  }
0x77b: {  	(xrf1) =	vunique.msk.u32 $0xffff, v21;
	_ =	sdelay $0xd  }
0x77c: {  	_, v22, vm0 =	vpop (xrf1);
	_ =	sdelay $0x5  }
0x77d: {  	[tilespmem:v21+s1+$0x0] =	vst.idx.add.s32.msk vm0, v22  }
0x77e: {  	v21 =	vld [tilespmem:$0xF000]  }
0x77f: {  	v22 =	vld [tilespmem:$0xF010];
	_ =	sdelay $0x3  }
0x780: {  	(xrf0) =	vadd.scan.msk.s32 $0xffff, v21  }
0x781: {  	(xrf0) =	vadd.scan.msk.s32 $0xffff, v22;
	_ =	sdelay $0x4  }
0x782: {  	v23, _, _ =	vpop (xrf0)  }
0x783: {  	v25, _, _ =	vpop (xrf0);
	v26 =	vbroadcast v23, $0xF  }
0x784: {  	v21 =	vsub.s32 v23, v21;
	v22 =	vsub.s32 v25, v22  }
0x785: {  	[tilespmem:$0xF080] =	vst v21;
	v21 =	vadd.s32 v26, v22  }
0x786: {  	s5 =	simm.s32 $0x0;
	[tilespmem:$0xF090] =	vst v21  }
0x787: {  	v21 =	vld [tilespmem:s5+$0xE000]  }
0x788: {  	v22 =	vld [tilespmem:s5+$0xE800];
	s5 =	simm.s32 $0x40  }
.LBB2_102:
0x789: {  	p0 =	sne.s32 s5, $0x1FC0;
	_ =	sdelay $0x2  }
0x78a: {  	v23 =	vshrl.u32 v21, $0x19  }
0x78b: {  	v23 =	vand.u32 $0x1F, v23  }
0x78c: {  	(xrf1) =	vunique.msk.u32 $0xffff, v23;
	_ =	sdelay $0x8  }
0x78d: {  	v25 =	vld.idx.msk [tilespmem:v23+s22+$0x0], $0xffff;
	_ =	sdelay $0x4  }
0x78e: {  	_, v26, vm0 =	vpop (xrf1)  }
0x78f: {  	v25 =	vadd.s32 v26, v25  }
0x790: {  	v25 =	vadd.s32 $0xFFFFFFFF, v25;
	_ =	sdelay $0x4  }
.Ltmp54:
0x791: {  	[tilespmem:v25+s15+$0x0] =	vst.idx.msk $0xffff, v21;
	(pc) =	sbr.rel @p0 .LBB2_102-.Ltmp54, $4  }
0x792: {  	[tilespmem:v25+s16+$0x0] =	vst.idx.msk $0xffff, v22  }
0x793: {  	s6 =	sshra.s32 s5, $0x2;
	[tilespmem:v23+s22+$0x0] =	vst.idx.add.s32.msk vm0, v26  }
0x794: {  	v21 =	vld [tilespmem:s6+$0xE000]  }
0x795: {  	s5 =	sadd.s32 $0x40, s5;
	v22 =	vld [tilespmem:s6+$0xE800]  }
0x796: {  	_ =	sdelay $0x2  }
0x797: {  	v23 =	vshrl.u32 v21, $0x19  }
0x798: {  	v23 =	vand.u32 $0x1F, v23  }
0x799: {  	(xrf1) =	vunique.msk.u32 $0xffff, v23;
	_ =	sdelay $0x9  }
0x79a: {  	v25 =	vld.idx.msk [tilespmem:v23+s22+$0x0], $0xffff;
	_ =	sdelay $0x3  }
0x79b: {  	_, v26, vm0 =	vpop (xrf1)  }
0x79c: {  	v25 =	vadd.s32 v26, v25  }
0x79d: {  	v25 =	vadd.s32 $0xFFFFFFFF, v25;
	_ =	sdelay $0x4  }
0x79e: {  	[tilespmem:v25+s15+$0x0] =	vst.idx.msk $0xffff, v21  }
0x79f: {  	[tilespmem:v25+s16+$0x0] =	vst.idx.msk $0xffff, v22  }
0x7a0: {  	[tilespmem:v23+s22+$0x0] =	vst.idx.add.s32.msk vm0, v26  }
0x7a1: {  	[tilespmem:$0xF000] =	vst v1  }
0x7a2: {  	s6 =	simm.s32 $0x0;
	s5 =	simm.s32 $0x40;
	[tilespmem:$0xF010] =	vst v1  }
.LBB2_104:
0x7a3: {  	p0 =	sne.s32 s5, $0x1FC0;
	v21 =	vld [tilespmem:s6+$0xD000];
	_ =	sdelay $0x4  }
0x7a4: {  	v21 =	vshra.s32 v21, $0x1E  }
0x7a5: {  	v21 =	vand.u32 $0x1F, v21  }
0x7a6: {  	(xrf1) =	vunique.msk.u32 $0xffff, v21;
	_ =	sdelay $0xd  }
0x7a7: {  	_, v22, vm0 =	vpop (xrf1);
	_ =	sdelay $0x1  }
.Ltmp55:
0x7a8: {  	(pc) =	sbr.rel @p0 .LBB2_104-.Ltmp55, $2  }
0x7a9: {  	_ =	sdelay $0x2  }
0x7aa: {  	s6 =	sshra.s32 s5, $0x2;
	s5 =	sadd.s32 $0x40, s5;
	[tilespmem:v21+s1+$0x0] =	vst.idx.add.s32.msk vm0, v22  }
0x7ab: {  	v21 =	vld [tilespmem:s6+$0xD000];
	_ =	sdelay $0x4  }
0x7ac: {  	v21 =	vshra.s32 v21, $0x1E  }
0x7ad: {  	v21 =	vand.u32 $0x1F, v21  }
0x7ae: {  	(xrf1) =	vunique.msk.u32 $0xffff, v21;
	_ =	sdelay $0xd  }
0x7af: {  	_, v22, vm0 =	vpop (xrf1);
	_ =	sdelay $0x5  }
0x7b0: {  	[tilespmem:v21+s1+$0x0] =	vst.idx.add.s32.msk vm0, v22  }
0x7b1: {  	v21 =	vld [tilespmem:$0xF000]  }
0x7b2: {  	v22 =	vld [tilespmem:$0xF010];
	_ =	sdelay $0x3  }
0x7b3: {  	(xrf0) =	vadd.scan.msk.s32 $0xffff, v21  }
0x7b4: {  	(xrf0) =	vadd.scan.msk.s32 $0xffff, v22;
	_ =	sdelay $0x4  }
0x7b5: {  	v23, _, _ =	vpop (xrf0)  }
0x7b6: {  	v25, _, _ =	vpop (xrf0);
	v26 =	vbroadcast v23, $0xF  }
0x7b7: {  	v21 =	vsub.s32 v23, v21;
	v22 =	vsub.s32 v25, v22  }
0x7b8: {  	[tilespmem:$0xF080] =	vst v21;
	v21 =	vadd.s32 v26, v22  }
0x7b9: {  	s5 =	simm.s32 $0x0;
	[tilespmem:$0xF090] =	vst v21  }
0x7ba: {  	v21 =	vld [tilespmem:s5+$0xD000]  }
0x7bb: {  	v22 =	vld [tilespmem:s5+$0xD800];
	s5 =	simm.s32 $0x40  }
.LBB2_106:
0x7bc: {  	p0 =	sne.s32 s5, $0x1FC0;
	_ =	sdelay $0x2  }
0x7bd: {  	v23 =	vshra.s32 v21, $0x1E  }
0x7be: {  	v23 =	vand.u32 $0x1F, v23  }
0x7bf: {  	(xrf1) =	vunique.msk.u32 $0xffff, v23;
	_ =	sdelay $0x8  }
0x7c0: {  	v25 =	vld.idx.msk [tilespmem:v23+s22+$0x0], $0xffff;
	_ =	sdelay $0x4  }
0x7c1: {  	_, v26, vm0 =	vpop (xrf1)  }
0x7c2: {  	v25 =	vadd.s32 v26, v25  }
0x7c3: {  	v25 =	vadd.s32 $0xFFFFFFFF, v25;
	_ =	sdelay $0x4  }
.Ltmp56:
0x7c4: {  	[tilespmem:v25+s9+$0x0] =	vst.idx.msk $0xffff, v21;
	(pc) =	sbr.rel @p0 .LBB2_106-.Ltmp56, $4  }
0x7c5: {  	[tilespmem:v25+s14+$0x0] =	vst.idx.msk $0xffff, v22  }
0x7c6: {  	s6 =	sshra.s32 s5, $0x2;
	[tilespmem:v23+s22+$0x0] =	vst.idx.add.s32.msk vm0, v26  }
0x7c7: {  	v21 =	vld [tilespmem:s6+$0xD000]  }
0x7c8: {  	s5 =	sadd.s32 $0x40, s5;
	v22 =	vld [tilespmem:s6+$0xD800]  }
0x7c9: {  	_ =	sdelay $0x2  }
0x7ca: {  	v23 =	vshra.s32 v21, $0x1E  }
0x7cb: {  	v23 =	vand.u32 $0x1F, v23  }
0x7cc: {  	(xrf1) =	vunique.msk.u32 $0xffff, v23;
	_ =	sdelay $0x9  }
0x7cd: {  	v25 =	vld.idx.msk [tilespmem:v23+s22+$0x0], $0xffff;
	_ =	sdelay $0x3  }
0x7ce: {  	_, v26, vm0 =	vpop (xrf1)  }
0x7cf: {  	v25 =	vadd.s32 v26, v25  }
0x7d0: {  	v25 =	vadd.s32 $0xFFFFFFFF, v25;
	_ =	sdelay $0x4  }
0x7d1: {  	[tilespmem:v25+s9+$0x0] =	vst.idx.msk $0xffff, v21  }
0x7d2: {  	[tilespmem:v25+s14+$0x0] =	vst.idx.msk $0xffff, v22  }
0x7d3: {  	s5 =	simm.s32 $0x3;
	[tilespmem:v23+s22+$0x0] =	vst.idx.add.s32.msk vm0, v26  }
0x7d4: {  	_ =	swait.ge [sflag:s5], $0x4E20  }
0x7d5: {  	[sflag:s5] =	ssyncset.done $0x0  }
0x7d6: {  	s6 =	simm.s32 $0xE800;
	[sflag:s5] =	ssyncadd.s32 $0xFFFFB1E0  }
0x7d7: {  	v21 =	vld [tilespmem:s6+$0x0];
	_ =	sdelay $0x4  }
0x7d8: {  	v22 =	vcvt.s32.f32 v21;
	_ =	sdelay $0x1  }
0x7d9: {  	v22 =	vadd.f32 $5.000000000e-01, v22;
	_ =	sdelay $0x1  }
0x7da: {  	v22 =	vmul.f32 $1.250000020e-02, v22;
	_ =	sdelay $0x1  }
0x7db: {  	s11 =	simm.s32 $0xE000;
	v22 =	vtrunc.f32 v22  }
0x7dc: {  	v23 =	vld [tilespmem:s11+$0x0];
	v22 =	vcvt.f32.s32 v22;
	_ =	sdelay $0x1  }
0x7dd: {  	v25 =	vshll.u32 v22, $0x2  }
0x7de: {  	v26 =	vor.u32 $0x2, v25  }
0x7df: {  	v22 =	vmul.u32 $0xFFFFFFB0, v22;
	v27 =	vor.u32 $0x3, v25  }
0x7e0: {  	s24 =	rddreg [dreg:$0x13];
	s5 =	simm.s32 $0x13F80;
	v23 =	vxor.u32 $0xFFFFFFFF, v23  }
0x7e1: {  	s10 =	simm.s32 $0x14100;
	v28 =	vld [tilespmem:s24+$0x14780];
	[tilespmem:s5+$0x0] =	vst v23;
	v21 =	vadd.s32 v21, v22  }
0x7e2: {  	v29 =	vor.u32 $0x1, v25;
	[tilespmem:s10+$0x0] =	vst v21  }
0x7e3: {  	v21 =	vld.idx.msk [tilespmem:v26+s31+$0x0], $0xffff  }
0x7e4: {  	v22 =	vld.idx.msk [tilespmem:v27+s31+$0x0], $0xffff;
	_ =	sdelay $0x1  }
0x7e5: {  	v23 =	vld.idx.msk [tilespmem:v25+s31+$0x0], $0xffff  }
0x7e6: {  	s25 =	simm.s32 $0x0;
	v25 =	vld.idx.msk [tilespmem:v29+s31+$0x0], $0xffff  }
0x7e7: {  	v26 =	vmov s25  }
0x7e8: {  	v27 =	vmul.f32 $5.000000000e-01, v21;
	v21 =	vshll.u32 v26, $0x2;
	v26 =	vmul.f32 $5.000000000e-01, v22  }
0x7e9: {  	v22 =	vbroadcast v28, $0x1;
	v62 =	vor.u32 v24, v21;
	v21 =	vbroadcast v28, $0x0  }
0x7ea: {  	v30 =	vsub.f32 v23, v27;
	v31 =	vor.u32 $0x1, v62;
	v23 =	vadd.f32 v27, v23  }
0x7eb: {  	v63 =	vsub.f32 v25, v26;
	v32 =	vor.u32 $0x2, v62;
	v25 =	vadd.f32 v26, v25  }
0x7ec: {  	v27 =	vmul.f32 v30, v21;
	v26 =	vmul.f32 v23, v21;
	v23 =	vor.u32 $0x3, v62  }
0x7ed: {  	v28 =	vmul.f32 v63, v22  }
0x7ee: {  	[tilespmem:v62+s18+$0x0] =	vst.idx.msk $0xffff, v27  }
0x7ef: {  	v25 =	vmul.f32 v25, v22;
	[tilespmem:v31+s18+$0x0] =	vst.idx.msk $0xffff, v28  }
0x7f0: {  	s17 =	simm.s32 $0x14110;
	s10 =	simm.s32 $0x10;
	[tilespmem:v32+s18+$0x0] =	vst.idx.msk $0xffff, v26  }
.LBB2_108:
0x7f1: {  	[tilespmem:v23+s18+$0x0] =	vst.idx.msk $0xffff, v25;
	s11 =	sadd.s32 $0x10, s11;
	s6 =	sadd.s32 $0x10, s6;
	s5 =	sadd.s32 $0x10, s5  }
0x7f2: {  	p0 =	sne.s32 s10, $0x130;
	s20 =	smov.u32 s10;
	s10 =	sadd.s32 $0x10, s10;
	v23 =	vld [tilespmem:s6+$0x0]  }
0x7f3: {  	_ =	sdelay $0x3  }
0x7f4: {  	v25 =	vcvt.s32.f32 v23;
	_ =	sdelay $0x1  }
0x7f5: {  	v25 =	vadd.f32 $5.000000000e-01, v25;
	_ =	sdelay $0x1  }
0x7f6: {  	v25 =	vmul.f32 $1.250000020e-02, v25;
	_ =	sdelay $0x1  }
0x7f7: {  	v25 =	vtrunc.f32 v25  }
0x7f8: {  	v26 =	vld [tilespmem:s11+$0x0];
	v25 =	vcvt.f32.s32 v25;
	_ =	sdelay $0x1  }
0x7f9: {  	v27 =	vmul.u32 $0xFFFFFFB0, v25;
	v25 =	vshll.u32 v25, $0x2  }
0x7fa: {  	v28 =	vor.u32 $0x1, v25;
	v29 =	vor.u32 $0x2, v25;
	v30 =	vor.u32 $0x3, v25  }
0x7fb: {  	v23 =	vadd.s32 v23, v27  }
0x7fc: {  	v26 =	vxor.u32 $0xFFFFFFFF, v26  }
0x7fd: {  	[tilespmem:s5+$0x0] =	vst v26  }
0x7fe: {  	[tilespmem:s17+$0x0] =	vst v23  }
0x7ff: {  	v23 =	vld.idx.msk [tilespmem:v29+s31+$0x0], $0xffff  }
0x800: {  	v26 =	vld.idx.msk [tilespmem:v30+s31+$0x0], $0xffff  }
0x801: {  	v25 =	vld.idx.msk [tilespmem:v25+s31+$0x0], $0xffff  }
0x802: {  	v27 =	vld.idx.msk [tilespmem:v28+s31+$0x0], $0xffff;
	_ =	sdelay $0x1  }
0x803: {  	v28 =	vmov s20  }
0x804: {  	v28 =	vshll.u32 v28, $0x2;
	v23 =	vmul.f32 $5.000000000e-01, v23  }
0x805: {  	v28 =	vor.u32 v24, v28;
	v26 =	vmul.f32 $5.000000000e-01, v26  }
0x806: {  	v30 =	vor.u32 $0x1, v28;
	v29 =	vsub.f32 v25, v23;
	v25 =	vadd.f32 v23, v25  }
0x807: {  	v32 =	vor.u32 $0x2, v28;
	v31 =	vsub.f32 v27, v26;
	v26 =	vadd.f32 v26, v27  }
.Ltmp57:
0x808: {  	v23 =	vor.u32 $0x3, v28;
	v27 =	vmul.f32 v29, v21;
	(pc) =	sbr.rel @p0 .LBB2_108-.Ltmp57, $4  }
0x809: {  	v29 =	vmul.f32 v31, v22  }
0x80a: {  	[tilespmem:v28+s18+$0x0] =	vst.idx.msk $0xffff, v27;
	v27 =	vmul.f32 v25, v21  }
0x80b: {  	v25 =	vmul.f32 v26, v22;
	[tilespmem:v30+s18+$0x0] =	vst.idx.msk $0xffff, v29  }
0x80c: {  	s17 =	sadd.s32 $0x10, s17;
	[tilespmem:v32+s18+$0x0] =	vst.idx.msk $0xffff, v27  }
0x80d: {  	_ =	sdelay $0x3  }
0x80e: {  	[tilespmem:v23+s18+$0x0] =	vst.idx.msk $0xffff, v25;
	s5 =	rddreg [dreg:$0xe];
	s6 =	simm.s32 $0x13F80  }
0x80f: {  	[hbm4b:s5+s3] =	stream.linear.scatter [tilespmem:s6], [sflag:$0x4], $0x140, $0x38;
	[tilespmem:$0x14880] =	vst v63  }
0x810: {  	_ =	swait.ge [sflag:s23], $0x140  }
0x811: {  	[sflag:s23] =	ssyncset.done $0x0  }
0x812: {  	s21 =	simm.s32 $0x14100;
	s20 =	rddreg [dreg:$0xf];
	[sflag:s23] =	ssyncadd.s32 $0xFFFFFEC0  }
0x813: {  	[hbm4b:s20+s3] =	stream.linear.scatter [tilespmem:s21], [sflag:$0x4], $0x140, $0x38;
	[tilespmem:$0x14880] =	vst v63  }
0x814: {  	_ =	swait.ge [sflag:s23], $0x140  }
0x815: {  	[sflag:s23] =	ssyncset.done $0x0  }
0x816: {  	s24 =	rddreg [dreg:$0x10];
	[sflag:s23] =	ssyncadd.s32 $0xFFFFFEC0  }
0x817: {  	[hbm4b:s24+s3] =	stream.linear.scatter [tilespmem:s18], [sflag:$0x4], $0x500, $0x38;
	[tilespmem:$0x14880] =	vst v63  }
0x818: {  	_ =	swait.ge [sflag:s23], $0x500  }
0x819: {  	s19 =	sadd.s32 $0x1, s19;
	s25 =	rddreg [dreg:$0x11]  }
0x81a: {  	p0 =	sne.s32 s19, s25  }
.Ltmp58:
0x81b: {  	_ = 	snop;
	(pc) =	sbr.rel @p0 .LBB2_1-.Ltmp58, $3  }
0x81c: {  	_ =	sdelay $0x1  }
0x81d: {  	[sflag:s23] =	ssyncset.done $0x0  }
0x81e: {  	[sflag:s23] =	ssyncadd.s32 $0xFFFFFB00  }
0x81f: {  	_ =	sfence.sel $0x180000  }
0x820: {  	[bflag:$0x0] =	sbarrier.arrive $0xFFFF  }
0x821: {  	_ =	strace $0x90000047  }
0x822: {  	s0 =	stileid.u32;
	[bflag:$0x2] =	sbarrier.arrive $0xFFFF  }
0x823: {  	p0 =	sne.s32 s0, $0x0;
	s0 =	rddreg [dreg:$0x4]  }
0x824: {  	s0 =	sadd.s32 @!p0 $0x100000, s0  }
0x825: {  	[sflag:s0] =	ssyncadd.tile.s32 @!p0 $0x1;
	_ =	shalt  }
.Lfunc_end2:
_tile_overlayer_lowered:
.L_overlay_start_2:
0x826: {  	(tag) =	ssettag $0x2  }
0x827: {  	s0 =	rddreg [dreg:$0x0];
	s2 =	stileid.u32  }
0x828: {  	s1 =	rddreg [dreg:$0x1];
	p0 =	sne.s32 s2, $0x0  }
0x829: {  	s3 =	rddreg [dreg:$0x2];
	[bflag:$0x3] =	sbarrier.arrive $0xFFFF;
	s2 =	simm.s32 @!p0 $0x1C04  }
0x82a: {  	[timem:s3], [sflag:s2] =	dma.local @!p0 [hbm:s0], s1  }
0x82b: {  	s0 =	simm.s32 @!p0 $0x4  }
0x82c: {  	_ =	swait.ge @!p0 [sflag:s0], s1  }
0x82d: {  	s1 =	ssub.s32 @!p0 $0x0, s1;
	[sflag:s0] =	ssyncset.done @!p0 $0x0  }
0x82e: {  	[sflag:s0] =	ssyncadd.s32 @!p0 s1  }
0x82f: {  	[bflag:$0x3] =	sbarrier.arrive $0xFFFF  }
0x830: {  	_ =	shalt  }

</sc_bundles>
